<compile_context>
chip_gen: v7x
topology: tpu7x:2x2x1
jax: 0.10.2.dev20260603
libtpu: 0.0.44.dev20260713+nightly
codegen_flags: <defaults>
</compile_context>

<pallas_src>
import functools

import jax
import jax.numpy as jnp
from jax import lax
from jax.experimental import pallas as pl
from jax.experimental.pallas import tpu as pltpu
from jax.experimental.pallas import tpu_sc as plsc

_NUM_CORES = 2
_NUM_SUBCORES = 16
_NUM_WORKERS = _NUM_CORES * _NUM_SUBCORES
_LANES = 16

_DIM = 64
_SEG = 26
_BATCH = 16384
_CHUNK = 256


def _make_gather():
    b_per_w = _BATCH // _NUM_WORKERS
    n_chunks = b_per_w // _CHUNK
    total = _SEG * n_chunks

    mesh = plsc.VectorSubcoreMesh(
        core_axis_name="c",
        subcore_axis_name="s",
        num_cores=_NUM_CORES,
        num_subcores=_NUM_SUBCORES,
    )

    @functools.partial(
        pl.kernel,
        out_type=(
            jax.ShapeDtypeStruct((_SEG * _DIM, _BATCH), jnp.float32),
            jax.ShapeDtypeStruct((_DIM, _CHUNK), jnp.float32),
        ),
        mesh=mesh,
        scratch_types=[
            pltpu.VMEM((_SEG * b_per_w,), jnp.int32),
            [pltpu.VMEM((_CHUNK,), jnp.int32) for _ in range(2)],
            [pltpu.VMEM((_CHUNK, 128), jnp.float32) for _ in range(2)],
            [pltpu.VMEM((_DIM, _CHUNK), jnp.float32) for _ in range(2)],
            [pltpu.SemaphoreType.DMA for _ in range(2)],
            [pltpu.SemaphoreType.DMA for _ in range(2)],
        ],
        compiler_params=pltpu.CompilerParams(
            use_tc_tiling_on_sc=True, needs_layout_passes=False
        ),
    )
    def gather_kernel(
        wpair_hbm, idxt_hbm, out_hbm, dump_hbm,
        all_v, pidx_vs, g_vs, o_vs, gsems, osems,
    ):
        wid = lax.axis_index("s") * _NUM_CORES + lax.axis_index("c")
        b0 = wid * b_per_w
        lane = lax.iota(jnp.int32, _LANES)
        offs = [(lane + k) & (_LANES - 1) for k in range(_LANES)]

        def prep(k, pb):
            for i in range(_CHUNK // _LANES):
                sl = pl.ds(k * _CHUNK + i * _LANES, _LANES)
                pidx_vs[pb][pl.ds(i * _LANES, _LANES)] = all_v[sl] >> 1
            pltpu.async_copy(wpair_hbm.at[pidx_vs[pb]], g_vs[pb], gsems[pb])

        def wait_gather(pb):
            pltpu.make_async_copy(
                wpair_hbm.at[pidx_vs[pb]], g_vs[pb], gsems[pb]
            ).wait()

        def drain_store(pb):
            pltpu.make_async_copy(o_vs[pb], dump_hbm, osems[pb]).wait()

        def phase(k, pb):
            nk = lax.min(k + 1, total - 1)
            prep(nk, 1 - pb)
            drain_store(pb)
            wait_gather(pb)
            g_v = g_vs[pb]
            o_v = o_vs[pb]

            def bg_body(bg2, bcarry):
                for sub in range(2):
                    bg = bg2 * 2 + sub
                    half = (
                        all_v[pl.ds(k * _CHUNK + bg * _LANES, _LANES)] & 1
                    ) * _DIM
                    rows = bg * _LANES + lane
                    halfoffs = [half + offs[j] for j in range(_LANES)]
                    colout = bg * _LANES + lane
                    for dg in range(_DIM // _LANES):
                        vecs = [
                            plsc.load_gather(
                                g_v, [rows, halfoffs[j] + dg * _LANES]
                            )
                            for j in range(_LANES)
                        ]
                        for j in range(_LANES):
                            plsc.store_scatter(
                                o_v, [offs[j] + dg * _LANES, colout], vecs[j]
                            )
                return bcarry

            lax.fori_loop(0, _CHUNK // (2 * _LANES), bg_body, 0)
            s = k // n_chunks
            base = b0 + (k % n_chunks) * _CHUNK
            pltpu.async_copy(
                o_v,
                out_hbm.at[pl.ds(s * _DIM, _DIM), pl.ds(base, _CHUNK)],
                osems[pb],
            )

        for s in range(_SEG):
            pltpu.sync_copy(
                idxt_hbm.at[s, pl.ds(b0, b_per_w)],
                all_v.at[pl.ds(s * b_per_w, b_per_w)],
            )
        for pb in range(2):
            pltpu.async_copy(o_vs[pb], dump_hbm, osems[pb])
        prep(0, 0)

        def body(k2, carry):
            phase(2 * k2, 0)
            phase(2 * k2 + 1, 1)
            return carry

        lax.fori_loop(0, total // 2, body, 0)
        drain_store(0)
        drain_store(1)
        wait_gather(0)

    return gather_kernel


def kernel(indices, weight):
    wpair = weight.reshape(500000, 128)
    idxt = indices.T.astype(jnp.int32)
    x, _ = _make_gather()(wpair, idxt)
    return x.reshape(_SEG, _DIM, _BATCH).transpose(2, 0, 1)

# --- scband reference (transcript-rebuilt; emitter-appended) ---
"""Pipeline reference for scband-sparse-embedding-42803644072658 (READ-ONLY COPY).

The authoritative reference and input builder live on the scoring server;
editing this copy changes nothing except your own understanding.
"""

import jax, jax.numpy as jnp
import numpy as np

NUM_EMBEDDINGS = 1000000
EMBEDDING_DIM = 64
STD = 0.01

def setup_inputs(seed: int = 0) -> dict:
    key = jax.random.key(seed)
    k_idx, k_w = jax.random.split(key)
    indices = jax.random.randint(k_idx, (16384, 26), 0, NUM_EMBEDDINGS, dtype=jnp.int64 if jax.config.jax_enable_x64 else jnp.int32)
    weight = jax.random.normal(k_w, (NUM_EMBEDDINGS, EMBEDDING_DIM), dtype=jnp.float32) * STD
    return {"indices": indices, "weight": weight}

def reference(indices, weight):
    # SparseEmbedding.forward: flatten indices, gather rows from weight table,
    # cast to float32 (already float32), reshape to indices.shape + (embedding_dim,)
    flat = indices.reshape(-1)
    out = jnp.take(weight, flat, axis=0).astype(jnp.float32)
    return out.reshape(indices.shape + (EMBEDDING_DIM,))

if __name__ == "__main__":
    import jax
    _d = setup_inputs()
    print(jax.jit(kernel)(*tuple(_d.values())))

</pallas_src>

<mosaic_0001>
#map = affine_map<(d0, d1) -> (0, 0)>
module attributes {stable_mosaic.version = 14 : i64} {
  func.func @gather_kernel(%arg0: i32, %arg1: i32, %arg2: memref<500000x128xf32, #tpu.memory_space<hbm>>, %arg3: memref<26x16384xi32, #tpu.memory_space<hbm>>, %arg4: memref<1664x16384xf32, #tpu.memory_space<hbm>>, %arg5: memref<64x256xf32, #tpu.memory_space<hbm>>, %arg6: memref<13312xi32, #tpu.memory_space<vmem>>, %arg7: memref<256xi32, #tpu.memory_space<vmem>>, %arg8: memref<256xi32, #tpu.memory_space<vmem>>, %arg9: memref<256x128xf32, #tpu.memory_space<vmem>>, %arg10: memref<256x128xf32, #tpu.memory_space<vmem>>, %arg11: memref<64x256xf32, #tpu.memory_space<vmem>>, %arg12: memref<64x256xf32, #tpu.memory_space<vmem>>, %arg13: memref<!tpu.dma_semaphore, #tpu.memory_space<semaphore_mem>>, %arg14: memref<!tpu.dma_semaphore, #tpu.memory_space<semaphore_mem>>, %arg15: memref<!tpu.dma_semaphore, #tpu.memory_space<semaphore_mem>>, %arg16: memref<!tpu.dma_semaphore, #tpu.memory_space<semaphore_mem>>) attributes {dimension_semantics = [#tpu.dimension_semantics<core_parallel>, #tpu.dimension_semantics<subcore_parallel>], iteration_bounds = array<i64: 2, 16>, scalar_prefetch = 0 : i64, scratch_operands = 11 : i64, tpu.core_type = #tpu.core_type<sc_vector_subcore>, window_params = [{transform_indices = #map}, {transform_indices = #map}, {transform_indices = #map}, {transform_indices = #map}]} {
    %mul3A = arith.constant 2 : i32
    %mul3A_0 = arith.muli %arg1, %mul3A : i32
    %add3A = arith.addi %mul3A_0, %arg0 : i32
    %mul3A_1 = arith.constant 512 : i32
    %mul3A_2 = arith.muli %add3A, %mul3A_1 : i32
    %iota3A = tpu.iota {dimensions = array<i32: 0>} : vector<16xi32>
    %add3A_3 = arith.constant 0 : i32
    %add3A_4 = vector.broadcast %add3A_3 : i32 to vector<16xi32>
    %add3A_5 = arith.addi %iota3A, %add3A_4 : vector<16xi32>
    %and3A = arith.constant 15 : i32
    %and3A_6 = vector.broadcast %and3A : i32 to vector<16xi32>
    %and3A_7 = arith.andi %add3A_5, %and3A_6 : vector<16xi32>
    %add3A_8 = arith.constant 1 : i32
    %add3A_9 = vector.broadcast %add3A_8 : i32 to vector<16xi32>
    %add3A_10 = arith.addi %iota3A, %add3A_9 : vector<16xi32>
    %and3A_11 = arith.constant 15 : i32
    %and3A_12 = vector.broadcast %and3A_11 : i32 to vector<16xi32>
    %and3A_13 = arith.andi %add3A_10, %and3A_12 : vector<16xi32>
    %add3A_14 = arith.constant 2 : i32
    %add3A_15 = vector.broadcast %add3A_14 : i32 to vector<16xi32>
    %add3A_16 = arith.addi %iota3A, %add3A_15 : vector<16xi32>
    %and3A_17 = arith.constant 15 : i32
    %and3A_18 = vector.broadcast %and3A_17 : i32 to vector<16xi32>
    %and3A_19 = arith.andi %add3A_16, %and3A_18 : vector<16xi32>
    %add3A_20 = arith.constant 3 : i32
    %add3A_21 = vector.broadcast %add3A_20 : i32 to vector<16xi32>
    %add3A_22 = arith.addi %iota3A, %add3A_21 : vector<16xi32>
    %and3A_23 = arith.constant 15 : i32
    %and3A_24 = vector.broadcast %and3A_23 : i32 to vector<16xi32>
    %and3A_25 = arith.andi %add3A_22, %and3A_24 : vector<16xi32>
    %add3A_26 = arith.constant 4 : i32
    %add3A_27 = vector.broadcast %add3A_26 : i32 to vector<16xi32>
    %add3A_28 = arith.addi %iota3A, %add3A_27 : vector<16xi32>
    %and3A_29 = arith.constant 15 : i32
    %and3A_30 = vector.broadcast %and3A_29 : i32 to vector<16xi32>
    %and3A_31 = arith.andi %add3A_28, %and3A_30 : vector<16xi32>
    %add3A_32 = arith.constant 5 : i32
    %add3A_33 = vector.broadcast %add3A_32 : i32 to vector<16xi32>
    %add3A_34 = arith.addi %iota3A, %add3A_33 : vector<16xi32>
    %and3A_35 = arith.constant 15 : i32
    %and3A_36 = vector.broadcast %and3A_35 : i32 to vector<16xi32>
    %and3A_37 = arith.andi %add3A_34, %and3A_36 : vector<16xi32>
    %add3A_38 = arith.constant 6 : i32
    %add3A_39 = vector.broadcast %add3A_38 : i32 to vector<16xi32>
    %add3A_40 = arith.addi %iota3A, %add3A_39 : vector<16xi32>
    %and3A_41 = arith.constant 15 : i32
    %and3A_42 = vector.broadcast %and3A_41 : i32 to vector<16xi32>
    %and3A_43 = arith.andi %add3A_40, %and3A_42 : vector<16xi32>
    %add3A_44 = arith.constant 7 : i32
    %add3A_45 = vector.broadcast %add3A_44 : i32 to vector<16xi32>
    %add3A_46 = arith.addi %iota3A, %add3A_45 : vector<16xi32>
    %and3A_47 = arith.constant 15 : i32
    %and3A_48 = vector.broadcast %and3A_47 : i32 to vector<16xi32>
    %and3A_49 = arith.andi %add3A_46, %and3A_48 : vector<16xi32>
    %add3A_50 = arith.constant 8 : i32
    %add3A_51 = vector.broadcast %add3A_50 : i32 to vector<16xi32>
    %add3A_52 = arith.addi %iota3A, %add3A_51 : vector<16xi32>
    %and3A_53 = arith.constant 15 : i32
    %and3A_54 = vector.broadcast %and3A_53 : i32 to vector<16xi32>
    %and3A_55 = arith.andi %add3A_52, %and3A_54 : vector<16xi32>
    %add3A_56 = arith.constant 9 : i32
    %add3A_57 = vector.broadcast %add3A_56 : i32 to vector<16xi32>
    %add3A_58 = arith.addi %iota3A, %add3A_57 : vector<16xi32>
    %and3A_59 = arith.constant 15 : i32
    %and3A_60 = vector.broadcast %and3A_59 : i32 to vector<16xi32>
    %and3A_61 = arith.andi %add3A_58, %and3A_60 : vector<16xi32>
    %add3A_62 = arith.constant 10 : i32
    %add3A_63 = vector.broadcast %add3A_62 : i32 to vector<16xi32>
    %add3A_64 = arith.addi %iota3A, %add3A_63 : vector<16xi32>
    %and3A_65 = arith.constant 15 : i32
    %and3A_66 = vector.broadcast %and3A_65 : i32 to vector<16xi32>
    %and3A_67 = arith.andi %add3A_64, %and3A_66 : vector<16xi32>
    %add3A_68 = arith.constant 11 : i32
    %add3A_69 = vector.broadcast %add3A_68 : i32 to vector<16xi32>
    %add3A_70 = arith.addi %iota3A, %add3A_69 : vector<16xi32>
    %and3A_71 = arith.constant 15 : i32
    %and3A_72 = vector.broadcast %and3A_71 : i32 to vector<16xi32>
    %and3A_73 = arith.andi %add3A_70, %and3A_72 : vector<16xi32>
    %add3A_74 = arith.constant 12 : i32
    %add3A_75 = vector.broadcast %add3A_74 : i32 to vector<16xi32>
    %add3A_76 = arith.addi %iota3A, %add3A_75 : vector<16xi32>
    %and3A_77 = arith.constant 15 : i32
    %and3A_78 = vector.broadcast %and3A_77 : i32 to vector<16xi32>
    %and3A_79 = arith.andi %add3A_76, %and3A_78 : vector<16xi32>
    %add3A_80 = arith.constant 13 : i32
    %add3A_81 = vector.broadcast %add3A_80 : i32 to vector<16xi32>
    %add3A_82 = arith.addi %iota3A, %add3A_81 : vector<16xi32>
    %and3A_83 = arith.constant 15 : i32
    %and3A_84 = vector.broadcast %and3A_83 : i32 to vector<16xi32>
    %and3A_85 = arith.andi %add3A_82, %and3A_84 : vector<16xi32>
    %add3A_86 = arith.constant 14 : i32
    %add3A_87 = vector.broadcast %add3A_86 : i32 to vector<16xi32>
    %add3A_88 = arith.addi %iota3A, %add3A_87 : vector<16xi32>
    %and3A_89 = arith.constant 15 : i32
    %and3A_90 = vector.broadcast %and3A_89 : i32 to vector<16xi32>
    %and3A_91 = arith.andi %add3A_88, %and3A_90 : vector<16xi32>
    %add3A_92 = arith.constant 15 : i32
    %add3A_93 = vector.broadcast %add3A_92 : i32 to vector<16xi32>
    %add3A_94 = arith.addi %iota3A, %add3A_93 : vector<16xi32>
    %and3A_95 = arith.constant 15 : i32
    %and3A_96 = vector.broadcast %and3A_95 : i32 to vector<16xi32>
    %and3A_97 = arith.andi %add3A_94, %and3A_96 : vector<16xi32>
    %run_scoped3A = arith.constant 0 : i32
    "tpu.region"() ({
      %run_scoped3A_241 = tpu.sem_alloc : memref<!tpu.dma_semaphore, #tpu.memory_space<semaphore_mem>>
      %dma_start3A_242 = arith.constant 0 : i32
      %dma_start3A_243 = tpu.memref_slice %arg6[%dma_start3A_242] : memref<13312xi32, #tpu.memory_space<vmem>> -> memref<512xi32, #tpu.memory_space<vmem>>
      %dma_start3A_244 = tpu.memref_slice %arg3[%run_scoped3A, %mul3A_2] : memref<26x16384xi32, #tpu.memory_space<hbm>> -> memref<1x512xi32, #tpu.memory_space<hbm>>
      %dma_start3A_245 = tpu.memref_squeeze %dma_start3A_244 : memref<1x512xi32, #tpu.memory_space<hbm>> -> memref<512xi32, #tpu.memory_space<hbm>>
      %dma_start3A_246 = arith.constant 0 : i32
      %dma_start3A_247 = tpu.memref_slice %arg6[%dma_start3A_246] : memref<13312xi32, #tpu.memory_space<vmem>> -> memref<512xi32, #tpu.memory_space<vmem>>
      %dma_start3A_248 = tpu.memref_slice %arg3[%run_scoped3A, %mul3A_2] : memref<26x16384xi32, #tpu.memory_space<hbm>> -> memref<1x512xi32, #tpu.memory_space<hbm>>
      %dma_start3A_249 = tpu.memref_squeeze %dma_start3A_248 : memref<1x512xi32, #tpu.memory_space<hbm>> -> memref<512xi32, #tpu.memory_space<hbm>>
      tpu.enqueue_dma source(%dma_start3A_249 : memref<512xi32, #tpu.memory_space<hbm>>) target(%dma_start3A_247 : memref<512xi32, #tpu.memory_space<vmem>>) target_semaphore(%run_scoped3A_241 : memref<!tpu.dma_semaphore, #tpu.memory_space<semaphore_mem>>)
      %dma_wait3A_250 = arith.constant 0 : i32
      %dma_wait3A_251 = tpu.memref_slice %arg6[%dma_wait3A_250] : memref<13312xi32, #tpu.memory_space<vmem>> -> memref<512xi32, #tpu.memory_space<vmem>>
      %dma_wait3A_252 = tpu.memref_slice %arg3[%run_scoped3A, %mul3A_2] : memref<26x16384xi32, #tpu.memory_space<hbm>> -> memref<1x512xi32, #tpu.memory_space<hbm>>
      %dma_wait3A_253 = tpu.memref_squeeze %dma_wait3A_252 : memref<1x512xi32, #tpu.memory_space<hbm>> -> memref<512xi32, #tpu.memory_space<hbm>>
      %dma_wait3A_254 = arith.constant 0 : i32
      %dma_wait3A_255 = tpu.memref_slice %arg6[%dma_wait3A_254] : memref<13312xi32, #tpu.memory_space<vmem>> -> memref<512xi32, #tpu.memory_space<vmem>>
      %dma_wait3A_256 = tpu.memref_slice %arg3[%run_scoped3A, %mul3A_2] : memref<26x16384xi32, #tpu.memory_space<hbm>> -> memref<1x512xi32, #tpu.memory_space<hbm>>
      %dma_wait3A_257 = tpu.memref_squeeze %dma_wait3A_256 : memref<1x512xi32, #tpu.memory_space<hbm>> -> memref<512xi32, #tpu.memory_space<hbm>>
      tpu.wait_dma2 semaphore(%run_scoped3A_241 : memref<!tpu.dma_semaphore, #tpu.memory_space<semaphore_mem>>) src(%dma_wait3A_257 : memref<512xi32, #tpu.memory_space<hbm>>) dst(%dma_wait3A_255 : memref<512xi32, #tpu.memory_space<vmem>>)
      tpu.yield
    }) : () -> ()
    %run_scoped3A_98 = arith.constant 1 : i32
    "tpu.region"() ({
      %run_scoped3A_241 = tpu.sem_alloc : memref<!tpu.dma_semaphore, #tpu.memory_space<semaphore_mem>>
      %dma_start3A_242 = arith.constant 512 : i32
      %dma_start3A_243 = tpu.memref_slice %arg6[%dma_start3A_242] : memref<13312xi32, #tpu.memory_space<vmem>> -> memref<512xi32, #tpu.memory_space<vmem>>
      %dma_start3A_244 = tpu.memref_slice %arg3[%run_scoped3A_98, %mul3A_2] : memref<26x16384xi32, #tpu.memory_space<hbm>> -> memref<1x512xi32, #tpu.memory_space<hbm>>
      %dma_start3A_245 = tpu.memref_squeeze %dma_start3A_244 : memref<1x512xi32, #tpu.memory_space<hbm>> -> memref<512xi32, #tpu.memory_space<hbm>>
      %dma_start3A_246 = arith.constant 512 : i32
      %dma_start3A_247 = tpu.memref_slice %arg6[%dma_start3A_246] : memref<13312xi32, #tpu.memory_space<vmem>> -> memref<512xi32, #tpu.memory_space<vmem>>
      %dma_start3A_248 = tpu.memref_slice %arg3[%run_scoped3A_98, %mul3A_2] : memref<26x16384xi32, #tpu.memory_space<hbm>> -> memref<1x512xi32, #tpu.memory_space<hbm>>
      %dma_start3A_249 = tpu.memref_squeeze %dma_start3A_248 : memref<1x512xi32, #tpu.memory_space<hbm>> -> memref<512xi32, #tpu.memory_space<hbm>>
      tpu.enqueue_dma source(%dma_start3A_249 : memref<512xi32, #tpu.memory_space<hbm>>) target(%dma_start3A_247 : memref<512xi32, #tpu.memory_space<vmem>>) target_semaphore(%run_scoped3A_241 : memref<!tpu.dma_semaphore, #tpu.memory_space<semaphore_mem>>)
      %dma_wait3A_250 = arith.constant 512 : i32
      %dma_wait3A_251 = tpu.memref_slice %arg6[%dma_wait3A_250] : memref<13312xi32, #tpu.memory_space<vmem>> -> memref<512xi32, #tpu.memory_space<vmem>>
      %dma_wait3A_252 = tpu.memref_slice %arg3[%run_scoped3A_98, %mul3A_2] : memref<26x16384xi32, #tpu.memory_space<hbm>> -> memref<1x512xi32, #tpu.memory_space<hbm>>
      %dma_wait3A_253 = tpu.memref_squeeze %dma_wait3A_252 : memref<1x512xi32, #tpu.memory_space<hbm>> -> memref<512xi32, #tpu.memory_space<hbm>>
      %dma_wait3A_254 = arith.constant 512 : i32
      %dma_wait3A_255 = tpu.memref_slice %arg6[%dma_wait3A_254] : memref<13312xi32, #tpu.memory_space<vmem>> -> memref<512xi32, #tpu.memory_space<vmem>>
      %dma_wait3A_256 = tpu.memref_slice %arg3[%run_scoped3A_98, %mul3A_2] : memref<26x16384xi32, #tpu.memory_space<hbm>> -> memref<1x512xi32, #tpu.memory_space<hbm>>
      %dma_wait3A_257 = tpu.memref_squeeze %dma_wait3A_256 : memref<1x512xi32, #tpu.memory_space<hbm>> -> memref<512xi32, #tpu.memory_space<hbm>>
      tpu.wait_dma2 semaphore(%run_scoped3A_241 : memref<!tpu.dma_semaphore, #tpu.memory_space<semaphore_mem>>) src(%dma_wait3A_257 : memref<512xi32, #tpu.memory_space<hbm>>) dst(%dma_wait3A_255 : memref<512xi32, #tpu.memory_space<vmem>>)
      tpu.yield
    }) : () -> ()
    %run_scoped3A_99 = arith.constant 2 : i32
    "tpu.region"() ({
      %run_scoped3A_241 = tpu.sem_alloc : memref<!tpu.dma_semaphore, #tpu.memory_space<semaphore_mem>>
      %dma_start3A_242 = arith.constant 1024 : i32
      %dma_start3A_243 = tpu.memref_slice %arg6[%dma_start3A_242] : memref<13312xi32, #tpu.memory_space<vmem>> -> memref<512xi32, #tpu.memory_space<vmem>>
      %dma_start3A_244 = tpu.memref_slice %arg3[%run_scoped3A_99, %mul3A_2] : memref<26x16384xi32, #tpu.memory_space<hbm>> -> memref<1x512xi32, #tpu.memory_space<hbm>>
      %dma_start3A_245 = tpu.memref_squeeze %dma_start3A_244 : memref<1x512xi32, #tpu.memory_space<hbm>> -> memref<512xi32, #tpu.memory_space<hbm>>
      %dma_start3A_246 = arith.constant 1024 : i32
      %dma_start3A_247 = tpu.memref_slice %arg6[%dma_start3A_246] : memref<13312xi32, #tpu.memory_space<vmem>> -> memref<512xi32, #tpu.memory_space<vmem>>
      %dma_start3A_248 = tpu.memref_slice %arg3[%run_scoped3A_99, %mul3A_2] : memref<26x16384xi32, #tpu.memory_space<hbm>> -> memref<1x512xi32, #tpu.memory_space<hbm>>
      %dma_start3A_249 = tpu.memref_squeeze %dma_start3A_248 : memref<1x512xi32, #tpu.memory_space<hbm>> -> memref<512xi32, #tpu.memory_space<hbm>>
      tpu.enqueue_dma source(%dma_start3A_249 : memref<512xi32, #tpu.memory_space<hbm>>) target(%dma_start3A_247 : memref<512xi32, #tpu.memory_space<vmem>>) target_semaphore(%run_scoped3A_241 : memref<!tpu.dma_semaphore, #tpu.memory_space<semaphore_mem>>)
      %dma_wait3A_250 = arith.constant 1024 : i32
      %dma_wait3A_251 = tpu.memref_slice %arg6[%dma_wait3A_250] : memref<13312xi32, #tpu.memory_space<vmem>> -> memref<512xi32, #tpu.memory_space<vmem>>
      %dma_wait3A_252 = tpu.memref_slice %arg3[%run_scoped3A_99, %mul3A_2] : memref<26x16384xi32, #tpu.memory_space<hbm>> -> memref<1x512xi32, #tpu.memory_space<hbm>>
      %dma_wait3A_253 = tpu.memref_squeeze %dma_wait3A_252 : memref<1x512xi32, #tpu.memory_space<hbm>> -> memref<512xi32, #tpu.memory_space<hbm>>
      %dma_wait3A_254 = arith.constant 1024 : i32
      %dma_wait3A_255 = tpu.memref_slice %arg6[%dma_wait3A_254] : memref<13312xi32, #tpu.memory_space<vmem>> -> memref<512xi32, #tpu.memory_space<vmem>>
      %dma_wait3A_256 = tpu.memref_slice %arg3[%run_scoped3A_99, %mul3A_2] : memref<26x16384xi32, #tpu.memory_space<hbm>> -> memref<1x512xi32, #tpu.memory_space<hbm>>
      %dma_wait3A_257 = tpu.memref_squeeze %dma_wait3A_256 : memref<1x512xi32, #tpu.memory_space<hbm>> -> memref<512xi32, #tpu.memory_space<hbm>>
      tpu.wait_dma2 semaphore(%run_scoped3A_241 : memref<!tpu.dma_semaphore, #tpu.memory_space<semaphore_mem>>) src(%dma_wait3A_257 : memref<512xi32, #tpu.memory_space<hbm>>) dst(%dma_wait3A_255 : memref<512xi32, #tpu.memory_space<vmem>>)
      tpu.yield
    }) : () -> ()
    %run_scoped3A_100 = arith.constant 3 : i32
    "tpu.region"() ({
      %run_scoped3A_241 = tpu.sem_alloc : memref<!tpu.dma_semaphore, #tpu.memory_space<semaphore_mem>>
      %dma_start3A_242 = arith.constant 1536 : i32
      %dma_start3A_243 = tpu.memref_slice %arg6[%dma_start3A_242] : memref<13312xi32, #tpu.memory_space<vmem>> -> memref<512xi32, #tpu.memory_space<vmem>>
      %dma_start3A_244 = tpu.memref_slice %arg3[%run_scoped3A_100, %mul3A_2] : memref<26x16384xi32, #tpu.memory_space<hbm>> -> memref<1x512xi32, #tpu.memory_space<hbm>>
      %dma_start3A_245 = tpu.memref_squeeze %dma_start3A_244 : memref<1x512xi32, #tpu.memory_space<hbm>> -> memref<512xi32, #tpu.memory_space<hbm>>
      %dma_start3A_246 = arith.constant 1536 : i32
      %dma_start3A_247 = tpu.memref_slice %arg6[%dma_start3A_246] : memref<13312xi32, #tpu.memory_space<vmem>> -> memref<512xi32, #tpu.memory_space<vmem>>
      %dma_start3A_248 = tpu.memref_slice %arg3[%run_scoped3A_100, %mul3A_2] : memref<26x16384xi32, #tpu.memory_space<hbm>> -> memref<1x512xi32, #tpu.memory_space<hbm>>
      %dma_start3A_249 = tpu.memref_squeeze %dma_start3A_248 : memref<1x512xi32, #tpu.memory_space<hbm>> -> memref<512xi32, #tpu.memory_space<hbm>>
      tpu.enqueue_dma source(%dma_start3A_249 : memref<512xi32, #tpu.memory_space<hbm>>) target(%dma_start3A_247 : memref<512xi32, #tpu.memory_space<vmem>>) target_semaphore(%run_scoped3A_241 : memref<!tpu.dma_semaphore, #tpu.memory_space<semaphore_mem>>)
      %dma_wait3A_250 = arith.constant 1536 : i32
      %dma_wait3A_251 = tpu.memref_slice %arg6[%dma_wait3A_250] : memref<13312xi32, #tpu.memory_space<vmem>> -> memref<512xi32, #tpu.memory_space<vmem>>
      %dma_wait3A_252 = tpu.memref_slice %arg3[%run_scoped3A_100, %mul3A_2] : memref<26x16384xi32, #tpu.memory_space<hbm>> -> memref<1x512xi32, #tpu.memory_space<hbm>>
      %dma_wait3A_253 = tpu.memref_squeeze %dma_wait3A_252 : memref<1x512xi32, #tpu.memory_space<hbm>> -> memref<512xi32, #tpu.memory_space<hbm>>
      %dma_wait3A_254 = arith.constant 1536 : i32
      %dma_wait3A_255 = tpu.memref_slice %arg6[%dma_wait3A_254] : memref<13312xi32, #tpu.memory_space<vmem>> -> memref<512xi32, #tpu.memory_space<vmem>>
      %dma_wait3A_256 = tpu.memref_slice %arg3[%run_scoped3A_100, %mul3A_2] : memref<26x16384xi32, #tpu.memory_space<hbm>> -> memref<1x512xi32, #tpu.memory_space<hbm>>
      %dma_wait3A_257 = tpu.memref_squeeze %dma_wait3A_256 : memref<1x512xi32, #tpu.memory_space<hbm>> -> memref<512xi32, #tpu.memory_space<hbm>>
      tpu.wait_dma2 semaphore(%run_scoped3A_241 : memref<!tpu.dma_semaphore, #tpu.memory_space<semaphore_mem>>) src(%dma_wait3A_257 : memref<512xi32, #tpu.memory_space<hbm>>) dst(%dma_wait3A_255 : memref<512xi32, #tpu.memory_space<vmem>>)
      tpu.yield
    }) : () -> ()
    %run_scoped3A_101 = arith.constant 4 : i32
    "tpu.region"() ({
      %run_scoped3A_241 = tpu.sem_alloc : memref<!tpu.dma_semaphore, #tpu.memory_space<semaphore_mem>>
      %dma_start3A_242 = arith.constant 2048 : i32
      %dma_start3A_243 = tpu.memref_slice %arg6[%dma_start3A_242] : memref<13312xi32, #tpu.memory_space<vmem>> -> memref<512xi32, #tpu.memory_space<vmem>>
      %dma_start3A_244 = tpu.memref_slice %arg3[%run_scoped3A_101, %mul3A_2] : memref<26x16384xi32, #tpu.memory_space<hbm>> -> memref<1x512xi32, #tpu.memory_space<hbm>>
      %dma_start3A_245 = tpu.memref_squeeze %dma_start3A_244 : memref<1x512xi32, #tpu.memory_space<hbm>> -> memref<512xi32, #tpu.memory_space<hbm>>
      %dma_start3A_246 = arith.constant 2048 : i32
      %dma_start3A_247 = tpu.memref_slice %arg6[%dma_start3A_246] : memref<13312xi32, #tpu.memory_space<vmem>> -> memref<512xi32, #tpu.memory_space<vmem>>
      %dma_start3A_248 = tpu.memref_slice %arg3[%run_scoped3A_101, %mul3A_2] : memref<26x16384xi32, #tpu.memory_space<hbm>> -> memref<1x512xi32, #tpu.memory_space<hbm>>
      %dma_start3A_249 = tpu.memref_squeeze %dma_start3A_248 : memref<1x512xi32, #tpu.memory_space<hbm>> -> memref<512xi32, #tpu.memory_space<hbm>>
      tpu.enqueue_dma source(%dma_start3A_249 : memref<512xi32, #tpu.memory_space<hbm>>) target(%dma_start3A_247 : memref<512xi32, #tpu.memory_space<vmem>>) target_semaphore(%run_scoped3A_241 : memref<!tpu.dma_semaphore, #tpu.memory_space<semaphore_mem>>)
      %dma_wait3A_250 = arith.constant 2048 : i32
      %dma_wait3A_251 = tpu.memref_slice %arg6[%dma_wait3A_250] : memref<13312xi32, #tpu.memory_space<vmem>> -> memref<512xi32, #tpu.memory_space<vmem>>
      %dma_wait3A_252 = tpu.memref_slice %arg3[%run_scoped3A_101, %mul3A_2] : memref<26x16384xi32, #tpu.memory_space<hbm>> -> memref<1x512xi32, #tpu.memory_space<hbm>>
      %dma_wait3A_253 = tpu.memref_squeeze %dma_wait3A_252 : memref<1x512xi32, #tpu.memory_space<hbm>> -> memref<512xi32, #tpu.memory_space<hbm>>
      %dma_wait3A_254 = arith.constant 2048 : i32
      %dma_wait3A_255 = tpu.memref_slice %arg6[%dma_wait3A_254] : memref<13312xi32, #tpu.memory_space<vmem>> -> memref<512xi32, #tpu.memory_space<vmem>>
      %dma_wait3A_256 = tpu.memref_slice %arg3[%run_scoped3A_101, %mul3A_2] : memref<26x16384xi32, #tpu.memory_space<hbm>> -> memref<1x512xi32, #tpu.memory_space<hbm>>
      %dma_wait3A_257 = tpu.memref_squeeze %dma_wait3A_256 : memref<1x512xi32, #tpu.memory_space<hbm>> -> memref<512xi32, #tpu.memory_space<hbm>>
      tpu.wait_dma2 semaphore(%run_scoped3A_241 : memref<!tpu.dma_semaphore, #tpu.memory_space<semaphore_mem>>) src(%dma_wait3A_257 : memref<512xi32, #tpu.memory_space<hbm>>) dst(%dma_wait3A_255 : memref<512xi32, #tpu.memory_space<vmem>>)
      tpu.yield
    }) : () -> ()
    %run_scoped3A_102 = arith.constant 5 : i32
    "tpu.region"() ({
      %run_scoped3A_241 = tpu.sem_alloc : memref<!tpu.dma_semaphore, #tpu.memory_space<semaphore_mem>>
      %dma_start3A_242 = arith.constant 2560 : i32
      %dma_start3A_243 = tpu.memref_slice %arg6[%dma_start3A_242] : memref<13312xi32, #tpu.memory_space<vmem>> -> memref<512xi32, #tpu.memory_space<vmem>>
      %dma_start3A_244 = tpu.memref_slice %arg3[%run_scoped3A_102, %mul3A_2] : memref<26x16384xi32, #tpu.memory_space<hbm>> -> memref<1x512xi32, #tpu.memory_space<hbm>>
      %dma_start3A_245 = tpu.memref_squeeze %dma_start3A_244 : memref<1x512xi32, #tpu.memory_space<hbm>> -> memref<512xi32, #tpu.memory_space<hbm>>
      %dma_start3A_246 = arith.constant 2560 : i32
      %dma_start3A_247 = tpu.memref_slice %arg6[%dma_start3A_246] : memref<13312xi32, #tpu.memory_space<vmem>> -> memref<512xi32, #tpu.memory_space<vmem>>
      %dma_start3A_248 = tpu.memref_slice %arg3[%run_scoped3A_102, %mul3A_2] : memref<26x16384xi32, #tpu.memory_space<hbm>> -> memref<1x512xi32, #tpu.memory_space<hbm>>
      %dma_start3A_249 = tpu.memref_squeeze %dma_start3A_248 : memref<1x512xi32, #tpu.memory_space<hbm>> -> memref<512xi32, #tpu.memory_space<hbm>>
      tpu.enqueue_dma source(%dma_start3A_249 : memref<512xi32, #tpu.memory_space<hbm>>) target(%dma_start3A_247 : memref<512xi32, #tpu.memory_space<vmem>>) target_semaphore(%run_scoped3A_241 : memref<!tpu.dma_semaphore, #tpu.memory_space<semaphore_mem>>)
      %dma_wait3A_250 = arith.constant 2560 : i32
      %dma_wait3A_251 = tpu.memref_slice %arg6[%dma_wait3A_250] : memref<13312xi32, #tpu.memory_space<vmem>> -> memref<512xi32, #tpu.memory_space<vmem>>
      %dma_wait3A_252 = tpu.memref_slice %arg3[%run_scoped3A_102, %mul3A_2] : memref<26x16384xi32, #tpu.memory_space<hbm>> -> memref<1x512xi32, #tpu.memory_space<hbm>>
      %dma_wait3A_253 = tpu.memref_squeeze %dma_wait3A_252 : memref<1x512xi32, #tpu.memory_space<hbm>> -> memref<512xi32, #tpu.memory_space<hbm>>
      %dma_wait3A_254 = arith.constant 2560 : i32
      %dma_wait3A_255 = tpu.memref_slice %arg6[%dma_wait3A_254] : memref<13312xi32, #tpu.memory_space<vmem>> -> memref<512xi32, #tpu.memory_space<vmem>>
      %dma_wait3A_256 = tpu.memref_slice %arg3[%run_scoped3A_102, %mul3A_2] : memref<26x16384xi32, #tpu.memory_space<hbm>> -> memref<1x512xi32, #tpu.memory_space<hbm>>
      %dma_wait3A_257 = tpu.memref_squeeze %dma_wait3A_256 : memref<1x512xi32, #tpu.memory_space<hbm>> -> memref<512xi32, #tpu.memory_space<hbm>>
      tpu.wait_dma2 semaphore(%run_scoped3A_241 : memref<!tpu.dma_semaphore, #tpu.memory_space<semaphore_mem>>) src(%dma_wait3A_257 : memref<512xi32, #tpu.memory_space<hbm>>) dst(%dma_wait3A_255 : memref<512xi32, #tpu.memory_space<vmem>>)
      tpu.yield
    }) : () -> ()
    %run_scoped3A_103 = arith.constant 6 : i32
    "tpu.region"() ({
      %run_scoped3A_241 = tpu.sem_alloc : memref<!tpu.dma_semaphore, #tpu.memory_space<semaphore_mem>>
      %dma_start3A_242 = arith.constant 3072 : i32
      %dma_start3A_243 = tpu.memref_slice %arg6[%dma_start3A_242] : memref<13312xi32, #tpu.memory_space<vmem>> -> memref<512xi32, #tpu.memory_space<vmem>>
      %dma_start3A_244 = tpu.memref_slice %arg3[%run_scoped3A_103, %mul3A_2] : memref<26x16384xi32, #tpu.memory_space<hbm>> -> memref<1x512xi32, #tpu.memory_space<hbm>>
      %dma_start3A_245 = tpu.memref_squeeze %dma_start3A_244 : memref<1x512xi32, #tpu.memory_space<hbm>> -> memref<512xi32, #tpu.memory_space<hbm>>
      %dma_start3A_246 = arith.constant 3072 : i32
      %dma_start3A_247 = tpu.memref_slice %arg6[%dma_start3A_246] : memref<13312xi32, #tpu.memory_space<vmem>> -> memref<512xi32, #tpu.memory_space<vmem>>
      %dma_start3A_248 = tpu.memref_slice %arg3[%run_scoped3A_103, %mul3A_2] : memref<26x16384xi32, #tpu.memory_space<hbm>> -> memref<1x512xi32, #tpu.memory_space<hbm>>
      %dma_start3A_249 = tpu.memref_squeeze %dma_start3A_248 : memref<1x512xi32, #tpu.memory_space<hbm>> -> memref<512xi32, #tpu.memory_space<hbm>>
      tpu.enqueue_dma source(%dma_start3A_249 : memref<512xi32, #tpu.memory_space<hbm>>) target(%dma_start3A_247 : memref<512xi32, #tpu.memory_space<vmem>>) target_semaphore(%run_scoped3A_241 : memref<!tpu.dma_semaphore, #tpu.memory_space<semaphore_mem>>)
      %dma_wait3A_250 = arith.constant 3072 : i32
      %dma_wait3A_251 = tpu.memref_slice %arg6[%dma_wait3A_250] : memref<13312xi32, #tpu.memory_space<vmem>> -> memref<512xi32, #tpu.memory_space<vmem>>
      %dma_wait3A_252 = tpu.memref_slice %arg3[%run_scoped3A_103, %mul3A_2] : memref<26x16384xi32, #tpu.memory_space<hbm>> -> memref<1x512xi32, #tpu.memory_space<hbm>>
      %dma_wait3A_253 = tpu.memref_squeeze %dma_wait3A_252 : memref<1x512xi32, #tpu.memory_space<hbm>> -> memref<512xi32, #tpu.memory_space<hbm>>
      %dma_wait3A_254 = arith.constant 3072 : i32
      %dma_wait3A_255 = tpu.memref_slice %arg6[%dma_wait3A_254] : memref<13312xi32, #tpu.memory_space<vmem>> -> memref<512xi32, #tpu.memory_space<vmem>>
      %dma_wait3A_256 = tpu.memref_slice %arg3[%run_scoped3A_103, %mul3A_2] : memref<26x16384xi32, #tpu.memory_space<hbm>> -> memref<1x512xi32, #tpu.memory_space<hbm>>
      %dma_wait3A_257 = tpu.memref_squeeze %dma_wait3A_256 : memref<1x512xi32, #tpu.memory_space<hbm>> -> memref<512xi32, #tpu.memory_space<hbm>>
      tpu.wait_dma2 semaphore(%run_scoped3A_241 : memref<!tpu.dma_semaphore, #tpu.memory_space<semaphore_mem>>) src(%dma_wait3A_257 : memref<512xi32, #tpu.memory_space<hbm>>) dst(%dma_wait3A_255 : memref<512xi32, #tpu.memory_space<vmem>>)
      tpu.yield
    }) : () -> ()
    %run_scoped3A_104 = arith.constant 7 : i32
    "tpu.region"() ({
      %run_scoped3A_241 = tpu.sem_alloc : memref<!tpu.dma_semaphore, #tpu.memory_space<semaphore_mem>>
      %dma_start3A_242 = arith.constant 3584 : i32
      %dma_start3A_243 = tpu.memref_slice %arg6[%dma_start3A_242] : memref<13312xi32, #tpu.memory_space<vmem>> -> memref<512xi32, #tpu.memory_space<vmem>>
      %dma_start3A_244 = tpu.memref_slice %arg3[%run_scoped3A_104, %mul3A_2] : memref<26x16384xi32, #tpu.memory_space<hbm>> -> memref<1x512xi32, #tpu.memory_space<hbm>>
      %dma_start3A_245 = tpu.memref_squeeze %dma_start3A_244 : memref<1x512xi32, #tpu.memory_space<hbm>> -> memref<512xi32, #tpu.memory_space<hbm>>
      %dma_start3A_246 = arith.constant 3584 : i32
      %dma_start3A_247 = tpu.memref_slice %arg6[%dma_start3A_246] : memref<13312xi32, #tpu.memory_space<vmem>> -> memref<512xi32, #tpu.memory_space<vmem>>
      %dma_start3A_248 = tpu.memref_slice %arg3[%run_scoped3A_104, %mul3A_2] : memref<26x16384xi32, #tpu.memory_space<hbm>> -> memref<1x512xi32, #tpu.memory_space<hbm>>
      %dma_start3A_249 = tpu.memref_squeeze %dma_start3A_248 : memref<1x512xi32, #tpu.memory_space<hbm>> -> memref<512xi32, #tpu.memory_space<hbm>>
      tpu.enqueue_dma source(%dma_start3A_249 : memref<512xi32, #tpu.memory_space<hbm>>) target(%dma_start3A_247 : memref<512xi32, #tpu.memory_space<vmem>>) target_semaphore(%run_scoped3A_241 : memref<!tpu.dma_semaphore, #tpu.memory_space<semaphore_mem>>)
      %dma_wait3A_250 = arith.constant 3584 : i32
      %dma_wait3A_251 = tpu.memref_slice %arg6[%dma_wait3A_250] : memref<13312xi32, #tpu.memory_space<vmem>> -> memref<512xi32, #tpu.memory_space<vmem>>
      %dma_wait3A_252 = tpu.memref_slice %arg3[%run_scoped3A_104, %mul3A_2] : memref<26x16384xi32, #tpu.memory_space<hbm>> -> memref<1x512xi32, #tpu.memory_space<hbm>>
      %dma_wait3A_253 = tpu.memref_squeeze %dma_wait3A_252 : memref<1x512xi32, #tpu.memory_space<hbm>> -> memref<512xi32, #tpu.memory_space<hbm>>
      %dma_wait3A_254 = arith.constant 3584 : i32
      %dma_wait3A_255 = tpu.memref_slice %arg6[%dma_wait3A_254] : memref<13312xi32, #tpu.memory_space<vmem>> -> memref<512xi32, #tpu.memory_space<vmem>>
      %dma_wait3A_256 = tpu.memref_slice %arg3[%run_scoped3A_104, %mul3A_2] : memref<26x16384xi32, #tpu.memory_space<hbm>> -> memref<1x512xi32, #tpu.memory_space<hbm>>
      %dma_wait3A_257 = tpu.memref_squeeze %dma_wait3A_256 : memref<1x512xi32, #tpu.memory_space<hbm>> -> memref<512xi32, #tpu.memory_space<hbm>>
      tpu.wait_dma2 semaphore(%run_scoped3A_241 : memref<!tpu.dma_semaphore, #tpu.memory_space<semaphore_mem>>) src(%dma_wait3A_257 : memref<512xi32, #tpu.memory_space<hbm>>) dst(%dma_wait3A_255 : memref<512xi32, #tpu.memory_space<vmem>>)
      tpu.yield
    }) : () -> ()
    %run_scoped3A_105 = arith.constant 8 : i32
    "tpu.region"() ({
      %run_scoped3A_241 = tpu.sem_alloc : memref<!tpu.dma_semaphore, #tpu.memory_space<semaphore_mem>>
      %dma_start3A_242 = arith.constant 4096 : i32
      %dma_start3A_243 = tpu.memref_slice %arg6[%dma_start3A_242] : memref<13312xi32, #tpu.memory_space<vmem>> -> memref<512xi32, #tpu.memory_space<vmem>>
      %dma_start3A_244 = tpu.memref_slice %arg3[%run_scoped3A_105, %mul3A_2] : memref<26x16384xi32, #tpu.memory_space<hbm>> -> memref<1x512xi32, #tpu.memory_space<hbm>>
      %dma_start3A_245 = tpu.memref_squeeze %dma_start3A_244 : memref<1x512xi32, #tpu.memory_space<hbm>> -> memref<512xi32, #tpu.memory_space<hbm>>
      %dma_start3A_246 = arith.constant 4096 : i32
      %dma_start3A_247 = tpu.memref_slice %arg6[%dma_start3A_246] : memref<13312xi32, #tpu.memory_space<vmem>> -> memref<512xi32, #tpu.memory_space<vmem>>
      %dma_start3A_248 = tpu.memref_slice %arg3[%run_scoped3A_105, %mul3A_2] : memref<26x16384xi32, #tpu.memory_space<hbm>> -> memref<1x512xi32, #tpu.memory_space<hbm>>
      %dma_start3A_249 = tpu.memref_squeeze %dma_start3A_248 : memref<1x512xi32, #tpu.memory_space<hbm>> -> memref<512xi32, #tpu.memory_space<hbm>>
      tpu.enqueue_dma source(%dma_start3A_249 : memref<512xi32, #tpu.memory_space<hbm>>) target(%dma_start3A_247 : memref<512xi32, #tpu.memory_space<vmem>>) target_semaphore(%run_scoped3A_241 : memref<!tpu.dma_semaphore, #tpu.memory_space<semaphore_mem>>)
      %dma_wait3A_250 = arith.constant 4096 : i32
      %dma_wait3A_251 = tpu.memref_slice %arg6[%dma_wait3A_250] : memref<13312xi32, #tpu.memory_space<vmem>> -> memref<512xi32, #tpu.memory_space<vmem>>
      %dma_wait3A_252 = tpu.memref_slice %arg3[%run_scoped3A_105, %mul3A_2] : memref<26x16384xi32, #tpu.memory_space<hbm>> -> memref<1x512xi32, #tpu.memory_space<hbm>>
      %dma_wait3A_253 = tpu.memref_squeeze %dma_wait3A_252 : memref<1x512xi32, #tpu.memory_space<hbm>> -> memref<512xi32, #tpu.memory_space<hbm>>
      %dma_wait3A_254 = arith.constant 4096 : i32
      %dma_wait3A_255 = tpu.memref_slice %arg6[%dma_wait3A_254] : memref<13312xi32, #tpu.memory_space<vmem>> -> memref<512xi32, #tpu.memory_space<vmem>>
      %dma_wait3A_256 = tpu.memref_slice %arg3[%run_scoped3A_105, %mul3A_2] : memref<26x16384xi32, #tpu.memory_space<hbm>> -> memref<1x512xi32, #tpu.memory_space<hbm>>
      %dma_wait3A_257 = tpu.memref_squeeze %dma_wait3A_256 : memref<1x512xi32, #tpu.memory_space<hbm>> -> memref<512xi32, #tpu.memory_space<hbm>>
      tpu.wait_dma2 semaphore(%run_scoped3A_241 : memref<!tpu.dma_semaphore, #tpu.memory_space<semaphore_mem>>) src(%dma_wait3A_257 : memref<512xi32, #tpu.memory_space<hbm>>) dst(%dma_wait3A_255 : memref<512xi32, #tpu.memory_space<vmem>>)
      tpu.yield
    }) : () -> ()
    %run_scoped3A_106 = arith.constant 9 : i32
    "tpu.region"() ({
      %run_scoped3A_241 = tpu.sem_alloc : memref<!tpu.dma_semaphore, #tpu.memory_space<semaphore_mem>>
      %dma_start3A_242 = arith.constant 4608 : i32
      %dma_start3A_243 = tpu.memref_slice %arg6[%dma_start3A_242] : memref<13312xi32, #tpu.memory_space<vmem>> -> memref<512xi32, #tpu.memory_space<vmem>>
      %dma_start3A_244 = tpu.memref_slice %arg3[%run_scoped3A_106, %mul3A_2] : memref<26x16384xi32, #tpu.memory_space<hbm>> -> memref<1x512xi32, #tpu.memory_space<hbm>>
      %dma_start3A_245 = tpu.memref_squeeze %dma_start3A_244 : memref<1x512xi32, #tpu.memory_space<hbm>> -> memref<512xi32, #tpu.memory_space<hbm>>
      %dma_start3A_246 = arith.constant 4608 : i32
      %dma_start3A_247 = tpu.memref_slice %arg6[%dma_start3A_246] : memref<13312xi32, #tpu.memory_space<vmem>> -> memref<512xi32, #tpu.memory_space<vmem>>
      %dma_start3A_248 = tpu.memref_slice %arg3[%run_scoped3A_106, %mul3A_2] : memref<26x16384xi32, #tpu.memory_space<hbm>> -> memref<1x512xi32, #tpu.memory_space<hbm>>
      %dma_start3A_249 = tpu.memref_squeeze %dma_start3A_248 : memref<1x512xi32, #tpu.memory_space<hbm>> -> memref<512xi32, #tpu.memory_space<hbm>>
      tpu.enqueue_dma source(%dma_start3A_249 : memref<512xi32, #tpu.memory_space<hbm>>) target(%dma_start3A_247 : memref<512xi32, #tpu.memory_space<vmem>>) target_semaphore(%run_scoped3A_241 : memref<!tpu.dma_semaphore, #tpu.memory_space<semaphore_mem>>)
      %dma_wait3A_250 = arith.constant 4608 : i32
      %dma_wait3A_251 = tpu.memref_slice %arg6[%dma_wait3A_250] : memref<13312xi32, #tpu.memory_space<vmem>> -> memref<512xi32, #tpu.memory_space<vmem>>
      %dma_wait3A_252 = tpu.memref_slice %arg3[%run_scoped3A_106, %mul3A_2] : memref<26x16384xi32, #tpu.memory_space<hbm>> -> memref<1x512xi32, #tpu.memory_space<hbm>>
      %dma_wait3A_253 = tpu.memref_squeeze %dma_wait3A_252 : memref<1x512xi32, #tpu.memory_space<hbm>> -> memref<512xi32, #tpu.memory_space<hbm>>
      %dma_wait3A_254 = arith.constant 4608 : i32
      %dma_wait3A_255 = tpu.memref_slice %arg6[%dma_wait3A_254] : memref<13312xi32, #tpu.memory_space<vmem>> -> memref<512xi32, #tpu.memory_space<vmem>>
      %dma_wait3A_256 = tpu.memref_slice %arg3[%run_scoped3A_106, %mul3A_2] : memref<26x16384xi32, #tpu.memory_space<hbm>> -> memref<1x512xi32, #tpu.memory_space<hbm>>
      %dma_wait3A_257 = tpu.memref_squeeze %dma_wait3A_256 : memref<1x512xi32, #tpu.memory_space<hbm>> -> memref<512xi32, #tpu.memory_space<hbm>>
      tpu.wait_dma2 semaphore(%run_scoped3A_241 : memref<!tpu.dma_semaphore, #tpu.memory_space<semaphore_mem>>) src(%dma_wait3A_257 : memref<512xi32, #tpu.memory_space<hbm>>) dst(%dma_wait3A_255 : memref<512xi32, #tpu.memory_space<vmem>>)
      tpu.yield
    }) : () -> ()
    %run_scoped3A_107 = arith.constant 10 : i32
    "tpu.region"() ({
      %run_scoped3A_241 = tpu.sem_alloc : memref<!tpu.dma_semaphore, #tpu.memory_space<semaphore_mem>>
      %dma_start3A_242 = arith.constant 5120 : i32
      %dma_start3A_243 = tpu.memref_slice %arg6[%dma_start3A_242] : memref<13312xi32, #tpu.memory_space<vmem>> -> memref<512xi32, #tpu.memory_space<vmem>>
      %dma_start3A_244 = tpu.memref_slice %arg3[%run_scoped3A_107, %mul3A_2] : memref<26x16384xi32, #tpu.memory_space<hbm>> -> memref<1x512xi32, #tpu.memory_space<hbm>>
      %dma_start3A_245 = tpu.memref_squeeze %dma_start3A_244 : memref<1x512xi32, #tpu.memory_space<hbm>> -> memref<512xi32, #tpu.memory_space<hbm>>
      %dma_start3A_246 = arith.constant 5120 : i32
      %dma_start3A_247 = tpu.memref_slice %arg6[%dma_start3A_246] : memref<13312xi32, #tpu.memory_space<vmem>> -> memref<512xi32, #tpu.memory_space<vmem>>
      %dma_start3A_248 = tpu.memref_slice %arg3[%run_scoped3A_107, %mul3A_2] : memref<26x16384xi32, #tpu.memory_space<hbm>> -> memref<1x512xi32, #tpu.memory_space<hbm>>
      %dma_start3A_249 = tpu.memref_squeeze %dma_start3A_248 : memref<1x512xi32, #tpu.memory_space<hbm>> -> memref<512xi32, #tpu.memory_space<hbm>>
      tpu.enqueue_dma source(%dma_start3A_249 : memref<512xi32, #tpu.memory_space<hbm>>) target(%dma_start3A_247 : memref<512xi32, #tpu.memory_space<vmem>>) target_semaphore(%run_scoped3A_241 : memref<!tpu.dma_semaphore, #tpu.memory_space<semaphore_mem>>)
      %dma_wait3A_250 = arith.constant 5120 : i32
      %dma_wait3A_251 = tpu.memref_slice %arg6[%dma_wait3A_250] : memref<13312xi32, #tpu.memory_space<vmem>> -> memref<512xi32, #tpu.memory_space<vmem>>
      %dma_wait3A_252 = tpu.memref_slice %arg3[%run_scoped3A_107, %mul3A_2] : memref<26x16384xi32, #tpu.memory_space<hbm>> -> memref<1x512xi32, #tpu.memory_space<hbm>>
      %dma_wait3A_253 = tpu.memref_squeeze %dma_wait3A_252 : memref<1x512xi32, #tpu.memory_space<hbm>> -> memref<512xi32, #tpu.memory_space<hbm>>
      %dma_wait3A_254 = arith.constant 5120 : i32
      %dma_wait3A_255 = tpu.memref_slice %arg6[%dma_wait3A_254] : memref<13312xi32, #tpu.memory_space<vmem>> -> memref<512xi32, #tpu.memory_space<vmem>>
      %dma_wait3A_256 = tpu.memref_slice %arg3[%run_scoped3A_107, %mul3A_2] : memref<26x16384xi32, #tpu.memory_space<hbm>> -> memref<1x512xi32, #tpu.memory_space<hbm>>
      %dma_wait3A_257 = tpu.memref_squeeze %dma_wait3A_256 : memref<1x512xi32, #tpu.memory_space<hbm>> -> memref<512xi32, #tpu.memory_space<hbm>>
      tpu.wait_dma2 semaphore(%run_scoped3A_241 : memref<!tpu.dma_semaphore, #tpu.memory_space<semaphore_mem>>) src(%dma_wait3A_257 : memref<512xi32, #tpu.memory_space<hbm>>) dst(%dma_wait3A_255 : memref<512xi32, #tpu.memory_space<vmem>>)
      tpu.yield
    }) : () -> ()
    %run_scoped3A_108 = arith.constant 11 : i32
    "tpu.region"() ({
      %run_scoped3A_241 = tpu.sem_alloc : memref<!tpu.dma_semaphore, #tpu.memory_space<semaphore_mem>>
      %dma_start3A_242 = arith.constant 5632 : i32
      %dma_start3A_243 = tpu.memref_slice %arg6[%dma_start3A_242] : memref<13312xi32, #tpu.memory_space<vmem>> -> memref<512xi32, #tpu.memory_space<vmem>>
      %dma_start3A_244 = tpu.memref_slice %arg3[%run_scoped3A_108, %mul3A_2] : memref<26x16384xi32, #tpu.memory_space<hbm>> -> memref<1x512xi32, #tpu.memory_space<hbm>>
      %dma_start3A_245 = tpu.memref_squeeze %dma_start3A_244 : memref<1x512xi32, #tpu.memory_space<hbm>> -> memref<512xi32, #tpu.memory_space<hbm>>
      %dma_start3A_246 = arith.constant 5632 : i32
      %dma_start3A_247 = tpu.memref_slice %arg6[%dma_start3A_246] : memref<13312xi32, #tpu.memory_space<vmem>> -> memref<512xi32, #tpu.memory_space<vmem>>
      %dma_start3A_248 = tpu.memref_slice %arg3[%run_scoped3A_108, %mul3A_2] : memref<26x16384xi32, #tpu.memory_space<hbm>> -> memref<1x512xi32, #tpu.memory_space<hbm>>
      %dma_start3A_249 = tpu.memref_squeeze %dma_start3A_248 : memref<1x512xi32, #tpu.memory_space<hbm>> -> memref<512xi32, #tpu.memory_space<hbm>>
      tpu.enqueue_dma source(%dma_start3A_249 : memref<512xi32, #tpu.memory_space<hbm>>) target(%dma_start3A_247 : memref<512xi32, #tpu.memory_space<vmem>>) target_semaphore(%run_scoped3A_241 : memref<!tpu.dma_semaphore, #tpu.memory_space<semaphore_mem>>)
      %dma_wait3A_250 = arith.constant 5632 : i32
      %dma_wait3A_251 = tpu.memref_slice %arg6[%dma_wait3A_250] : memref<13312xi32, #tpu.memory_space<vmem>> -> memref<512xi32, #tpu.memory_space<vmem>>
      %dma_wait3A_252 = tpu.memref_slice %arg3[%run_scoped3A_108, %mul3A_2] : memref<26x16384xi32, #tpu.memory_space<hbm>> -> memref<1x512xi32, #tpu.memory_space<hbm>>
      %dma_wait3A_253 = tpu.memref_squeeze %dma_wait3A_252 : memref<1x512xi32, #tpu.memory_space<hbm>> -> memref<512xi32, #tpu.memory_space<hbm>>
      %dma_wait3A_254 = arith.constant 5632 : i32
      %dma_wait3A_255 = tpu.memref_slice %arg6[%dma_wait3A_254] : memref<13312xi32, #tpu.memory_space<vmem>> -> memref<512xi32, #tpu.memory_space<vmem>>
      %dma_wait3A_256 = tpu.memref_slice %arg3[%run_scoped3A_108, %mul3A_2] : memref<26x16384xi32, #tpu.memory_space<hbm>> -> memref<1x512xi32, #tpu.memory_space<hbm>>
      %dma_wait3A_257 = tpu.memref_squeeze %dma_wait3A_256 : memref<1x512xi32, #tpu.memory_space<hbm>> -> memref<512xi32, #tpu.memory_space<hbm>>
      tpu.wait_dma2 semaphore(%run_scoped3A_241 : memref<!tpu.dma_semaphore, #tpu.memory_space<semaphore_mem>>) src(%dma_wait3A_257 : memref<512xi32, #tpu.memory_space<hbm>>) dst(%dma_wait3A_255 : memref<512xi32, #tpu.memory_space<vmem>>)
      tpu.yield
    }) : () -> ()
    %run_scoped3A_109 = arith.constant 12 : i32
    "tpu.region"() ({
      %run_scoped3A_241 = tpu.sem_alloc : memref<!tpu.dma_semaphore, #tpu.memory_space<semaphore_mem>>
      %dma_start3A_242 = arith.constant 6144 : i32
      %dma_start3A_243 = tpu.memref_slice %arg6[%dma_start3A_242] : memref<13312xi32, #tpu.memory_space<vmem>> -> memref<512xi32, #tpu.memory_space<vmem>>
      %dma_start3A_244 = tpu.memref_slice %arg3[%run_scoped3A_109, %mul3A_2] : memref<26x16384xi32, #tpu.memory_space<hbm>> -> memref<1x512xi32, #tpu.memory_space<hbm>>
      %dma_start3A_245 = tpu.memref_squeeze %dma_start3A_244 : memref<1x512xi32, #tpu.memory_space<hbm>> -> memref<512xi32, #tpu.memory_space<hbm>>
      %dma_start3A_246 = arith.constant 6144 : i32
      %dma_start3A_247 = tpu.memref_slice %arg6[%dma_start3A_246] : memref<13312xi32, #tpu.memory_space<vmem>> -> memref<512xi32, #tpu.memory_space<vmem>>
      %dma_start3A_248 = tpu.memref_slice %arg3[%run_scoped3A_109, %mul3A_2] : memref<26x16384xi32, #tpu.memory_space<hbm>> -> memref<1x512xi32, #tpu.memory_space<hbm>>
      %dma_start3A_249 = tpu.memref_squeeze %dma_start3A_248 : memref<1x512xi32, #tpu.memory_space<hbm>> -> memref<512xi32, #tpu.memory_space<hbm>>
      tpu.enqueue_dma source(%dma_start3A_249 : memref<512xi32, #tpu.memory_space<hbm>>) target(%dma_start3A_247 : memref<512xi32, #tpu.memory_space<vmem>>) target_semaphore(%run_scoped3A_241 : memref<!tpu.dma_semaphore, #tpu.memory_space<semaphore_mem>>)
      %dma_wait3A_250 = arith.constant 6144 : i32
      %dma_wait3A_251 = tpu.memref_slice %arg6[%dma_wait3A_250] : memref<13312xi32, #tpu.memory_space<vmem>> -> memref<512xi32, #tpu.memory_space<vmem>>
      %dma_wait3A_252 = tpu.memref_slice %arg3[%run_scoped3A_109, %mul3A_2] : memref<26x16384xi32, #tpu.memory_space<hbm>> -> memref<1x512xi32, #tpu.memory_space<hbm>>
      %dma_wait3A_253 = tpu.memref_squeeze %dma_wait3A_252 : memref<1x512xi32, #tpu.memory_space<hbm>> -> memref<512xi32, #tpu.memory_space<hbm>>
      %dma_wait3A_254 = arith.constant 6144 : i32
      %dma_wait3A_255 = tpu.memref_slice %arg6[%dma_wait3A_254] : memref<13312xi32, #tpu.memory_space<vmem>> -> memref<512xi32, #tpu.memory_space<vmem>>
      %dma_wait3A_256 = tpu.memref_slice %arg3[%run_scoped3A_109, %mul3A_2] : memref<26x16384xi32, #tpu.memory_space<hbm>> -> memref<1x512xi32, #tpu.memory_space<hbm>>
      %dma_wait3A_257 = tpu.memref_squeeze %dma_wait3A_256 : memref<1x512xi32, #tpu.memory_space<hbm>> -> memref<512xi32, #tpu.memory_space<hbm>>
      tpu.wait_dma2 semaphore(%run_scoped3A_241 : memref<!tpu.dma_semaphore, #tpu.memory_space<semaphore_mem>>) src(%dma_wait3A_257 : memref<512xi32, #tpu.memory_space<hbm>>) dst(%dma_wait3A_255 : memref<512xi32, #tpu.memory_space<vmem>>)
      tpu.yield
    }) : () -> ()
    %run_scoped3A_110 = arith.constant 13 : i32
    "tpu.region"() ({
      %run_scoped3A_241 = tpu.sem_alloc : memref<!tpu.dma_semaphore, #tpu.memory_space<semaphore_mem>>
      %dma_start3A_242 = arith.constant 6656 : i32
      %dma_start3A_243 = tpu.memref_slice %arg6[%dma_start3A_242] : memref<13312xi32, #tpu.memory_space<vmem>> -> memref<512xi32, #tpu.memory_space<vmem>>
      %dma_start3A_244 = tpu.memref_slice %arg3[%run_scoped3A_110, %mul3A_2] : memref<26x16384xi32, #tpu.memory_space<hbm>> -> memref<1x512xi32, #tpu.memory_space<hbm>>
      %dma_start3A_245 = tpu.memref_squeeze %dma_start3A_244 : memref<1x512xi32, #tpu.memory_space<hbm>> -> memref<512xi32, #tpu.memory_space<hbm>>
      %dma_start3A_246 = arith.constant 6656 : i32
      %dma_start3A_247 = tpu.memref_slice %arg6[%dma_start3A_246] : memref<13312xi32, #tpu.memory_space<vmem>> -> memref<512xi32, #tpu.memory_space<vmem>>
      %dma_start3A_248 = tpu.memref_slice %arg3[%run_scoped3A_110, %mul3A_2] : memref<26x16384xi32, #tpu.memory_space<hbm>> -> memref<1x512xi32, #tpu.memory_space<hbm>>
      %dma_start3A_249 = tpu.memref_squeeze %dma_start3A_248 : memref<1x512xi32, #tpu.memory_space<hbm>> -> memref<512xi32, #tpu.memory_space<hbm>>
      tpu.enqueue_dma source(%dma_start3A_249 : memref<512xi32, #tpu.memory_space<hbm>>) target(%dma_start3A_247 : memref<512xi32, #tpu.memory_space<vmem>>) target_semaphore(%run_scoped3A_241 : memref<!tpu.dma_semaphore, #tpu.memory_space<semaphore_mem>>)
      %dma_wait3A_250 = arith.constant 6656 : i32
      %dma_wait3A_251 = tpu.memref_slice %arg6[%dma_wait3A_250] : memref<13312xi32, #tpu.memory_space<vmem>> -> memref<512xi32, #tpu.memory_space<vmem>>
      %dma_wait3A_252 = tpu.memref_slice %arg3[%run_scoped3A_110, %mul3A_2] : memref<26x16384xi32, #tpu.memory_space<hbm>> -> memref<1x512xi32, #tpu.memory_space<hbm>>
      %dma_wait3A_253 = tpu.memref_squeeze %dma_wait3A_252 : memref<1x512xi32, #tpu.memory_space<hbm>> -> memref<512xi32, #tpu.memory_space<hbm>>
      %dma_wait3A_254 = arith.constant 6656 : i32
      %dma_wait3A_255 = tpu.memref_slice %arg6[%dma_wait3A_254] : memref<13312xi32, #tpu.memory_space<vmem>> -> memref<512xi32, #tpu.memory_space<vmem>>
      %dma_wait3A_256 = tpu.memref_slice %arg3[%run_scoped3A_110, %mul3A_2] : memref<26x16384xi32, #tpu.memory_space<hbm>> -> memref<1x512xi32, #tpu.memory_space<hbm>>
      %dma_wait3A_257 = tpu.memref_squeeze %dma_wait3A_256 : memref<1x512xi32, #tpu.memory_space<hbm>> -> memref<512xi32, #tpu.memory_space<hbm>>
      tpu.wait_dma2 semaphore(%run_scoped3A_241 : memref<!tpu.dma_semaphore, #tpu.memory_space<semaphore_mem>>) src(%dma_wait3A_257 : memref<512xi32, #tpu.memory_space<hbm>>) dst(%dma_wait3A_255 : memref<512xi32, #tpu.memory_space<vmem>>)
      tpu.yield
    }) : () -> ()
    %run_scoped3A_111 = arith.constant 14 : i32
    "tpu.region"() ({
      %run_scoped3A_241 = tpu.sem_alloc : memref<!tpu.dma_semaphore, #tpu.memory_space<semaphore_mem>>
      %dma_start3A_242 = arith.constant 7168 : i32
      %dma_start3A_243 = tpu.memref_slice %arg6[%dma_start3A_242] : memref<13312xi32, #tpu.memory_space<vmem>> -> memref<512xi32, #tpu.memory_space<vmem>>
      %dma_start3A_244 = tpu.memref_slice %arg3[%run_scoped3A_111, %mul3A_2] : memref<26x16384xi32, #tpu.memory_space<hbm>> -> memref<1x512xi32, #tpu.memory_space<hbm>>
      %dma_start3A_245 = tpu.memref_squeeze %dma_start3A_244 : memref<1x512xi32, #tpu.memory_space<hbm>> -> memref<512xi32, #tpu.memory_space<hbm>>
      %dma_start3A_246 = arith.constant 7168 : i32
      %dma_start3A_247 = tpu.memref_slice %arg6[%dma_start3A_246] : memref<13312xi32, #tpu.memory_space<vmem>> -> memref<512xi32, #tpu.memory_space<vmem>>
      %dma_start3A_248 = tpu.memref_slice %arg3[%run_scoped3A_111, %mul3A_2] : memref<26x16384xi32, #tpu.memory_space<hbm>> -> memref<1x512xi32, #tpu.memory_space<hbm>>
      %dma_start3A_249 = tpu.memref_squeeze %dma_start3A_248 : memref<1x512xi32, #tpu.memory_space<hbm>> -> memref<512xi32, #tpu.memory_space<hbm>>
      tpu.enqueue_dma source(%dma_start3A_249 : memref<512xi32, #tpu.memory_space<hbm>>) target(%dma_start3A_247 : memref<512xi32, #tpu.memory_space<vmem>>) target_semaphore(%run_scoped3A_241 : memref<!tpu.dma_semaphore, #tpu.memory_space<semaphore_mem>>)
      %dma_wait3A_250 = arith.constant 7168 : i32
      %dma_wait3A_251 = tpu.memref_slice %arg6[%dma_wait3A_250] : memref<13312xi32, #tpu.memory_space<vmem>> -> memref<512xi32, #tpu.memory_space<vmem>>
      %dma_wait3A_252 = tpu.memref_slice %arg3[%run_scoped3A_111, %mul3A_2] : memref<26x16384xi32, #tpu.memory_space<hbm>> -> memref<1x512xi32, #tpu.memory_space<hbm>>
      %dma_wait3A_253 = tpu.memref_squeeze %dma_wait3A_252 : memref<1x512xi32, #tpu.memory_space<hbm>> -> memref<512xi32, #tpu.memory_space<hbm>>
      %dma_wait3A_254 = arith.constant 7168 : i32
      %dma_wait3A_255 = tpu.memref_slice %arg6[%dma_wait3A_254] : memref<13312xi32, #tpu.memory_space<vmem>> -> memref<512xi32, #tpu.memory_space<vmem>>
      %dma_wait3A_256 = tpu.memref_slice %arg3[%run_scoped3A_111, %mul3A_2] : memref<26x16384xi32, #tpu.memory_space<hbm>> -> memref<1x512xi32, #tpu.memory_space<hbm>>
      %dma_wait3A_257 = tpu.memref_squeeze %dma_wait3A_256 : memref<1x512xi32, #tpu.memory_space<hbm>> -> memref<512xi32, #tpu.memory_space<hbm>>
      tpu.wait_dma2 semaphore(%run_scoped3A_241 : memref<!tpu.dma_semaphore, #tpu.memory_space<semaphore_mem>>) src(%dma_wait3A_257 : memref<512xi32, #tpu.memory_space<hbm>>) dst(%dma_wait3A_255 : memref<512xi32, #tpu.memory_space<vmem>>)
      tpu.yield
    }) : () -> ()
    %run_scoped3A_112 = arith.constant 15 : i32
    "tpu.region"() ({
      %run_scoped3A_241 = tpu.sem_alloc : memref<!tpu.dma_semaphore, #tpu.memory_space<semaphore_mem>>
      %dma_start3A_242 = arith.constant 7680 : i32
      %dma_start3A_243 = tpu.memref_slice %arg6[%dma_start3A_242] : memref<13312xi32, #tpu.memory_space<vmem>> -> memref<512xi32, #tpu.memory_space<vmem>>
      %dma_start3A_244 = tpu.memref_slice %arg3[%run_scoped3A_112, %mul3A_2] : memref<26x16384xi32, #tpu.memory_space<hbm>> -> memref<1x512xi32, #tpu.memory_space<hbm>>
      %dma_start3A_245 = tpu.memref_squeeze %dma_start3A_244 : memref<1x512xi32, #tpu.memory_space<hbm>> -> memref<512xi32, #tpu.memory_space<hbm>>
      %dma_start3A_246 = arith.constant 7680 : i32
      %dma_start3A_247 = tpu.memref_slice %arg6[%dma_start3A_246] : memref<13312xi32, #tpu.memory_space<vmem>> -> memref<512xi32, #tpu.memory_space<vmem>>
      %dma_start3A_248 = tpu.memref_slice %arg3[%run_scoped3A_112, %mul3A_2] : memref<26x16384xi32, #tpu.memory_space<hbm>> -> memref<1x512xi32, #tpu.memory_space<hbm>>
      %dma_start3A_249 = tpu.memref_squeeze %dma_start3A_248 : memref<1x512xi32, #tpu.memory_space<hbm>> -> memref<512xi32, #tpu.memory_space<hbm>>
      tpu.enqueue_dma source(%dma_start3A_249 : memref<512xi32, #tpu.memory_space<hbm>>) target(%dma_start3A_247 : memref<512xi32, #tpu.memory_space<vmem>>) target_semaphore(%run_scoped3A_241 : memref<!tpu.dma_semaphore, #tpu.memory_space<semaphore_mem>>)
      %dma_wait3A_250 = arith.constant 7680 : i32
      %dma_wait3A_251 = tpu.memref_slice %arg6[%dma_wait3A_250] : memref<13312xi32, #tpu.memory_space<vmem>> -> memref<512xi32, #tpu.memory_space<vmem>>
      %dma_wait3A_252 = tpu.memref_slice %arg3[%run_scoped3A_112, %mul3A_2] : memref<26x16384xi32, #tpu.memory_space<hbm>> -> memref<1x512xi32, #tpu.memory_space<hbm>>
      %dma_wait3A_253 = tpu.memref_squeeze %dma_wait3A_252 : memref<1x512xi32, #tpu.memory_space<hbm>> -> memref<512xi32, #tpu.memory_space<hbm>>
      %dma_wait3A_254 = arith.constant 7680 : i32
      %dma_wait3A_255 = tpu.memref_slice %arg6[%dma_wait3A_254] : memref<13312xi32, #tpu.memory_space<vmem>> -> memref<512xi32, #tpu.memory_space<vmem>>
      %dma_wait3A_256 = tpu.memref_slice %arg3[%run_scoped3A_112, %mul3A_2] : memref<26x16384xi32, #tpu.memory_space<hbm>> -> memref<1x512xi32, #tpu.memory_space<hbm>>
      %dma_wait3A_257 = tpu.memref_squeeze %dma_wait3A_256 : memref<1x512xi32, #tpu.memory_space<hbm>> -> memref<512xi32, #tpu.memory_space<hbm>>
      tpu.wait_dma2 semaphore(%run_scoped3A_241 : memref<!tpu.dma_semaphore, #tpu.memory_space<semaphore_mem>>) src(%dma_wait3A_257 : memref<512xi32, #tpu.memory_space<hbm>>) dst(%dma_wait3A_255 : memref<512xi32, #tpu.memory_space<vmem>>)
      tpu.yield
    }) : () -> ()
    %run_scoped3A_113 = arith.constant 16 : i32
    "tpu.region"() ({
      %run_scoped3A_241 = tpu.sem_alloc : memref<!tpu.dma_semaphore, #tpu.memory_space<semaphore_mem>>
      %dma_start3A_242 = arith.constant 8192 : i32
      %dma_start3A_243 = tpu.memref_slice %arg6[%dma_start3A_242] : memref<13312xi32, #tpu.memory_space<vmem>> -> memref<512xi32, #tpu.memory_space<vmem>>
      %dma_start3A_244 = tpu.memref_slice %arg3[%run_scoped3A_113, %mul3A_2] : memref<26x16384xi32, #tpu.memory_space<hbm>> -> memref<1x512xi32, #tpu.memory_space<hbm>>
      %dma_start3A_245 = tpu.memref_squeeze %dma_start3A_244 : memref<1x512xi32, #tpu.memory_space<hbm>> -> memref<512xi32, #tpu.memory_space<hbm>>
      %dma_start3A_246 = arith.constant 8192 : i32
      %dma_start3A_247 = tpu.memref_slice %arg6[%dma_start3A_246] : memref<13312xi32, #tpu.memory_space<vmem>> -> memref<512xi32, #tpu.memory_space<vmem>>
      %dma_start3A_248 = tpu.memref_slice %arg3[%run_scoped3A_113, %mul3A_2] : memref<26x16384xi32, #tpu.memory_space<hbm>> -> memref<1x512xi32, #tpu.memory_space<hbm>>
      %dma_start3A_249 = tpu.memref_squeeze %dma_start3A_248 : memref<1x512xi32, #tpu.memory_space<hbm>> -> memref<512xi32, #tpu.memory_space<hbm>>
      tpu.enqueue_dma source(%dma_start3A_249 : memref<512xi32, #tpu.memory_space<hbm>>) target(%dma_start3A_247 : memref<512xi32, #tpu.memory_space<vmem>>) target_semaphore(%run_scoped3A_241 : memref<!tpu.dma_semaphore, #tpu.memory_space<semaphore_mem>>)
      %dma_wait3A_250 = arith.constant 8192 : i32
      %dma_wait3A_251 = tpu.memref_slice %arg6[%dma_wait3A_250] : memref<13312xi32, #tpu.memory_space<vmem>> -> memref<512xi32, #tpu.memory_space<vmem>>
      %dma_wait3A_252 = tpu.memref_slice %arg3[%run_scoped3A_113, %mul3A_2] : memref<26x16384xi32, #tpu.memory_space<hbm>> -> memref<1x512xi32, #tpu.memory_space<hbm>>
      %dma_wait3A_253 = tpu.memref_squeeze %dma_wait3A_252 : memref<1x512xi32, #tpu.memory_space<hbm>> -> memref<512xi32, #tpu.memory_space<hbm>>
      %dma_wait3A_254 = arith.constant 8192 : i32
      %dma_wait3A_255 = tpu.memref_slice %arg6[%dma_wait3A_254] : memref<13312xi32, #tpu.memory_space<vmem>> -> memref<512xi32, #tpu.memory_space<vmem>>
      %dma_wait3A_256 = tpu.memref_slice %arg3[%run_scoped3A_113, %mul3A_2] : memref<26x16384xi32, #tpu.memory_space<hbm>> -> memref<1x512xi32, #tpu.memory_space<hbm>>
      %dma_wait3A_257 = tpu.memref_squeeze %dma_wait3A_256 : memref<1x512xi32, #tpu.memory_space<hbm>> -> memref<512xi32, #tpu.memory_space<hbm>>
      tpu.wait_dma2 semaphore(%run_scoped3A_241 : memref<!tpu.dma_semaphore, #tpu.memory_space<semaphore_mem>>) src(%dma_wait3A_257 : memref<512xi32, #tpu.memory_space<hbm>>) dst(%dma_wait3A_255 : memref<512xi32, #tpu.memory_space<vmem>>)
      tpu.yield
    }) : () -> ()
    %run_scoped3A_114 = arith.constant 17 : i32
    "tpu.region"() ({
      %run_scoped3A_241 = tpu.sem_alloc : memref<!tpu.dma_semaphore, #tpu.memory_space<semaphore_mem>>
      %dma_start3A_242 = arith.constant 8704 : i32
      %dma_start3A_243 = tpu.memref_slice %arg6[%dma_start3A_242] : memref<13312xi32, #tpu.memory_space<vmem>> -> memref<512xi32, #tpu.memory_space<vmem>>
      %dma_start3A_244 = tpu.memref_slice %arg3[%run_scoped3A_114, %mul3A_2] : memref<26x16384xi32, #tpu.memory_space<hbm>> -> memref<1x512xi32, #tpu.memory_space<hbm>>
      %dma_start3A_245 = tpu.memref_squeeze %dma_start3A_244 : memref<1x512xi32, #tpu.memory_space<hbm>> -> memref<512xi32, #tpu.memory_space<hbm>>
      %dma_start3A_246 = arith.constant 8704 : i32
      %dma_start3A_247 = tpu.memref_slice %arg6[%dma_start3A_246] : memref<13312xi32, #tpu.memory_space<vmem>> -> memref<512xi32, #tpu.memory_space<vmem>>
      %dma_start3A_248 = tpu.memref_slice %arg3[%run_scoped3A_114, %mul3A_2] : memref<26x16384xi32, #tpu.memory_space<hbm>> -> memref<1x512xi32, #tpu.memory_space<hbm>>
      %dma_start3A_249 = tpu.memref_squeeze %dma_start3A_248 : memref<1x512xi32, #tpu.memory_space<hbm>> -> memref<512xi32, #tpu.memory_space<hbm>>
      tpu.enqueue_dma source(%dma_start3A_249 : memref<512xi32, #tpu.memory_space<hbm>>) target(%dma_start3A_247 : memref<512xi32, #tpu.memory_space<vmem>>) target_semaphore(%run_scoped3A_241 : memref<!tpu.dma_semaphore, #tpu.memory_space<semaphore_mem>>)
      %dma_wait3A_250 = arith.constant 8704 : i32
      %dma_wait3A_251 = tpu.memref_slice %arg6[%dma_wait3A_250] : memref<13312xi32, #tpu.memory_space<vmem>> -> memref<512xi32, #tpu.memory_space<vmem>>
      %dma_wait3A_252 = tpu.memref_slice %arg3[%run_scoped3A_114, %mul3A_2] : memref<26x16384xi32, #tpu.memory_space<hbm>> -> memref<1x512xi32, #tpu.memory_space<hbm>>
      %dma_wait3A_253 = tpu.memref_squeeze %dma_wait3A_252 : memref<1x512xi32, #tpu.memory_space<hbm>> -> memref<512xi32, #tpu.memory_space<hbm>>
      %dma_wait3A_254 = arith.constant 8704 : i32
      %dma_wait3A_255 = tpu.memref_slice %arg6[%dma_wait3A_254] : memref<13312xi32, #tpu.memory_space<vmem>> -> memref<512xi32, #tpu.memory_space<vmem>>
      %dma_wait3A_256 = tpu.memref_slice %arg3[%run_scoped3A_114, %mul3A_2] : memref<26x16384xi32, #tpu.memory_space<hbm>> -> memref<1x512xi32, #tpu.memory_space<hbm>>
      %dma_wait3A_257 = tpu.memref_squeeze %dma_wait3A_256 : memref<1x512xi32, #tpu.memory_space<hbm>> -> memref<512xi32, #tpu.memory_space<hbm>>
      tpu.wait_dma2 semaphore(%run_scoped3A_241 : memref<!tpu.dma_semaphore, #tpu.memory_space<semaphore_mem>>) src(%dma_wait3A_257 : memref<512xi32, #tpu.memory_space<hbm>>) dst(%dma_wait3A_255 : memref<512xi32, #tpu.memory_space<vmem>>)
      tpu.yield
    }) : () -> ()
    %run_scoped3A_115 = arith.constant 18 : i32
    "tpu.region"() ({
      %run_scoped3A_241 = tpu.sem_alloc : memref<!tpu.dma_semaphore, #tpu.memory_space<semaphore_mem>>
      %dma_start3A_242 = arith.constant 9216 : i32
      %dma_start3A_243 = tpu.memref_slice %arg6[%dma_start3A_242] : memref<13312xi32, #tpu.memory_space<vmem>> -> memref<512xi32, #tpu.memory_space<vmem>>
      %dma_start3A_244 = tpu.memref_slice %arg3[%run_scoped3A_115, %mul3A_2] : memref<26x16384xi32, #tpu.memory_space<hbm>> -> memref<1x512xi32, #tpu.memory_space<hbm>>
      %dma_start3A_245 = tpu.memref_squeeze %dma_start3A_244 : memref<1x512xi32, #tpu.memory_space<hbm>> -> memref<512xi32, #tpu.memory_space<hbm>>
      %dma_start3A_246 = arith.constant 9216 : i32
      %dma_start3A_247 = tpu.memref_slice %arg6[%dma_start3A_246] : memref<13312xi32, #tpu.memory_space<vmem>> -> memref<512xi32, #tpu.memory_space<vmem>>
      %dma_start3A_248 = tpu.memref_slice %arg3[%run_scoped3A_115, %mul3A_2] : memref<26x16384xi32, #tpu.memory_space<hbm>> -> memref<1x512xi32, #tpu.memory_space<hbm>>
      %dma_start3A_249 = tpu.memref_squeeze %dma_start3A_248 : memref<1x512xi32, #tpu.memory_space<hbm>> -> memref<512xi32, #tpu.memory_space<hbm>>
      tpu.enqueue_dma source(%dma_start3A_249 : memref<512xi32, #tpu.memory_space<hbm>>) target(%dma_start3A_247 : memref<512xi32, #tpu.memory_space<vmem>>) target_semaphore(%run_scoped3A_241 : memref<!tpu.dma_semaphore, #tpu.memory_space<semaphore_mem>>)
      %dma_wait3A_250 = arith.constant 9216 : i32
      %dma_wait3A_251 = tpu.memref_slice %arg6[%dma_wait3A_250] : memref<13312xi32, #tpu.memory_space<vmem>> -> memref<512xi32, #tpu.memory_space<vmem>>
      %dma_wait3A_252 = tpu.memref_slice %arg3[%run_scoped3A_115, %mul3A_2] : memref<26x16384xi32, #tpu.memory_space<hbm>> -> memref<1x512xi32, #tpu.memory_space<hbm>>
      %dma_wait3A_253 = tpu.memref_squeeze %dma_wait3A_252 : memref<1x512xi32, #tpu.memory_space<hbm>> -> memref<512xi32, #tpu.memory_space<hbm>>
      %dma_wait3A_254 = arith.constant 9216 : i32
      %dma_wait3A_255 = tpu.memref_slice %arg6[%dma_wait3A_254] : memref<13312xi32, #tpu.memory_space<vmem>> -> memref<512xi32, #tpu.memory_space<vmem>>
      %dma_wait3A_256 = tpu.memref_slice %arg3[%run_scoped3A_115, %mul3A_2] : memref<26x16384xi32, #tpu.memory_space<hbm>> -> memref<1x512xi32, #tpu.memory_space<hbm>>
      %dma_wait3A_257 = tpu.memref_squeeze %dma_wait3A_256 : memref<1x512xi32, #tpu.memory_space<hbm>> -> memref<512xi32, #tpu.memory_space<hbm>>
      tpu.wait_dma2 semaphore(%run_scoped3A_241 : memref<!tpu.dma_semaphore, #tpu.memory_space<semaphore_mem>>) src(%dma_wait3A_257 : memref<512xi32, #tpu.memory_space<hbm>>) dst(%dma_wait3A_255 : memref<512xi32, #tpu.memory_space<vmem>>)
      tpu.yield
    }) : () -> ()
    %run_scoped3A_116 = arith.constant 19 : i32
    "tpu.region"() ({
      %run_scoped3A_241 = tpu.sem_alloc : memref<!tpu.dma_semaphore, #tpu.memory_space<semaphore_mem>>
      %dma_start3A_242 = arith.constant 9728 : i32
      %dma_start3A_243 = tpu.memref_slice %arg6[%dma_start3A_242] : memref<13312xi32, #tpu.memory_space<vmem>> -> memref<512xi32, #tpu.memory_space<vmem>>
      %dma_start3A_244 = tpu.memref_slice %arg3[%run_scoped3A_116, %mul3A_2] : memref<26x16384xi32, #tpu.memory_space<hbm>> -> memref<1x512xi32, #tpu.memory_space<hbm>>
      %dma_start3A_245 = tpu.memref_squeeze %dma_start3A_244 : memref<1x512xi32, #tpu.memory_space<hbm>> -> memref<512xi32, #tpu.memory_space<hbm>>
      %dma_start3A_246 = arith.constant 9728 : i32
      %dma_start3A_247 = tpu.memref_slice %arg6[%dma_start3A_246] : memref<13312xi32, #tpu.memory_space<vmem>> -> memref<512xi32, #tpu.memory_space<vmem>>
      %dma_start3A_248 = tpu.memref_slice %arg3[%run_scoped3A_116, %mul3A_2] : memref<26x16384xi32, #tpu.memory_space<hbm>> -> memref<1x512xi32, #tpu.memory_space<hbm>>
      %dma_start3A_249 = tpu.memref_squeeze %dma_start3A_248 : memref<1x512xi32, #tpu.memory_space<hbm>> -> memref<512xi32, #tpu.memory_space<hbm>>
      tpu.enqueue_dma source(%dma_start3A_249 : memref<512xi32, #tpu.memory_space<hbm>>) target(%dma_start3A_247 : memref<512xi32, #tpu.memory_space<vmem>>) target_semaphore(%run_scoped3A_241 : memref<!tpu.dma_semaphore, #tpu.memory_space<semaphore_mem>>)
      %dma_wait3A_250 = arith.constant 9728 : i32
      %dma_wait3A_251 = tpu.memref_slice %arg6[%dma_wait3A_250] : memref<13312xi32, #tpu.memory_space<vmem>> -> memref<512xi32, #tpu.memory_space<vmem>>
      %dma_wait3A_252 = tpu.memref_slice %arg3[%run_scoped3A_116, %mul3A_2] : memref<26x16384xi32, #tpu.memory_space<hbm>> -> memref<1x512xi32, #tpu.memory_space<hbm>>
      %dma_wait3A_253 = tpu.memref_squeeze %dma_wait3A_252 : memref<1x512xi32, #tpu.memory_space<hbm>> -> memref<512xi32, #tpu.memory_space<hbm>>
      %dma_wait3A_254 = arith.constant 9728 : i32
      %dma_wait3A_255 = tpu.memref_slice %arg6[%dma_wait3A_254] : memref<13312xi32, #tpu.memory_space<vmem>> -> memref<512xi32, #tpu.memory_space<vmem>>
      %dma_wait3A_256 = tpu.memref_slice %arg3[%run_scoped3A_116, %mul3A_2] : memref<26x16384xi32, #tpu.memory_space<hbm>> -> memref<1x512xi32, #tpu.memory_space<hbm>>
      %dma_wait3A_257 = tpu.memref_squeeze %dma_wait3A_256 : memref<1x512xi32, #tpu.memory_space<hbm>> -> memref<512xi32, #tpu.memory_space<hbm>>
      tpu.wait_dma2 semaphore(%run_scoped3A_241 : memref<!tpu.dma_semaphore, #tpu.memory_space<semaphore_mem>>) src(%dma_wait3A_257 : memref<512xi32, #tpu.memory_space<hbm>>) dst(%dma_wait3A_255 : memref<512xi32, #tpu.memory_space<vmem>>)
      tpu.yield
    }) : () -> ()
    %run_scoped3A_117 = arith.constant 20 : i32
    "tpu.region"() ({
      %run_scoped3A_241 = tpu.sem_alloc : memref<!tpu.dma_semaphore, #tpu.memory_space<semaphore_mem>>
      %dma_start3A_242 = arith.constant 10240 : i32
      %dma_start3A_243 = tpu.memref_slice %arg6[%dma_start3A_242] : memref<13312xi32, #tpu.memory_space<vmem>> -> memref<512xi32, #tpu.memory_space<vmem>>
      %dma_start3A_244 = tpu.memref_slice %arg3[%run_scoped3A_117, %mul3A_2] : memref<26x16384xi32, #tpu.memory_space<hbm>> -> memref<1x512xi32, #tpu.memory_space<hbm>>
      %dma_start3A_245 = tpu.memref_squeeze %dma_start3A_244 : memref<1x512xi32, #tpu.memory_space<hbm>> -> memref<512xi32, #tpu.memory_space<hbm>>
      %dma_start3A_246 = arith.constant 10240 : i32
      %dma_start3A_247 = tpu.memref_slice %arg6[%dma_start3A_246] : memref<13312xi32, #tpu.memory_space<vmem>> -> memref<512xi32, #tpu.memory_space<vmem>>
      %dma_start3A_248 = tpu.memref_slice %arg3[%run_scoped3A_117, %mul3A_2] : memref<26x16384xi32, #tpu.memory_space<hbm>> -> memref<1x512xi32, #tpu.memory_space<hbm>>
      %dma_start3A_249 = tpu.memref_squeeze %dma_start3A_248 : memref<1x512xi32, #tpu.memory_space<hbm>> -> memref<512xi32, #tpu.memory_space<hbm>>
      tpu.enqueue_dma source(%dma_start3A_249 : memref<512xi32, #tpu.memory_space<hbm>>) target(%dma_start3A_247 : memref<512xi32, #tpu.memory_space<vmem>>) target_semaphore(%run_scoped3A_241 : memref<!tpu.dma_semaphore, #tpu.memory_space<semaphore_mem>>)
      %dma_wait3A_250 = arith.constant 10240 : i32
      %dma_wait3A_251 = tpu.memref_slice %arg6[%dma_wait3A_250] : memref<13312xi32, #tpu.memory_space<vmem>> -> memref<512xi32, #tpu.memory_space<vmem>>
      %dma_wait3A_252 = tpu.memref_slice %arg3[%run_scoped3A_117, %mul3A_2] : memref<26x16384xi32, #tpu.memory_space<hbm>> -> memref<1x512xi32, #tpu.memory_space<hbm>>
      %dma_wait3A_253 = tpu.memref_squeeze %dma_wait3A_252 : memref<1x512xi32, #tpu.memory_space<hbm>> -> memref<512xi32, #tpu.memory_space<hbm>>
      %dma_wait3A_254 = arith.constant 10240 : i32
      %dma_wait3A_255 = tpu.memref_slice %arg6[%dma_wait3A_254] : memref<13312xi32, #tpu.memory_space<vmem>> -> memref<512xi32, #tpu.memory_space<vmem>>
      %dma_wait3A_256 = tpu.memref_slice %arg3[%run_scoped3A_117, %mul3A_2] : memref<26x16384xi32, #tpu.memory_space<hbm>> -> memref<1x512xi32, #tpu.memory_space<hbm>>
      %dma_wait3A_257 = tpu.memref_squeeze %dma_wait3A_256 : memref<1x512xi32, #tpu.memory_space<hbm>> -> memref<512xi32, #tpu.memory_space<hbm>>
      tpu.wait_dma2 semaphore(%run_scoped3A_241 : memref<!tpu.dma_semaphore, #tpu.memory_space<semaphore_mem>>) src(%dma_wait3A_257 : memref<512xi32, #tpu.memory_space<hbm>>) dst(%dma_wait3A_255 : memref<512xi32, #tpu.memory_space<vmem>>)
      tpu.yield
    }) : () -> ()
    %run_scoped3A_118 = arith.constant 21 : i32
    "tpu.region"() ({
      %run_scoped3A_241 = tpu.sem_alloc : memref<!tpu.dma_semaphore, #tpu.memory_space<semaphore_mem>>
      %dma_start3A_242 = arith.constant 10752 : i32
      %dma_start3A_243 = tpu.memref_slice %arg6[%dma_start3A_242] : memref<13312xi32, #tpu.memory_space<vmem>> -> memref<512xi32, #tpu.memory_space<vmem>>
      %dma_start3A_244 = tpu.memref_slice %arg3[%run_scoped3A_118, %mul3A_2] : memref<26x16384xi32, #tpu.memory_space<hbm>> -> memref<1x512xi32, #tpu.memory_space<hbm>>
      %dma_start3A_245 = tpu.memref_squeeze %dma_start3A_244 : memref<1x512xi32, #tpu.memory_space<hbm>> -> memref<512xi32, #tpu.memory_space<hbm>>
      %dma_start3A_246 = arith.constant 10752 : i32
      %dma_start3A_247 = tpu.memref_slice %arg6[%dma_start3A_246] : memref<13312xi32, #tpu.memory_space<vmem>> -> memref<512xi32, #tpu.memory_space<vmem>>
      %dma_start3A_248 = tpu.memref_slice %arg3[%run_scoped3A_118, %mul3A_2] : memref<26x16384xi32, #tpu.memory_space<hbm>> -> memref<1x512xi32, #tpu.memory_space<hbm>>
      %dma_start3A_249 = tpu.memref_squeeze %dma_start3A_248 : memref<1x512xi32, #tpu.memory_space<hbm>> -> memref<512xi32, #tpu.memory_space<hbm>>
      tpu.enqueue_dma source(%dma_start3A_249 : memref<512xi32, #tpu.memory_space<hbm>>) target(%dma_start3A_247 : memref<512xi32, #tpu.memory_space<vmem>>) target_semaphore(%run_scoped3A_241 : memref<!tpu.dma_semaphore, #tpu.memory_space<semaphore_mem>>)
      %dma_wait3A_250 = arith.constant 10752 : i32
      %dma_wait3A_251 = tpu.memref_slice %arg6[%dma_wait3A_250] : memref<13312xi32, #tpu.memory_space<vmem>> -> memref<512xi32, #tpu.memory_space<vmem>>
      %dma_wait3A_252 = tpu.memref_slice %arg3[%run_scoped3A_118, %mul3A_2] : memref<26x16384xi32, #tpu.memory_space<hbm>> -> memref<1x512xi32, #tpu.memory_space<hbm>>
      %dma_wait3A_253 = tpu.memref_squeeze %dma_wait3A_252 : memref<1x512xi32, #tpu.memory_space<hbm>> -> memref<512xi32, #tpu.memory_space<hbm>>
      %dma_wait3A_254 = arith.constant 10752 : i32
      %dma_wait3A_255 = tpu.memref_slice %arg6[%dma_wait3A_254] : memref<13312xi32, #tpu.memory_space<vmem>> -> memref<512xi32, #tpu.memory_space<vmem>>
      %dma_wait3A_256 = tpu.memref_slice %arg3[%run_scoped3A_118, %mul3A_2] : memref<26x16384xi32, #tpu.memory_space<hbm>> -> memref<1x512xi32, #tpu.memory_space<hbm>>
      %dma_wait3A_257 = tpu.memref_squeeze %dma_wait3A_256 : memref<1x512xi32, #tpu.memory_space<hbm>> -> memref<512xi32, #tpu.memory_space<hbm>>
      tpu.wait_dma2 semaphore(%run_scoped3A_241 : memref<!tpu.dma_semaphore, #tpu.memory_space<semaphore_mem>>) src(%dma_wait3A_257 : memref<512xi32, #tpu.memory_space<hbm>>) dst(%dma_wait3A_255 : memref<512xi32, #tpu.memory_space<vmem>>)
      tpu.yield
    }) : () -> ()
    %run_scoped3A_119 = arith.constant 22 : i32
    "tpu.region"() ({
      %run_scoped3A_241 = tpu.sem_alloc : memref<!tpu.dma_semaphore, #tpu.memory_space<semaphore_mem>>
      %dma_start3A_242 = arith.constant 11264 : i32
      %dma_start3A_243 = tpu.memref_slice %arg6[%dma_start3A_242] : memref<13312xi32, #tpu.memory_space<vmem>> -> memref<512xi32, #tpu.memory_space<vmem>>
      %dma_start3A_244 = tpu.memref_slice %arg3[%run_scoped3A_119, %mul3A_2] : memref<26x16384xi32, #tpu.memory_space<hbm>> -> memref<1x512xi32, #tpu.memory_space<hbm>>
      %dma_start3A_245 = tpu.memref_squeeze %dma_start3A_244 : memref<1x512xi32, #tpu.memory_space<hbm>> -> memref<512xi32, #tpu.memory_space<hbm>>
      %dma_start3A_246 = arith.constant 11264 : i32
      %dma_start3A_247 = tpu.memref_slice %arg6[%dma_start3A_246] : memref<13312xi32, #tpu.memory_space<vmem>> -> memref<512xi32, #tpu.memory_space<vmem>>
      %dma_start3A_248 = tpu.memref_slice %arg3[%run_scoped3A_119, %mul3A_2] : memref<26x16384xi32, #tpu.memory_space<hbm>> -> memref<1x512xi32, #tpu.memory_space<hbm>>
      %dma_start3A_249 = tpu.memref_squeeze %dma_start3A_248 : memref<1x512xi32, #tpu.memory_space<hbm>> -> memref<512xi32, #tpu.memory_space<hbm>>
      tpu.enqueue_dma source(%dma_start3A_249 : memref<512xi32, #tpu.memory_space<hbm>>) target(%dma_start3A_247 : memref<512xi32, #tpu.memory_space<vmem>>) target_semaphore(%run_scoped3A_241 : memref<!tpu.dma_semaphore, #tpu.memory_space<semaphore_mem>>)
      %dma_wait3A_250 = arith.constant 11264 : i32
      %dma_wait3A_251 = tpu.memref_slice %arg6[%dma_wait3A_250] : memref<13312xi32, #tpu.memory_space<vmem>> -> memref<512xi32, #tpu.memory_space<vmem>>
      %dma_wait3A_252 = tpu.memref_slice %arg3[%run_scoped3A_119, %mul3A_2] : memref<26x16384xi32, #tpu.memory_space<hbm>> -> memref<1x512xi32, #tpu.memory_space<hbm>>
      %dma_wait3A_253 = tpu.memref_squeeze %dma_wait3A_252 : memref<1x512xi32, #tpu.memory_space<hbm>> -> memref<512xi32, #tpu.memory_space<hbm>>
      %dma_wait3A_254 = arith.constant 11264 : i32
      %dma_wait3A_255 = tpu.memref_slice %arg6[%dma_wait3A_254] : memref<13312xi32, #tpu.memory_space<vmem>> -> memref<512xi32, #tpu.memory_space<vmem>>
      %dma_wait3A_256 = tpu.memref_slice %arg3[%run_scoped3A_119, %mul3A_2] : memref<26x16384xi32, #tpu.memory_space<hbm>> -> memref<1x512xi32, #tpu.memory_space<hbm>>
      %dma_wait3A_257 = tpu.memref_squeeze %dma_wait3A_256 : memref<1x512xi32, #tpu.memory_space<hbm>> -> memref<512xi32, #tpu.memory_space<hbm>>
      tpu.wait_dma2 semaphore(%run_scoped3A_241 : memref<!tpu.dma_semaphore, #tpu.memory_space<semaphore_mem>>) src(%dma_wait3A_257 : memref<512xi32, #tpu.memory_space<hbm>>) dst(%dma_wait3A_255 : memref<512xi32, #tpu.memory_space<vmem>>)
      tpu.yield
    }) : () -> ()
    %run_scoped3A_120 = arith.constant 23 : i32
    "tpu.region"() ({
      %run_scoped3A_241 = tpu.sem_alloc : memref<!tpu.dma_semaphore, #tpu.memory_space<semaphore_mem>>
      %dma_start3A_242 = arith.constant 11776 : i32
      %dma_start3A_243 = tpu.memref_slice %arg6[%dma_start3A_242] : memref<13312xi32, #tpu.memory_space<vmem>> -> memref<512xi32, #tpu.memory_space<vmem>>
      %dma_start3A_244 = tpu.memref_slice %arg3[%run_scoped3A_120, %mul3A_2] : memref<26x16384xi32, #tpu.memory_space<hbm>> -> memref<1x512xi32, #tpu.memory_space<hbm>>
      %dma_start3A_245 = tpu.memref_squeeze %dma_start3A_244 : memref<1x512xi32, #tpu.memory_space<hbm>> -> memref<512xi32, #tpu.memory_space<hbm>>
      %dma_start3A_246 = arith.constant 11776 : i32
      %dma_start3A_247 = tpu.memref_slice %arg6[%dma_start3A_246] : memref<13312xi32, #tpu.memory_space<vmem>> -> memref<512xi32, #tpu.memory_space<vmem>>
      %dma_start3A_248 = tpu.memref_slice %arg3[%run_scoped3A_120, %mul3A_2] : memref<26x16384xi32, #tpu.memory_space<hbm>> -> memref<1x512xi32, #tpu.memory_space<hbm>>
      %dma_start3A_249 = tpu.memref_squeeze %dma_start3A_248 : memref<1x512xi32, #tpu.memory_space<hbm>> -> memref<512xi32, #tpu.memory_space<hbm>>
      tpu.enqueue_dma source(%dma_start3A_249 : memref<512xi32, #tpu.memory_space<hbm>>) target(%dma_start3A_247 : memref<512xi32, #tpu.memory_space<vmem>>) target_semaphore(%run_scoped3A_241 : memref<!tpu.dma_semaphore, #tpu.memory_space<semaphore_mem>>)
      %dma_wait3A_250 = arith.constant 11776 : i32
      %dma_wait3A_251 = tpu.memref_slice %arg6[%dma_wait3A_250] : memref<13312xi32, #tpu.memory_space<vmem>> -> memref<512xi32, #tpu.memory_space<vmem>>
      %dma_wait3A_252 = tpu.memref_slice %arg3[%run_scoped3A_120, %mul3A_2] : memref<26x16384xi32, #tpu.memory_space<hbm>> -> memref<1x512xi32, #tpu.memory_space<hbm>>
      %dma_wait3A_253 = tpu.memref_squeeze %dma_wait3A_252 : memref<1x512xi32, #tpu.memory_space<hbm>> -> memref<512xi32, #tpu.memory_space<hbm>>
      %dma_wait3A_254 = arith.constant 11776 : i32
      %dma_wait3A_255 = tpu.memref_slice %arg6[%dma_wait3A_254] : memref<13312xi32, #tpu.memory_space<vmem>> -> memref<512xi32, #tpu.memory_space<vmem>>
      %dma_wait3A_256 = tpu.memref_slice %arg3[%run_scoped3A_120, %mul3A_2] : memref<26x16384xi32, #tpu.memory_space<hbm>> -> memref<1x512xi32, #tpu.memory_space<hbm>>
      %dma_wait3A_257 = tpu.memref_squeeze %dma_wait3A_256 : memref<1x512xi32, #tpu.memory_space<hbm>> -> memref<512xi32, #tpu.memory_space<hbm>>
      tpu.wait_dma2 semaphore(%run_scoped3A_241 : memref<!tpu.dma_semaphore, #tpu.memory_space<semaphore_mem>>) src(%dma_wait3A_257 : memref<512xi32, #tpu.memory_space<hbm>>) dst(%dma_wait3A_255 : memref<512xi32, #tpu.memory_space<vmem>>)
      tpu.yield
    }) : () -> ()
    %run_scoped3A_121 = arith.constant 24 : i32
    "tpu.region"() ({
      %run_scoped3A_241 = tpu.sem_alloc : memref<!tpu.dma_semaphore, #tpu.memory_space<semaphore_mem>>
      %dma_start3A_242 = arith.constant 12288 : i32
      %dma_start3A_243 = tpu.memref_slice %arg6[%dma_start3A_242] : memref<13312xi32, #tpu.memory_space<vmem>> -> memref<512xi32, #tpu.memory_space<vmem>>
      %dma_start3A_244 = tpu.memref_slice %arg3[%run_scoped3A_121, %mul3A_2] : memref<26x16384xi32, #tpu.memory_space<hbm>> -> memref<1x512xi32, #tpu.memory_space<hbm>>
      %dma_start3A_245 = tpu.memref_squeeze %dma_start3A_244 : memref<1x512xi32, #tpu.memory_space<hbm>> -> memref<512xi32, #tpu.memory_space<hbm>>
      %dma_start3A_246 = arith.constant 12288 : i32
      %dma_start3A_247 = tpu.memref_slice %arg6[%dma_start3A_246] : memref<13312xi32, #tpu.memory_space<vmem>> -> memref<512xi32, #tpu.memory_space<vmem>>
      %dma_start3A_248 = tpu.memref_slice %arg3[%run_scoped3A_121, %mul3A_2] : memref<26x16384xi32, #tpu.memory_space<hbm>> -> memref<1x512xi32, #tpu.memory_space<hbm>>
      %dma_start3A_249 = tpu.memref_squeeze %dma_start3A_248 : memref<1x512xi32, #tpu.memory_space<hbm>> -> memref<512xi32, #tpu.memory_space<hbm>>
      tpu.enqueue_dma source(%dma_start3A_249 : memref<512xi32, #tpu.memory_space<hbm>>) target(%dma_start3A_247 : memref<512xi32, #tpu.memory_space<vmem>>) target_semaphore(%run_scoped3A_241 : memref<!tpu.dma_semaphore, #tpu.memory_space<semaphore_mem>>)
      %dma_wait3A_250 = arith.constant 12288 : i32
      %dma_wait3A_251 = tpu.memref_slice %arg6[%dma_wait3A_250] : memref<13312xi32, #tpu.memory_space<vmem>> -> memref<512xi32, #tpu.memory_space<vmem>>
      %dma_wait3A_252 = tpu.memref_slice %arg3[%run_scoped3A_121, %mul3A_2] : memref<26x16384xi32, #tpu.memory_space<hbm>> -> memref<1x512xi32, #tpu.memory_space<hbm>>
      %dma_wait3A_253 = tpu.memref_squeeze %dma_wait3A_252 : memref<1x512xi32, #tpu.memory_space<hbm>> -> memref<512xi32, #tpu.memory_space<hbm>>
      %dma_wait3A_254 = arith.constant 12288 : i32
      %dma_wait3A_255 = tpu.memref_slice %arg6[%dma_wait3A_254] : memref<13312xi32, #tpu.memory_space<vmem>> -> memref<512xi32, #tpu.memory_space<vmem>>
      %dma_wait3A_256 = tpu.memref_slice %arg3[%run_scoped3A_121, %mul3A_2] : memref<26x16384xi32, #tpu.memory_space<hbm>> -> memref<1x512xi32, #tpu.memory_space<hbm>>
      %dma_wait3A_257 = tpu.memref_squeeze %dma_wait3A_256 : memref<1x512xi32, #tpu.memory_space<hbm>> -> memref<512xi32, #tpu.memory_space<hbm>>
      tpu.wait_dma2 semaphore(%run_scoped3A_241 : memref<!tpu.dma_semaphore, #tpu.memory_space<semaphore_mem>>) src(%dma_wait3A_257 : memref<512xi32, #tpu.memory_space<hbm>>) dst(%dma_wait3A_255 : memref<512xi32, #tpu.memory_space<vmem>>)
      tpu.yield
    }) : () -> ()
    %run_scoped3A_122 = arith.constant 25 : i32
    "tpu.region"() ({
      %run_scoped3A_241 = tpu.sem_alloc : memref<!tpu.dma_semaphore, #tpu.memory_space<semaphore_mem>>
      %dma_start3A_242 = arith.constant 12800 : i32
      %dma_start3A_243 = tpu.memref_slice %arg6[%dma_start3A_242] : memref<13312xi32, #tpu.memory_space<vmem>> -> memref<512xi32, #tpu.memory_space<vmem>>
      %dma_start3A_244 = tpu.memref_slice %arg3[%run_scoped3A_122, %mul3A_2] : memref<26x16384xi32, #tpu.memory_space<hbm>> -> memref<1x512xi32, #tpu.memory_space<hbm>>
      %dma_start3A_245 = tpu.memref_squeeze %dma_start3A_244 : memref<1x512xi32, #tpu.memory_space<hbm>> -> memref<512xi32, #tpu.memory_space<hbm>>
      %dma_start3A_246 = arith.constant 12800 : i32
      %dma_start3A_247 = tpu.memref_slice %arg6[%dma_start3A_246] : memref<13312xi32, #tpu.memory_space<vmem>> -> memref<512xi32, #tpu.memory_space<vmem>>
      %dma_start3A_248 = tpu.memref_slice %arg3[%run_scoped3A_122, %mul3A_2] : memref<26x16384xi32, #tpu.memory_space<hbm>> -> memref<1x512xi32, #tpu.memory_space<hbm>>
      %dma_start3A_249 = tpu.memref_squeeze %dma_start3A_248 : memref<1x512xi32, #tpu.memory_space<hbm>> -> memref<512xi32, #tpu.memory_space<hbm>>
      tpu.enqueue_dma source(%dma_start3A_249 : memref<512xi32, #tpu.memory_space<hbm>>) target(%dma_start3A_247 : memref<512xi32, #tpu.memory_space<vmem>>) target_semaphore(%run_scoped3A_241 : memref<!tpu.dma_semaphore, #tpu.memory_space<semaphore_mem>>)
      %dma_wait3A_250 = arith.constant 12800 : i32
      %dma_wait3A_251 = tpu.memref_slice %arg6[%dma_wait3A_250] : memref<13312xi32, #tpu.memory_space<vmem>> -> memref<512xi32, #tpu.memory_space<vmem>>
      %dma_wait3A_252 = tpu.memref_slice %arg3[%run_scoped3A_122, %mul3A_2] : memref<26x16384xi32, #tpu.memory_space<hbm>> -> memref<1x512xi32, #tpu.memory_space<hbm>>
      %dma_wait3A_253 = tpu.memref_squeeze %dma_wait3A_252 : memref<1x512xi32, #tpu.memory_space<hbm>> -> memref<512xi32, #tpu.memory_space<hbm>>
      %dma_wait3A_254 = arith.constant 12800 : i32
      %dma_wait3A_255 = tpu.memref_slice %arg6[%dma_wait3A_254] : memref<13312xi32, #tpu.memory_space<vmem>> -> memref<512xi32, #tpu.memory_space<vmem>>
      %dma_wait3A_256 = tpu.memref_slice %arg3[%run_scoped3A_122, %mul3A_2] : memref<26x16384xi32, #tpu.memory_space<hbm>> -> memref<1x512xi32, #tpu.memory_space<hbm>>
      %dma_wait3A_257 = tpu.memref_squeeze %dma_wait3A_256 : memref<1x512xi32, #tpu.memory_space<hbm>> -> memref<512xi32, #tpu.memory_space<hbm>>
      tpu.wait_dma2 semaphore(%run_scoped3A_241 : memref<!tpu.dma_semaphore, #tpu.memory_space<semaphore_mem>>) src(%dma_wait3A_257 : memref<512xi32, #tpu.memory_space<hbm>>) dst(%dma_wait3A_255 : memref<512xi32, #tpu.memory_space<vmem>>)
      tpu.yield
    }) : () -> ()
    tpu.enqueue_dma source(%arg11 : memref<64x256xf32, #tpu.memory_space<vmem>>) target(%arg5 : memref<64x256xf32, #tpu.memory_space<hbm>>) target_semaphore(%arg15 : memref<!tpu.dma_semaphore, #tpu.memory_space<semaphore_mem>>)
    tpu.enqueue_dma source(%arg12 : memref<64x256xf32, #tpu.memory_space<vmem>>) target(%arg5 : memref<64x256xf32, #tpu.memory_space<hbm>>) target_semaphore(%arg16 : memref<!tpu.dma_semaphore, #tpu.memory_space<semaphore_mem>>)
    %get3A = arith.constant 0 : index
    %get3A_123 = tpu.vector_load %arg6[%get3A] {strides = array<i32>} : memref<13312xi32, #tpu.memory_space<vmem>>, vector<16xi32>,
    %shift_right_arithmetic3A = arith.constant 1 : i32
    %shift_right_arithmetic3A_124 = vector.broadcast %shift_right_arithmetic3A : i32 to vector<16xi32>
    %shift_right_arithmetic3A_125 = arith.shrsi %get3A_123, %shift_right_arithmetic3A_124 : vector<16xi32>
    %swap3A = arith.constant 0 : index
    %swap3A_126 = tpu.vector_load %arg7[%swap3A] {strides = array<i32>} : memref<256xi32, #tpu.memory_space<vmem>>, vector<16xi32>,
    tpu.vector_store %arg7[%swap3A], %shift_right_arithmetic3A_125 {strides = array<i32>} : memref<256xi32, #tpu.memory_space<vmem>>, vector<16xi32>,
    %get3A_127 = arith.constant 16 : index
    %get3A_128 = tpu.vector_load %arg6[%get3A_127] {strides = array<i32>} : memref<13312xi32, #tpu.memory_space<vmem>>, vector<16xi32>,
    %shift_right_arithmetic3A_129 = arith.constant 1 : i32
    %shift_right_arithmetic3A_130 = vector.broadcast %shift_right_arithmetic3A_129 : i32 to vector<16xi32>
    %shift_right_arithmetic3A_131 = arith.shrsi %get3A_128, %shift_right_arithmetic3A_130 : vector<16xi32>
    %swap3A_132 = arith.constant 16 : index
    %swap3A_133 = tpu.vector_load %arg7[%swap3A_132] {strides = array<i32>} : memref<256xi32, #tpu.memory_space<vmem>>, vector<16xi32>,
    tpu.vector_store %arg7[%swap3A_132], %shift_right_arithmetic3A_131 {strides = array<i32>} : memref<256xi32, #tpu.memory_space<vmem>>, vector<16xi32>,
    %get3A_134 = arith.constant 32 : index
    %get3A_135 = tpu.vector_load %arg6[%get3A_134] {strides = array<i32>} : memref<13312xi32, #tpu.memory_space<vmem>>, vector<16xi32>,
    %shift_right_arithmetic3A_136 = arith.constant 1 : i32
    %shift_right_arithmetic3A_137 = vector.broadcast %shift_right_arithmetic3A_136 : i32 to vector<16xi32>
    %shift_right_arithmetic3A_138 = arith.shrsi %get3A_135, %shift_right_arithmetic3A_137 : vector<16xi32>
    %swap3A_139 = arith.constant 32 : index
    %swap3A_140 = tpu.vector_load %arg7[%swap3A_139] {strides = array<i32>} : memref<256xi32, #tpu.memory_space<vmem>>, vector<16xi32>,
    tpu.vector_store %arg7[%swap3A_139], %shift_right_arithmetic3A_138 {strides = array<i32>} : memref<256xi32, #tpu.memory_space<vmem>>, vector<16xi32>,
    %get3A_141 = arith.constant 48 : index
    %get3A_142 = tpu.vector_load %arg6[%get3A_141] {strides = array<i32>} : memref<13312xi32, #tpu.memory_space<vmem>>, vector<16xi32>,
    %shift_right_arithmetic3A_143 = arith.constant 1 : i32
    %shift_right_arithmetic3A_144 = vector.broadcast %shift_right_arithmetic3A_143 : i32 to vector<16xi32>
    %shift_right_arithmetic3A_145 = arith.shrsi %get3A_142, %shift_right_arithmetic3A_144 : vector<16xi32>
    %swap3A_146 = arith.constant 48 : index
    %swap3A_147 = tpu.vector_load %arg7[%swap3A_146] {strides = array<i32>} : memref<256xi32, #tpu.memory_space<vmem>>, vector<16xi32>,
    tpu.vector_store %arg7[%swap3A_146], %shift_right_arithmetic3A_145 {strides = array<i32>} : memref<256xi32, #tpu.memory_space<vmem>>, vector<16xi32>,
    %get3A_148 = arith.constant 64 : index
    %get3A_149 = tpu.vector_load %arg6[%get3A_148] {strides = array<i32>} : memref<13312xi32, #tpu.memory_space<vmem>>, vector<16xi32>,
    %shift_right_arithmetic3A_150 = arith.constant 1 : i32
    %shift_right_arithmetic3A_151 = vector.broadcast %shift_right_arithmetic3A_150 : i32 to vector<16xi32>
    %shift_right_arithmetic3A_152 = arith.shrsi %get3A_149, %shift_right_arithmetic3A_151 : vector<16xi32>
    %swap3A_153 = arith.constant 64 : index
    %swap3A_154 = tpu.vector_load %arg7[%swap3A_153] {strides = array<i32>} : memref<256xi32, #tpu.memory_space<vmem>>, vector<16xi32>,
    tpu.vector_store %arg7[%swap3A_153], %shift_right_arithmetic3A_152 {strides = array<i32>} : memref<256xi32, #tpu.memory_space<vmem>>, vector<16xi32>,
    %get3A_155 = arith.constant 80 : index
    %get3A_156 = tpu.vector_load %arg6[%get3A_155] {strides = array<i32>} : memref<13312xi32, #tpu.memory_space<vmem>>, vector<16xi32>,
    %shift_right_arithmetic3A_157 = arith.constant 1 : i32
    %shift_right_arithmetic3A_158 = vector.broadcast %shift_right_arithmetic3A_157 : i32 to vector<16xi32>
    %shift_right_arithmetic3A_159 = arith.shrsi %get3A_156, %shift_right_arithmetic3A_158 : vector<16xi32>
    %swap3A_160 = arith.constant 80 : index
    %swap3A_161 = tpu.vector_load %arg7[%swap3A_160] {strides = array<i32>} : memref<256xi32, #tpu.memory_space<vmem>>, vector<16xi32>,
    tpu.vector_store %arg7[%swap3A_160], %shift_right_arithmetic3A_159 {strides = array<i32>} : memref<256xi32, #tpu.memory_space<vmem>>, vector<16xi32>,
    %get3A_162 = arith.constant 96 : index
    %get3A_163 = tpu.vector_load %arg6[%get3A_162] {strides = array<i32>} : memref<13312xi32, #tpu.memory_space<vmem>>, vector<16xi32>,
    %shift_right_arithmetic3A_164 = arith.constant 1 : i32
    %shift_right_arithmetic3A_165 = vector.broadcast %shift_right_arithmetic3A_164 : i32 to vector<16xi32>
    %shift_right_arithmetic3A_166 = arith.shrsi %get3A_163, %shift_right_arithmetic3A_165 : vector<16xi32>
    %swap3A_167 = arith.constant 96 : index
    %swap3A_168 = tpu.vector_load %arg7[%swap3A_167] {strides = array<i32>} : memref<256xi32, #tpu.memory_space<vmem>>, vector<16xi32>,
    tpu.vector_store %arg7[%swap3A_167], %shift_right_arithmetic3A_166 {strides = array<i32>} : memref<256xi32, #tpu.memory_space<vmem>>, vector<16xi32>,
    %get3A_169 = arith.constant 112 : index
    %get3A_170 = tpu.vector_load %arg6[%get3A_169] {strides = array<i32>} : memref<13312xi32, #tpu.memory_space<vmem>>, vector<16xi32>,
    %shift_right_arithmetic3A_171 = arith.constant 1 : i32
    %shift_right_arithmetic3A_172 = vector.broadcast %shift_right_arithmetic3A_171 : i32 to vector<16xi32>
    %shift_right_arithmetic3A_173 = arith.shrsi %get3A_170, %shift_right_arithmetic3A_172 : vector<16xi32>
    %swap3A_174 = arith.constant 112 : index
    %swap3A_175 = tpu.vector_load %arg7[%swap3A_174] {strides = array<i32>} : memref<256xi32, #tpu.memory_space<vmem>>, vector<16xi32>,
    tpu.vector_store %arg7[%swap3A_174], %shift_right_arithmetic3A_173 {strides = array<i32>} : memref<256xi32, #tpu.memory_space<vmem>>, vector<16xi32>,
    %get3A_176 = arith.constant 128 : index
    %get3A_177 = tpu.vector_load %arg6[%get3A_176] {strides = array<i32>} : memref<13312xi32, #tpu.memory_space<vmem>>, vector<16xi32>,
    %shift_right_arithmetic3A_178 = arith.constant 1 : i32
    %shift_right_arithmetic3A_179 = vector.broadcast %shift_right_arithmetic3A_178 : i32 to vector<16xi32>
    %shift_right_arithmetic3A_180 = arith.shrsi %get3A_177, %shift_right_arithmetic3A_179 : vector<16xi32>
    %swap3A_181 = arith.constant 128 : index
    %swap3A_182 = tpu.vector_load %arg7[%swap3A_181] {strides = array<i32>} : memref<256xi32, #tpu.memory_space<vmem>>, vector<16xi32>,
    tpu.vector_store %arg7[%swap3A_181], %shift_right_arithmetic3A_180 {strides = array<i32>} : memref<256xi32, #tpu.memory_space<vmem>>, vector<16xi32>,
    %get3A_183 = arith.constant 144 : index
    %get3A_184 = tpu.vector_load %arg6[%get3A_183] {strides = array<i32>} : memref<13312xi32, #tpu.memory_space<vmem>>, vector<16xi32>,
    %shift_right_arithmetic3A_185 = arith.constant 1 : i32
    %shift_right_arithmetic3A_186 = vector.broadcast %shift_right_arithmetic3A_185 : i32 to vector<16xi32>
    %shift_right_arithmetic3A_187 = arith.shrsi %get3A_184, %shift_right_arithmetic3A_186 : vector<16xi32>
    %swap3A_188 = arith.constant 144 : index
    %swap3A_189 = tpu.vector_load %arg7[%swap3A_188] {strides = array<i32>} : memref<256xi32, #tpu.memory_space<vmem>>, vector<16xi32>,
    tpu.vector_store %arg7[%swap3A_188], %shift_right_arithmetic3A_187 {strides = array<i32>} : memref<256xi32, #tpu.memory_space<vmem>>, vector<16xi32>,
    %get3A_190 = arith.constant 160 : index
    %get3A_191 = tpu.vector_load %arg6[%get3A_190] {strides = array<i32>} : memref<13312xi32, #tpu.memory_space<vmem>>, vector<16xi32>,
    %shift_right_arithmetic3A_192 = arith.constant 1 : i32
    %shift_right_arithmetic3A_193 = vector.broadcast %shift_right_arithmetic3A_192 : i32 to vector<16xi32>
    %shift_right_arithmetic3A_194 = arith.shrsi %get3A_191, %shift_right_arithmetic3A_193 : vector<16xi32>
    %swap3A_195 = arith.constant 160 : index
    %swap3A_196 = tpu.vector_load %arg7[%swap3A_195] {strides = array<i32>} : memref<256xi32, #tpu.memory_space<vmem>>, vector<16xi32>,
    tpu.vector_store %arg7[%swap3A_195], %shift_right_arithmetic3A_194 {strides = array<i32>} : memref<256xi32, #tpu.memory_space<vmem>>, vector<16xi32>,
    %get3A_197 = arith.constant 176 : index
    %get3A_198 = tpu.vector_load %arg6[%get3A_197] {strides = array<i32>} : memref<13312xi32, #tpu.memory_space<vmem>>, vector<16xi32>,
    %shift_right_arithmetic3A_199 = arith.constant 1 : i32
    %shift_right_arithmetic3A_200 = vector.broadcast %shift_right_arithmetic3A_199 : i32 to vector<16xi32>
    %shift_right_arithmetic3A_201 = arith.shrsi %get3A_198, %shift_right_arithmetic3A_200 : vector<16xi32>
    %swap3A_202 = arith.constant 176 : index
    %swap3A_203 = tpu.vector_load %arg7[%swap3A_202] {strides = array<i32>} : memref<256xi32, #tpu.memory_space<vmem>>, vector<16xi32>,
    tpu.vector_store %arg7[%swap3A_202], %shift_right_arithmetic3A_201 {strides = array<i32>} : memref<256xi32, #tpu.memory_space<vmem>>, vector<16xi32>,
    %get3A_204 = arith.constant 192 : index
    %get3A_205 = tpu.vector_load %arg6[%get3A_204] {strides = array<i32>} : memref<13312xi32, #tpu.memory_space<vmem>>, vector<16xi32>,
    %shift_right_arithmetic3A_206 = arith.constant 1 : i32
    %shift_right_arithmetic3A_207 = vector.broadcast %shift_right_arithmetic3A_206 : i32 to vector<16xi32>
    %shift_right_arithmetic3A_208 = arith.shrsi %get3A_205, %shift_right_arithmetic3A_207 : vector<16xi32>
    %swap3A_209 = arith.constant 192 : index
    %swap3A_210 = tpu.vector_load %arg7[%swap3A_209] {strides = array<i32>} : memref<256xi32, #tpu.memory_space<vmem>>, vector<16xi32>,
    tpu.vector_store %arg7[%swap3A_209], %shift_right_arithmetic3A_208 {strides = array<i32>} : memref<256xi32, #tpu.memory_space<vmem>>, vector<16xi32>,
    %get3A_211 = arith.constant 208 : index
    %get3A_212 = tpu.vector_load %arg6[%get3A_211] {strides = array<i32>} : memref<13312xi32, #tpu.memory_space<vmem>>, vector<16xi32>,
    %shift_right_arithmetic3A_213 = arith.constant 1 : i32
    %shift_right_arithmetic3A_214 = vector.broadcast %shift_right_arithmetic3A_213 : i32 to vector<16xi32>
    %shift_right_arithmetic3A_215 = arith.shrsi %get3A_212, %shift_right_arithmetic3A_214 : vector<16xi32>
    %swap3A_216 = arith.constant 208 : index
    %swap3A_217 = tpu.vector_load %arg7[%swap3A_216] {strides = array<i32>} : memref<256xi32, #tpu.memory_space<vmem>>, vector<16xi32>,
    tpu.vector_store %arg7[%swap3A_216], %shift_right_arithmetic3A_215 {strides = array<i32>} : memref<256xi32, #tpu.memory_space<vmem>>, vector<16xi32>,
    %get3A_218 = arith.constant 224 : index
    %get3A_219 = tpu.vector_load %arg6[%get3A_218] {strides = array<i32>} : memref<13312xi32, #tpu.memory_space<vmem>>, vector<16xi32>,
    %shift_right_arithmetic3A_220 = arith.constant 1 : i32
    %shift_right_arithmetic3A_221 = vector.broadcast %shift_right_arithmetic3A_220 : i32 to vector<16xi32>
    %shift_right_arithmetic3A_222 = arith.shrsi %get3A_219, %shift_right_arithmetic3A_221 : vector<16xi32>
    %swap3A_223 = arith.constant 224 : index
    %swap3A_224 = tpu.vector_load %arg7[%swap3A_223] {strides = array<i32>} : memref<256xi32, #tpu.memory_space<vmem>>, vector<16xi32>,
    tpu.vector_store %arg7[%swap3A_223], %shift_right_arithmetic3A_222 {strides = array<i32>} : memref<256xi32, #tpu.memory_space<vmem>>, vector<16xi32>,
    %get3A_225 = arith.constant 240 : index
    %get3A_226 = tpu.vector_load %arg6[%get3A_225] {strides = array<i32>} : memref<13312xi32, #tpu.memory_space<vmem>>, vector<16xi32>,
    %shift_right_arithmetic3A_227 = arith.constant 1 : i32
    %shift_right_arithmetic3A_228 = vector.broadcast %shift_right_arithmetic3A_227 : i32 to vector<16xi32>
    %shift_right_arithmetic3A_229 = arith.shrsi %get3A_226, %shift_right_arithmetic3A_228 : vector<16xi32>
    %swap3A_230 = arith.constant 240 : index
    %swap3A_231 = tpu.vector_load %arg7[%swap3A_230] {strides = array<i32>} : memref<256xi32, #tpu.memory_space<vmem>>, vector<16xi32>,
    tpu.vector_store %arg7[%swap3A_230], %shift_right_arithmetic3A_229 {strides = array<i32>} : memref<256xi32, #tpu.memory_space<vmem>>, vector<16xi32>,
    %dma_start3A = arith.constant 0 : i32
    %dma_start3A_232 = arith.constant 0 : i32
    %dma_start3A_233 = tpu.memref_slice %arg2[%dma_start3A, %dma_start3A_232] : memref<500000x128xf32, #tpu.memory_space<hbm>> -> memref<500000x128xf32, #tpu.memory_space<hbm>>
    tpu.enqueue_indirect_dma source(%dma_start3A_233 : memref<500000x128xf32, #tpu.memory_space<hbm>>) target(%arg9 : memref<256x128xf32, #tpu.memory_space<vmem>>) offsets(%arg7 : memref<256xi32, #tpu.memory_space<vmem>>) semaphore(%arg13 : memref<!tpu.dma_semaphore, #tpu.memory_space<semaphore_mem>>)
    %scan3A = arith.constant 0 : i32
    %scan3A_234 = arith.constant 0 : i32
    %scan3A_235 = arith.constant 26 : i32
    %scan3A_236 = arith.addi %scan3A_234, %scan3A_235 : i32
    %scan3A_237 = arith.constant 1 : i32
    scf.for %scan3A_241 = %scan3A_234 to %scan3A_236 step %scan3A_237  : i32 {
      %mul3A_242 = arith.constant 2 : i32
      %mul3A_243 = arith.muli %mul3A_242, %scan3A_241 : i32
      %add3A_244 = arith.constant 1 : i32
      %add3A_245 = arith.addi %mul3A_243, %add3A_244 : i32
      %min3A = arith.constant 51 : i32
      %min3A_246 = arith.minsi %add3A_245, %min3A : i32
      %mul3A_247 = arith.constant 256 : i32
      %mul3A_248 = arith.muli %min3A_246, %mul3A_247 : i32
      %add3A_249 = arith.constant 0 : i32
      %add3A_250 = arith.addi %mul3A_248, %add3A_249 : i32
      %get3A_251 = arith.index_cast %add3A_250 : i32 to index
      %get3A_252 = tpu.vector_load %arg6[%get3A_251] {strides = array<i32>} : memref<13312xi32, #tpu.memory_space<vmem>>, vector<16xi32>,
      %shift_right_arithmetic3A_253 = arith.constant 1 : i32
      %shift_right_arithmetic3A_254 = vector.broadcast %shift_right_arithmetic3A_253 : i32 to vector<16xi32>
      %shift_right_arithmetic3A_255 = arith.shrsi %get3A_252, %shift_right_arithmetic3A_254 : vector<16xi32>
      %swap3A_256 = arith.constant 0 : index
      %swap3A_257 = tpu.vector_load %arg8[%swap3A_256] {strides = array<i32>} : memref<256xi32, #tpu.memory_space<vmem>>, vector<16xi32>,
      tpu.vector_store %arg8[%swap3A_256], %shift_right_arithmetic3A_255 {strides = array<i32>} : memref<256xi32, #tpu.memory_space<vmem>>, vector<16xi32>,
      %mul3A_258 = arith.constant 256 : i32
      %mul3A_259 = arith.muli %min3A_246, %mul3A_258 : i32
      %add3A_260 = arith.constant 16 : i32
      %add3A_261 = arith.addi %mul3A_259, %add3A_260 : i32
      %get3A_262 = arith.index_cast %add3A_261 : i32 to index
      %get3A_263 = tpu.vector_load %arg6[%get3A_262] {strides = array<i32>} : memref<13312xi32, #tpu.memory_space<vmem>>, vector<16xi32>,
      %shift_right_arithmetic3A_264 = arith.constant 1 : i32
      %shift_right_arithmetic3A_265 = vector.broadcast %shift_right_arithmetic3A_264 : i32 to vector<16xi32>
      %shift_right_arithmetic3A_266 = arith.shrsi %get3A_263, %shift_right_arithmetic3A_265 : vector<16xi32>
      %swap3A_267 = arith.constant 16 : index
      %swap3A_268 = tpu.vector_load %arg8[%swap3A_267] {strides = array<i32>} : memref<256xi32, #tpu.memory_space<vmem>>, vector<16xi32>,
      tpu.vector_store %arg8[%swap3A_267], %shift_right_arithmetic3A_266 {strides = array<i32>} : memref<256xi32, #tpu.memory_space<vmem>>, vector<16xi32>,
      %mul3A_269 = arith.constant 256 : i32
      %mul3A_270 = arith.muli %min3A_246, %mul3A_269 : i32
      %add3A_271 = arith.constant 32 : i32
      %add3A_272 = arith.addi %mul3A_270, %add3A_271 : i32
      %get3A_273 = arith.index_cast %add3A_272 : i32 to index
      %get3A_274 = tpu.vector_load %arg6[%get3A_273] {strides = array<i32>} : memref<13312xi32, #tpu.memory_space<vmem>>, vector<16xi32>,
      %shift_right_arithmetic3A_275 = arith.constant 1 : i32
      %shift_right_arithmetic3A_276 = vector.broadcast %shift_right_arithmetic3A_275 : i32 to vector<16xi32>
      %shift_right_arithmetic3A_277 = arith.shrsi %get3A_274, %shift_right_arithmetic3A_276 : vector<16xi32>
      %swap3A_278 = arith.constant 32 : index
      %swap3A_279 = tpu.vector_load %arg8[%swap3A_278] {strides = array<i32>} : memref<256xi32, #tpu.memory_space<vmem>>, vector<16xi32>,
      tpu.vector_store %arg8[%swap3A_278], %shift_right_arithmetic3A_277 {strides = array<i32>} : memref<256xi32, #tpu.memory_space<vmem>>, vector<16xi32>,
      %mul3A_280 = arith.constant 256 : i32
      %mul3A_281 = arith.muli %min3A_246, %mul3A_280 : i32
      %add3A_282 = arith.constant 48 : i32
      %add3A_283 = arith.addi %mul3A_281, %add3A_282 : i32
      %get3A_284 = arith.index_cast %add3A_283 : i32 to index
      %get3A_285 = tpu.vector_load %arg6[%get3A_284] {strides = array<i32>} : memref<13312xi32, #tpu.memory_space<vmem>>, vector<16xi32>,
      %shift_right_arithmetic3A_286 = arith.constant 1 : i32
      %shift_right_arithmetic3A_287 = vector.broadcast %shift_right_arithmetic3A_286 : i32 to vector<16xi32>
      %shift_right_arithmetic3A_288 = arith.shrsi %get3A_285, %shift_right_arithmetic3A_287 : vector<16xi32>
      %swap3A_289 = arith.constant 48 : index
      %swap3A_290 = tpu.vector_load %arg8[%swap3A_289] {strides = array<i32>} : memref<256xi32, #tpu.memory_space<vmem>>, vector<16xi32>,
      tpu.vector_store %arg8[%swap3A_289], %shift_right_arithmetic3A_288 {strides = array<i32>} : memref<256xi32, #tpu.memory_space<vmem>>, vector<16xi32>,
      %mul3A_291 = arith.constant 256 : i32
      %mul3A_292 = arith.muli %min3A_246, %mul3A_291 : i32
      %add3A_293 = arith.constant 64 : i32
      %add3A_294 = arith.addi %mul3A_292, %add3A_293 : i32
      %get3A_295 = arith.index_cast %add3A_294 : i32 to index
      %get3A_296 = tpu.vector_load %arg6[%get3A_295] {strides = array<i32>} : memref<13312xi32, #tpu.memory_space<vmem>>, vector<16xi32>,
      %shift_right_arithmetic3A_297 = arith.constant 1 : i32
      %shift_right_arithmetic3A_298 = vector.broadcast %shift_right_arithmetic3A_297 : i32 to vector<16xi32>
      %shift_right_arithmetic3A_299 = arith.shrsi %get3A_296, %shift_right_arithmetic3A_298 : vector<16xi32>
      %swap3A_300 = arith.constant 64 : index
      %swap3A_301 = tpu.vector_load %arg8[%swap3A_300] {strides = array<i32>} : memref<256xi32, #tpu.memory_space<vmem>>, vector<16xi32>,
      tpu.vector_store %arg8[%swap3A_300], %shift_right_arithmetic3A_299 {strides = array<i32>} : memref<256xi32, #tpu.memory_space<vmem>>, vector<16xi32>,
      %mul3A_302 = arith.constant 256 : i32
      %mul3A_303 = arith.muli %min3A_246, %mul3A_302 : i32
      %add3A_304 = arith.constant 80 : i32
      %add3A_305 = arith.addi %mul3A_303, %add3A_304 : i32
      %get3A_306 = arith.index_cast %add3A_305 : i32 to index
      %get3A_307 = tpu.vector_load %arg6[%get3A_306] {strides = array<i32>} : memref<13312xi32, #tpu.memory_space<vmem>>, vector<16xi32>,
      %shift_right_arithmetic3A_308 = arith.constant 1 : i32
      %shift_right_arithmetic3A_309 = vector.broadcast %shift_right_arithmetic3A_308 : i32 to vector<16xi32>
      %shift_right_arithmetic3A_310 = arith.shrsi %get3A_307, %shift_right_arithmetic3A_309 : vector<16xi32>
      %swap3A_311 = arith.constant 80 : index
      %swap3A_312 = tpu.vector_load %arg8[%swap3A_311] {strides = array<i32>} : memref<256xi32, #tpu.memory_space<vmem>>, vector<16xi32>,
      tpu.vector_store %arg8[%swap3A_311], %shift_right_arithmetic3A_310 {strides = array<i32>} : memref<256xi32, #tpu.memory_space<vmem>>, vector<16xi32>,
      %mul3A_313 = arith.constant 256 : i32
      %mul3A_314 = arith.muli %min3A_246, %mul3A_313 : i32
      %add3A_315 = arith.constant 96 : i32
      %add3A_316 = arith.addi %mul3A_314, %add3A_315 : i32
      %get3A_317 = arith.index_cast %add3A_316 : i32 to index
      %get3A_318 = tpu.vector_load %arg6[%get3A_317] {strides = array<i32>} : memref<13312xi32, #tpu.memory_space<vmem>>, vector<16xi32>,
      %shift_right_arithmetic3A_319 = arith.constant 1 : i32
      %shift_right_arithmetic3A_320 = vector.broadcast %shift_right_arithmetic3A_319 : i32 to vector<16xi32>
      %shift_right_arithmetic3A_321 = arith.shrsi %get3A_318, %shift_right_arithmetic3A_320 : vector<16xi32>
      %swap3A_322 = arith.constant 96 : index
      %swap3A_323 = tpu.vector_load %arg8[%swap3A_322] {strides = array<i32>} : memref<256xi32, #tpu.memory_space<vmem>>, vector<16xi32>,
      tpu.vector_store %arg8[%swap3A_322], %shift_right_arithmetic3A_321 {strides = array<i32>} : memref<256xi32, #tpu.memory_space<vmem>>, vector<16xi32>,
      %mul3A_324 = arith.constant 256 : i32
      %mul3A_325 = arith.muli %min3A_246, %mul3A_324 : i32
      %add3A_326 = arith.constant 112 : i32
      %add3A_327 = arith.addi %mul3A_325, %add3A_326 : i32
      %get3A_328 = arith.index_cast %add3A_327 : i32 to index
      %get3A_329 = tpu.vector_load %arg6[%get3A_328] {strides = array<i32>} : memref<13312xi32, #tpu.memory_space<vmem>>, vector<16xi32>,
      %shift_right_arithmetic3A_330 = arith.constant 1 : i32
      %shift_right_arithmetic3A_331 = vector.broadcast %shift_right_arithmetic3A_330 : i32 to vector<16xi32>
      %shift_right_arithmetic3A_332 = arith.shrsi %get3A_329, %shift_right_arithmetic3A_331 : vector<16xi32>
      %swap3A_333 = arith.constant 112 : index
      %swap3A_334 = tpu.vector_load %arg8[%swap3A_333] {strides = array<i32>} : memref<256xi32, #tpu.memory_space<vmem>>, vector<16xi32>,
      tpu.vector_store %arg8[%swap3A_333], %shift_right_arithmetic3A_332 {strides = array<i32>} : memref<256xi32, #tpu.memory_space<vmem>>, vector<16xi32>,
      %mul3A_335 = arith.constant 256 : i32
      %mul3A_336 = arith.muli %min3A_246, %mul3A_335 : i32
      %add3A_337 = arith.constant 128 : i32
      %add3A_338 = arith.addi %mul3A_336, %add3A_337 : i32
      %get3A_339 = arith.index_cast %add3A_338 : i32 to index
      %get3A_340 = tpu.vector_load %arg6[%get3A_339] {strides = array<i32>} : memref<13312xi32, #tpu.memory_space<vmem>>, vector<16xi32>,
      %shift_right_arithmetic3A_341 = arith.constant 1 : i32
      %shift_right_arithmetic3A_342 = vector.broadcast %shift_right_arithmetic3A_341 : i32 to vector<16xi32>
      %shift_right_arithmetic3A_343 = arith.shrsi %get3A_340, %shift_right_arithmetic3A_342 : vector<16xi32>
      %swap3A_344 = arith.constant 128 : index
      %swap3A_345 = tpu.vector_load %arg8[%swap3A_344] {strides = array<i32>} : memref<256xi32, #tpu.memory_space<vmem>>, vector<16xi32>,
      tpu.vector_store %arg8[%swap3A_344], %shift_right_arithmetic3A_343 {strides = array<i32>} : memref<256xi32, #tpu.memory_space<vmem>>, vector<16xi32>,
      %mul3A_346 = arith.constant 256 : i32
      %mul3A_347 = arith.muli %min3A_246, %mul3A_346 : i32
      %add3A_348 = arith.constant 144 : i32
      %add3A_349 = arith.addi %mul3A_347, %add3A_348 : i32
      %get3A_350 = arith.index_cast %add3A_349 : i32 to index
      %get3A_351 = tpu.vector_load %arg6[%get3A_350] {strides = array<i32>} : memref<13312xi32, #tpu.memory_space<vmem>>, vector<16xi32>,
      %shift_right_arithmetic3A_352 = arith.constant 1 : i32
      %shift_right_arithmetic3A_353 = vector.broadcast %shift_right_arithmetic3A_352 : i32 to vector<16xi32>
      %shift_right_arithmetic3A_354 = arith.shrsi %get3A_351, %shift_right_arithmetic3A_353 : vector<16xi32>
      %swap3A_355 = arith.constant 144 : index
      %swap3A_356 = tpu.vector_load %arg8[%swap3A_355] {strides = array<i32>} : memref<256xi32, #tpu.memory_space<vmem>>, vector<16xi32>,
      tpu.vector_store %arg8[%swap3A_355], %shift_right_arithmetic3A_354 {strides = array<i32>} : memref<256xi32, #tpu.memory_space<vmem>>, vector<16xi32>,
      %mul3A_357 = arith.constant 256 : i32
      %mul3A_358 = arith.muli %min3A_246, %mul3A_357 : i32
      %add3A_359 = arith.constant 160 : i32
      %add3A_360 = arith.addi %mul3A_358, %add3A_359 : i32
      %get3A_361 = arith.index_cast %add3A_360 : i32 to index
      %get3A_362 = tpu.vector_load %arg6[%get3A_361] {strides = array<i32>} : memref<13312xi32, #tpu.memory_space<vmem>>, vector<16xi32>,
      %shift_right_arithmetic3A_363 = arith.constant 1 : i32
      %shift_right_arithmetic3A_364 = vector.broadcast %shift_right_arithmetic3A_363 : i32 to vector<16xi32>
      %shift_right_arithmetic3A_365 = arith.shrsi %get3A_362, %shift_right_arithmetic3A_364 : vector<16xi32>
      %swap3A_366 = arith.constant 160 : index
      %swap3A_367 = tpu.vector_load %arg8[%swap3A_366] {strides = array<i32>} : memref<256xi32, #tpu.memory_space<vmem>>, vector<16xi32>,
      tpu.vector_store %arg8[%swap3A_366], %shift_right_arithmetic3A_365 {strides = array<i32>} : memref<256xi32, #tpu.memory_space<vmem>>, vector<16xi32>,
      %mul3A_368 = arith.constant 256 : i32
      %mul3A_369 = arith.muli %min3A_246, %mul3A_368 : i32
      %add3A_370 = arith.constant 176 : i32
      %add3A_371 = arith.addi %mul3A_369, %add3A_370 : i32
      %get3A_372 = arith.index_cast %add3A_371 : i32 to index
      %get3A_373 = tpu.vector_load %arg6[%get3A_372] {strides = array<i32>} : memref<13312xi32, #tpu.memory_space<vmem>>, vector<16xi32>,
      %shift_right_arithmetic3A_374 = arith.constant 1 : i32
      %shift_right_arithmetic3A_375 = vector.broadcast %shift_right_arithmetic3A_374 : i32 to vector<16xi32>
      %shift_right_arithmetic3A_376 = arith.shrsi %get3A_373, %shift_right_arithmetic3A_375 : vector<16xi32>
      %swap3A_377 = arith.constant 176 : index
      %swap3A_378 = tpu.vector_load %arg8[%swap3A_377] {strides = array<i32>} : memref<256xi32, #tpu.memory_space<vmem>>, vector<16xi32>,
      tpu.vector_store %arg8[%swap3A_377], %shift_right_arithmetic3A_376 {strides = array<i32>} : memref<256xi32, #tpu.memory_space<vmem>>, vector<16xi32>,
      %mul3A_379 = arith.constant 256 : i32
      %mul3A_380 = arith.muli %min3A_246, %mul3A_379 : i32
      %add3A_381 = arith.constant 192 : i32
      %add3A_382 = arith.addi %mul3A_380, %add3A_381 : i32
      %get3A_383 = arith.index_cast %add3A_382 : i32 to index
      %get3A_384 = tpu.vector_load %arg6[%get3A_383] {strides = array<i32>} : memref<13312xi32, #tpu.memory_space<vmem>>, vector<16xi32>,
      %shift_right_arithmetic3A_385 = arith.constant 1 : i32
      %shift_right_arithmetic3A_386 = vector.broadcast %shift_right_arithmetic3A_385 : i32 to vector<16xi32>
      %shift_right_arithmetic3A_387 = arith.shrsi %get3A_384, %shift_right_arithmetic3A_386 : vector<16xi32>
      %swap3A_388 = arith.constant 192 : index
      %swap3A_389 = tpu.vector_load %arg8[%swap3A_388] {strides = array<i32>} : memref<256xi32, #tpu.memory_space<vmem>>, vector<16xi32>,
      tpu.vector_store %arg8[%swap3A_388], %shift_right_arithmetic3A_387 {strides = array<i32>} : memref<256xi32, #tpu.memory_space<vmem>>, vector<16xi32>,
      %mul3A_390 = arith.constant 256 : i32
      %mul3A_391 = arith.muli %min3A_246, %mul3A_390 : i32
      %add3A_392 = arith.constant 208 : i32
      %add3A_393 = arith.addi %mul3A_391, %add3A_392 : i32
      %get3A_394 = arith.index_cast %add3A_393 : i32 to index
      %get3A_395 = tpu.vector_load %arg6[%get3A_394] {strides = array<i32>} : memref<13312xi32, #tpu.memory_space<vmem>>, vector<16xi32>,
      %shift_right_arithmetic3A_396 = arith.constant 1 : i32
      %shift_right_arithmetic3A_397 = vector.broadcast %shift_right_arithmetic3A_396 : i32 to vector<16xi32>
      %shift_right_arithmetic3A_398 = arith.shrsi %get3A_395, %shift_right_arithmetic3A_397 : vector<16xi32>
      %swap3A_399 = arith.constant 208 : index
      %swap3A_400 = tpu.vector_load %arg8[%swap3A_399] {strides = array<i32>} : memref<256xi32, #tpu.memory_space<vmem>>, vector<16xi32>,
      tpu.vector_store %arg8[%swap3A_399], %shift_right_arithmetic3A_398 {strides = array<i32>} : memref<256xi32, #tpu.memory_space<vmem>>, vector<16xi32>,
      %mul3A_401 = arith.constant 256 : i32
      %mul3A_402 = arith.muli %min3A_246, %mul3A_401 : i32
      %add3A_403 = arith.constant 224 : i32
      %add3A_404 = arith.addi %mul3A_402, %add3A_403 : i32
      %get3A_405 = arith.index_cast %add3A_404 : i32 to index
      %get3A_406 = tpu.vector_load %arg6[%get3A_405] {strides = array<i32>} : memref<13312xi32, #tpu.memory_space<vmem>>, vector<16xi32>,
      %shift_right_arithmetic3A_407 = arith.constant 1 : i32
      %shift_right_arithmetic3A_408 = vector.broadcast %shift_right_arithmetic3A_407 : i32 to vector<16xi32>
      %shift_right_arithmetic3A_409 = arith.shrsi %get3A_406, %shift_right_arithmetic3A_408 : vector<16xi32>
      %swap3A_410 = arith.constant 224 : index
      %swap3A_411 = tpu.vector_load %arg8[%swap3A_410] {strides = array<i32>} : memref<256xi32, #tpu.memory_space<vmem>>, vector<16xi32>,
      tpu.vector_store %arg8[%swap3A_410], %shift_right_arithmetic3A_409 {strides = array<i32>} : memref<256xi32, #tpu.memory_space<vmem>>, vector<16xi32>,
      %mul3A_412 = arith.constant 256 : i32
      %mul3A_413 = arith.muli %min3A_246, %mul3A_412 : i32
      %add3A_414 = arith.constant 240 : i32
      %add3A_415 = arith.addi %mul3A_413, %add3A_414 : i32
      %get3A_416 = arith.index_cast %add3A_415 : i32 to index
      %get3A_417 = tpu.vector_load %arg6[%get3A_416] {strides = array<i32>} : memref<13312xi32, #tpu.memory_space<vmem>>, vector<16xi32>,
      %shift_right_arithmetic3A_418 = arith.constant 1 : i32
      %shift_right_arithmetic3A_419 = vector.broadcast %shift_right_arithmetic3A_418 : i32 to vector<16xi32>
      %shift_right_arithmetic3A_420 = arith.shrsi %get3A_417, %shift_right_arithmetic3A_419 : vector<16xi32>
      %swap3A_421 = arith.constant 240 : index
      %swap3A_422 = tpu.vector_load %arg8[%swap3A_421] {strides = array<i32>} : memref<256xi32, #tpu.memory_space<vmem>>, vector<16xi32>,
      tpu.vector_store %arg8[%swap3A_421], %shift_right_arithmetic3A_420 {strides = array<i32>} : memref<256xi32, #tpu.memory_space<vmem>>, vector<16xi32>,
      %dma_start3A_423 = arith.constant 0 : i32
      %dma_start3A_424 = arith.constant 0 : i32
      %dma_start3A_425 = tpu.memref_slice %arg2[%dma_start3A_423, %dma_start3A_424] : memref<500000x128xf32, #tpu.memory_space<hbm>> -> memref<500000x128xf32, #tpu.memory_space<hbm>>
      tpu.enqueue_indirect_dma source(%dma_start3A_425 : memref<500000x128xf32, #tpu.memory_space<hbm>>) target(%arg10 : memref<256x128xf32, #tpu.memory_space<vmem>>) offsets(%arg8 : memref<256xi32, #tpu.memory_space<vmem>>) semaphore(%arg14 : memref<!tpu.dma_semaphore, #tpu.memory_space<semaphore_mem>>)
      tpu.wait_dma2 semaphore(%arg15 : memref<!tpu.dma_semaphore, #tpu.memory_space<semaphore_mem>>) src(%arg11 : memref<64x256xf32, #tpu.memory_space<vmem>>) dst(%arg5 : memref<64x256xf32, #tpu.memory_space<hbm>>)
      %dma_wait3A_426 = arith.constant 0 : i32
      %dma_wait3A_427 = arith.constant 0 : i32
      %dma_wait3A_428 = tpu.memref_slice %arg2[%dma_wait3A_426, %dma_wait3A_427] : memref<500000x128xf32, #tpu.memory_space<hbm>> -> memref<500000x128xf32, #tpu.memory_space<hbm>>
      tpu.wait_indirect_dma semaphore(%arg13 : memref<!tpu.dma_semaphore, #tpu.memory_space<semaphore_mem>>) src(%dma_wait3A_428 : memref<500000x128xf32, #tpu.memory_space<hbm>>) dst(%arg9 : memref<256x128xf32, #tpu.memory_space<vmem>>)
      %scan3A_429 = arith.constant 0 : i32
      %scan3A_430 = arith.constant 0 : i32
      %scan3A_431 = arith.constant 8 : i32
      %scan3A_432 = arith.addi %scan3A_430, %scan3A_431 : i32
      %scan3A_433 = arith.constant 1 : i32
      scf.for %scan3A_716 = %scan3A_430 to %scan3A_432 step %scan3A_433  : i32 {
        %mul3A_717 = arith.constant 2 : i32
        %mul3A_718 = arith.muli %scan3A_716, %mul3A_717 : i32
        %add3A_719 = arith.constant 0 : i32
        %add3A_720 = arith.addi %mul3A_718, %add3A_719 : i32
        %mul3A_721 = arith.constant 256 : i32
        %mul3A_722 = arith.muli %mul3A_243, %mul3A_721 : i32
        %mul3A_723 = arith.constant 16 : i32
        %mul3A_724 = arith.muli %add3A_720, %mul3A_723 : i32
        %add3A_725 = arith.addi %mul3A_722, %mul3A_724 : i32
        %get3A_726 = arith.index_cast %add3A_725 : i32 to index
        %get3A_727 = tpu.vector_load %arg6[%get3A_726] {strides = array<i32>} : memref<13312xi32, #tpu.memory_space<vmem>>, vector<16xi32>,
        %and3A_728 = arith.constant 1 : i32
        %and3A_729 = vector.broadcast %and3A_728 : i32 to vector<16xi32>
        %and3A_730 = arith.andi %get3A_727, %and3A_729 : vector<16xi32>
        %mul3A_731 = arith.constant 64 : i32
        %mul3A_732 = vector.broadcast %mul3A_731 : i32 to vector<16xi32>
        %mul3A_733 = arith.muli %and3A_730, %mul3A_732 : vector<16xi32>
        %mul3A_734 = arith.constant 16 : i32
        %mul3A_735 = arith.muli %add3A_720, %mul3A_734 : i32
        %add3A_736 = vector.broadcast %mul3A_735 : i32 to vector<16xi32>
        %add3A_737 = arith.addi %add3A_736, %iota3A : vector<16xi32>
        %add3A_738 = arith.addi %mul3A_733, %and3A_7 : vector<16xi32>
        %add3A_739 = arith.addi %mul3A_733, %and3A_13 : vector<16xi32>
        %add3A_740 = arith.addi %mul3A_733, %and3A_19 : vector<16xi32>
        %add3A_741 = arith.addi %mul3A_733, %and3A_25 : vector<16xi32>
        %add3A_742 = arith.addi %mul3A_733, %and3A_31 : vector<16xi32>
        %add3A_743 = arith.addi %mul3A_733, %and3A_37 : vector<16xi32>
        %add3A_744 = arith.addi %mul3A_733, %and3A_43 : vector<16xi32>
        %add3A_745 = arith.addi %mul3A_733, %and3A_49 : vector<16xi32>
        %add3A_746 = arith.addi %mul3A_733, %and3A_55 : vector<16xi32>
        %add3A_747 = arith.addi %mul3A_733, %and3A_61 : vector<16xi32>
        %add3A_748 = arith.addi %mul3A_733, %and3A_67 : vector<16xi32>
        %add3A_749 = arith.addi %mul3A_733, %and3A_73 : vector<16xi32>
        %add3A_750 = arith.addi %mul3A_733, %and3A_79 : vector<16xi32>
        %add3A_751 = arith.addi %mul3A_733, %and3A_85 : vector<16xi32>
        %add3A_752 = arith.addi %mul3A_733, %and3A_91 : vector<16xi32>
        %add3A_753 = arith.addi %mul3A_733, %and3A_97 : vector<16xi32>
        %mul3A_754 = arith.constant 16 : i32
        %mul3A_755 = arith.muli %add3A_720, %mul3A_754 : i32
        %add3A_756 = vector.broadcast %mul3A_755 : i32 to vector<16xi32>
        %add3A_757 = arith.addi %add3A_756, %iota3A : vector<16xi32>
        %add3A_758 = arith.constant 0 : i32
        %add3A_759 = vector.broadcast %add3A_758 : i32 to vector<16xi32>
        %add3A_760 = arith.addi %add3A_738, %add3A_759 : vector<16xi32>
        %gather3A = tpu.vector_load_idx %arg9[%add3A_737, %add3A_760] : memref<256x128xf32, #tpu.memory_space<vmem>>[vector<16xi32>, vector<16xi32>], vector<16xf32>,
        %add3A_761 = arith.constant 0 : i32
        %add3A_762 = vector.broadcast %add3A_761 : i32 to vector<16xi32>
        %add3A_763 = arith.addi %add3A_739, %add3A_762 : vector<16xi32>
        %gather3A_764 = tpu.vector_load_idx %arg9[%add3A_737, %add3A_763] : memref<256x128xf32, #tpu.memory_space<vmem>>[vector<16xi32>, vector<16xi32>], vector<16xf32>,
        %add3A_765 = arith.constant 0 : i32
        %add3A_766 = vector.broadcast %add3A_765 : i32 to vector<16xi32>
        %add3A_767 = arith.addi %add3A_740, %add3A_766 : vector<16xi32>
        %gather3A_768 = tpu.vector_load_idx %arg9[%add3A_737, %add3A_767] : memref<256x128xf32, #tpu.memory_space<vmem>>[vector<16xi32>, vector<16xi32>], vector<16xf32>,
        %add3A_769 = arith.constant 0 : i32
        %add3A_770 = vector.broadcast %add3A_769 : i32 to vector<16xi32>
        %add3A_771 = arith.addi %add3A_741, %add3A_770 : vector<16xi32>
        %gather3A_772 = tpu.vector_load_idx %arg9[%add3A_737, %add3A_771] : memref<256x128xf32, #tpu.memory_space<vmem>>[vector<16xi32>, vector<16xi32>], vector<16xf32>,
        %add3A_773 = arith.constant 0 : i32
        %add3A_774 = vector.broadcast %add3A_773 : i32 to vector<16xi32>
        %add3A_775 = arith.addi %add3A_742, %add3A_774 : vector<16xi32>
        %gather3A_776 = tpu.vector_load_idx %arg9[%add3A_737, %add3A_775] : memref<256x128xf32, #tpu.memory_space<vmem>>[vector<16xi32>, vector<16xi32>], vector<16xf32>,
        %add3A_777 = arith.constant 0 : i32
        %add3A_778 = vector.broadcast %add3A_777 : i32 to vector<16xi32>
        %add3A_779 = arith.addi %add3A_743, %add3A_778 : vector<16xi32>
        %gather3A_780 = tpu.vector_load_idx %arg9[%add3A_737, %add3A_779] : memref<256x128xf32, #tpu.memory_space<vmem>>[vector<16xi32>, vector<16xi32>], vector<16xf32>,
        %add3A_781 = arith.constant 0 : i32
        %add3A_782 = vector.broadcast %add3A_781 : i32 to vector<16xi32>
        %add3A_783 = arith.addi %add3A_744, %add3A_782 : vector<16xi32>
        %gather3A_784 = tpu.vector_load_idx %arg9[%add3A_737, %add3A_783] : memref<256x128xf32, #tpu.memory_space<vmem>>[vector<16xi32>, vector<16xi32>], vector<16xf32>,
        %add3A_785 = arith.constant 0 : i32
        %add3A_786 = vector.broadcast %add3A_785 : i32 to vector<16xi32>
        %add3A_787 = arith.addi %add3A_745, %add3A_786 : vector<16xi32>
        %gather3A_788 = tpu.vector_load_idx %arg9[%add3A_737, %add3A_787] : memref<256x128xf32, #tpu.memory_space<vmem>>[vector<16xi32>, vector<16xi32>], vector<16xf32>,
        %add3A_789 = arith.constant 0 : i32
        %add3A_790 = vector.broadcast %add3A_789 : i32 to vector<16xi32>
        %add3A_791 = arith.addi %add3A_746, %add3A_790 : vector<16xi32>
        %gather3A_792 = tpu.vector_load_idx %arg9[%add3A_737, %add3A_791] : memref<256x128xf32, #tpu.memory_space<vmem>>[vector<16xi32>, vector<16xi32>], vector<16xf32>,
        %add3A_793 = arith.constant 0 : i32
        %add3A_794 = vector.broadcast %add3A_793 : i32 to vector<16xi32>
        %add3A_795 = arith.addi %add3A_747, %add3A_794 : vector<16xi32>
        %gather3A_796 = tpu.vector_load_idx %arg9[%add3A_737, %add3A_795] : memref<256x128xf32, #tpu.memory_space<vmem>>[vector<16xi32>, vector<16xi32>], vector<16xf32>,
        %add3A_797 = arith.constant 0 : i32
        %add3A_798 = vector.broadcast %add3A_797 : i32 to vector<16xi32>
        %add3A_799 = arith.addi %add3A_748, %add3A_798 : vector<16xi32>
        %gather3A_800 = tpu.vector_load_idx %arg9[%add3A_737, %add3A_799] : memref<256x128xf32, #tpu.memory_space<vmem>>[vector<16xi32>, vector<16xi32>], vector<16xf32>,
        %add3A_801 = arith.constant 0 : i32
        %add3A_802 = vector.broadcast %add3A_801 : i32 to vector<16xi32>
        %add3A_803 = arith.addi %add3A_749, %add3A_802 : vector<16xi32>
        %gather3A_804 = tpu.vector_load_idx %arg9[%add3A_737, %add3A_803] : memref<256x128xf32, #tpu.memory_space<vmem>>[vector<16xi32>, vector<16xi32>], vector<16xf32>,
        %add3A_805 = arith.constant 0 : i32
        %add3A_806 = vector.broadcast %add3A_805 : i32 to vector<16xi32>
        %add3A_807 = arith.addi %add3A_750, %add3A_806 : vector<16xi32>
        %gather3A_808 = tpu.vector_load_idx %arg9[%add3A_737, %add3A_807] : memref<256x128xf32, #tpu.memory_space<vmem>>[vector<16xi32>, vector<16xi32>], vector<16xf32>,
        %add3A_809 = arith.constant 0 : i32
        %add3A_810 = vector.broadcast %add3A_809 : i32 to vector<16xi32>
        %add3A_811 = arith.addi %add3A_751, %add3A_810 : vector<16xi32>
        %gather3A_812 = tpu.vector_load_idx %arg9[%add3A_737, %add3A_811] : memref<256x128xf32, #tpu.memory_space<vmem>>[vector<16xi32>, vector<16xi32>], vector<16xf32>,
        %add3A_813 = arith.constant 0 : i32
        %add3A_814 = vector.broadcast %add3A_813 : i32 to vector<16xi32>
        %add3A_815 = arith.addi %add3A_752, %add3A_814 : vector<16xi32>
        %gather3A_816 = tpu.vector_load_idx %arg9[%add3A_737, %add3A_815] : memref<256x128xf32, #tpu.memory_space<vmem>>[vector<16xi32>, vector<16xi32>], vector<16xf32>,
        %add3A_817 = arith.constant 0 : i32
        %add3A_818 = vector.broadcast %add3A_817 : i32 to vector<16xi32>
        %add3A_819 = arith.addi %add3A_753, %add3A_818 : vector<16xi32>
        %gather3A_820 = tpu.vector_load_idx %arg9[%add3A_737, %add3A_819] : memref<256x128xf32, #tpu.memory_space<vmem>>[vector<16xi32>, vector<16xi32>], vector<16xf32>,
        %add3A_821 = arith.constant 0 : i32
        %add3A_822 = vector.broadcast %add3A_821 : i32 to vector<16xi32>
        %add3A_823 = arith.addi %and3A_7, %add3A_822 : vector<16xi32>
        tpu.vector_store_idx %arg11[%add3A_823, %add3A_757], %gather3A : memref<64x256xf32, #tpu.memory_space<vmem>>[vector<16xi32>, vector<16xi32>], vector<16xf32>,
        %add3A_824 = arith.constant 0 : i32
        %add3A_825 = vector.broadcast %add3A_824 : i32 to vector<16xi32>
        %add3A_826 = arith.addi %and3A_13, %add3A_825 : vector<16xi32>
        tpu.vector_store_idx %arg11[%add3A_826, %add3A_757], %gather3A_764 : memref<64x256xf32, #tpu.memory_space<vmem>>[vector<16xi32>, vector<16xi32>], vector<16xf32>,
        %add3A_827 = arith.constant 0 : i32
        %add3A_828 = vector.broadcast %add3A_827 : i32 to vector<16xi32>
        %add3A_829 = arith.addi %and3A_19, %add3A_828 : vector<16xi32>
        tpu.vector_store_idx %arg11[%add3A_829, %add3A_757], %gather3A_768 : memref<64x256xf32, #tpu.memory_space<vmem>>[vector<16xi32>, vector<16xi32>], vector<16xf32>,
        %add3A_830 = arith.constant 0 : i32
        %add3A_831 = vector.broadcast %add3A_830 : i32 to vector<16xi32>
        %add3A_832 = arith.addi %and3A_25, %add3A_831 : vector<16xi32>
        tpu.vector_store_idx %arg11[%add3A_832, %add3A_757], %gather3A_772 : memref<64x256xf32, #tpu.memory_space<vmem>>[vector<16xi32>, vector<16xi32>], vector<16xf32>,
        %add3A_833 = arith.constant 0 : i32
        %add3A_834 = vector.broadcast %add3A_833 : i32 to vector<16xi32>
        %add3A_835 = arith.addi %and3A_31, %add3A_834 : vector<16xi32>
        tpu.vector_store_idx %arg11[%add3A_835, %add3A_757], %gather3A_776 : memref<64x256xf32, #tpu.memory_space<vmem>>[vector<16xi32>, vector<16xi32>], vector<16xf32>,
        %add3A_836 = arith.constant 0 : i32
        %add3A_837 = vector.broadcast %add3A_836 : i32 to vector<16xi32>
        %add3A_838 = arith.addi %and3A_37, %add3A_837 : vector<16xi32>
        tpu.vector_store_idx %arg11[%add3A_838, %add3A_757], %gather3A_780 : memref<64x256xf32, #tpu.memory_space<vmem>>[vector<16xi32>, vector<16xi32>], vector<16xf32>,
        %add3A_839 = arith.constant 0 : i32
        %add3A_840 = vector.broadcast %add3A_839 : i32 to vector<16xi32>
        %add3A_841 = arith.addi %and3A_43, %add3A_840 : vector<16xi32>
        tpu.vector_store_idx %arg11[%add3A_841, %add3A_757], %gather3A_784 : memref<64x256xf32, #tpu.memory_space<vmem>>[vector<16xi32>, vector<16xi32>], vector<16xf32>,
        %add3A_842 = arith.constant 0 : i32
        %add3A_843 = vector.broadcast %add3A_842 : i32 to vector<16xi32>
        %add3A_844 = arith.addi %and3A_49, %add3A_843 : vector<16xi32>
        tpu.vector_store_idx %arg11[%add3A_844, %add3A_757], %gather3A_788 : memref<64x256xf32, #tpu.memory_space<vmem>>[vector<16xi32>, vector<16xi32>], vector<16xf32>,
        %add3A_845 = arith.constant 0 : i32
        %add3A_846 = vector.broadcast %add3A_845 : i32 to vector<16xi32>
        %add3A_847 = arith.addi %and3A_55, %add3A_846 : vector<16xi32>
        tpu.vector_store_idx %arg11[%add3A_847, %add3A_757], %gather3A_792 : memref<64x256xf32, #tpu.memory_space<vmem>>[vector<16xi32>, vector<16xi32>], vector<16xf32>,
        %add3A_848 = arith.constant 0 : i32
        %add3A_849 = vector.broadcast %add3A_848 : i32 to vector<16xi32>
        %add3A_850 = arith.addi %and3A_61, %add3A_849 : vector<16xi32>
        tpu.vector_store_idx %arg11[%add3A_850, %add3A_757], %gather3A_796 : memref<64x256xf32, #tpu.memory_space<vmem>>[vector<16xi32>, vector<16xi32>], vector<16xf32>,
        %add3A_851 = arith.constant 0 : i32
        %add3A_852 = vector.broadcast %add3A_851 : i32 to vector<16xi32>
        %add3A_853 = arith.addi %and3A_67, %add3A_852 : vector<16xi32>
        tpu.vector_store_idx %arg11[%add3A_853, %add3A_757], %gather3A_800 : memref<64x256xf32, #tpu.memory_space<vmem>>[vector<16xi32>, vector<16xi32>], vector<16xf32>,
        %add3A_854 = arith.constant 0 : i32
        %add3A_855 = vector.broadcast %add3A_854 : i32 to vector<16xi32>
        %add3A_856 = arith.addi %and3A_73, %add3A_855 : vector<16xi32>
        tpu.vector_store_idx %arg11[%add3A_856, %add3A_757], %gather3A_804 : memref<64x256xf32, #tpu.memory_space<vmem>>[vector<16xi32>, vector<16xi32>], vector<16xf32>,
        %add3A_857 = arith.constant 0 : i32
        %add3A_858 = vector.broadcast %add3A_857 : i32 to vector<16xi32>
        %add3A_859 = arith.addi %and3A_79, %add3A_858 : vector<16xi32>
        tpu.vector_store_idx %arg11[%add3A_859, %add3A_757], %gather3A_808 : memref<64x256xf32, #tpu.memory_space<vmem>>[vector<16xi32>, vector<16xi32>], vector<16xf32>,
        %add3A_860 = arith.constant 0 : i32
        %add3A_861 = vector.broadcast %add3A_860 : i32 to vector<16xi32>
        %add3A_862 = arith.addi %and3A_85, %add3A_861 : vector<16xi32>
        tpu.vector_store_idx %arg11[%add3A_862, %add3A_757], %gather3A_812 : memref<64x256xf32, #tpu.memory_space<vmem>>[vector<16xi32>, vector<16xi32>], vector<16xf32>,
        %add3A_863 = arith.constant 0 : i32
        %add3A_864 = vector.broadcast %add3A_863 : i32 to vector<16xi32>
        %add3A_865 = arith.addi %and3A_91, %add3A_864 : vector<16xi32>
        tpu.vector_store_idx %arg11[%add3A_865, %add3A_757], %gather3A_816 : memref<64x256xf32, #tpu.memory_space<vmem>>[vector<16xi32>, vector<16xi32>], vector<16xf32>,
        %add3A_866 = arith.constant 0 : i32
        %add3A_867 = vector.broadcast %add3A_866 : i32 to vector<16xi32>
        %add3A_868 = arith.addi %and3A_97, %add3A_867 : vector<16xi32>
        tpu.vector_store_idx %arg11[%add3A_868, %add3A_757], %gather3A_820 : memref<64x256xf32, #tpu.memory_space<vmem>>[vector<16xi32>, vector<16xi32>], vector<16xf32>,
        %add3A_869 = arith.constant 16 : i32
        %add3A_870 = vector.broadcast %add3A_869 : i32 to vector<16xi32>
        %add3A_871 = arith.addi %add3A_738, %add3A_870 : vector<16xi32>
        %gather3A_872 = tpu.vector_load_idx %arg9[%add3A_737, %add3A_871] : memref<256x128xf32, #tpu.memory_space<vmem>>[vector<16xi32>, vector<16xi32>], vector<16xf32>,
        %add3A_873 = arith.constant 16 : i32
        %add3A_874 = vector.broadcast %add3A_873 : i32 to vector<16xi32>
        %add3A_875 = arith.addi %add3A_739, %add3A_874 : vector<16xi32>
        %gather3A_876 = tpu.vector_load_idx %arg9[%add3A_737, %add3A_875] : memref<256x128xf32, #tpu.memory_space<vmem>>[vector<16xi32>, vector<16xi32>], vector<16xf32>,
        %add3A_877 = arith.constant 16 : i32
        %add3A_878 = vector.broadcast %add3A_877 : i32 to vector<16xi32>
        %add3A_879 = arith.addi %add3A_740, %add3A_878 : vector<16xi32>
        %gather3A_880 = tpu.vector_load_idx %arg9[%add3A_737, %add3A_879] : memref<256x128xf32, #tpu.memory_space<vmem>>[vector<16xi32>, vector<16xi32>], vector<16xf32>,
        %add3A_881 = arith.constant 16 : i32
        %add3A_882 = vector.broadcast %add3A_881 : i32 to vector<16xi32>
        %add3A_883 = arith.addi %add3A_741, %add3A_882 : vector<16xi32>
        %gather3A_884 = tpu.vector_load_idx %arg9[%add3A_737, %add3A_883] : memref<256x128xf32, #tpu.memory_space<vmem>>[vector<16xi32>, vector<16xi32>], vector<16xf32>,
        %add3A_885 = arith.constant 16 : i32
        %add3A_886 = vector.broadcast %add3A_885 : i32 to vector<16xi32>
        %add3A_887 = arith.addi %add3A_742, %add3A_886 : vector<16xi32>
        %gather3A_888 = tpu.vector_load_idx %arg9[%add3A_737, %add3A_887] : memref<256x128xf32, #tpu.memory_space<vmem>>[vector<16xi32>, vector<16xi32>], vector<16xf32>,
        %add3A_889 = arith.constant 16 : i32
        %add3A_890 = vector.broadcast %add3A_889 : i32 to vector<16xi32>
        %add3A_891 = arith.addi %add3A_743, %add3A_890 : vector<16xi32>
        %gather3A_892 = tpu.vector_load_idx %arg9[%add3A_737, %add3A_891] : memref<256x128xf32, #tpu.memory_space<vmem>>[vector<16xi32>, vector<16xi32>], vector<16xf32>,
        %add3A_893 = arith.constant 16 : i32
        %add3A_894 = vector.broadcast %add3A_893 : i32 to vector<16xi32>
        %add3A_895 = arith.addi %add3A_744, %add3A_894 : vector<16xi32>
        %gather3A_896 = tpu.vector_load_idx %arg9[%add3A_737, %add3A_895] : memref<256x128xf32, #tpu.memory_space<vmem>>[vector<16xi32>, vector<16xi32>], vector<16xf32>,
        %add3A_897 = arith.constant 16 : i32
        %add3A_898 = vector.broadcast %add3A_897 : i32 to vector<16xi32>
        %add3A_899 = arith.addi %add3A_745, %add3A_898 : vector<16xi32>
        %gather3A_900 = tpu.vector_load_idx %arg9[%add3A_737, %add3A_899] : memref<256x128xf32, #tpu.memory_space<vmem>>[vector<16xi32>, vector<16xi32>], vector<16xf32>,
        %add3A_901 = arith.constant 16 : i32
        %add3A_902 = vector.broadcast %add3A_901 : i32 to vector<16xi32>
        %add3A_903 = arith.addi %add3A_746, %add3A_902 : vector<16xi32>
        %gather3A_904 = tpu.vector_load_idx %arg9[%add3A_737, %add3A_903] : memref<256x128xf32, #tpu.memory_space<vmem>>[vector<16xi32>, vector<16xi32>], vector<16xf32>,
        %add3A_905 = arith.constant 16 : i32
        %add3A_906 = vector.broadcast %add3A_905 : i32 to vector<16xi32>
        %add3A_907 = arith.addi %add3A_747, %add3A_906 : vector<16xi32>
        %gather3A_908 = tpu.vector_load_idx %arg9[%add3A_737, %add3A_907] : memref<256x128xf32, #tpu.memory_space<vmem>>[vector<16xi32>, vector<16xi32>], vector<16xf32>,
        %add3A_909 = arith.constant 16 : i32
        %add3A_910 = vector.broadcast %add3A_909 : i32 to vector<16xi32>
        %add3A_911 = arith.addi %add3A_748, %add3A_910 : vector<16xi32>
        %gather3A_912 = tpu.vector_load_idx %arg9[%add3A_737, %add3A_911] : memref<256x128xf32, #tpu.memory_space<vmem>>[vector<16xi32>, vector<16xi32>], vector<16xf32>,
        %add3A_913 = arith.constant 16 : i32
        %add3A_914 = vector.broadcast %add3A_913 : i32 to vector<16xi32>
        %add3A_915 = arith.addi %add3A_749, %add3A_914 : vector<16xi32>
        %gather3A_916 = tpu.vector_load_idx %arg9[%add3A_737, %add3A_915] : memref<256x128xf32, #tpu.memory_space<vmem>>[vector<16xi32>, vector<16xi32>], vector<16xf32>,
        %add3A_917 = arith.constant 16 : i32
        %add3A_918 = vector.broadcast %add3A_917 : i32 to vector<16xi32>
        %add3A_919 = arith.addi %add3A_750, %add3A_918 : vector<16xi32>
        %gather3A_920 = tpu.vector_load_idx %arg9[%add3A_737, %add3A_919] : memref<256x128xf32, #tpu.memory_space<vmem>>[vector<16xi32>, vector<16xi32>], vector<16xf32>,
        %add3A_921 = arith.constant 16 : i32
        %add3A_922 = vector.broadcast %add3A_921 : i32 to vector<16xi32>
        %add3A_923 = arith.addi %add3A_751, %add3A_922 : vector<16xi32>
        %gather3A_924 = tpu.vector_load_idx %arg9[%add3A_737, %add3A_923] : memref<256x128xf32, #tpu.memory_space<vmem>>[vector<16xi32>, vector<16xi32>], vector<16xf32>,
        %add3A_925 = arith.constant 16 : i32
        %add3A_926 = vector.broadcast %add3A_925 : i32 to vector<16xi32>
        %add3A_927 = arith.addi %add3A_752, %add3A_926 : vector<16xi32>
        %gather3A_928 = tpu.vector_load_idx %arg9[%add3A_737, %add3A_927] : memref<256x128xf32, #tpu.memory_space<vmem>>[vector<16xi32>, vector<16xi32>], vector<16xf32>,
        %add3A_929 = arith.constant 16 : i32
        %add3A_930 = vector.broadcast %add3A_929 : i32 to vector<16xi32>
        %add3A_931 = arith.addi %add3A_753, %add3A_930 : vector<16xi32>
        %gather3A_932 = tpu.vector_load_idx %arg9[%add3A_737, %add3A_931] : memref<256x128xf32, #tpu.memory_space<vmem>>[vector<16xi32>, vector<16xi32>], vector<16xf32>,
        %add3A_933 = arith.constant 16 : i32
        %add3A_934 = vector.broadcast %add3A_933 : i32 to vector<16xi32>
        %add3A_935 = arith.addi %and3A_7, %add3A_934 : vector<16xi32>
        tpu.vector_store_idx %arg11[%add3A_935, %add3A_757], %gather3A_872 : memref<64x256xf32, #tpu.memory_space<vmem>>[vector<16xi32>, vector<16xi32>], vector<16xf32>,
        %add3A_936 = arith.constant 16 : i32
        %add3A_937 = vector.broadcast %add3A_936 : i32 to vector<16xi32>
        %add3A_938 = arith.addi %and3A_13, %add3A_937 : vector<16xi32>
        tpu.vector_store_idx %arg11[%add3A_938, %add3A_757], %gather3A_876 : memref<64x256xf32, #tpu.memory_space<vmem>>[vector<16xi32>, vector<16xi32>], vector<16xf32>,
        %add3A_939 = arith.constant 16 : i32
        %add3A_940 = vector.broadcast %add3A_939 : i32 to vector<16xi32>
        %add3A_941 = arith.addi %and3A_19, %add3A_940 : vector<16xi32>
        tpu.vector_store_idx %arg11[%add3A_941, %add3A_757], %gather3A_880 : memref<64x256xf32, #tpu.memory_space<vmem>>[vector<16xi32>, vector<16xi32>], vector<16xf32>,
        %add3A_942 = arith.constant 16 : i32
        %add3A_943 = vector.broadcast %add3A_942 : i32 to vector<16xi32>
        %add3A_944 = arith.addi %and3A_25, %add3A_943 : vector<16xi32>
        tpu.vector_store_idx %arg11[%add3A_944, %add3A_757], %gather3A_884 : memref<64x256xf32, #tpu.memory_space<vmem>>[vector<16xi32>, vector<16xi32>], vector<16xf32>,
        %add3A_945 = arith.constant 16 : i32
        %add3A_946 = vector.broadcast %add3A_945 : i32 to vector<16xi32>
        %add3A_947 = arith.addi %and3A_31, %add3A_946 : vector<16xi32>
        tpu.vector_store_idx %arg11[%add3A_947, %add3A_757], %gather3A_888 : memref<64x256xf32, #tpu.memory_space<vmem>>[vector<16xi32>, vector<16xi32>], vector<16xf32>,
        %add3A_948 = arith.constant 16 : i32
        %add3A_949 = vector.broadcast %add3A_948 : i32 to vector<16xi32>
        %add3A_950 = arith.addi %and3A_37, %add3A_949 : vector<16xi32>
        tpu.vector_store_idx %arg11[%add3A_950, %add3A_757], %gather3A_892 : memref<64x256xf32, #tpu.memory_space<vmem>>[vector<16xi32>, vector<16xi32>], vector<16xf32>,
        %add3A_951 = arith.constant 16 : i32
        %add3A_952 = vector.broadcast %add3A_951 : i32 to vector<16xi32>
        %add3A_953 = arith.addi %and3A_43, %add3A_952 : vector<16xi32>
        tpu.vector_store_idx %arg11[%add3A_953, %add3A_757], %gather3A_896 : memref<64x256xf32, #tpu.memory_space<vmem>>[vector<16xi32>, vector<16xi32>], vector<16xf32>,
        %add3A_954 = arith.constant 16 : i32
        %add3A_955 = vector.broadcast %add3A_954 : i32 to vector<16xi32>
        %add3A_956 = arith.addi %and3A_49, %add3A_955 : vector<16xi32>
        tpu.vector_store_idx %arg11[%add3A_956, %add3A_757], %gather3A_900 : memref<64x256xf32, #tpu.memory_space<vmem>>[vector<16xi32>, vector<16xi32>], vector<16xf32>,
        %add3A_957 = arith.constant 16 : i32
        %add3A_958 = vector.broadcast %add3A_957 : i32 to vector<16xi32>
        %add3A_959 = arith.addi %and3A_55, %add3A_958 : vector<16xi32>
        tpu.vector_store_idx %arg11[%add3A_959, %add3A_757], %gather3A_904 : memref<64x256xf32, #tpu.memory_space<vmem>>[vector<16xi32>, vector<16xi32>], vector<16xf32>,
        %add3A_960 = arith.constant 16 : i32
        %add3A_961 = vector.broadcast %add3A_960 : i32 to vector<16xi32>
        %add3A_962 = arith.addi %and3A_61, %add3A_961 : vector<16xi32>
        tpu.vector_store_idx %arg11[%add3A_962, %add3A_757], %gather3A_908 : memref<64x256xf32, #tpu.memory_space<vmem>>[vector<16xi32>, vector<16xi32>], vector<16xf32>,
        %add3A_963 = arith.constant 16 : i32
        %add3A_964 = vector.broadcast %add3A_963 : i32 to vector<16xi32>
        %add3A_965 = arith.addi %and3A_67, %add3A_964 : vector<16xi32>
        tpu.vector_store_idx %arg11[%add3A_965, %add3A_757], %gather3A_912 : memref<64x256xf32, #tpu.memory_space<vmem>>[vector<16xi32>, vector<16xi32>], vector<16xf32>,
        %add3A_966 = arith.constant 16 : i32
        %add3A_967 = vector.broadcast %add3A_966 : i32 to vector<16xi32>
        %add3A_968 = arith.addi %and3A_73, %add3A_967 : vector<16xi32>
        tpu.vector_store_idx %arg11[%add3A_968, %add3A_757], %gather3A_916 : memref<64x256xf32, #tpu.memory_space<vmem>>[vector<16xi32>, vector<16xi32>], vector<16xf32>,
        %add3A_969 = arith.constant 16 : i32
        %add3A_970 = vector.broadcast %add3A_969 : i32 to vector<16xi32>
        %add3A_971 = arith.addi %and3A_79, %add3A_970 : vector<16xi32>
        tpu.vector_store_idx %arg11[%add3A_971, %add3A_757], %gather3A_920 : memref<64x256xf32, #tpu.memory_space<vmem>>[vector<16xi32>, vector<16xi32>], vector<16xf32>,
        %add3A_972 = arith.constant 16 : i32
        %add3A_973 = vector.broadcast %add3A_972 : i32 to vector<16xi32>
        %add3A_974 = arith.addi %and3A_85, %add3A_973 : vector<16xi32>
        tpu.vector_store_idx %arg11[%add3A_974, %add3A_757], %gather3A_924 : memref<64x256xf32, #tpu.memory_space<vmem>>[vector<16xi32>, vector<16xi32>], vector<16xf32>,
        %add3A_975 = arith.constant 16 : i32
        %add3A_976 = vector.broadcast %add3A_975 : i32 to vector<16xi32>
        %add3A_977 = arith.addi %and3A_91, %add3A_976 : vector<16xi32>
        tpu.vector_store_idx %arg11[%add3A_977, %add3A_757], %gather3A_928 : memref<64x256xf32, #tpu.memory_space<vmem>>[vector<16xi32>, vector<16xi32>], vector<16xf32>,
        %add3A_978 = arith.constant 16 : i32
        %add3A_979 = vector.broadcast %add3A_978 : i32 to vector<16xi32>
        %add3A_980 = arith.addi %and3A_97, %add3A_979 : vector<16xi32>
        tpu.vector_store_idx %arg11[%add3A_980, %add3A_757], %gather3A_932 : memref<64x256xf32, #tpu.memory_space<vmem>>[vector<16xi32>, vector<16xi32>], vector<16xf32>,
        %add3A_981 = arith.constant 32 : i32
        %add3A_982 = vector.broadcast %add3A_981 : i32 to vector<16xi32>
        %add3A_983 = arith.addi %add3A_738, %add3A_982 : vector<16xi32>
        %gather3A_984 = tpu.vector_load_idx %arg9[%add3A_737, %add3A_983] : memref<256x128xf32, #tpu.memory_space<vmem>>[vector<16xi32>, vector<16xi32>], vector<16xf32>,
        %add3A_985 = arith.constant 32 : i32
        %add3A_986 = vector.broadcast %add3A_985 : i32 to vector<16xi32>
        %add3A_987 = arith.addi %add3A_739, %add3A_986 : vector<16xi32>
        %gather3A_988 = tpu.vector_load_idx %arg9[%add3A_737, %add3A_987] : memref<256x128xf32, #tpu.memory_space<vmem>>[vector<16xi32>, vector<16xi32>], vector<16xf32>,
        %add3A_989 = arith.constant 32 : i32
        %add3A_990 = vector.broadcast %add3A_989 : i32 to vector<16xi32>
        %add3A_991 = arith.addi %add3A_740, %add3A_990 : vector<16xi32>
        %gather3A_992 = tpu.vector_load_idx %arg9[%add3A_737, %add3A_991] : memref<256x128xf32, #tpu.memory_space<vmem>>[vector<16xi32>, vector<16xi32>], vector<16xf32>,
        %add3A_993 = arith.constant 32 : i32
        %add3A_994 = vector.broadcast %add3A_993 : i32 to vector<16xi32>
        %add3A_995 = arith.addi %add3A_741, %add3A_994 : vector<16xi32>
        %gather3A_996 = tpu.vector_load_idx %arg9[%add3A_737, %add3A_995] : memref<256x128xf32, #tpu.memory_space<vmem>>[vector<16xi32>, vector<16xi32>], vector<16xf32>,
        %add3A_997 = arith.constant 32 : i32
        %add3A_998 = vector.broadcast %add3A_997 : i32 to vector<16xi32>
        %add3A_999 = arith.addi %add3A_742, %add3A_998 : vector<16xi32>
        %gather3A_1000 = tpu.vector_load_idx %arg9[%add3A_737, %add3A_999] : memref<256x128xf32, #tpu.memory_space<vmem>>[vector<16xi32>, vector<16xi32>], vector<16xf32>,
        %add3A_1001 = arith.constant 32 : i32
        %add3A_1002 = vector.broadcast %add3A_1001 : i32 to vector<16xi32>
        %add3A_1003 = arith.addi %add3A_743, %add3A_1002 : vector<16xi32>
        %gather3A_1004 = tpu.vector_load_idx %arg9[%add3A_737, %add3A_1003] : memref<256x128xf32, #tpu.memory_space<vmem>>[vector<16xi32>, vector<16xi32>], vector<16xf32>,
        %add3A_1005 = arith.constant 32 : i32
        %add3A_1006 = vector.broadcast %add3A_1005 : i32 to vector<16xi32>
        %add3A_1007 = arith.addi %add3A_744, %add3A_1006 : vector<16xi32>
        %gather3A_1008 = tpu.vector_load_idx %arg9[%add3A_737, %add3A_1007] : memref<256x128xf32, #tpu.memory_space<vmem>>[vector<16xi32>, vector<16xi32>], vector<16xf32>,
        %add3A_1009 = arith.constant 32 : i32
        %add3A_1010 = vector.broadcast %add3A_1009 : i32 to vector<16xi32>
        %add3A_1011 = arith.addi %add3A_745, %add3A_1010 : vector<16xi32>
        %gather3A_1012 = tpu.vector_load_idx %arg9[%add3A_737, %add3A_1011] : memref<256x128xf32, #tpu.memory_space<vmem>>[vector<16xi32>, vector<16xi32>], vector<16xf32>,
        %add3A_1013 = arith.constant 32 : i32
        %add3A_1014 = vector.broadcast %add3A_1013 : i32 to vector<16xi32>
        %add3A_1015 = arith.addi %add3A_746, %add3A_1014 : vector<16xi32>
        %gather3A_1016 = tpu.vector_load_idx %arg9[%add3A_737, %add3A_1015] : memref<256x128xf32, #tpu.memory_space<vmem>>[vector<16xi32>, vector<16xi32>], vector<16xf32>,
        %add3A_1017 = arith.constant 32 : i32
        %add3A_1018 = vector.broadcast %add3A_1017 : i32 to vector<16xi32>
        %add3A_1019 = arith.addi %add3A_747, %add3A_1018 : vector<16xi32>
        %gather3A_1020 = tpu.vector_load_idx %arg9[%add3A_737, %add3A_1019] : memref<256x128xf32, #tpu.memory_space<vmem>>[vector<16xi32>, vector<16xi32>], vector<16xf32>,
        %add3A_1021 = arith.constant 32 : i32
        %add3A_1022 = vector.broadcast %add3A_1021 : i32 to vector<16xi32>
        %add3A_1023 = arith.addi %add3A_748, %add3A_1022 : vector<16xi32>
        %gather3A_1024 = tpu.vector_load_idx %arg9[%add3A_737, %add3A_1023] : memref<256x128xf32, #tpu.memory_space<vmem>>[vector<16xi32>, vector<16xi32>], vector<16xf32>,
        %add3A_1025 = arith.constant 32 : i32
        %add3A_1026 = vector.broadcast %add3A_1025 : i32 to vector<16xi32>
        %add3A_1027 = arith.addi %add3A_749, %add3A_1026 : vector<16xi32>
        %gather3A_1028 = tpu.vector_load_idx %arg9[%add3A_737, %add3A_1027] : memref<256x128xf32, #tpu.memory_space<vmem>>[vector<16xi32>, vector<16xi32>], vector<16xf32>,
        %add3A_1029 = arith.constant 32 : i32
        %add3A_1030 = vector.broadcast %add3A_1029 : i32 to vector<16xi32>
        %add3A_1031 = arith.addi %add3A_750, %add3A_1030 : vector<16xi32>
        %gather3A_1032 = tpu.vector_load_idx %arg9[%add3A_737, %add3A_1031] : memref<256x128xf32, #tpu.memory_space<vmem>>[vector<16xi32>, vector<16xi32>], vector<16xf32>,
        %add3A_1033 = arith.constant 32 : i32
        %add3A_1034 = vector.broadcast %add3A_1033 : i32 to vector<16xi32>
        %add3A_1035 = arith.addi %add3A_751, %add3A_1034 : vector<16xi32>
        %gather3A_1036 = tpu.vector_load_idx %arg9[%add3A_737, %add3A_1035] : memref<256x128xf32, #tpu.memory_space<vmem>>[vector<16xi32>, vector<16xi32>], vector<16xf32>,
        %add3A_1037 = arith.constant 32 : i32
        %add3A_1038 = vector.broadcast %add3A_1037 : i32 to vector<16xi32>
        %add3A_1039 = arith.addi %add3A_752, %add3A_1038 : vector<16xi32>
        %gather3A_1040 = tpu.vector_load_idx %arg9[%add3A_737, %add3A_1039] : memref<256x128xf32, #tpu.memory_space<vmem>>[vector<16xi32>, vector<16xi32>], vector<16xf32>,
        %add3A_1041 = arith.constant 32 : i32
        %add3A_1042 = vector.broadcast %add3A_1041 : i32 to vector<16xi32>
        %add3A_1043 = arith.addi %add3A_753, %add3A_1042 : vector<16xi32>
        %gather3A_1044 = tpu.vector_load_idx %arg9[%add3A_737, %add3A_1043] : memref<256x128xf32, #tpu.memory_space<vmem>>[vector<16xi32>, vector<16xi32>], vector<16xf32>,
        %add3A_1045 = arith.constant 32 : i32
        %add3A_1046 = vector.broadcast %add3A_1045 : i32 to vector<16xi32>
        %add3A_1047 = arith.addi %and3A_7, %add3A_1046 : vector<16xi32>
        tpu.vector_store_idx %arg11[%add3A_1047, %add3A_757], %gather3A_984 : memref<64x256xf32, #tpu.memory_space<vmem>>[vector<16xi32>, vector<16xi32>], vector<16xf32>,
        %add3A_1048 = arith.constant 32 : i32
        %add3A_1049 = vector.broadcast %add3A_1048 : i32 to vector<16xi32>
        %add3A_1050 = arith.addi %and3A_13, %add3A_1049 : vector<16xi32>
        tpu.vector_store_idx %arg11[%add3A_1050, %add3A_757], %gather3A_988 : memref<64x256xf32, #tpu.memory_space<vmem>>[vector<16xi32>, vector<16xi32>], vector<16xf32>,
        %add3A_1051 = arith.constant 32 : i32
        %add3A_1052 = vector.broadcast %add3A_1051 : i32 to vector<16xi32>
        %add3A_1053 = arith.addi %and3A_19, %add3A_1052 : vector<16xi32>
        tpu.vector_store_idx %arg11[%add3A_1053, %add3A_757], %gather3A_992 : memref<64x256xf32, #tpu.memory_space<vmem>>[vector<16xi32>, vector<16xi32>], vector<16xf32>,
        %add3A_1054 = arith.constant 32 : i32
        %add3A_1055 = vector.broadcast %add3A_1054 : i32 to vector<16xi32>
        %add3A_1056 = arith.addi %and3A_25, %add3A_1055 : vector<16xi32>
        tpu.vector_store_idx %arg11[%add3A_1056, %add3A_757], %gather3A_996 : memref<64x256xf32, #tpu.memory_space<vmem>>[vector<16xi32>, vector<16xi32>], vector<16xf32>,
        %add3A_1057 = arith.constant 32 : i32
        %add3A_1058 = vector.broadcast %add3A_1057 : i32 to vector<16xi32>
        %add3A_1059 = arith.addi %and3A_31, %add3A_1058 : vector<16xi32>
        tpu.vector_store_idx %arg11[%add3A_1059, %add3A_757], %gather3A_1000 : memref<64x256xf32, #tpu.memory_space<vmem>>[vector<16xi32>, vector<16xi32>], vector<16xf32>,
        %add3A_1060 = arith.constant 32 : i32
        %add3A_1061 = vector.broadcast %add3A_1060 : i32 to vector<16xi32>
        %add3A_1062 = arith.addi %and3A_37, %add3A_1061 : vector<16xi32>
        tpu.vector_store_idx %arg11[%add3A_1062, %add3A_757], %gather3A_1004 : memref<64x256xf32, #tpu.memory_space<vmem>>[vector<16xi32>, vector<16xi32>], vector<16xf32>,
        %add3A_1063 = arith.constant 32 : i32
        %add3A_1064 = vector.broadcast %add3A_1063 : i32 to vector<16xi32>
        %add3A_1065 = arith.addi %and3A_43, %add3A_1064 : vector<16xi32>
        tpu.vector_store_idx %arg11[%add3A_1065, %add3A_757], %gather3A_1008 : memref<64x256xf32, #tpu.memory_space<vmem>>[vector<16xi32>, vector<16xi32>], vector<16xf32>,
        %add3A_1066 = arith.constant 32 : i32
        %add3A_1067 = vector.broadcast %add3A_1066 : i32 to vector<16xi32>
        %add3A_1068 = arith.addi %and3A_49, %add3A_1067 : vector<16xi32>
        tpu.vector_store_idx %arg11[%add3A_1068, %add3A_757], %gather3A_1012 : memref<64x256xf32, #tpu.memory_space<vmem>>[vector<16xi32>, vector<16xi32>], vector<16xf32>,
        %add3A_1069 = arith.constant 32 : i32
        %add3A_1070 = vector.broadcast %add3A_1069 : i32 to vector<16xi32>
        %add3A_1071 = arith.addi %and3A_55, %add3A_1070 : vector<16xi32>
        tpu.vector_store_idx %arg11[%add3A_1071, %add3A_757], %gather3A_1016 : memref<64x256xf32, #tpu.memory_space<vmem>>[vector<16xi32>, vector<16xi32>], vector<16xf32>,
        %add3A_1072 = arith.constant 32 : i32
        %add3A_1073 = vector.broadcast %add3A_1072 : i32 to vector<16xi32>
        %add3A_1074 = arith.addi %and3A_61, %add3A_1073 : vector<16xi32>
        tpu.vector_store_idx %arg11[%add3A_1074, %add3A_757], %gather3A_1020 : memref<64x256xf32, #tpu.memory_space<vmem>>[vector<16xi32>, vector<16xi32>], vector<16xf32>,
        %add3A_1075 = arith.constant 32 : i32
        %add3A_1076 = vector.broadcast %add3A_1075 : i32 to vector<16xi32>
        %add3A_1077 = arith.addi %and3A_67, %add3A_1076 : vector<16xi32>
        tpu.vector_store_idx %arg11[%add3A_1077, %add3A_757], %gather3A_1024 : memref<64x256xf32, #tpu.memory_space<vmem>>[vector<16xi32>, vector<16xi32>], vector<16xf32>,
        %add3A_1078 = arith.constant 32 : i32
        %add3A_1079 = vector.broadcast %add3A_1078 : i32 to vector<16xi32>
        %add3A_1080 = arith.addi %and3A_73, %add3A_1079 : vector<16xi32>
        tpu.vector_store_idx %arg11[%add3A_1080, %add3A_757], %gather3A_1028 : memref<64x256xf32, #tpu.memory_space<vmem>>[vector<16xi32>, vector<16xi32>], vector<16xf32>,
        %add3A_1081 = arith.constant 32 : i32
        %add3A_1082 = vector.broadcast %add3A_1081 : i32 to vector<16xi32>
        %add3A_1083 = arith.addi %and3A_79, %add3A_1082 : vector<16xi32>
        tpu.vector_store_idx %arg11[%add3A_1083, %add3A_757], %gather3A_1032 : memref<64x256xf32, #tpu.memory_space<vmem>>[vector<16xi32>, vector<16xi32>], vector<16xf32>,
        %add3A_1084 = arith.constant 32 : i32
        %add3A_1085 = vector.broadcast %add3A_1084 : i32 to vector<16xi32>
        %add3A_1086 = arith.addi %and3A_85, %add3A_1085 : vector<16xi32>
        tpu.vector_store_idx %arg11[%add3A_1086, %add3A_757], %gather3A_1036 : memref<64x256xf32, #tpu.memory_space<vmem>>[vector<16xi32>, vector<16xi32>], vector<16xf32>,
        %add3A_1087 = arith.constant 32 : i32
        %add3A_1088 = vector.broadcast %add3A_1087 : i32 to vector<16xi32>
        %add3A_1089 = arith.addi %and3A_91, %add3A_1088 : vector<16xi32>
        tpu.vector_store_idx %arg11[%add3A_1089, %add3A_757], %gather3A_1040 : memref<64x256xf32, #tpu.memory_space<vmem>>[vector<16xi32>, vector<16xi32>], vector<16xf32>,
        %add3A_1090 = arith.constant 32 : i32
        %add3A_1091 = vector.broadcast %add3A_1090 : i32 to vector<16xi32>
        %add3A_1092 = arith.addi %and3A_97, %add3A_1091 : vector<16xi32>
        tpu.vector_store_idx %arg11[%add3A_1092, %add3A_757], %gather3A_1044 : memref<64x256xf32, #tpu.memory_space<vmem>>[vector<16xi32>, vector<16xi32>], vector<16xf32>,
        %add3A_1093 = arith.constant 48 : i32
        %add3A_1094 = vector.broadcast %add3A_1093 : i32 to vector<16xi32>
        %add3A_1095 = arith.addi %add3A_738, %add3A_1094 : vector<16xi32>
        %gather3A_1096 = tpu.vector_load_idx %arg9[%add3A_737, %add3A_1095] : memref<256x128xf32, #tpu.memory_space<vmem>>[vector<16xi32>, vector<16xi32>], vector<16xf32>,
        %add3A_1097 = arith.constant 48 : i32
        %add3A_1098 = vector.broadcast %add3A_1097 : i32 to vector<16xi32>
        %add3A_1099 = arith.addi %add3A_739, %add3A_1098 : vector<16xi32>
        %gather3A_1100 = tpu.vector_load_idx %arg9[%add3A_737, %add3A_1099] : memref<256x128xf32, #tpu.memory_space<vmem>>[vector<16xi32>, vector<16xi32>], vector<16xf32>,
        %add3A_1101 = arith.constant 48 : i32
        %add3A_1102 = vector.broadcast %add3A_1101 : i32 to vector<16xi32>
        %add3A_1103 = arith.addi %add3A_740, %add3A_1102 : vector<16xi32>
        %gather3A_1104 = tpu.vector_load_idx %arg9[%add3A_737, %add3A_1103] : memref<256x128xf32, #tpu.memory_space<vmem>>[vector<16xi32>, vector<16xi32>], vector<16xf32>,
        %add3A_1105 = arith.constant 48 : i32
        %add3A_1106 = vector.broadcast %add3A_1105 : i32 to vector<16xi32>
        %add3A_1107 = arith.addi %add3A_741, %add3A_1106 : vector<16xi32>
        %gather3A_1108 = tpu.vector_load_idx %arg9[%add3A_737, %add3A_1107] : memref<256x128xf32, #tpu.memory_space<vmem>>[vector<16xi32>, vector<16xi32>], vector<16xf32>,
        %add3A_1109 = arith.constant 48 : i32
        %add3A_1110 = vector.broadcast %add3A_1109 : i32 to vector<16xi32>
        %add3A_1111 = arith.addi %add3A_742, %add3A_1110 : vector<16xi32>
        %gather3A_1112 = tpu.vector_load_idx %arg9[%add3A_737, %add3A_1111] : memref<256x128xf32, #tpu.memory_space<vmem>>[vector<16xi32>, vector<16xi32>], vector<16xf32>,
        %add3A_1113 = arith.constant 48 : i32
        %add3A_1114 = vector.broadcast %add3A_1113 : i32 to vector<16xi32>
        %add3A_1115 = arith.addi %add3A_743, %add3A_1114 : vector<16xi32>
        %gather3A_1116 = tpu.vector_load_idx %arg9[%add3A_737, %add3A_1115] : memref<256x128xf32, #tpu.memory_space<vmem>>[vector<16xi32>, vector<16xi32>], vector<16xf32>,
        %add3A_1117 = arith.constant 48 : i32
        %add3A_1118 = vector.broadcast %add3A_1117 : i32 to vector<16xi32>
        %add3A_1119 = arith.addi %add3A_744, %add3A_1118 : vector<16xi32>
        %gather3A_1120 = tpu.vector_load_idx %arg9[%add3A_737, %add3A_1119] : memref<256x128xf32, #tpu.memory_space<vmem>>[vector<16xi32>, vector<16xi32>], vector<16xf32>,
        %add3A_1121 = arith.constant 48 : i32
        %add3A_1122 = vector.broadcast %add3A_1121 : i32 to vector<16xi32>
        %add3A_1123 = arith.addi %add3A_745, %add3A_1122 : vector<16xi32>
        %gather3A_1124 = tpu.vector_load_idx %arg9[%add3A_737, %add3A_1123] : memref<256x128xf32, #tpu.memory_space<vmem>>[vector<16xi32>, vector<16xi32>], vector<16xf32>,
        %add3A_1125 = arith.constant 48 : i32
        %add3A_1126 = vector.broadcast %add3A_1125 : i32 to vector<16xi32>
        %add3A_1127 = arith.addi %add3A_746, %add3A_1126 : vector<16xi32>
        %gather3A_1128 = tpu.vector_load_idx %arg9[%add3A_737, %add3A_1127] : memref<256x128xf32, #tpu.memory_space<vmem>>[vector<16xi32>, vector<16xi32>], vector<16xf32>,
        %add3A_1129 = arith.constant 48 : i32
        %add3A_1130 = vector.broadcast %add3A_1129 : i32 to vector<16xi32>
        %add3A_1131 = arith.addi %add3A_747, %add3A_1130 : vector<16xi32>
        %gather3A_1132 = tpu.vector_load_idx %arg9[%add3A_737, %add3A_1131] : memref<256x128xf32, #tpu.memory_space<vmem>>[vector<16xi32>, vector<16xi32>], vector<16xf32>,
        %add3A_1133 = arith.constant 48 : i32
        %add3A_1134 = vector.broadcast %add3A_1133 : i32 to vector<16xi32>
        %add3A_1135 = arith.addi %add3A_748, %add3A_1134 : vector<16xi32>
        %gather3A_1136 = tpu.vector_load_idx %arg9[%add3A_737, %add3A_1135] : memref<256x128xf32, #tpu.memory_space<vmem>>[vector<16xi32>, vector<16xi32>], vector<16xf32>,
        %add3A_1137 = arith.constant 48 : i32
        %add3A_1138 = vector.broadcast %add3A_1137 : i32 to vector<16xi32>
        %add3A_1139 = arith.addi %add3A_749, %add3A_1138 : vector<16xi32>
        %gather3A_1140 = tpu.vector_load_idx %arg9[%add3A_737, %add3A_1139] : memref<256x128xf32, #tpu.memory_space<vmem>>[vector<16xi32>, vector<16xi32>], vector<16xf32>,
        %add3A_1141 = arith.constant 48 : i32
        %add3A_1142 = vector.broadcast %add3A_1141 : i32 to vector<16xi32>
        %add3A_1143 = arith.addi %add3A_750, %add3A_1142 : vector<16xi32>
        %gather3A_1144 = tpu.vector_load_idx %arg9[%add3A_737, %add3A_1143] : memref<256x128xf32, #tpu.memory_space<vmem>>[vector<16xi32>, vector<16xi32>], vector<16xf32>,
        %add3A_1145 = arith.constant 48 : i32
        %add3A_1146 = vector.broadcast %add3A_1145 : i32 to vector<16xi32>
        %add3A_1147 = arith.addi %add3A_751, %add3A_1146 : vector<16xi32>
        %gather3A_1148 = tpu.vector_load_idx %arg9[%add3A_737, %add3A_1147] : memref<256x128xf32, #tpu.memory_space<vmem>>[vector<16xi32>, vector<16xi32>], vector<16xf32>,
        %add3A_1149 = arith.constant 48 : i32
        %add3A_1150 = vector.broadcast %add3A_1149 : i32 to vector<16xi32>
        %add3A_1151 = arith.addi %add3A_752, %add3A_1150 : vector<16xi32>
        %gather3A_1152 = tpu.vector_load_idx %arg9[%add3A_737, %add3A_1151] : memref<256x128xf32, #tpu.memory_space<vmem>>[vector<16xi32>, vector<16xi32>], vector<16xf32>,
        %add3A_1153 = arith.constant 48 : i32
        %add3A_1154 = vector.broadcast %add3A_1153 : i32 to vector<16xi32>
        %add3A_1155 = arith.addi %add3A_753, %add3A_1154 : vector<16xi32>
        %gather3A_1156 = tpu.vector_load_idx %arg9[%add3A_737, %add3A_1155] : memref<256x128xf32, #tpu.memory_space<vmem>>[vector<16xi32>, vector<16xi32>], vector<16xf32>,
        %add3A_1157 = arith.constant 48 : i32
        %add3A_1158 = vector.broadcast %add3A_1157 : i32 to vector<16xi32>
        %add3A_1159 = arith.addi %and3A_7, %add3A_1158 : vector<16xi32>
        tpu.vector_store_idx %arg11[%add3A_1159, %add3A_757], %gather3A_1096 : memref<64x256xf32, #tpu.memory_space<vmem>>[vector<16xi32>, vector<16xi32>], vector<16xf32>,
        %add3A_1160 = arith.constant 48 : i32
        %add3A_1161 = vector.broadcast %add3A_1160 : i32 to vector<16xi32>
        %add3A_1162 = arith.addi %and3A_13, %add3A_1161 : vector<16xi32>
        tpu.vector_store_idx %arg11[%add3A_1162, %add3A_757], %gather3A_1100 : memref<64x256xf32, #tpu.memory_space<vmem>>[vector<16xi32>, vector<16xi32>], vector<16xf32>,
        %add3A_1163 = arith.constant 48 : i32
        %add3A_1164 = vector.broadcast %add3A_1163 : i32 to vector<16xi32>
        %add3A_1165 = arith.addi %and3A_19, %add3A_1164 : vector<16xi32>
        tpu.vector_store_idx %arg11[%add3A_1165, %add3A_757], %gather3A_1104 : memref<64x256xf32, #tpu.memory_space<vmem>>[vector<16xi32>, vector<16xi32>], vector<16xf32>,
        %add3A_1166 = arith.constant 48 : i32
        %add3A_1167 = vector.broadcast %add3A_1166 : i32 to vector<16xi32>
        %add3A_1168 = arith.addi %and3A_25, %add3A_1167 : vector<16xi32>
        tpu.vector_store_idx %arg11[%add3A_1168, %add3A_757], %gather3A_1108 : memref<64x256xf32, #tpu.memory_space<vmem>>[vector<16xi32>, vector<16xi32>], vector<16xf32>,
        %add3A_1169 = arith.constant 48 : i32
        %add3A_1170 = vector.broadcast %add3A_1169 : i32 to vector<16xi32>
        %add3A_1171 = arith.addi %and3A_31, %add3A_1170 : vector<16xi32>
        tpu.vector_store_idx %arg11[%add3A_1171, %add3A_757], %gather3A_1112 : memref<64x256xf32, #tpu.memory_space<vmem>>[vector<16xi32>, vector<16xi32>], vector<16xf32>,
        %add3A_1172 = arith.constant 48 : i32
        %add3A_1173 = vector.broadcast %add3A_1172 : i32 to vector<16xi32>
        %add3A_1174 = arith.addi %and3A_37, %add3A_1173 : vector<16xi32>
        tpu.vector_store_idx %arg11[%add3A_1174, %add3A_757], %gather3A_1116 : memref<64x256xf32, #tpu.memory_space<vmem>>[vector<16xi32>, vector<16xi32>], vector<16xf32>,
        %add3A_1175 = arith.constant 48 : i32
        %add3A_1176 = vector.broadcast %add3A_1175 : i32 to vector<16xi32>
        %add3A_1177 = arith.addi %and3A_43, %add3A_1176 : vector<16xi32>
        tpu.vector_store_idx %arg11[%add3A_1177, %add3A_757], %gather3A_1120 : memref<64x256xf32, #tpu.memory_space<vmem>>[vector<16xi32>, vector<16xi32>], vector<16xf32>,
        %add3A_1178 = arith.constant 48 : i32
        %add3A_1179 = vector.broadcast %add3A_1178 : i32 to vector<16xi32>
        %add3A_1180 = arith.addi %and3A_49, %add3A_1179 : vector<16xi32>
        tpu.vector_store_idx %arg11[%add3A_1180, %add3A_757], %gather3A_1124 : memref<64x256xf32, #tpu.memory_space<vmem>>[vector<16xi32>, vector<16xi32>], vector<16xf32>,
        %add3A_1181 = arith.constant 48 : i32
        %add3A_1182 = vector.broadcast %add3A_1181 : i32 to vector<16xi32>
        %add3A_1183 = arith.addi %and3A_55, %add3A_1182 : vector<16xi32>
        tpu.vector_store_idx %arg11[%add3A_1183, %add3A_757], %gather3A_1128 : memref<64x256xf32, #tpu.memory_space<vmem>>[vector<16xi32>, vector<16xi32>], vector<16xf32>,
        %add3A_1184 = arith.constant 48 : i32
        %add3A_1185 = vector.broadcast %add3A_1184 : i32 to vector<16xi32>
        %add3A_1186 = arith.addi %and3A_61, %add3A_1185 : vector<16xi32>
        tpu.vector_store_idx %arg11[%add3A_1186, %add3A_757], %gather3A_1132 : memref<64x256xf32, #tpu.memory_space<vmem>>[vector<16xi32>, vector<16xi32>], vector<16xf32>,
        %add3A_1187 = arith.constant 48 : i32
        %add3A_1188 = vector.broadcast %add3A_1187 : i32 to vector<16xi32>
        %add3A_1189 = arith.addi %and3A_67, %add3A_1188 : vector<16xi32>
        tpu.vector_store_idx %arg11[%add3A_1189, %add3A_757], %gather3A_1136 : memref<64x256xf32, #tpu.memory_space<vmem>>[vector<16xi32>, vector<16xi32>], vector<16xf32>,
        %add3A_1190 = arith.constant 48 : i32
        %add3A_1191 = vector.broadcast %add3A_1190 : i32 to vector<16xi32>
        %add3A_1192 = arith.addi %and3A_73, %add3A_1191 : vector<16xi32>
        tpu.vector_store_idx %arg11[%add3A_1192, %add3A_757], %gather3A_1140 : memref<64x256xf32, #tpu.memory_space<vmem>>[vector<16xi32>, vector<16xi32>], vector<16xf32>,
        %add3A_1193 = arith.constant 48 : i32
        %add3A_1194 = vector.broadcast %add3A_1193 : i32 to vector<16xi32>
        %add3A_1195 = arith.addi %and3A_79, %add3A_1194 : vector<16xi32>
        tpu.vector_store_idx %arg11[%add3A_1195, %add3A_757], %gather3A_1144 : memref<64x256xf32, #tpu.memory_space<vmem>>[vector<16xi32>, vector<16xi32>], vector<16xf32>,
        %add3A_1196 = arith.constant 48 : i32
        %add3A_1197 = vector.broadcast %add3A_1196 : i32 to vector<16xi32>
        %add3A_1198 = arith.addi %and3A_85, %add3A_1197 : vector<16xi32>
        tpu.vector_store_idx %arg11[%add3A_1198, %add3A_757], %gather3A_1148 : memref<64x256xf32, #tpu.memory_space<vmem>>[vector<16xi32>, vector<16xi32>], vector<16xf32>,
        %add3A_1199 = arith.constant 48 : i32
        %add3A_1200 = vector.broadcast %add3A_1199 : i32 to vector<16xi32>
        %add3A_1201 = arith.addi %and3A_91, %add3A_1200 : vector<16xi32>
        tpu.vector_store_idx %arg11[%add3A_1201, %add3A_757], %gather3A_1152 : memref<64x256xf32, #tpu.memory_space<vmem>>[vector<16xi32>, vector<16xi32>], vector<16xf32>,
        %add3A_1202 = arith.constant 48 : i32
        %add3A_1203 = vector.broadcast %add3A_1202 : i32 to vector<16xi32>
        %add3A_1204 = arith.addi %and3A_97, %add3A_1203 : vector<16xi32>
        tpu.vector_store_idx %arg11[%add3A_1204, %add3A_757], %gather3A_1156 : memref<64x256xf32, #tpu.memory_space<vmem>>[vector<16xi32>, vector<16xi32>], vector<16xf32>,
        %mul3A_1205 = arith.constant 2 : i32
        %mul3A_1206 = arith.muli %scan3A_716, %mul3A_1205 : i32
        %add3A_1207 = arith.constant 1 : i32
        %add3A_1208 = arith.addi %mul3A_1206, %add3A_1207 : i32
        %mul3A_1209 = arith.constant 256 : i32
        %mul3A_1210 = arith.muli %mul3A_243, %mul3A_1209 : i32
        %mul3A_1211 = arith.constant 16 : i32
        %mul3A_1212 = arith.muli %add3A_1208, %mul3A_1211 : i32
        %add3A_1213 = arith.addi %mul3A_1210, %mul3A_1212 : i32
        %get3A_1214 = arith.index_cast %add3A_1213 : i32 to index
        %get3A_1215 = tpu.vector_load %arg6[%get3A_1214] {strides = array<i32>} : memref<13312xi32, #tpu.memory_space<vmem>>, vector<16xi32>,
        %and3A_1216 = arith.constant 1 : i32
        %and3A_1217 = vector.broadcast %and3A_1216 : i32 to vector<16xi32>
        %and3A_1218 = arith.andi %get3A_1215, %and3A_1217 : vector<16xi32>
        %mul3A_1219 = arith.constant 64 : i32
        %mul3A_1220 = vector.broadcast %mul3A_1219 : i32 to vector<16xi32>
        %mul3A_1221 = arith.muli %and3A_1218, %mul3A_1220 : vector<16xi32>
        %mul3A_1222 = arith.constant 16 : i32
        %mul3A_1223 = arith.muli %add3A_1208, %mul3A_1222 : i32
        %add3A_1224 = vector.broadcast %mul3A_1223 : i32 to vector<16xi32>
        %add3A_1225 = arith.addi %add3A_1224, %iota3A : vector<16xi32>
        %add3A_1226 = arith.addi %mul3A_1221, %and3A_7 : vector<16xi32>
        %add3A_1227 = arith.addi %mul3A_1221, %and3A_13 : vector<16xi32>
        %add3A_1228 = arith.addi %mul3A_1221, %and3A_19 : vector<16xi32>
        %add3A_1229 = arith.addi %mul3A_1221, %and3A_25 : vector<16xi32>
        %add3A_1230 = arith.addi %mul3A_1221, %and3A_31 : vector<16xi32>
        %add3A_1231 = arith.addi %mul3A_1221, %and3A_37 : vector<16xi32>
        %add3A_1232 = arith.addi %mul3A_1221, %and3A_43 : vector<16xi32>
        %add3A_1233 = arith.addi %mul3A_1221, %and3A_49 : vector<16xi32>
        %add3A_1234 = arith.addi %mul3A_1221, %and3A_55 : vector<16xi32>
        %add3A_1235 = arith.addi %mul3A_1221, %and3A_61 : vector<16xi32>
        %add3A_1236 = arith.addi %mul3A_1221, %and3A_67 : vector<16xi32>
        %add3A_1237 = arith.addi %mul3A_1221, %and3A_73 : vector<16xi32>
        %add3A_1238 = arith.addi %mul3A_1221, %and3A_79 : vector<16xi32>
        %add3A_1239 = arith.addi %mul3A_1221, %and3A_85 : vector<16xi32>
        %add3A_1240 = arith.addi %mul3A_1221, %and3A_91 : vector<16xi32>
        %add3A_1241 = arith.addi %mul3A_1221, %and3A_97 : vector<16xi32>
        %mul3A_1242 = arith.constant 16 : i32
        %mul3A_1243 = arith.muli %add3A_1208, %mul3A_1242 : i32
        %add3A_1244 = vector.broadcast %mul3A_1243 : i32 to vector<16xi32>
        %add3A_1245 = arith.addi %add3A_1244, %iota3A : vector<16xi32>
        %add3A_1246 = arith.constant 0 : i32
        %add3A_1247 = vector.broadcast %add3A_1246 : i32 to vector<16xi32>
        %add3A_1248 = arith.addi %add3A_1226, %add3A_1247 : vector<16xi32>
        %gather3A_1249 = tpu.vector_load_idx %arg9[%add3A_1225, %add3A_1248] : memref<256x128xf32, #tpu.memory_space<vmem>>[vector<16xi32>, vector<16xi32>], vector<16xf32>,
        %add3A_1250 = arith.constant 0 : i32
        %add3A_1251 = vector.broadcast %add3A_1250 : i32 to vector<16xi32>
        %add3A_1252 = arith.addi %add3A_1227, %add3A_1251 : vector<16xi32>
        %gather3A_1253 = tpu.vector_load_idx %arg9[%add3A_1225, %add3A_1252] : memref<256x128xf32, #tpu.memory_space<vmem>>[vector<16xi32>, vector<16xi32>], vector<16xf32>,
        %add3A_1254 = arith.constant 0 : i32
        %add3A_1255 = vector.broadcast %add3A_1254 : i32 to vector<16xi32>
        %add3A_1256 = arith.addi %add3A_1228, %add3A_1255 : vector<16xi32>
        %gather3A_1257 = tpu.vector_load_idx %arg9[%add3A_1225, %add3A_1256] : memref<256x128xf32, #tpu.memory_space<vmem>>[vector<16xi32>, vector<16xi32>], vector<16xf32>,
        %add3A_1258 = arith.constant 0 : i32
        %add3A_1259 = vector.broadcast %add3A_1258 : i32 to vector<16xi32>
        %add3A_1260 = arith.addi %add3A_1229, %add3A_1259 : vector<16xi32>
        %gather3A_1261 = tpu.vector_load_idx %arg9[%add3A_1225, %add3A_1260] : memref<256x128xf32, #tpu.memory_space<vmem>>[vector<16xi32>, vector<16xi32>], vector<16xf32>,
        %add3A_1262 = arith.constant 0 : i32
        %add3A_1263 = vector.broadcast %add3A_1262 : i32 to vector<16xi32>
        %add3A_1264 = arith.addi %add3A_1230, %add3A_1263 : vector<16xi32>
        %gather3A_1265 = tpu.vector_load_idx %arg9[%add3A_1225, %add3A_1264] : memref<256x128xf32, #tpu.memory_space<vmem>>[vector<16xi32>, vector<16xi32>], vector<16xf32>,
        %add3A_1266 = arith.constant 0 : i32
        %add3A_1267 = vector.broadcast %add3A_1266 : i32 to vector<16xi32>
        %add3A_1268 = arith.addi %add3A_1231, %add3A_1267 : vector<16xi32>
        %gather3A_1269 = tpu.vector_load_idx %arg9[%add3A_1225, %add3A_1268] : memref<256x128xf32, #tpu.memory_space<vmem>>[vector<16xi32>, vector<16xi32>], vector<16xf32>,
        %add3A_1270 = arith.constant 0 : i32
        %add3A_1271 = vector.broadcast %add3A_1270 : i32 to vector<16xi32>
        %add3A_1272 = arith.addi %add3A_1232, %add3A_1271 : vector<16xi32>
        %gather3A_1273 = tpu.vector_load_idx %arg9[%add3A_1225, %add3A_1272] : memref<256x128xf32, #tpu.memory_space<vmem>>[vector<16xi32>, vector<16xi32>], vector<16xf32>,
        %add3A_1274 = arith.constant 0 : i32
        %add3A_1275 = vector.broadcast %add3A_1274 : i32 to vector<16xi32>
        %add3A_1276 = arith.addi %add3A_1233, %add3A_1275 : vector<16xi32>
        %gather3A_1277 = tpu.vector_load_idx %arg9[%add3A_1225, %add3A_1276] : memref<256x128xf32, #tpu.memory_space<vmem>>[vector<16xi32>, vector<16xi32>], vector<16xf32>,
        %add3A_1278 = arith.constant 0 : i32
        %add3A_1279 = vector.broadcast %add3A_1278 : i32 to vector<16xi32>
        %add3A_1280 = arith.addi %add3A_1234, %add3A_1279 : vector<16xi32>
        %gather3A_1281 = tpu.vector_load_idx %arg9[%add3A_1225, %add3A_1280] : memref<256x128xf32, #tpu.memory_space<vmem>>[vector<16xi32>, vector<16xi32>], vector<16xf32>,
        %add3A_1282 = arith.constant 0 : i32
        %add3A_1283 = vector.broadcast %add3A_1282 : i32 to vector<16xi32>
        %add3A_1284 = arith.addi %add3A_1235, %add3A_1283 : vector<16xi32>
        %gather3A_1285 = tpu.vector_load_idx %arg9[%add3A_1225, %add3A_1284] : memref<256x128xf32, #tpu.memory_space<vmem>>[vector<16xi32>, vector<16xi32>], vector<16xf32>,
        %add3A_1286 = arith.constant 0 : i32
        %add3A_1287 = vector.broadcast %add3A_1286 : i32 to vector<16xi32>
        %add3A_1288 = arith.addi %add3A_1236, %add3A_1287 : vector<16xi32>
        %gather3A_1289 = tpu.vector_load_idx %arg9[%add3A_1225, %add3A_1288] : memref<256x128xf32, #tpu.memory_space<vmem>>[vector<16xi32>, vector<16xi32>], vector<16xf32>,
        %add3A_1290 = arith.constant 0 : i32
        %add3A_1291 = vector.broadcast %add3A_1290 : i32 to vector<16xi32>
        %add3A_1292 = arith.addi %add3A_1237, %add3A_1291 : vector<16xi32>
        %gather3A_1293 = tpu.vector_load_idx %arg9[%add3A_1225, %add3A_1292] : memref<256x128xf32, #tpu.memory_space<vmem>>[vector<16xi32>, vector<16xi32>], vector<16xf32>,
        %add3A_1294 = arith.constant 0 : i32
        %add3A_1295 = vector.broadcast %add3A_1294 : i32 to vector<16xi32>
        %add3A_1296 = arith.addi %add3A_1238, %add3A_1295 : vector<16xi32>
        %gather3A_1297 = tpu.vector_load_idx %arg9[%add3A_1225, %add3A_1296] : memref<256x128xf32, #tpu.memory_space<vmem>>[vector<16xi32>, vector<16xi32>], vector<16xf32>,
        %add3A_1298 = arith.constant 0 : i32
        %add3A_1299 = vector.broadcast %add3A_1298 : i32 to vector<16xi32>
        %add3A_1300 = arith.addi %add3A_1239, %add3A_1299 : vector<16xi32>
        %gather3A_1301 = tpu.vector_load_idx %arg9[%add3A_1225, %add3A_1300] : memref<256x128xf32, #tpu.memory_space<vmem>>[vector<16xi32>, vector<16xi32>], vector<16xf32>,
        %add3A_1302 = arith.constant 0 : i32
        %add3A_1303 = vector.broadcast %add3A_1302 : i32 to vector<16xi32>
        %add3A_1304 = arith.addi %add3A_1240, %add3A_1303 : vector<16xi32>
        %gather3A_1305 = tpu.vector_load_idx %arg9[%add3A_1225, %add3A_1304] : memref<256x128xf32, #tpu.memory_space<vmem>>[vector<16xi32>, vector<16xi32>], vector<16xf32>,
        %add3A_1306 = arith.constant 0 : i32
        %add3A_1307 = vector.broadcast %add3A_1306 : i32 to vector<16xi32>
        %add3A_1308 = arith.addi %add3A_1241, %add3A_1307 : vector<16xi32>
        %gather3A_1309 = tpu.vector_load_idx %arg9[%add3A_1225, %add3A_1308] : memref<256x128xf32, #tpu.memory_space<vmem>>[vector<16xi32>, vector<16xi32>], vector<16xf32>,
        %add3A_1310 = arith.constant 0 : i32
        %add3A_1311 = vector.broadcast %add3A_1310 : i32 to vector<16xi32>
        %add3A_1312 = arith.addi %and3A_7, %add3A_1311 : vector<16xi32>
        tpu.vector_store_idx %arg11[%add3A_1312, %add3A_1245], %gather3A_1249 : memref<64x256xf32, #tpu.memory_space<vmem>>[vector<16xi32>, vector<16xi32>], vector<16xf32>,
        %add3A_1313 = arith.constant 0 : i32
        %add3A_1314 = vector.broadcast %add3A_1313 : i32 to vector<16xi32>
        %add3A_1315 = arith.addi %and3A_13, %add3A_1314 : vector<16xi32>
        tpu.vector_store_idx %arg11[%add3A_1315, %add3A_1245], %gather3A_1253 : memref<64x256xf32, #tpu.memory_space<vmem>>[vector<16xi32>, vector<16xi32>], vector<16xf32>,
        %add3A_1316 = arith.constant 0 : i32
        %add3A_1317 = vector.broadcast %add3A_1316 : i32 to vector<16xi32>
        %add3A_1318 = arith.addi %and3A_19, %add3A_1317 : vector<16xi32>
        tpu.vector_store_idx %arg11[%add3A_1318, %add3A_1245], %gather3A_1257 : memref<64x256xf32, #tpu.memory_space<vmem>>[vector<16xi32>, vector<16xi32>], vector<16xf32>,
        %add3A_1319 = arith.constant 0 : i32
        %add3A_1320 = vector.broadcast %add3A_1319 : i32 to vector<16xi32>
        %add3A_1321 = arith.addi %and3A_25, %add3A_1320 : vector<16xi32>
        tpu.vector_store_idx %arg11[%add3A_1321, %add3A_1245], %gather3A_1261 : memref<64x256xf32, #tpu.memory_space<vmem>>[vector<16xi32>, vector<16xi32>], vector<16xf32>,
        %add3A_1322 = arith.constant 0 : i32
        %add3A_1323 = vector.broadcast %add3A_1322 : i32 to vector<16xi32>
        %add3A_1324 = arith.addi %and3A_31, %add3A_1323 : vector<16xi32>
        tpu.vector_store_idx %arg11[%add3A_1324, %add3A_1245], %gather3A_1265 : memref<64x256xf32, #tpu.memory_space<vmem>>[vector<16xi32>, vector<16xi32>], vector<16xf32>,
        %add3A_1325 = arith.constant 0 : i32
        %add3A_1326 = vector.broadcast %add3A_1325 : i32 to vector<16xi32>
        %add3A_1327 = arith.addi %and3A_37, %add3A_1326 : vector<16xi32>
        tpu.vector_store_idx %arg11[%add3A_1327, %add3A_1245], %gather3A_1269 : memref<64x256xf32, #tpu.memory_space<vmem>>[vector<16xi32>, vector<16xi32>], vector<16xf32>,
        %add3A_1328 = arith.constant 0 : i32
        %add3A_1329 = vector.broadcast %add3A_1328 : i32 to vector<16xi32>
        %add3A_1330 = arith.addi %and3A_43, %add3A_1329 : vector<16xi32>
        tpu.vector_store_idx %arg11[%add3A_1330, %add3A_1245], %gather3A_1273 : memref<64x256xf32, #tpu.memory_space<vmem>>[vector<16xi32>, vector<16xi32>], vector<16xf32>,
        %add3A_1331 = arith.constant 0 : i32
        %add3A_1332 = vector.broadcast %add3A_1331 : i32 to vector<16xi32>
        %add3A_1333 = arith.addi %and3A_49, %add3A_1332 : vector<16xi32>
        tpu.vector_store_idx %arg11[%add3A_1333, %add3A_1245], %gather3A_1277 : memref<64x256xf32, #tpu.memory_space<vmem>>[vector<16xi32>, vector<16xi32>], vector<16xf32>,
        %add3A_1334 = arith.constant 0 : i32
        %add3A_1335 = vector.broadcast %add3A_1334 : i32 to vector<16xi32>
        %add3A_1336 = arith.addi %and3A_55, %add3A_1335 : vector<16xi32>
        tpu.vector_store_idx %arg11[%add3A_1336, %add3A_1245], %gather3A_1281 : memref<64x256xf32, #tpu.memory_space<vmem>>[vector<16xi32>, vector<16xi32>], vector<16xf32>,
        %add3A_1337 = arith.constant 0 : i32
        %add3A_1338 = vector.broadcast %add3A_1337 : i32 to vector<16xi32>
        %add3A_1339 = arith.addi %and3A_61, %add3A_1338 : vector<16xi32>
        tpu.vector_store_idx %arg11[%add3A_1339, %add3A_1245], %gather3A_1285 : memref<64x256xf32, #tpu.memory_space<vmem>>[vector<16xi32>, vector<16xi32>], vector<16xf32>,
        %add3A_1340 = arith.constant 0 : i32
        %add3A_1341 = vector.broadcast %add3A_1340 : i32 to vector<16xi32>
        %add3A_1342 = arith.addi %and3A_67, %add3A_1341 : vector<16xi32>
        tpu.vector_store_idx %arg11[%add3A_1342, %add3A_1245], %gather3A_1289 : memref<64x256xf32, #tpu.memory_space<vmem>>[vector<16xi32>, vector<16xi32>], vector<16xf32>,
        %add3A_1343 = arith.constant 0 : i32
        %add3A_1344 = vector.broadcast %add3A_1343 : i32 to vector<16xi32>
        %add3A_1345 = arith.addi %and3A_73, %add3A_1344 : vector<16xi32>
        tpu.vector_store_idx %arg11[%add3A_1345, %add3A_1245], %gather3A_1293 : memref<64x256xf32, #tpu.memory_space<vmem>>[vector<16xi32>, vector<16xi32>], vector<16xf32>,
        %add3A_1346 = arith.constant 0 : i32
        %add3A_1347 = vector.broadcast %add3A_1346 : i32 to vector<16xi32>
        %add3A_1348 = arith.addi %and3A_79, %add3A_1347 : vector<16xi32>
        tpu.vector_store_idx %arg11[%add3A_1348, %add3A_1245], %gather3A_1297 : memref<64x256xf32, #tpu.memory_space<vmem>>[vector<16xi32>, vector<16xi32>], vector<16xf32>,
        %add3A_1349 = arith.constant 0 : i32
        %add3A_1350 = vector.broadcast %add3A_1349 : i32 to vector<16xi32>
        %add3A_1351 = arith.addi %and3A_85, %add3A_1350 : vector<16xi32>
        tpu.vector_store_idx %arg11[%add3A_1351, %add3A_1245], %gather3A_1301 : memref<64x256xf32, #tpu.memory_space<vmem>>[vector<16xi32>, vector<16xi32>], vector<16xf32>,
        %add3A_1352 = arith.constant 0 : i32
        %add3A_1353 = vector.broadcast %add3A_1352 : i32 to vector<16xi32>
        %add3A_1354 = arith.addi %and3A_91, %add3A_1353 : vector<16xi32>
        tpu.vector_store_idx %arg11[%add3A_1354, %add3A_1245], %gather3A_1305 : memref<64x256xf32, #tpu.memory_space<vmem>>[vector<16xi32>, vector<16xi32>], vector<16xf32>,
        %add3A_1355 = arith.constant 0 : i32
        %add3A_1356 = vector.broadcast %add3A_1355 : i32 to vector<16xi32>
        %add3A_1357 = arith.addi %and3A_97, %add3A_1356 : vector<16xi32>
        tpu.vector_store_idx %arg11[%add3A_1357, %add3A_1245], %gather3A_1309 : memref<64x256xf32, #tpu.memory_space<vmem>>[vector<16xi32>, vector<16xi32>], vector<16xf32>,
        %add3A_1358 = arith.constant 16 : i32
        %add3A_1359 = vector.broadcast %add3A_1358 : i32 to vector<16xi32>
        %add3A_1360 = arith.addi %add3A_1226, %add3A_1359 : vector<16xi32>
        %gather3A_1361 = tpu.vector_load_idx %arg9[%add3A_1225, %add3A_1360] : memref<256x128xf32, #tpu.memory_space<vmem>>[vector<16xi32>, vector<16xi32>], vector<16xf32>,
        %add3A_1362 = arith.constant 16 : i32
        %add3A_1363 = vector.broadcast %add3A_1362 : i32 to vector<16xi32>
        %add3A_1364 = arith.addi %add3A_1227, %add3A_1363 : vector<16xi32>
        %gather3A_1365 = tpu.vector_load_idx %arg9[%add3A_1225, %add3A_1364] : memref<256x128xf32, #tpu.memory_space<vmem>>[vector<16xi32>, vector<16xi32>], vector<16xf32>,
        %add3A_1366 = arith.constant 16 : i32
        %add3A_1367 = vector.broadcast %add3A_1366 : i32 to vector<16xi32>
        %add3A_1368 = arith.addi %add3A_1228, %add3A_1367 : vector<16xi32>
        %gather3A_1369 = tpu.vector_load_idx %arg9[%add3A_1225, %add3A_1368] : memref<256x128xf32, #tpu.memory_space<vmem>>[vector<16xi32>, vector<16xi32>], vector<16xf32>,
        %add3A_1370 = arith.constant 16 : i32
        %add3A_1371 = vector.broadcast %add3A_1370 : i32 to vector<16xi32>
        %add3A_1372 = arith.addi %add3A_1229, %add3A_1371 : vector<16xi32>
        %gather3A_1373 = tpu.vector_load_idx %arg9[%add3A_1225, %add3A_1372] : memref<256x128xf32, #tpu.memory_space<vmem>>[vector<16xi32>, vector<16xi32>], vector<16xf32>,
        %add3A_1374 = arith.constant 16 : i32
        %add3A_1375 = vector.broadcast %add3A_1374 : i32 to vector<16xi32>
        %add3A_1376 = arith.addi %add3A_1230, %add3A_1375 : vector<16xi32>
        %gather3A_1377 = tpu.vector_load_idx %arg9[%add3A_1225, %add3A_1376] : memref<256x128xf32, #tpu.memory_space<vmem>>[vector<16xi32>, vector<16xi32>], vector<16xf32>,
        %add3A_1378 = arith.constant 16 : i32
        %add3A_1379 = vector.broadcast %add3A_1378 : i32 to vector<16xi32>
        %add3A_1380 = arith.addi %add3A_1231, %add3A_1379 : vector<16xi32>
        %gather3A_1381 = tpu.vector_load_idx %arg9[%add3A_1225, %add3A_1380] : memref<256x128xf32, #tpu.memory_space<vmem>>[vector<16xi32>, vector<16xi32>], vector<16xf32>,
        %add3A_1382 = arith.constant 16 : i32
        %add3A_1383 = vector.broadcast %add3A_1382 : i32 to vector<16xi32>
        %add3A_1384 = arith.addi %add3A_1232, %add3A_1383 : vector<16xi32>
        %gather3A_1385 = tpu.vector_load_idx %arg9[%add3A_1225, %add3A_1384] : memref<256x128xf32, #tpu.memory_space<vmem>>[vector<16xi32>, vector<16xi32>], vector<16xf32>,
        %add3A_1386 = arith.constant 16 : i32
        %add3A_1387 = vector.broadcast %add3A_1386 : i32 to vector<16xi32>
        %add3A_1388 = arith.addi %add3A_1233, %add3A_1387 : vector<16xi32>
        %gather3A_1389 = tpu.vector_load_idx %arg9[%add3A_1225, %add3A_1388] : memref<256x128xf32, #tpu.memory_space<vmem>>[vector<16xi32>, vector<16xi32>], vector<16xf32>,
        %add3A_1390 = arith.constant 16 : i32
        %add3A_1391 = vector.broadcast %add3A_1390 : i32 to vector<16xi32>
        %add3A_1392 = arith.addi %add3A_1234, %add3A_1391 : vector<16xi32>
        %gather3A_1393 = tpu.vector_load_idx %arg9[%add3A_1225, %add3A_1392] : memref<256x128xf32, #tpu.memory_space<vmem>>[vector<16xi32>, vector<16xi32>], vector<16xf32>,
        %add3A_1394 = arith.constant 16 : i32
        %add3A_1395 = vector.broadcast %add3A_1394 : i32 to vector<16xi32>
        %add3A_1396 = arith.addi %add3A_1235, %add3A_1395 : vector<16xi32>
        %gather3A_1397 = tpu.vector_load_idx %arg9[%add3A_1225, %add3A_1396] : memref<256x128xf32, #tpu.memory_space<vmem>>[vector<16xi32>, vector<16xi32>], vector<16xf32>,
        %add3A_1398 = arith.constant 16 : i32
        %add3A_1399 = vector.broadcast %add3A_1398 : i32 to vector<16xi32>
        %add3A_1400 = arith.addi %add3A_1236, %add3A_1399 : vector<16xi32>
        %gather3A_1401 = tpu.vector_load_idx %arg9[%add3A_1225, %add3A_1400] : memref<256x128xf32, #tpu.memory_space<vmem>>[vector<16xi32>, vector<16xi32>], vector<16xf32>,
        %add3A_1402 = arith.constant 16 : i32
        %add3A_1403 = vector.broadcast %add3A_1402 : i32 to vector<16xi32>
        %add3A_1404 = arith.addi %add3A_1237, %add3A_1403 : vector<16xi32>
        %gather3A_1405 = tpu.vector_load_idx %arg9[%add3A_1225, %add3A_1404] : memref<256x128xf32, #tpu.memory_space<vmem>>[vector<16xi32>, vector<16xi32>], vector<16xf32>,
        %add3A_1406 = arith.constant 16 : i32
        %add3A_1407 = vector.broadcast %add3A_1406 : i32 to vector<16xi32>
        %add3A_1408 = arith.addi %add3A_1238, %add3A_1407 : vector<16xi32>
        %gather3A_1409 = tpu.vector_load_idx %arg9[%add3A_1225, %add3A_1408] : memref<256x128xf32, #tpu.memory_space<vmem>>[vector<16xi32>, vector<16xi32>], vector<16xf32>,
        %add3A_1410 = arith.constant 16 : i32
        %add3A_1411 = vector.broadcast %add3A_1410 : i32 to vector<16xi32>
        %add3A_1412 = arith.addi %add3A_1239, %add3A_1411 : vector<16xi32>
        %gather3A_1413 = tpu.vector_load_idx %arg9[%add3A_1225, %add3A_1412] : memref<256x128xf32, #tpu.memory_space<vmem>>[vector<16xi32>, vector<16xi32>], vector<16xf32>,
        %add3A_1414 = arith.constant 16 : i32
        %add3A_1415 = vector.broadcast %add3A_1414 : i32 to vector<16xi32>
        %add3A_1416 = arith.addi %add3A_1240, %add3A_1415 : vector<16xi32>
        %gather3A_1417 = tpu.vector_load_idx %arg9[%add3A_1225, %add3A_1416] : memref<256x128xf32, #tpu.memory_space<vmem>>[vector<16xi32>, vector<16xi32>], vector<16xf32>,
        %add3A_1418 = arith.constant 16 : i32
        %add3A_1419 = vector.broadcast %add3A_1418 : i32 to vector<16xi32>
        %add3A_1420 = arith.addi %add3A_1241, %add3A_1419 : vector<16xi32>
        %gather3A_1421 = tpu.vector_load_idx %arg9[%add3A_1225, %add3A_1420] : memref<256x128xf32, #tpu.memory_space<vmem>>[vector<16xi32>, vector<16xi32>], vector<16xf32>,
        %add3A_1422 = arith.constant 16 : i32
        %add3A_1423 = vector.broadcast %add3A_1422 : i32 to vector<16xi32>
        %add3A_1424 = arith.addi %and3A_7, %add3A_1423 : vector<16xi32>
        tpu.vector_store_idx %arg11[%add3A_1424, %add3A_1245], %gather3A_1361 : memref<64x256xf32, #tpu.memory_space<vmem>>[vector<16xi32>, vector<16xi32>], vector<16xf32>,
        %add3A_1425 = arith.constant 16 : i32
        %add3A_1426 = vector.broadcast %add3A_1425 : i32 to vector<16xi32>
        %add3A_1427 = arith.addi %and3A_13, %add3A_1426 : vector<16xi32>
        tpu.vector_store_idx %arg11[%add3A_1427, %add3A_1245], %gather3A_1365 : memref<64x256xf32, #tpu.memory_space<vmem>>[vector<16xi32>, vector<16xi32>], vector<16xf32>,
        %add3A_1428 = arith.constant 16 : i32
        %add3A_1429 = vector.broadcast %add3A_1428 : i32 to vector<16xi32>
        %add3A_1430 = arith.addi %and3A_19, %add3A_1429 : vector<16xi32>
        tpu.vector_store_idx %arg11[%add3A_1430, %add3A_1245], %gather3A_1369 : memref<64x256xf32, #tpu.memory_space<vmem>>[vector<16xi32>, vector<16xi32>], vector<16xf32>,
        %add3A_1431 = arith.constant 16 : i32
        %add3A_1432 = vector.broadcast %add3A_1431 : i32 to vector<16xi32>
        %add3A_1433 = arith.addi %and3A_25, %add3A_1432 : vector<16xi32>
        tpu.vector_store_idx %arg11[%add3A_1433, %add3A_1245], %gather3A_1373 : memref<64x256xf32, #tpu.memory_space<vmem>>[vector<16xi32>, vector<16xi32>], vector<16xf32>,
        %add3A_1434 = arith.constant 16 : i32
        %add3A_1435 = vector.broadcast %add3A_1434 : i32 to vector<16xi32>
        %add3A_1436 = arith.addi %and3A_31, %add3A_1435 : vector<16xi32>
        tpu.vector_store_idx %arg11[%add3A_1436, %add3A_1245], %gather3A_1377 : memref<64x256xf32, #tpu.memory_space<vmem>>[vector<16xi32>, vector<16xi32>], vector<16xf32>,
        %add3A_1437 = arith.constant 16 : i32
        %add3A_1438 = vector.broadcast %add3A_1437 : i32 to vector<16xi32>
        %add3A_1439 = arith.addi %and3A_37, %add3A_1438 : vector<16xi32>
        tpu.vector_store_idx %arg11[%add3A_1439, %add3A_1245], %gather3A_1381 : memref<64x256xf32, #tpu.memory_space<vmem>>[vector<16xi32>, vector<16xi32>], vector<16xf32>,
        %add3A_1440 = arith.constant 16 : i32
        %add3A_1441 = vector.broadcast %add3A_1440 : i32 to vector<16xi32>
        %add3A_1442 = arith.addi %and3A_43, %add3A_1441 : vector<16xi32>
        tpu.vector_store_idx %arg11[%add3A_1442, %add3A_1245], %gather3A_1385 : memref<64x256xf32, #tpu.memory_space<vmem>>[vector<16xi32>, vector<16xi32>], vector<16xf32>,
        %add3A_1443 = arith.constant 16 : i32
        %add3A_1444 = vector.broadcast %add3A_1443 : i32 to vector<16xi32>
        %add3A_1445 = arith.addi %and3A_49, %add3A_1444 : vector<16xi32>
        tpu.vector_store_idx %arg11[%add3A_1445, %add3A_1245], %gather3A_1389 : memref<64x256xf32, #tpu.memory_space<vmem>>[vector<16xi32>, vector<16xi32>], vector<16xf32>,
        %add3A_1446 = arith.constant 16 : i32
        %add3A_1447 = vector.broadcast %add3A_1446 : i32 to vector<16xi32>
        %add3A_1448 = arith.addi %and3A_55, %add3A_1447 : vector<16xi32>
        tpu.vector_store_idx %arg11[%add3A_1448, %add3A_1245], %gather3A_1393 : memref<64x256xf32, #tpu.memory_space<vmem>>[vector<16xi32>, vector<16xi32>], vector<16xf32>,
        %add3A_1449 = arith.constant 16 : i32
        %add3A_1450 = vector.broadcast %add3A_1449 : i32 to vector<16xi32>
        %add3A_1451 = arith.addi %and3A_61, %add3A_1450 : vector<16xi32>
        tpu.vector_store_idx %arg11[%add3A_1451, %add3A_1245], %gather3A_1397 : memref<64x256xf32, #tpu.memory_space<vmem>>[vector<16xi32>, vector<16xi32>], vector<16xf32>,
        %add3A_1452 = arith.constant 16 : i32
        %add3A_1453 = vector.broadcast %add3A_1452 : i32 to vector<16xi32>
        %add3A_1454 = arith.addi %and3A_67, %add3A_1453 : vector<16xi32>
        tpu.vector_store_idx %arg11[%add3A_1454, %add3A_1245], %gather3A_1401 : memref<64x256xf32, #tpu.memory_space<vmem>>[vector<16xi32>, vector<16xi32>], vector<16xf32>,
        %add3A_1455 = arith.constant 16 : i32
        %add3A_1456 = vector.broadcast %add3A_1455 : i32 to vector<16xi32>
        %add3A_1457 = arith.addi %and3A_73, %add3A_1456 : vector<16xi32>
        tpu.vector_store_idx %arg11[%add3A_1457, %add3A_1245], %gather3A_1405 : memref<64x256xf32, #tpu.memory_space<vmem>>[vector<16xi32>, vector<16xi32>], vector<16xf32>,
        %add3A_1458 = arith.constant 16 : i32
        %add3A_1459 = vector.broadcast %add3A_1458 : i32 to vector<16xi32>
        %add3A_1460 = arith.addi %and3A_79, %add3A_1459 : vector<16xi32>
        tpu.vector_store_idx %arg11[%add3A_1460, %add3A_1245], %gather3A_1409 : memref<64x256xf32, #tpu.memory_space<vmem>>[vector<16xi32>, vector<16xi32>], vector<16xf32>,
        %add3A_1461 = arith.constant 16 : i32
        %add3A_1462 = vector.broadcast %add3A_1461 : i32 to vector<16xi32>
        %add3A_1463 = arith.addi %and3A_85, %add3A_1462 : vector<16xi32>
        tpu.vector_store_idx %arg11[%add3A_1463, %add3A_1245], %gather3A_1413 : memref<64x256xf32, #tpu.memory_space<vmem>>[vector<16xi32>, vector<16xi32>], vector<16xf32>,
        %add3A_1464 = arith.constant 16 : i32
        %add3A_1465 = vector.broadcast %add3A_1464 : i32 to vector<16xi32>
        %add3A_1466 = arith.addi %and3A_91, %add3A_1465 : vector<16xi32>
        tpu.vector_store_idx %arg11[%add3A_1466, %add3A_1245], %gather3A_1417 : memref<64x256xf32, #tpu.memory_space<vmem>>[vector<16xi32>, vector<16xi32>], vector<16xf32>,
        %add3A_1467 = arith.constant 16 : i32
        %add3A_1468 = vector.broadcast %add3A_1467 : i32 to vector<16xi32>
        %add3A_1469 = arith.addi %and3A_97, %add3A_1468 : vector<16xi32>
        tpu.vector_store_idx %arg11[%add3A_1469, %add3A_1245], %gather3A_1421 : memref<64x256xf32, #tpu.memory_space<vmem>>[vector<16xi32>, vector<16xi32>], vector<16xf32>,
        %add3A_1470 = arith.constant 32 : i32
        %add3A_1471 = vector.broadcast %add3A_1470 : i32 to vector<16xi32>
        %add3A_1472 = arith.addi %add3A_1226, %add3A_1471 : vector<16xi32>
        %gather3A_1473 = tpu.vector_load_idx %arg9[%add3A_1225, %add3A_1472] : memref<256x128xf32, #tpu.memory_space<vmem>>[vector<16xi32>, vector<16xi32>], vector<16xf32>,
        %add3A_1474 = arith.constant 32 : i32
        %add3A_1475 = vector.broadcast %add3A_1474 : i32 to vector<16xi32>
        %add3A_1476 = arith.addi %add3A_1227, %add3A_1475 : vector<16xi32>
        %gather3A_1477 = tpu.vector_load_idx %arg9[%add3A_1225, %add3A_1476] : memref<256x128xf32, #tpu.memory_space<vmem>>[vector<16xi32>, vector<16xi32>], vector<16xf32>,
        %add3A_1478 = arith.constant 32 : i32
        %add3A_1479 = vector.broadcast %add3A_1478 : i32 to vector<16xi32>
        %add3A_1480 = arith.addi %add3A_1228, %add3A_1479 : vector<16xi32>
        %gather3A_1481 = tpu.vector_load_idx %arg9[%add3A_1225, %add3A_1480] : memref<256x128xf32, #tpu.memory_space<vmem>>[vector<16xi32>, vector<16xi32>], vector<16xf32>,
        %add3A_1482 = arith.constant 32 : i32
        %add3A_1483 = vector.broadcast %add3A_1482 : i32 to vector<16xi32>
        %add3A_1484 = arith.addi %add3A_1229, %add3A_1483 : vector<16xi32>
        %gather3A_1485 = tpu.vector_load_idx %arg9[%add3A_1225, %add3A_1484] : memref<256x128xf32, #tpu.memory_space<vmem>>[vector<16xi32>, vector<16xi32>], vector<16xf32>,
        %add3A_1486 = arith.constant 32 : i32
        %add3A_1487 = vector.broadcast %add3A_1486 : i32 to vector<16xi32>
        %add3A_1488 = arith.addi %add3A_1230, %add3A_1487 : vector<16xi32>
        %gather3A_1489 = tpu.vector_load_idx %arg9[%add3A_1225, %add3A_1488] : memref<256x128xf32, #tpu.memory_space<vmem>>[vector<16xi32>, vector<16xi32>], vector<16xf32>,
        %add3A_1490 = arith.constant 32 : i32
        %add3A_1491 = vector.broadcast %add3A_1490 : i32 to vector<16xi32>
        %add3A_1492 = arith.addi %add3A_1231, %add3A_1491 : vector<16xi32>
        %gather3A_1493 = tpu.vector_load_idx %arg9[%add3A_1225, %add3A_1492] : memref<256x128xf32, #tpu.memory_space<vmem>>[vector<16xi32>, vector<16xi32>], vector<16xf32>,
        %add3A_1494 = arith.constant 32 : i32
        %add3A_1495 = vector.broadcast %add3A_1494 : i32 to vector<16xi32>
        %add3A_1496 = arith.addi %add3A_1232, %add3A_1495 : vector<16xi32>
        %gather3A_1497 = tpu.vector_load_idx %arg9[%add3A_1225, %add3A_1496] : memref<256x128xf32, #tpu.memory_space<vmem>>[vector<16xi32>, vector<16xi32>], vector<16xf32>,
        %add3A_1498 = arith.constant 32 : i32
        %add3A_1499 = vector.broadcast %add3A_1498 : i32 to vector<16xi32>
        %add3A_1500 = arith.addi %add3A_1233, %add3A_1499 : vector<16xi32>
        %gather3A_1501 = tpu.vector_load_idx %arg9[%add3A_1225, %add3A_1500] : memref<256x128xf32, #tpu.memory_space<vmem>>[vector<16xi32>, vector<16xi32>], vector<16xf32>,
        %add3A_1502 = arith.constant 32 : i32
        %add3A_1503 = vector.broadcast %add3A_1502 : i32 to vector<16xi32>
        %add3A_1504 = arith.addi %add3A_1234, %add3A_1503 : vector<16xi32>
        %gather3A_1505 = tpu.vector_load_idx %arg9[%add3A_1225, %add3A_1504] : memref<256x128xf32, #tpu.memory_space<vmem>>[vector<16xi32>, vector<16xi32>], vector<16xf32>,
        %add3A_1506 = arith.constant 32 : i32
        %add3A_1507 = vector.broadcast %add3A_1506 : i32 to vector<16xi32>
        %add3A_1508 = arith.addi %add3A_1235, %add3A_1507 : vector<16xi32>
        %gather3A_1509 = tpu.vector_load_idx %arg9[%add3A_1225, %add3A_1508] : memref<256x128xf32, #tpu.memory_space<vmem>>[vector<16xi32>, vector<16xi32>], vector<16xf32>,
        %add3A_1510 = arith.constant 32 : i32
        %add3A_1511 = vector.broadcast %add3A_1510 : i32 to vector<16xi32>
        %add3A_1512 = arith.addi %add3A_1236, %add3A_1511 : vector<16xi32>
        %gather3A_1513 = tpu.vector_load_idx %arg9[%add3A_1225, %add3A_1512] : memref<256x128xf32, #tpu.memory_space<vmem>>[vector<16xi32>, vector<16xi32>], vector<16xf32>,
        %add3A_1514 = arith.constant 32 : i32
        %add3A_1515 = vector.broadcast %add3A_1514 : i32 to vector<16xi32>
        %add3A_1516 = arith.addi %add3A_1237, %add3A_1515 : vector<16xi32>
        %gather3A_1517 = tpu.vector_load_idx %arg9[%add3A_1225, %add3A_1516] : memref<256x128xf32, #tpu.memory_space<vmem>>[vector<16xi32>, vector<16xi32>], vector<16xf32>,
        %add3A_1518 = arith.constant 32 : i32
        %add3A_1519 = vector.broadcast %add3A_1518 : i32 to vector<16xi32>
        %add3A_1520 = arith.addi %add3A_1238, %add3A_1519 : vector<16xi32>
        %gather3A_1521 = tpu.vector_load_idx %arg9[%add3A_1225, %add3A_1520] : memref<256x128xf32, #tpu.memory_space<vmem>>[vector<16xi32>, vector<16xi32>], vector<16xf32>,
        %add3A_1522 = arith.constant 32 : i32
        %add3A_1523 = vector.broadcast %add3A_1522 : i32 to vector<16xi32>
        %add3A_1524 = arith.addi %add3A_1239, %add3A_1523 : vector<16xi32>
        %gather3A_1525 = tpu.vector_load_idx %arg9[%add3A_1225, %add3A_1524] : memref<256x128xf32, #tpu.memory_space<vmem>>[vector<16xi32>, vector<16xi32>], vector<16xf32>,
        %add3A_1526 = arith.constant 32 : i32
        %add3A_1527 = vector.broadcast %add3A_1526 : i32 to vector<16xi32>
        %add3A_1528 = arith.addi %add3A_1240, %add3A_1527 : vector<16xi32>
        %gather3A_1529 = tpu.vector_load_idx %arg9[%add3A_1225, %add3A_1528] : memref<256x128xf32, #tpu.memory_space<vmem>>[vector<16xi32>, vector<16xi32>], vector<16xf32>,
        %add3A_1530 = arith.constant 32 : i32
        %add3A_1531 = vector.broadcast %add3A_1530 : i32 to vector<16xi32>
        %add3A_1532 = arith.addi %add3A_1241, %add3A_1531 : vector<16xi32>
        %gather3A_1533 = tpu.vector_load_idx %arg9[%add3A_1225, %add3A_1532] : memref<256x128xf32, #tpu.memory_space<vmem>>[vector<16xi32>, vector<16xi32>], vector<16xf32>,
        %add3A_1534 = arith.constant 32 : i32
        %add3A_1535 = vector.broadcast %add3A_1534 : i32 to vector<16xi32>
        %add3A_1536 = arith.addi %and3A_7, %add3A_1535 : vector<16xi32>
        tpu.vector_store_idx %arg11[%add3A_1536, %add3A_1245], %gather3A_1473 : memref<64x256xf32, #tpu.memory_space<vmem>>[vector<16xi32>, vector<16xi32>], vector<16xf32>,
        %add3A_1537 = arith.constant 32 : i32
        %add3A_1538 = vector.broadcast %add3A_1537 : i32 to vector<16xi32>
        %add3A_1539 = arith.addi %and3A_13, %add3A_1538 : vector<16xi32>
        tpu.vector_store_idx %arg11[%add3A_1539, %add3A_1245], %gather3A_1477 : memref<64x256xf32, #tpu.memory_space<vmem>>[vector<16xi32>, vector<16xi32>], vector<16xf32>,
        %add3A_1540 = arith.constant 32 : i32
        %add3A_1541 = vector.broadcast %add3A_1540 : i32 to vector<16xi32>
        %add3A_1542 = arith.addi %and3A_19, %add3A_1541 : vector<16xi32>
        tpu.vector_store_idx %arg11[%add3A_1542, %add3A_1245], %gather3A_1481 : memref<64x256xf32, #tpu.memory_space<vmem>>[vector<16xi32>, vector<16xi32>], vector<16xf32>,
        %add3A_1543 = arith.constant 32 : i32
        %add3A_1544 = vector.broadcast %add3A_1543 : i32 to vector<16xi32>
        %add3A_1545 = arith.addi %and3A_25, %add3A_1544 : vector<16xi32>
        tpu.vector_store_idx %arg11[%add3A_1545, %add3A_1245], %gather3A_1485 : memref<64x256xf32, #tpu.memory_space<vmem>>[vector<16xi32>, vector<16xi32>], vector<16xf32>,
        %add3A_1546 = arith.constant 32 : i32
        %add3A_1547 = vector.broadcast %add3A_1546 : i32 to vector<16xi32>
        %add3A_1548 = arith.addi %and3A_31, %add3A_1547 : vector<16xi32>
        tpu.vector_store_idx %arg11[%add3A_1548, %add3A_1245], %gather3A_1489 : memref<64x256xf32, #tpu.memory_space<vmem>>[vector<16xi32>, vector<16xi32>], vector<16xf32>,
        %add3A_1549 = arith.constant 32 : i32
        %add3A_1550 = vector.broadcast %add3A_1549 : i32 to vector<16xi32>
        %add3A_1551 = arith.addi %and3A_37, %add3A_1550 : vector<16xi32>
        tpu.vector_store_idx %arg11[%add3A_1551, %add3A_1245], %gather3A_1493 : memref<64x256xf32, #tpu.memory_space<vmem>>[vector<16xi32>, vector<16xi32>], vector<16xf32>,
        %add3A_1552 = arith.constant 32 : i32
        %add3A_1553 = vector.broadcast %add3A_1552 : i32 to vector<16xi32>
        %add3A_1554 = arith.addi %and3A_43, %add3A_1553 : vector<16xi32>
        tpu.vector_store_idx %arg11[%add3A_1554, %add3A_1245], %gather3A_1497 : memref<64x256xf32, #tpu.memory_space<vmem>>[vector<16xi32>, vector<16xi32>], vector<16xf32>,
        %add3A_1555 = arith.constant 32 : i32
        %add3A_1556 = vector.broadcast %add3A_1555 : i32 to vector<16xi32>
        %add3A_1557 = arith.addi %and3A_49, %add3A_1556 : vector<16xi32>
        tpu.vector_store_idx %arg11[%add3A_1557, %add3A_1245], %gather3A_1501 : memref<64x256xf32, #tpu.memory_space<vmem>>[vector<16xi32>, vector<16xi32>], vector<16xf32>,
        %add3A_1558 = arith.constant 32 : i32
        %add3A_1559 = vector.broadcast %add3A_1558 : i32 to vector<16xi32>
        %add3A_1560 = arith.addi %and3A_55, %add3A_1559 : vector<16xi32>
        tpu.vector_store_idx %arg11[%add3A_1560, %add3A_1245], %gather3A_1505 : memref<64x256xf32, #tpu.memory_space<vmem>>[vector<16xi32>, vector<16xi32>], vector<16xf32>,
        %add3A_1561 = arith.constant 32 : i32
        %add3A_1562 = vector.broadcast %add3A_1561 : i32 to vector<16xi32>
        %add3A_1563 = arith.addi %and3A_61, %add3A_1562 : vector<16xi32>
        tpu.vector_store_idx %arg11[%add3A_1563, %add3A_1245], %gather3A_1509 : memref<64x256xf32, #tpu.memory_space<vmem>>[vector<16xi32>, vector<16xi32>], vector<16xf32>,
        %add3A_1564 = arith.constant 32 : i32
        %add3A_1565 = vector.broadcast %add3A_1564 : i32 to vector<16xi32>
        %add3A_1566 = arith.addi %and3A_67, %add3A_1565 : vector<16xi32>
        tpu.vector_store_idx %arg11[%add3A_1566, %add3A_1245], %gather3A_1513 : memref<64x256xf32, #tpu.memory_space<vmem>>[vector<16xi32>, vector<16xi32>], vector<16xf32>,
        %add3A_1567 = arith.constant 32 : i32
        %add3A_1568 = vector.broadcast %add3A_1567 : i32 to vector<16xi32>
        %add3A_1569 = arith.addi %and3A_73, %add3A_1568 : vector<16xi32>
        tpu.vector_store_idx %arg11[%add3A_1569, %add3A_1245], %gather3A_1517 : memref<64x256xf32, #tpu.memory_space<vmem>>[vector<16xi32>, vector<16xi32>], vector<16xf32>,
        %add3A_1570 = arith.constant 32 : i32
        %add3A_1571 = vector.broadcast %add3A_1570 : i32 to vector<16xi32>
        %add3A_1572 = arith.addi %and3A_79, %add3A_1571 : vector<16xi32>
        tpu.vector_store_idx %arg11[%add3A_1572, %add3A_1245], %gather3A_1521 : memref<64x256xf32, #tpu.memory_space<vmem>>[vector<16xi32>, vector<16xi32>], vector<16xf32>,
        %add3A_1573 = arith.constant 32 : i32
        %add3A_1574 = vector.broadcast %add3A_1573 : i32 to vector<16xi32>
        %add3A_1575 = arith.addi %and3A_85, %add3A_1574 : vector<16xi32>
        tpu.vector_store_idx %arg11[%add3A_1575, %add3A_1245], %gather3A_1525 : memref<64x256xf32, #tpu.memory_space<vmem>>[vector<16xi32>, vector<16xi32>], vector<16xf32>,
        %add3A_1576 = arith.constant 32 : i32
        %add3A_1577 = vector.broadcast %add3A_1576 : i32 to vector<16xi32>
        %add3A_1578 = arith.addi %and3A_91, %add3A_1577 : vector<16xi32>
        tpu.vector_store_idx %arg11[%add3A_1578, %add3A_1245], %gather3A_1529 : memref<64x256xf32, #tpu.memory_space<vmem>>[vector<16xi32>, vector<16xi32>], vector<16xf32>,
        %add3A_1579 = arith.constant 32 : i32
        %add3A_1580 = vector.broadcast %add3A_1579 : i32 to vector<16xi32>
        %add3A_1581 = arith.addi %and3A_97, %add3A_1580 : vector<16xi32>
        tpu.vector_store_idx %arg11[%add3A_1581, %add3A_1245], %gather3A_1533 : memref<64x256xf32, #tpu.memory_space<vmem>>[vector<16xi32>, vector<16xi32>], vector<16xf32>,
        %add3A_1582 = arith.constant 48 : i32
        %add3A_1583 = vector.broadcast %add3A_1582 : i32 to vector<16xi32>
        %add3A_1584 = arith.addi %add3A_1226, %add3A_1583 : vector<16xi32>
        %gather3A_1585 = tpu.vector_load_idx %arg9[%add3A_1225, %add3A_1584] : memref<256x128xf32, #tpu.memory_space<vmem>>[vector<16xi32>, vector<16xi32>], vector<16xf32>,
        %add3A_1586 = arith.constant 48 : i32
        %add3A_1587 = vector.broadcast %add3A_1586 : i32 to vector<16xi32>
        %add3A_1588 = arith.addi %add3A_1227, %add3A_1587 : vector<16xi32>
        %gather3A_1589 = tpu.vector_load_idx %arg9[%add3A_1225, %add3A_1588] : memref<256x128xf32, #tpu.memory_space<vmem>>[vector<16xi32>, vector<16xi32>], vector<16xf32>,
        %add3A_1590 = arith.constant 48 : i32
        %add3A_1591 = vector.broadcast %add3A_1590 : i32 to vector<16xi32>
        %add3A_1592 = arith.addi %add3A_1228, %add3A_1591 : vector<16xi32>
        %gather3A_1593 = tpu.vector_load_idx %arg9[%add3A_1225, %add3A_1592] : memref<256x128xf32, #tpu.memory_space<vmem>>[vector<16xi32>, vector<16xi32>], vector<16xf32>,
        %add3A_1594 = arith.constant 48 : i32
        %add3A_1595 = vector.broadcast %add3A_1594 : i32 to vector<16xi32>
        %add3A_1596 = arith.addi %add3A_1229, %add3A_1595 : vector<16xi32>
        %gather3A_1597 = tpu.vector_load_idx %arg9[%add3A_1225, %add3A_1596] : memref<256x128xf32, #tpu.memory_space<vmem>>[vector<16xi32>, vector<16xi32>], vector<16xf32>,
        %add3A_1598 = arith.constant 48 : i32
        %add3A_1599 = vector.broadcast %add3A_1598 : i32 to vector<16xi32>
        %add3A_1600 = arith.addi %add3A_1230, %add3A_1599 : vector<16xi32>
        %gather3A_1601 = tpu.vector_load_idx %arg9[%add3A_1225, %add3A_1600] : memref<256x128xf32, #tpu.memory_space<vmem>>[vector<16xi32>, vector<16xi32>], vector<16xf32>,
        %add3A_1602 = arith.constant 48 : i32
        %add3A_1603 = vector.broadcast %add3A_1602 : i32 to vector<16xi32>
        %add3A_1604 = arith.addi %add3A_1231, %add3A_1603 : vector<16xi32>
        %gather3A_1605 = tpu.vector_load_idx %arg9[%add3A_1225, %add3A_1604] : memref<256x128xf32, #tpu.memory_space<vmem>>[vector<16xi32>, vector<16xi32>], vector<16xf32>,
        %add3A_1606 = arith.constant 48 : i32
        %add3A_1607 = vector.broadcast %add3A_1606 : i32 to vector<16xi32>
        %add3A_1608 = arith.addi %add3A_1232, %add3A_1607 : vector<16xi32>
        %gather3A_1609 = tpu.vector_load_idx %arg9[%add3A_1225, %add3A_1608] : memref<256x128xf32, #tpu.memory_space<vmem>>[vector<16xi32>, vector<16xi32>], vector<16xf32>,
        %add3A_1610 = arith.constant 48 : i32
        %add3A_1611 = vector.broadcast %add3A_1610 : i32 to vector<16xi32>
        %add3A_1612 = arith.addi %add3A_1233, %add3A_1611 : vector<16xi32>
        %gather3A_1613 = tpu.vector_load_idx %arg9[%add3A_1225, %add3A_1612] : memref<256x128xf32, #tpu.memory_space<vmem>>[vector<16xi32>, vector<16xi32>], vector<16xf32>,
        %add3A_1614 = arith.constant 48 : i32
        %add3A_1615 = vector.broadcast %add3A_1614 : i32 to vector<16xi32>
        %add3A_1616 = arith.addi %add3A_1234, %add3A_1615 : vector<16xi32>
        %gather3A_1617 = tpu.vector_load_idx %arg9[%add3A_1225, %add3A_1616] : memref<256x128xf32, #tpu.memory_space<vmem>>[vector<16xi32>, vector<16xi32>], vector<16xf32>,
        %add3A_1618 = arith.constant 48 : i32
        %add3A_1619 = vector.broadcast %add3A_1618 : i32 to vector<16xi32>
        %add3A_1620 = arith.addi %add3A_1235, %add3A_1619 : vector<16xi32>
        %gather3A_1621 = tpu.vector_load_idx %arg9[%add3A_1225, %add3A_1620] : memref<256x128xf32, #tpu.memory_space<vmem>>[vector<16xi32>, vector<16xi32>], vector<16xf32>,
        %add3A_1622 = arith.constant 48 : i32
        %add3A_1623 = vector.broadcast %add3A_1622 : i32 to vector<16xi32>
        %add3A_1624 = arith.addi %add3A_1236, %add3A_1623 : vector<16xi32>
        %gather3A_1625 = tpu.vector_load_idx %arg9[%add3A_1225, %add3A_1624] : memref<256x128xf32, #tpu.memory_space<vmem>>[vector<16xi32>, vector<16xi32>], vector<16xf32>,
        %add3A_1626 = arith.constant 48 : i32
        %add3A_1627 = vector.broadcast %add3A_1626 : i32 to vector<16xi32>
        %add3A_1628 = arith.addi %add3A_1237, %add3A_1627 : vector<16xi32>
        %gather3A_1629 = tpu.vector_load_idx %arg9[%add3A_1225, %add3A_1628] : memref<256x128xf32, #tpu.memory_space<vmem>>[vector<16xi32>, vector<16xi32>], vector<16xf32>,
        %add3A_1630 = arith.constant 48 : i32
        %add3A_1631 = vector.broadcast %add3A_1630 : i32 to vector<16xi32>
        %add3A_1632 = arith.addi %add3A_1238, %add3A_1631 : vector<16xi32>
        %gather3A_1633 = tpu.vector_load_idx %arg9[%add3A_1225, %add3A_1632] : memref<256x128xf32, #tpu.memory_space<vmem>>[vector<16xi32>, vector<16xi32>], vector<16xf32>,
        %add3A_1634 = arith.constant 48 : i32
        %add3A_1635 = vector.broadcast %add3A_1634 : i32 to vector<16xi32>
        %add3A_1636 = arith.addi %add3A_1239, %add3A_1635 : vector<16xi32>
        %gather3A_1637 = tpu.vector_load_idx %arg9[%add3A_1225, %add3A_1636] : memref<256x128xf32, #tpu.memory_space<vmem>>[vector<16xi32>, vector<16xi32>], vector<16xf32>,
        %add3A_1638 = arith.constant 48 : i32
        %add3A_1639 = vector.broadcast %add3A_1638 : i32 to vector<16xi32>
        %add3A_1640 = arith.addi %add3A_1240, %add3A_1639 : vector<16xi32>
        %gather3A_1641 = tpu.vector_load_idx %arg9[%add3A_1225, %add3A_1640] : memref<256x128xf32, #tpu.memory_space<vmem>>[vector<16xi32>, vector<16xi32>], vector<16xf32>,
        %add3A_1642 = arith.constant 48 : i32
        %add3A_1643 = vector.broadcast %add3A_1642 : i32 to vector<16xi32>
        %add3A_1644 = arith.addi %add3A_1241, %add3A_1643 : vector<16xi32>
        %gather3A_1645 = tpu.vector_load_idx %arg9[%add3A_1225, %add3A_1644] : memref<256x128xf32, #tpu.memory_space<vmem>>[vector<16xi32>, vector<16xi32>], vector<16xf32>,
        %add3A_1646 = arith.constant 48 : i32
        %add3A_1647 = vector.broadcast %add3A_1646 : i32 to vector<16xi32>
        %add3A_1648 = arith.addi %and3A_7, %add3A_1647 : vector<16xi32>
        tpu.vector_store_idx %arg11[%add3A_1648, %add3A_1245], %gather3A_1585 : memref<64x256xf32, #tpu.memory_space<vmem>>[vector<16xi32>, vector<16xi32>], vector<16xf32>,
        %add3A_1649 = arith.constant 48 : i32
        %add3A_1650 = vector.broadcast %add3A_1649 : i32 to vector<16xi32>
        %add3A_1651 = arith.addi %and3A_13, %add3A_1650 : vector<16xi32>
        tpu.vector_store_idx %arg11[%add3A_1651, %add3A_1245], %gather3A_1589 : memref<64x256xf32, #tpu.memory_space<vmem>>[vector<16xi32>, vector<16xi32>], vector<16xf32>,
        %add3A_1652 = arith.constant 48 : i32
        %add3A_1653 = vector.broadcast %add3A_1652 : i32 to vector<16xi32>
        %add3A_1654 = arith.addi %and3A_19, %add3A_1653 : vector<16xi32>
        tpu.vector_store_idx %arg11[%add3A_1654, %add3A_1245], %gather3A_1593 : memref<64x256xf32, #tpu.memory_space<vmem>>[vector<16xi32>, vector<16xi32>], vector<16xf32>,
        %add3A_1655 = arith.constant 48 : i32
        %add3A_1656 = vector.broadcast %add3A_1655 : i32 to vector<16xi32>
        %add3A_1657 = arith.addi %and3A_25, %add3A_1656 : vector<16xi32>
        tpu.vector_store_idx %arg11[%add3A_1657, %add3A_1245], %gather3A_1597 : memref<64x256xf32, #tpu.memory_space<vmem>>[vector<16xi32>, vector<16xi32>], vector<16xf32>,
        %add3A_1658 = arith.constant 48 : i32
        %add3A_1659 = vector.broadcast %add3A_1658 : i32 to vector<16xi32>
        %add3A_1660 = arith.addi %and3A_31, %add3A_1659 : vector<16xi32>
        tpu.vector_store_idx %arg11[%add3A_1660, %add3A_1245], %gather3A_1601 : memref<64x256xf32, #tpu.memory_space<vmem>>[vector<16xi32>, vector<16xi32>], vector<16xf32>,
        %add3A_1661 = arith.constant 48 : i32
        %add3A_1662 = vector.broadcast %add3A_1661 : i32 to vector<16xi32>
        %add3A_1663 = arith.addi %and3A_37, %add3A_1662 : vector<16xi32>
        tpu.vector_store_idx %arg11[%add3A_1663, %add3A_1245], %gather3A_1605 : memref<64x256xf32, #tpu.memory_space<vmem>>[vector<16xi32>, vector<16xi32>], vector<16xf32>,
        %add3A_1664 = arith.constant 48 : i32
        %add3A_1665 = vector.broadcast %add3A_1664 : i32 to vector<16xi32>
        %add3A_1666 = arith.addi %and3A_43, %add3A_1665 : vector<16xi32>
        tpu.vector_store_idx %arg11[%add3A_1666, %add3A_1245], %gather3A_1609 : memref<64x256xf32, #tpu.memory_space<vmem>>[vector<16xi32>, vector<16xi32>], vector<16xf32>,
        %add3A_1667 = arith.constant 48 : i32
        %add3A_1668 = vector.broadcast %add3A_1667 : i32 to vector<16xi32>
        %add3A_1669 = arith.addi %and3A_49, %add3A_1668 : vector<16xi32>
        tpu.vector_store_idx %arg11[%add3A_1669, %add3A_1245], %gather3A_1613 : memref<64x256xf32, #tpu.memory_space<vmem>>[vector<16xi32>, vector<16xi32>], vector<16xf32>,
        %add3A_1670 = arith.constant 48 : i32
        %add3A_1671 = vector.broadcast %add3A_1670 : i32 to vector<16xi32>
        %add3A_1672 = arith.addi %and3A_55, %add3A_1671 : vector<16xi32>
        tpu.vector_store_idx %arg11[%add3A_1672, %add3A_1245], %gather3A_1617 : memref<64x256xf32, #tpu.memory_space<vmem>>[vector<16xi32>, vector<16xi32>], vector<16xf32>,
        %add3A_1673 = arith.constant 48 : i32
        %add3A_1674 = vector.broadcast %add3A_1673 : i32 to vector<16xi32>
        %add3A_1675 = arith.addi %and3A_61, %add3A_1674 : vector<16xi32>
        tpu.vector_store_idx %arg11[%add3A_1675, %add3A_1245], %gather3A_1621 : memref<64x256xf32, #tpu.memory_space<vmem>>[vector<16xi32>, vector<16xi32>], vector<16xf32>,
        %add3A_1676 = arith.constant 48 : i32
        %add3A_1677 = vector.broadcast %add3A_1676 : i32 to vector<16xi32>
        %add3A_1678 = arith.addi %and3A_67, %add3A_1677 : vector<16xi32>
        tpu.vector_store_idx %arg11[%add3A_1678, %add3A_1245], %gather3A_1625 : memref<64x256xf32, #tpu.memory_space<vmem>>[vector<16xi32>, vector<16xi32>], vector<16xf32>,
        %add3A_1679 = arith.constant 48 : i32
        %add3A_1680 = vector.broadcast %add3A_1679 : i32 to vector<16xi32>
        %add3A_1681 = arith.addi %and3A_73, %add3A_1680 : vector<16xi32>
        tpu.vector_store_idx %arg11[%add3A_1681, %add3A_1245], %gather3A_1629 : memref<64x256xf32, #tpu.memory_space<vmem>>[vector<16xi32>, vector<16xi32>], vector<16xf32>,
        %add3A_1682 = arith.constant 48 : i32
        %add3A_1683 = vector.broadcast %add3A_1682 : i32 to vector<16xi32>
        %add3A_1684 = arith.addi %and3A_79, %add3A_1683 : vector<16xi32>
        tpu.vector_store_idx %arg11[%add3A_1684, %add3A_1245], %gather3A_1633 : memref<64x256xf32, #tpu.memory_space<vmem>>[vector<16xi32>, vector<16xi32>], vector<16xf32>,
        %add3A_1685 = arith.constant 48 : i32
        %add3A_1686 = vector.broadcast %add3A_1685 : i32 to vector<16xi32>
        %add3A_1687 = arith.addi %and3A_85, %add3A_1686 : vector<16xi32>
        tpu.vector_store_idx %arg11[%add3A_1687, %add3A_1245], %gather3A_1637 : memref<64x256xf32, #tpu.memory_space<vmem>>[vector<16xi32>, vector<16xi32>], vector<16xf32>,
        %add3A_1688 = arith.constant 48 : i32
        %add3A_1689 = vector.broadcast %add3A_1688 : i32 to vector<16xi32>
        %add3A_1690 = arith.addi %and3A_91, %add3A_1689 : vector<16xi32>
        tpu.vector_store_idx %arg11[%add3A_1690, %add3A_1245], %gather3A_1641 : memref<64x256xf32, #tpu.memory_space<vmem>>[vector<16xi32>, vector<16xi32>], vector<16xf32>,
        %add3A_1691 = arith.constant 48 : i32
        %add3A_1692 = vector.broadcast %add3A_1691 : i32 to vector<16xi32>
        %add3A_1693 = arith.addi %and3A_97, %add3A_1692 : vector<16xi32>
        tpu.vector_store_idx %arg11[%add3A_1693, %add3A_1245], %gather3A_1645 : memref<64x256xf32, #tpu.memory_space<vmem>>[vector<16xi32>, vector<16xi32>], vector<16xf32>,
      }
      %scan3A_434 = arith.constant 8 : i32
      %jit3A = arith.constant 2 : i32
      %div3A = arith.divsi %mul3A_243, %jit3A : i32
      %sign3A = arith.constant 0 : i32
      %sign3A_435 = arith.cmpi sgt, %mul3A_243, %sign3A : i32
      %sign3A_436 = arith.extui %sign3A_435 : i1 to i32
      %sign3A_437 = arith.constant 0 : i32
      %sign3A_438 = arith.cmpi slt, %mul3A_243, %sign3A_437 : i32
      %sign3A_439 = arith.extui %sign3A_438 : i1 to i32
      %sign3A_440 = arith.subi %sign3A_436, %sign3A_439 : i32
      %sign3A_441 = arith.constant 0 : i32
      %sign3A_442 = arith.cmpi sgt, %jit3A, %sign3A_441 : i32
      %sign3A_443 = arith.extui %sign3A_442 : i1 to i32
      %sign3A_444 = arith.constant 0 : i32
      %sign3A_445 = arith.cmpi slt, %jit3A, %sign3A_444 : i32
      %sign3A_446 = arith.extui %sign3A_445 : i1 to i32
      %sign3A_447 = arith.subi %sign3A_443, %sign3A_446 : i32
      %ne3A = arith.cmpi ne, %sign3A_440, %sign3A_447 : i32
      %rem3A = arith.remsi %mul3A_243, %jit3A : i32
      %ne3A_448 = arith.constant 0 : i32
      %ne3A_449 = arith.cmpi ne, %rem3A, %ne3A_448 : i32
      %and3A_450 = arith.andi %ne3A, %ne3A_449 : i1
      %sub3A = arith.constant 1 : i32
      %sub3A_451 = arith.subi %div3A, %sub3A : i32
      %select_n3A = arith.select %and3A_450, %sub3A_451, %div3A : i32
      %jit3A_452 = arith.constant 2 : i32
      %eq3A = arith.constant 0 : i32
      %eq3A_453 = arith.cmpi eq, %jit3A_452, %eq3A : i32
      %jit3A_454 = arith.constant 1 : i32
      %select_n3A_455 = arith.select %eq3A_453, %jit3A_454, %jit3A_452 : i32
      %rem3A_456 = arith.remsi %mul3A_243, %select_n3A_455 : i32
      %ne3A_457 = arith.constant 0 : i32
      %ne3A_458 = arith.cmpi ne, %rem3A_456, %ne3A_457 : i32
      %lt3A = arith.constant 0 : i32
      %lt3A_459 = arith.cmpi slt, %rem3A_456, %lt3A : i32
      %lt3A_460 = arith.constant 0 : i32
      %lt3A_461 = arith.cmpi slt, %select_n3A_455, %lt3A_460 : i32
      %ne3A_462 = arith.xori %lt3A_459, %lt3A_461 : i1
      %and3A_463 = arith.andi %ne3A_462, %ne3A_458 : i1
      %add3A_464 = arith.addi %rem3A_456, %select_n3A_455 : i32
      %select_n3A_465 = arith.select %and3A_463, %add3A_464, %rem3A_456 : i32
      %mul3A_466 = arith.constant 256 : i32
      %mul3A_467 = arith.muli %select_n3A_465, %mul3A_466 : i32
      %add3A_468 = arith.addi %mul3A_2, %mul3A_467 : i32
      %mul3A_469 = arith.constant 64 : i32
      %mul3A_470 = arith.muli %select_n3A, %mul3A_469 : i32
      %dma_start3A_471 = tpu.memref_slice %arg4[%mul3A_470, %add3A_468] : memref<1664x16384xf32, #tpu.memory_space<hbm>> -> memref<64x256xf32, #tpu.memory_space<hbm>>
      %dma_start3A_472 = tpu.memref_slice %arg4[%mul3A_470, %add3A_468] : memref<1664x16384xf32, #tpu.memory_space<hbm>> -> memref<64x256xf32, #tpu.memory_space<hbm>>
      tpu.enqueue_dma source(%arg11 : memref<64x256xf32, #tpu.memory_space<vmem>>) target(%dma_start3A_472 : memref<64x256xf32, #tpu.memory_space<hbm>>) target_semaphore(%arg15 : memref<!tpu.dma_semaphore, #tpu.memory_space<semaphore_mem>>)
      %mul3A_473 = arith.constant 2 : i32
      %mul3A_474 = arith.muli %mul3A_473, %scan3A_241 : i32
      %add3A_475 = arith.constant 1 : i32
      %add3A_476 = arith.addi %mul3A_474, %add3A_475 : i32
      %add3A_477 = arith.constant 1 : i32
      %add3A_478 = arith.addi %add3A_476, %add3A_477 : i32
      %min3A_479 = arith.constant 51 : i32
      %min3A_480 = arith.minsi %add3A_478, %min3A_479 : i32
      %mul3A_481 = arith.constant 256 : i32
      %mul3A_482 = arith.muli %min3A_480, %mul3A_481 : i32
      %add3A_483 = arith.constant 0 : i32
      %add3A_484 = arith.addi %mul3A_482, %add3A_483 : i32
      %get3A_485 = arith.index_cast %add3A_484 : i32 to index
      %get3A_486 = tpu.vector_load %arg6[%get3A_485] {strides = array<i32>} : memref<13312xi32, #tpu.memory_space<vmem>>, vector<16xi32>,
      %shift_right_arithmetic3A_487 = arith.constant 1 : i32
      %shift_right_arithmetic3A_488 = vector.broadcast %shift_right_arithmetic3A_487 : i32 to vector<16xi32>
      %shift_right_arithmetic3A_489 = arith.shrsi %get3A_486, %shift_right_arithmetic3A_488 : vector<16xi32>
      %swap3A_490 = arith.constant 0 : index
      %swap3A_491 = tpu.vector_load %arg7[%swap3A_490] {strides = array<i32>} : memref<256xi32, #tpu.memory_space<vmem>>, vector<16xi32>,
      tpu.vector_store %arg7[%swap3A_490], %shift_right_arithmetic3A_489 {strides = array<i32>} : memref<256xi32, #tpu.memory_space<vmem>>, vector<16xi32>,
      %mul3A_492 = arith.constant 256 : i32
      %mul3A_493 = arith.muli %min3A_480, %mul3A_492 : i32
      %add3A_494 = arith.constant 16 : i32
      %add3A_495 = arith.addi %mul3A_493, %add3A_494 : i32
      %get3A_496 = arith.index_cast %add3A_495 : i32 to index
      %get3A_497 = tpu.vector_load %arg6[%get3A_496] {strides = array<i32>} : memref<13312xi32, #tpu.memory_space<vmem>>, vector<16xi32>,
      %shift_right_arithmetic3A_498 = arith.constant 1 : i32
      %shift_right_arithmetic3A_499 = vector.broadcast %shift_right_arithmetic3A_498 : i32 to vector<16xi32>
      %shift_right_arithmetic3A_500 = arith.shrsi %get3A_497, %shift_right_arithmetic3A_499 : vector<16xi32>
      %swap3A_501 = arith.constant 16 : index
      %swap3A_502 = tpu.vector_load %arg7[%swap3A_501] {strides = array<i32>} : memref<256xi32, #tpu.memory_space<vmem>>, vector<16xi32>,
      tpu.vector_store %arg7[%swap3A_501], %shift_right_arithmetic3A_500 {strides = array<i32>} : memref<256xi32, #tpu.memory_space<vmem>>, vector<16xi32>,
      %mul3A_503 = arith.constant 256 : i32
      %mul3A_504 = arith.muli %min3A_480, %mul3A_503 : i32
      %add3A_505 = arith.constant 32 : i32
      %add3A_506 = arith.addi %mul3A_504, %add3A_505 : i32
      %get3A_507 = arith.index_cast %add3A_506 : i32 to index
      %get3A_508 = tpu.vector_load %arg6[%get3A_507] {strides = array<i32>} : memref<13312xi32, #tpu.memory_space<vmem>>, vector<16xi32>,
      %shift_right_arithmetic3A_509 = arith.constant 1 : i32
      %shift_right_arithmetic3A_510 = vector.broadcast %shift_right_arithmetic3A_509 : i32 to vector<16xi32>
      %shift_right_arithmetic3A_511 = arith.shrsi %get3A_508, %shift_right_arithmetic3A_510 : vector<16xi32>
      %swap3A_512 = arith.constant 32 : index
      %swap3A_513 = tpu.vector_load %arg7[%swap3A_512] {strides = array<i32>} : memref<256xi32, #tpu.memory_space<vmem>>, vector<16xi32>,
      tpu.vector_store %arg7[%swap3A_512], %shift_right_arithmetic3A_511 {strides = array<i32>} : memref<256xi32, #tpu.memory_space<vmem>>, vector<16xi32>,
      %mul3A_514 = arith.constant 256 : i32
      %mul3A_515 = arith.muli %min3A_480, %mul3A_514 : i32
      %add3A_516 = arith.constant 48 : i32
      %add3A_517 = arith.addi %mul3A_515, %add3A_516 : i32
      %get3A_518 = arith.index_cast %add3A_517 : i32 to index
      %get3A_519 = tpu.vector_load %arg6[%get3A_518] {strides = array<i32>} : memref<13312xi32, #tpu.memory_space<vmem>>, vector<16xi32>,
      %shift_right_arithmetic3A_520 = arith.constant 1 : i32
      %shift_right_arithmetic3A_521 = vector.broadcast %shift_right_arithmetic3A_520 : i32 to vector<16xi32>
      %shift_right_arithmetic3A_522 = arith.shrsi %get3A_519, %shift_right_arithmetic3A_521 : vector<16xi32>
      %swap3A_523 = arith.constant 48 : index
      %swap3A_524 = tpu.vector_load %arg7[%swap3A_523] {strides = array<i32>} : memref<256xi32, #tpu.memory_space<vmem>>, vector<16xi32>,
      tpu.vector_store %arg7[%swap3A_523], %shift_right_arithmetic3A_522 {strides = array<i32>} : memref<256xi32, #tpu.memory_space<vmem>>, vector<16xi32>,
      %mul3A_525 = arith.constant 256 : i32
      %mul3A_526 = arith.muli %min3A_480, %mul3A_525 : i32
      %add3A_527 = arith.constant 64 : i32
      %add3A_528 = arith.addi %mul3A_526, %add3A_527 : i32
      %get3A_529 = arith.index_cast %add3A_528 : i32 to index
      %get3A_530 = tpu.vector_load %arg6[%get3A_529] {strides = array<i32>} : memref<13312xi32, #tpu.memory_space<vmem>>, vector<16xi32>,
      %shift_right_arithmetic3A_531 = arith.constant 1 : i32
      %shift_right_arithmetic3A_532 = vector.broadcast %shift_right_arithmetic3A_531 : i32 to vector<16xi32>
      %shift_right_arithmetic3A_533 = arith.shrsi %get3A_530, %shift_right_arithmetic3A_532 : vector<16xi32>
      %swap3A_534 = arith.constant 64 : index
      %swap3A_535 = tpu.vector_load %arg7[%swap3A_534] {strides = array<i32>} : memref<256xi32, #tpu.memory_space<vmem>>, vector<16xi32>,
      tpu.vector_store %arg7[%swap3A_534], %shift_right_arithmetic3A_533 {strides = array<i32>} : memref<256xi32, #tpu.memory_space<vmem>>, vector<16xi32>,
      %mul3A_536 = arith.constant 256 : i32
      %mul3A_537 = arith.muli %min3A_480, %mul3A_536 : i32
      %add3A_538 = arith.constant 80 : i32
      %add3A_539 = arith.addi %mul3A_537, %add3A_538 : i32
      %get3A_540 = arith.index_cast %add3A_539 : i32 to index
      %get3A_541 = tpu.vector_load %arg6[%get3A_540] {strides = array<i32>} : memref<13312xi32, #tpu.memory_space<vmem>>, vector<16xi32>,
      %shift_right_arithmetic3A_542 = arith.constant 1 : i32
      %shift_right_arithmetic3A_543 = vector.broadcast %shift_right_arithmetic3A_542 : i32 to vector<16xi32>
      %shift_right_arithmetic3A_544 = arith.shrsi %get3A_541, %shift_right_arithmetic3A_543 : vector<16xi32>
      %swap3A_545 = arith.constant 80 : index
      %swap3A_546 = tpu.vector_load %arg7[%swap3A_545] {strides = array<i32>} : memref<256xi32, #tpu.memory_space<vmem>>, vector<16xi32>,
      tpu.vector_store %arg7[%swap3A_545], %shift_right_arithmetic3A_544 {strides = array<i32>} : memref<256xi32, #tpu.memory_space<vmem>>, vector<16xi32>,
      %mul3A_547 = arith.constant 256 : i32
      %mul3A_548 = arith.muli %min3A_480, %mul3A_547 : i32
      %add3A_549 = arith.constant 96 : i32
      %add3A_550 = arith.addi %mul3A_548, %add3A_549 : i32
      %get3A_551 = arith.index_cast %add3A_550 : i32 to index
      %get3A_552 = tpu.vector_load %arg6[%get3A_551] {strides = array<i32>} : memref<13312xi32, #tpu.memory_space<vmem>>, vector<16xi32>,
      %shift_right_arithmetic3A_553 = arith.constant 1 : i32
      %shift_right_arithmetic3A_554 = vector.broadcast %shift_right_arithmetic3A_553 : i32 to vector<16xi32>
      %shift_right_arithmetic3A_555 = arith.shrsi %get3A_552, %shift_right_arithmetic3A_554 : vector<16xi32>
      %swap3A_556 = arith.constant 96 : index
      %swap3A_557 = tpu.vector_load %arg7[%swap3A_556] {strides = array<i32>} : memref<256xi32, #tpu.memory_space<vmem>>, vector<16xi32>,
      tpu.vector_store %arg7[%swap3A_556], %shift_right_arithmetic3A_555 {strides = array<i32>} : memref<256xi32, #tpu.memory_space<vmem>>, vector<16xi32>,
      %mul3A_558 = arith.constant 256 : i32
      %mul3A_559 = arith.muli %min3A_480, %mul3A_558 : i32
      %add3A_560 = arith.constant 112 : i32
      %add3A_561 = arith.addi %mul3A_559, %add3A_560 : i32
      %get3A_562 = arith.index_cast %add3A_561 : i32 to index
      %get3A_563 = tpu.vector_load %arg6[%get3A_562] {strides = array<i32>} : memref<13312xi32, #tpu.memory_space<vmem>>, vector<16xi32>,
      %shift_right_arithmetic3A_564 = arith.constant 1 : i32
      %shift_right_arithmetic3A_565 = vector.broadcast %shift_right_arithmetic3A_564 : i32 to vector<16xi32>
      %shift_right_arithmetic3A_566 = arith.shrsi %get3A_563, %shift_right_arithmetic3A_565 : vector<16xi32>
      %swap3A_567 = arith.constant 112 : index
      %swap3A_568 = tpu.vector_load %arg7[%swap3A_567] {strides = array<i32>} : memref<256xi32, #tpu.memory_space<vmem>>, vector<16xi32>,
      tpu.vector_store %arg7[%swap3A_567], %shift_right_arithmetic3A_566 {strides = array<i32>} : memref<256xi32, #tpu.memory_space<vmem>>, vector<16xi32>,
      %mul3A_569 = arith.constant 256 : i32
      %mul3A_570 = arith.muli %min3A_480, %mul3A_569 : i32
      %add3A_571 = arith.constant 128 : i32
      %add3A_572 = arith.addi %mul3A_570, %add3A_571 : i32
      %get3A_573 = arith.index_cast %add3A_572 : i32 to index
      %get3A_574 = tpu.vector_load %arg6[%get3A_573] {strides = array<i32>} : memref<13312xi32, #tpu.memory_space<vmem>>, vector<16xi32>,
      %shift_right_arithmetic3A_575 = arith.constant 1 : i32
      %shift_right_arithmetic3A_576 = vector.broadcast %shift_right_arithmetic3A_575 : i32 to vector<16xi32>
      %shift_right_arithmetic3A_577 = arith.shrsi %get3A_574, %shift_right_arithmetic3A_576 : vector<16xi32>
      %swap3A_578 = arith.constant 128 : index
      %swap3A_579 = tpu.vector_load %arg7[%swap3A_578] {strides = array<i32>} : memref<256xi32, #tpu.memory_space<vmem>>, vector<16xi32>,
      tpu.vector_store %arg7[%swap3A_578], %shift_right_arithmetic3A_577 {strides = array<i32>} : memref<256xi32, #tpu.memory_space<vmem>>, vector<16xi32>,
      %mul3A_580 = arith.constant 256 : i32
      %mul3A_581 = arith.muli %min3A_480, %mul3A_580 : i32
      %add3A_582 = arith.constant 144 : i32
      %add3A_583 = arith.addi %mul3A_581, %add3A_582 : i32
      %get3A_584 = arith.index_cast %add3A_583 : i32 to index
      %get3A_585 = tpu.vector_load %arg6[%get3A_584] {strides = array<i32>} : memref<13312xi32, #tpu.memory_space<vmem>>, vector<16xi32>,
      %shift_right_arithmetic3A_586 = arith.constant 1 : i32
      %shift_right_arithmetic3A_587 = vector.broadcast %shift_right_arithmetic3A_586 : i32 to vector<16xi32>
      %shift_right_arithmetic3A_588 = arith.shrsi %get3A_585, %shift_right_arithmetic3A_587 : vector<16xi32>
      %swap3A_589 = arith.constant 144 : index
      %swap3A_590 = tpu.vector_load %arg7[%swap3A_589] {strides = array<i32>} : memref<256xi32, #tpu.memory_space<vmem>>, vector<16xi32>,
      tpu.vector_store %arg7[%swap3A_589], %shift_right_arithmetic3A_588 {strides = array<i32>} : memref<256xi32, #tpu.memory_space<vmem>>, vector<16xi32>,
      %mul3A_591 = arith.constant 256 : i32
      %mul3A_592 = arith.muli %min3A_480, %mul3A_591 : i32
      %add3A_593 = arith.constant 160 : i32
      %add3A_594 = arith.addi %mul3A_592, %add3A_593 : i32
      %get3A_595 = arith.index_cast %add3A_594 : i32 to index
      %get3A_596 = tpu.vector_load %arg6[%get3A_595] {strides = array<i32>} : memref<13312xi32, #tpu.memory_space<vmem>>, vector<16xi32>,
      %shift_right_arithmetic3A_597 = arith.constant 1 : i32
      %shift_right_arithmetic3A_598 = vector.broadcast %shift_right_arithmetic3A_597 : i32 to vector<16xi32>
      %shift_right_arithmetic3A_599 = arith.shrsi %get3A_596, %shift_right_arithmetic3A_598 : vector<16xi32>
      %swap3A_600 = arith.constant 160 : index
      %swap3A_601 = tpu.vector_load %arg7[%swap3A_600] {strides = array<i32>} : memref<256xi32, #tpu.memory_space<vmem>>, vector<16xi32>,
      tpu.vector_store %arg7[%swap3A_600], %shift_right_arithmetic3A_599 {strides = array<i32>} : memref<256xi32, #tpu.memory_space<vmem>>, vector<16xi32>,
      %mul3A_602 = arith.constant 256 : i32
      %mul3A_603 = arith.muli %min3A_480, %mul3A_602 : i32
      %add3A_604 = arith.constant 176 : i32
      %add3A_605 = arith.addi %mul3A_603, %add3A_604 : i32
      %get3A_606 = arith.index_cast %add3A_605 : i32 to index
      %get3A_607 = tpu.vector_load %arg6[%get3A_606] {strides = array<i32>} : memref<13312xi32, #tpu.memory_space<vmem>>, vector<16xi32>,
      %shift_right_arithmetic3A_608 = arith.constant 1 : i32
      %shift_right_arithmetic3A_609 = vector.broadcast %shift_right_arithmetic3A_608 : i32 to vector<16xi32>
      %shift_right_arithmetic3A_610 = arith.shrsi %get3A_607, %shift_right_arithmetic3A_609 : vector<16xi32>
      %swap3A_611 = arith.constant 176 : index
      %swap3A_612 = tpu.vector_load %arg7[%swap3A_611] {strides = array<i32>} : memref<256xi32, #tpu.memory_space<vmem>>, vector<16xi32>,
      tpu.vector_store %arg7[%swap3A_611], %shift_right_arithmetic3A_610 {strides = array<i32>} : memref<256xi32, #tpu.memory_space<vmem>>, vector<16xi32>,
      %mul3A_613 = arith.constant 256 : i32
      %mul3A_614 = arith.muli %min3A_480, %mul3A_613 : i32
      %add3A_615 = arith.constant 192 : i32
      %add3A_616 = arith.addi %mul3A_614, %add3A_615 : i32
      %get3A_617 = arith.index_cast %add3A_616 : i32 to index
      %get3A_618 = tpu.vector_load %arg6[%get3A_617] {strides = array<i32>} : memref<13312xi32, #tpu.memory_space<vmem>>, vector<16xi32>,
      %shift_right_arithmetic3A_619 = arith.constant 1 : i32
      %shift_right_arithmetic3A_620 = vector.broadcast %shift_right_arithmetic3A_619 : i32 to vector<16xi32>
      %shift_right_arithmetic3A_621 = arith.shrsi %get3A_618, %shift_right_arithmetic3A_620 : vector<16xi32>
      %swap3A_622 = arith.constant 192 : index
      %swap3A_623 = tpu.vector_load %arg7[%swap3A_622] {strides = array<i32>} : memref<256xi32, #tpu.memory_space<vmem>>, vector<16xi32>,
      tpu.vector_store %arg7[%swap3A_622], %shift_right_arithmetic3A_621 {strides = array<i32>} : memref<256xi32, #tpu.memory_space<vmem>>, vector<16xi32>,
      %mul3A_624 = arith.constant 256 : i32
      %mul3A_625 = arith.muli %min3A_480, %mul3A_624 : i32
      %add3A_626 = arith.constant 208 : i32
      %add3A_627 = arith.addi %mul3A_625, %add3A_626 : i32
      %get3A_628 = arith.index_cast %add3A_627 : i32 to index
      %get3A_629 = tpu.vector_load %arg6[%get3A_628] {strides = array<i32>} : memref<13312xi32, #tpu.memory_space<vmem>>, vector<16xi32>,
      %shift_right_arithmetic3A_630 = arith.constant 1 : i32
      %shift_right_arithmetic3A_631 = vector.broadcast %shift_right_arithmetic3A_630 : i32 to vector<16xi32>
      %shift_right_arithmetic3A_632 = arith.shrsi %get3A_629, %shift_right_arithmetic3A_631 : vector<16xi32>
      %swap3A_633 = arith.constant 208 : index
      %swap3A_634 = tpu.vector_load %arg7[%swap3A_633] {strides = array<i32>} : memref<256xi32, #tpu.memory_space<vmem>>, vector<16xi32>,
      tpu.vector_store %arg7[%swap3A_633], %shift_right_arithmetic3A_632 {strides = array<i32>} : memref<256xi32, #tpu.memory_space<vmem>>, vector<16xi32>,
      %mul3A_635 = arith.constant 256 : i32
      %mul3A_636 = arith.muli %min3A_480, %mul3A_635 : i32
      %add3A_637 = arith.constant 224 : i32
      %add3A_638 = arith.addi %mul3A_636, %add3A_637 : i32
      %get3A_639 = arith.index_cast %add3A_638 : i32 to index
      %get3A_640 = tpu.vector_load %arg6[%get3A_639] {strides = array<i32>} : memref<13312xi32, #tpu.memory_space<vmem>>, vector<16xi32>,
      %shift_right_arithmetic3A_641 = arith.constant 1 : i32
      %shift_right_arithmetic3A_642 = vector.broadcast %shift_right_arithmetic3A_641 : i32 to vector<16xi32>
      %shift_right_arithmetic3A_643 = arith.shrsi %get3A_640, %shift_right_arithmetic3A_642 : vector<16xi32>
      %swap3A_644 = arith.constant 224 : index
      %swap3A_645 = tpu.vector_load %arg7[%swap3A_644] {strides = array<i32>} : memref<256xi32, #tpu.memory_space<vmem>>, vector<16xi32>,
      tpu.vector_store %arg7[%swap3A_644], %shift_right_arithmetic3A_643 {strides = array<i32>} : memref<256xi32, #tpu.memory_space<vmem>>, vector<16xi32>,
      %mul3A_646 = arith.constant 256 : i32
      %mul3A_647 = arith.muli %min3A_480, %mul3A_646 : i32
      %add3A_648 = arith.constant 240 : i32
      %add3A_649 = arith.addi %mul3A_647, %add3A_648 : i32
      %get3A_650 = arith.index_cast %add3A_649 : i32 to index
      %get3A_651 = tpu.vector_load %arg6[%get3A_650] {strides = array<i32>} : memref<13312xi32, #tpu.memory_space<vmem>>, vector<16xi32>,
      %shift_right_arithmetic3A_652 = arith.constant 1 : i32
      %shift_right_arithmetic3A_653 = vector.broadcast %shift_right_arithmetic3A_652 : i32 to vector<16xi32>
      %shift_right_arithmetic3A_654 = arith.shrsi %get3A_651, %shift_right_arithmetic3A_653 : vector<16xi32>
      %swap3A_655 = arith.constant 240 : index
      %swap3A_656 = tpu.vector_load %arg7[%swap3A_655] {strides = array<i32>} : memref<256xi32, #tpu.memory_space<vmem>>, vector<16xi32>,
      tpu.vector_store %arg7[%swap3A_655], %shift_right_arithmetic3A_654 {strides = array<i32>} : memref<256xi32, #tpu.memory_space<vmem>>, vector<16xi32>,
      %dma_start3A_657 = arith.constant 0 : i32
      %dma_start3A_658 = arith.constant 0 : i32
      %dma_start3A_659 = tpu.memref_slice %arg2[%dma_start3A_657, %dma_start3A_658] : memref<500000x128xf32, #tpu.memory_space<hbm>> -> memref<500000x128xf32, #tpu.memory_space<hbm>>
      tpu.enqueue_indirect_dma source(%dma_start3A_659 : memref<500000x128xf32, #tpu.memory_space<hbm>>) target(%arg9 : memref<256x128xf32, #tpu.memory_space<vmem>>) offsets(%arg7 : memref<256xi32, #tpu.memory_space<vmem>>) semaphore(%arg13 : memref<!tpu.dma_semaphore, #tpu.memory_space<semaphore_mem>>)
      tpu.wait_dma2 semaphore(%arg16 : memref<!tpu.dma_semaphore, #tpu.memory_space<semaphore_mem>>) src(%arg12 : memref<64x256xf32, #tpu.memory_space<vmem>>) dst(%arg5 : memref<64x256xf32, #tpu.memory_space<hbm>>)
      %dma_wait3A_660 = arith.constant 0 : i32
      %dma_wait3A_661 = arith.constant 0 : i32
      %dma_wait3A_662 = tpu.memref_slice %arg2[%dma_wait3A_660, %dma_wait3A_661] : memref<500000x128xf32, #tpu.memory_space<hbm>> -> memref<500000x128xf32, #tpu.memory_space<hbm>>
      tpu.wait_indirect_dma semaphore(%arg14 : memref<!tpu.dma_semaphore, #tpu.memory_space<semaphore_mem>>) src(%dma_wait3A_662 : memref<500000x128xf32, #tpu.memory_space<hbm>>) dst(%arg10 : memref<256x128xf32, #tpu.memory_space<vmem>>)
      %scan3A_663 = arith.constant 0 : i32
      %scan3A_664 = arith.constant 0 : i32
      %scan3A_665 = arith.constant 8 : i32
      %scan3A_666 = arith.addi %scan3A_664, %scan3A_665 : i32
      %scan3A_667 = arith.constant 1 : i32
      scf.for %scan3A_716 = %scan3A_664 to %scan3A_666 step %scan3A_667  : i32 {
        %mul3A_717 = arith.constant 2 : i32
        %mul3A_718 = arith.muli %scan3A_716, %mul3A_717 : i32
        %add3A_719 = arith.constant 0 : i32
        %add3A_720 = arith.addi %mul3A_718, %add3A_719 : i32
        %mul3A_721 = arith.constant 256 : i32
        %mul3A_722 = arith.muli %add3A_476, %mul3A_721 : i32
        %mul3A_723 = arith.constant 16 : i32
        %mul3A_724 = arith.muli %add3A_720, %mul3A_723 : i32
        %add3A_725 = arith.addi %mul3A_722, %mul3A_724 : i32
        %get3A_726 = arith.index_cast %add3A_725 : i32 to index
        %get3A_727 = tpu.vector_load %arg6[%get3A_726] {strides = array<i32>} : memref<13312xi32, #tpu.memory_space<vmem>>, vector<16xi32>,
        %and3A_728 = arith.constant 1 : i32
        %and3A_729 = vector.broadcast %and3A_728 : i32 to vector<16xi32>
        %and3A_730 = arith.andi %get3A_727, %and3A_729 : vector<16xi32>
        %mul3A_731 = arith.constant 64 : i32
        %mul3A_732 = vector.broadcast %mul3A_731 : i32 to vector<16xi32>
        %mul3A_733 = arith.muli %and3A_730, %mul3A_732 : vector<16xi32>
        %mul3A_734 = arith.constant 16 : i32
        %mul3A_735 = arith.muli %add3A_720, %mul3A_734 : i32
        %add3A_736 = vector.broadcast %mul3A_735 : i32 to vector<16xi32>
        %add3A_737 = arith.addi %add3A_736, %iota3A : vector<16xi32>
        %add3A_738 = arith.addi %mul3A_733, %and3A_7 : vector<16xi32>
        %add3A_739 = arith.addi %mul3A_733, %and3A_13 : vector<16xi32>
        %add3A_740 = arith.addi %mul3A_733, %and3A_19 : vector<16xi32>
        %add3A_741 = arith.addi %mul3A_733, %and3A_25 : vector<16xi32>
        %add3A_742 = arith.addi %mul3A_733, %and3A_31 : vector<16xi32>
        %add3A_743 = arith.addi %mul3A_733, %and3A_37 : vector<16xi32>
        %add3A_744 = arith.addi %mul3A_733, %and3A_43 : vector<16xi32>
        %add3A_745 = arith.addi %mul3A_733, %and3A_49 : vector<16xi32>
        %add3A_746 = arith.addi %mul3A_733, %and3A_55 : vector<16xi32>
        %add3A_747 = arith.addi %mul3A_733, %and3A_61 : vector<16xi32>
        %add3A_748 = arith.addi %mul3A_733, %and3A_67 : vector<16xi32>
        %add3A_749 = arith.addi %mul3A_733, %and3A_73 : vector<16xi32>
        %add3A_750 = arith.addi %mul3A_733, %and3A_79 : vector<16xi32>
        %add3A_751 = arith.addi %mul3A_733, %and3A_85 : vector<16xi32>
        %add3A_752 = arith.addi %mul3A_733, %and3A_91 : vector<16xi32>
        %add3A_753 = arith.addi %mul3A_733, %and3A_97 : vector<16xi32>
        %mul3A_754 = arith.constant 16 : i32
        %mul3A_755 = arith.muli %add3A_720, %mul3A_754 : i32
        %add3A_756 = vector.broadcast %mul3A_755 : i32 to vector<16xi32>
        %add3A_757 = arith.addi %add3A_756, %iota3A : vector<16xi32>
        %add3A_758 = arith.constant 0 : i32
        %add3A_759 = vector.broadcast %add3A_758 : i32 to vector<16xi32>
        %add3A_760 = arith.addi %add3A_738, %add3A_759 : vector<16xi32>
        %gather3A = tpu.vector_load_idx %arg10[%add3A_737, %add3A_760] : memref<256x128xf32, #tpu.memory_space<vmem>>[vector<16xi32>, vector<16xi32>], vector<16xf32>,
        %add3A_761 = arith.constant 0 : i32
        %add3A_762 = vector.broadcast %add3A_761 : i32 to vector<16xi32>
        %add3A_763 = arith.addi %add3A_739, %add3A_762 : vector<16xi32>
        %gather3A_764 = tpu.vector_load_idx %arg10[%add3A_737, %add3A_763] : memref<256x128xf32, #tpu.memory_space<vmem>>[vector<16xi32>, vector<16xi32>], vector<16xf32>,
        %add3A_765 = arith.constant 0 : i32
        %add3A_766 = vector.broadcast %add3A_765 : i32 to vector<16xi32>
        %add3A_767 = arith.addi %add3A_740, %add3A_766 : vector<16xi32>
        %gather3A_768 = tpu.vector_load_idx %arg10[%add3A_737, %add3A_767] : memref<256x128xf32, #tpu.memory_space<vmem>>[vector<16xi32>, vector<16xi32>], vector<16xf32>,
        %add3A_769 = arith.constant 0 : i32
        %add3A_770 = vector.broadcast %add3A_769 : i32 to vector<16xi32>
        %add3A_771 = arith.addi %add3A_741, %add3A_770 : vector<16xi32>
        %gather3A_772 = tpu.vector_load_idx %arg10[%add3A_737, %add3A_771] : memref<256x128xf32, #tpu.memory_space<vmem>>[vector<16xi32>, vector<16xi32>], vector<16xf32>,
        %add3A_773 = arith.constant 0 : i32
        %add3A_774 = vector.broadcast %add3A_773 : i32 to vector<16xi32>
        %add3A_775 = arith.addi %add3A_742, %add3A_774 : vector<16xi32>
        %gather3A_776 = tpu.vector_load_idx %arg10[%add3A_737, %add3A_775] : memref<256x128xf32, #tpu.memory_space<vmem>>[vector<16xi32>, vector<16xi32>], vector<16xf32>,
        %add3A_777 = arith.constant 0 : i32
        %add3A_778 = vector.broadcast %add3A_777 : i32 to vector<16xi32>
        %add3A_779 = arith.addi %add3A_743, %add3A_778 : vector<16xi32>
        %gather3A_780 = tpu.vector_load_idx %arg10[%add3A_737, %add3A_779] : memref<256x128xf32, #tpu.memory_space<vmem>>[vector<16xi32>, vector<16xi32>], vector<16xf32>,
        %add3A_781 = arith.constant 0 : i32
        %add3A_782 = vector.broadcast %add3A_781 : i32 to vector<16xi32>
        %add3A_783 = arith.addi %add3A_744, %add3A_782 : vector<16xi32>
        %gather3A_784 = tpu.vector_load_idx %arg10[%add3A_737, %add3A_783] : memref<256x128xf32, #tpu.memory_space<vmem>>[vector<16xi32>, vector<16xi32>], vector<16xf32>,
        %add3A_785 = arith.constant 0 : i32
        %add3A_786 = vector.broadcast %add3A_785 : i32 to vector<16xi32>
        %add3A_787 = arith.addi %add3A_745, %add3A_786 : vector<16xi32>
        %gather3A_788 = tpu.vector_load_idx %arg10[%add3A_737, %add3A_787] : memref<256x128xf32, #tpu.memory_space<vmem>>[vector<16xi32>, vector<16xi32>], vector<16xf32>,
        %add3A_789 = arith.constant 0 : i32
        %add3A_790 = vector.broadcast %add3A_789 : i32 to vector<16xi32>
        %add3A_791 = arith.addi %add3A_746, %add3A_790 : vector<16xi32>
        %gather3A_792 = tpu.vector_load_idx %arg10[%add3A_737, %add3A_791] : memref<256x128xf32, #tpu.memory_space<vmem>>[vector<16xi32>, vector<16xi32>], vector<16xf32>,
        %add3A_793 = arith.constant 0 : i32
        %add3A_794 = vector.broadcast %add3A_793 : i32 to vector<16xi32>
        %add3A_795 = arith.addi %add3A_747, %add3A_794 : vector<16xi32>
        %gather3A_796 = tpu.vector_load_idx %arg10[%add3A_737, %add3A_795] : memref<256x128xf32, #tpu.memory_space<vmem>>[vector<16xi32>, vector<16xi32>], vector<16xf32>,
        %add3A_797 = arith.constant 0 : i32
        %add3A_798 = vector.broadcast %add3A_797 : i32 to vector<16xi32>
        %add3A_799 = arith.addi %add3A_748, %add3A_798 : vector<16xi32>
        %gather3A_800 = tpu.vector_load_idx %arg10[%add3A_737, %add3A_799] : memref<256x128xf32, #tpu.memory_space<vmem>>[vector<16xi32>, vector<16xi32>], vector<16xf32>,
        %add3A_801 = arith.constant 0 : i32
        %add3A_802 = vector.broadcast %add3A_801 : i32 to vector<16xi32>
        %add3A_803 = arith.addi %add3A_749, %add3A_802 : vector<16xi32>
        %gather3A_804 = tpu.vector_load_idx %arg10[%add3A_737, %add3A_803] : memref<256x128xf32, #tpu.memory_space<vmem>>[vector<16xi32>, vector<16xi32>], vector<16xf32>,
        %add3A_805 = arith.constant 0 : i32
        %add3A_806 = vector.broadcast %add3A_805 : i32 to vector<16xi32>
        %add3A_807 = arith.addi %add3A_750, %add3A_806 : vector<16xi32>
        %gather3A_808 = tpu.vector_load_idx %arg10[%add3A_737, %add3A_807] : memref<256x128xf32, #tpu.memory_space<vmem>>[vector<16xi32>, vector<16xi32>], vector<16xf32>,
        %add3A_809 = arith.constant 0 : i32
        %add3A_810 = vector.broadcast %add3A_809 : i32 to vector<16xi32>
        %add3A_811 = arith.addi %add3A_751, %add3A_810 : vector<16xi32>
        %gather3A_812 = tpu.vector_load_idx %arg10[%add3A_737, %add3A_811] : memref<256x128xf32, #tpu.memory_space<vmem>>[vector<16xi32>, vector<16xi32>], vector<16xf32>,
        %add3A_813 = arith.constant 0 : i32
        %add3A_814 = vector.broadcast %add3A_813 : i32 to vector<16xi32>
        %add3A_815 = arith.addi %add3A_752, %add3A_814 : vector<16xi32>
        %gather3A_816 = tpu.vector_load_idx %arg10[%add3A_737, %add3A_815] : memref<256x128xf32, #tpu.memory_space<vmem>>[vector<16xi32>, vector<16xi32>], vector<16xf32>,
        %add3A_817 = arith.constant 0 : i32
        %add3A_818 = vector.broadcast %add3A_817 : i32 to vector<16xi32>
        %add3A_819 = arith.addi %add3A_753, %add3A_818 : vector<16xi32>
        %gather3A_820 = tpu.vector_load_idx %arg10[%add3A_737, %add3A_819] : memref<256x128xf32, #tpu.memory_space<vmem>>[vector<16xi32>, vector<16xi32>], vector<16xf32>,
        %add3A_821 = arith.constant 0 : i32
        %add3A_822 = vector.broadcast %add3A_821 : i32 to vector<16xi32>
        %add3A_823 = arith.addi %and3A_7, %add3A_822 : vector<16xi32>
        tpu.vector_store_idx %arg12[%add3A_823, %add3A_757], %gather3A : memref<64x256xf32, #tpu.memory_space<vmem>>[vector<16xi32>, vector<16xi32>], vector<16xf32>,
        %add3A_824 = arith.constant 0 : i32
        %add3A_825 = vector.broadcast %add3A_824 : i32 to vector<16xi32>
        %add3A_826 = arith.addi %and3A_13, %add3A_825 : vector<16xi32>
        tpu.vector_store_idx %arg12[%add3A_826, %add3A_757], %gather3A_764 : memref<64x256xf32, #tpu.memory_space<vmem>>[vector<16xi32>, vector<16xi32>], vector<16xf32>,
        %add3A_827 = arith.constant 0 : i32
        %add3A_828 = vector.broadcast %add3A_827 : i32 to vector<16xi32>
        %add3A_829 = arith.addi %and3A_19, %add3A_828 : vector<16xi32>
        tpu.vector_store_idx %arg12[%add3A_829, %add3A_757], %gather3A_768 : memref<64x256xf32, #tpu.memory_space<vmem>>[vector<16xi32>, vector<16xi32>], vector<16xf32>,
        %add3A_830 = arith.constant 0 : i32
        %add3A_831 = vector.broadcast %add3A_830 : i32 to vector<16xi32>
        %add3A_832 = arith.addi %and3A_25, %add3A_831 : vector<16xi32>
        tpu.vector_store_idx %arg12[%add3A_832, %add3A_757], %gather3A_772 : memref<64x256xf32, #tpu.memory_space<vmem>>[vector<16xi32>, vector<16xi32>], vector<16xf32>,
        %add3A_833 = arith.constant 0 : i32
        %add3A_834 = vector.broadcast %add3A_833 : i32 to vector<16xi32>
        %add3A_835 = arith.addi %and3A_31, %add3A_834 : vector<16xi32>
        tpu.vector_store_idx %arg12[%add3A_835, %add3A_757], %gather3A_776 : memref<64x256xf32, #tpu.memory_space<vmem>>[vector<16xi32>, vector<16xi32>], vector<16xf32>,
        %add3A_836 = arith.constant 0 : i32
        %add3A_837 = vector.broadcast %add3A_836 : i32 to vector<16xi32>
        %add3A_838 = arith.addi %and3A_37, %add3A_837 : vector<16xi32>
        tpu.vector_store_idx %arg12[%add3A_838, %add3A_757], %gather3A_780 : memref<64x256xf32, #tpu.memory_space<vmem>>[vector<16xi32>, vector<16xi32>], vector<16xf32>,
        %add3A_839 = arith.constant 0 : i32
        %add3A_840 = vector.broadcast %add3A_839 : i32 to vector<16xi32>
        %add3A_841 = arith.addi %and3A_43, %add3A_840 : vector<16xi32>
        tpu.vector_store_idx %arg12[%add3A_841, %add3A_757], %gather3A_784 : memref<64x256xf32, #tpu.memory_space<vmem>>[vector<16xi32>, vector<16xi32>], vector<16xf32>,
        %add3A_842 = arith.constant 0 : i32
        %add3A_843 = vector.broadcast %add3A_842 : i32 to vector<16xi32>
        %add3A_844 = arith.addi %and3A_49, %add3A_843 : vector<16xi32>
        tpu.vector_store_idx %arg12[%add3A_844, %add3A_757], %gather3A_788 : memref<64x256xf32, #tpu.memory_space<vmem>>[vector<16xi32>, vector<16xi32>], vector<16xf32>,
        %add3A_845 = arith.constant 0 : i32
        %add3A_846 = vector.broadcast %add3A_845 : i32 to vector<16xi32>
        %add3A_847 = arith.addi %and3A_55, %add3A_846 : vector<16xi32>
        tpu.vector_store_idx %arg12[%add3A_847, %add3A_757], %gather3A_792 : memref<64x256xf32, #tpu.memory_space<vmem>>[vector<16xi32>, vector<16xi32>], vector<16xf32>,
        %add3A_848 = arith.constant 0 : i32
        %add3A_849 = vector.broadcast %add3A_848 : i32 to vector<16xi32>
        %add3A_850 = arith.addi %and3A_61, %add3A_849 : vector<16xi32>
        tpu.vector_store_idx %arg12[%add3A_850, %add3A_757], %gather3A_796 : memref<64x256xf32, #tpu.memory_space<vmem>>[vector<16xi32>, vector<16xi32>], vector<16xf32>,
        %add3A_851 = arith.constant 0 : i32
        %add3A_852 = vector.broadcast %add3A_851 : i32 to vector<16xi32>
        %add3A_853 = arith.addi %and3A_67, %add3A_852 : vector<16xi32>
        tpu.vector_store_idx %arg12[%add3A_853, %add3A_757], %gather3A_800 : memref<64x256xf32, #tpu.memory_space<vmem>>[vector<16xi32>, vector<16xi32>], vector<16xf32>,
        %add3A_854 = arith.constant 0 : i32
        %add3A_855 = vector.broadcast %add3A_854 : i32 to vector<16xi32>
        %add3A_856 = arith.addi %and3A_73, %add3A_855 : vector<16xi32>
        tpu.vector_store_idx %arg12[%add3A_856, %add3A_757], %gather3A_804 : memref<64x256xf32, #tpu.memory_space<vmem>>[vector<16xi32>, vector<16xi32>], vector<16xf32>,
        %add3A_857 = arith.constant 0 : i32
        %add3A_858 = vector.broadcast %add3A_857 : i32 to vector<16xi32>
        %add3A_859 = arith.addi %and3A_79, %add3A_858 : vector<16xi32>
        tpu.vector_store_idx %arg12[%add3A_859, %add3A_757], %gather3A_808 : memref<64x256xf32, #tpu.memory_space<vmem>>[vector<16xi32>, vector<16xi32>], vector<16xf32>,
        %add3A_860 = arith.constant 0 : i32
        %add3A_861 = vector.broadcast %add3A_860 : i32 to vector<16xi32>
        %add3A_862 = arith.addi %and3A_85, %add3A_861 : vector<16xi32>
        tpu.vector_store_idx %arg12[%add3A_862, %add3A_757], %gather3A_812 : memref<64x256xf32, #tpu.memory_space<vmem>>[vector<16xi32>, vector<16xi32>], vector<16xf32>,
        %add3A_863 = arith.constant 0 : i32
        %add3A_864 = vector.broadcast %add3A_863 : i32 to vector<16xi32>
        %add3A_865 = arith.addi %and3A_91, %add3A_864 : vector<16xi32>
        tpu.vector_store_idx %arg12[%add3A_865, %add3A_757], %gather3A_816 : memref<64x256xf32, #tpu.memory_space<vmem>>[vector<16xi32>, vector<16xi32>], vector<16xf32>,
        %add3A_866 = arith.constant 0 : i32
        %add3A_867 = vector.broadcast %add3A_866 : i32 to vector<16xi32>
        %add3A_868 = arith.addi %and3A_97, %add3A_867 : vector<16xi32>
        tpu.vector_store_idx %arg12[%add3A_868, %add3A_757], %gather3A_820 : memref<64x256xf32, #tpu.memory_space<vmem>>[vector<16xi32>, vector<16xi32>], vector<16xf32>,
        %add3A_869 = arith.constant 16 : i32
        %add3A_870 = vector.broadcast %add3A_869 : i32 to vector<16xi32>
        %add3A_871 = arith.addi %add3A_738, %add3A_870 : vector<16xi32>
        %gather3A_872 = tpu.vector_load_idx %arg10[%add3A_737, %add3A_871] : memref<256x128xf32, #tpu.memory_space<vmem>>[vector<16xi32>, vector<16xi32>], vector<16xf32>,
        %add3A_873 = arith.constant 16 : i32
        %add3A_874 = vector.broadcast %add3A_873 : i32 to vector<16xi32>
        %add3A_875 = arith.addi %add3A_739, %add3A_874 : vector<16xi32>
        %gather3A_876 = tpu.vector_load_idx %arg10[%add3A_737, %add3A_875] : memref<256x128xf32, #tpu.memory_space<vmem>>[vector<16xi32>, vector<16xi32>], vector<16xf32>,
        %add3A_877 = arith.constant 16 : i32
        %add3A_878 = vector.broadcast %add3A_877 : i32 to vector<16xi32>
        %add3A_879 = arith.addi %add3A_740, %add3A_878 : vector<16xi32>
        %gather3A_880 = tpu.vector_load_idx %arg10[%add3A_737, %add3A_879] : memref<256x128xf32, #tpu.memory_space<vmem>>[vector<16xi32>, vector<16xi32>], vector<16xf32>,
        %add3A_881 = arith.constant 16 : i32
        %add3A_882 = vector.broadcast %add3A_881 : i32 to vector<16xi32>
        %add3A_883 = arith.addi %add3A_741, %add3A_882 : vector<16xi32>
        %gather3A_884 = tpu.vector_load_idx %arg10[%add3A_737, %add3A_883] : memref<256x128xf32, #tpu.memory_space<vmem>>[vector<16xi32>, vector<16xi32>], vector<16xf32>,
        %add3A_885 = arith.constant 16 : i32
        %add3A_886 = vector.broadcast %add3A_885 : i32 to vector<16xi32>
        %add3A_887 = arith.addi %add3A_742, %add3A_886 : vector<16xi32>
        %gather3A_888 = tpu.vector_load_idx %arg10[%add3A_737, %add3A_887] : memref<256x128xf32, #tpu.memory_space<vmem>>[vector<16xi32>, vector<16xi32>], vector<16xf32>,
        %add3A_889 = arith.constant 16 : i32
        %add3A_890 = vector.broadcast %add3A_889 : i32 to vector<16xi32>
        %add3A_891 = arith.addi %add3A_743, %add3A_890 : vector<16xi32>
        %gather3A_892 = tpu.vector_load_idx %arg10[%add3A_737, %add3A_891] : memref<256x128xf32, #tpu.memory_space<vmem>>[vector<16xi32>, vector<16xi32>], vector<16xf32>,
        %add3A_893 = arith.constant 16 : i32
        %add3A_894 = vector.broadcast %add3A_893 : i32 to vector<16xi32>
        %add3A_895 = arith.addi %add3A_744, %add3A_894 : vector<16xi32>
        %gather3A_896 = tpu.vector_load_idx %arg10[%add3A_737, %add3A_895] : memref<256x128xf32, #tpu.memory_space<vmem>>[vector<16xi32>, vector<16xi32>], vector<16xf32>,
        %add3A_897 = arith.constant 16 : i32
        %add3A_898 = vector.broadcast %add3A_897 : i32 to vector<16xi32>
        %add3A_899 = arith.addi %add3A_745, %add3A_898 : vector<16xi32>
        %gather3A_900 = tpu.vector_load_idx %arg10[%add3A_737, %add3A_899] : memref<256x128xf32, #tpu.memory_space<vmem>>[vector<16xi32>, vector<16xi32>], vector<16xf32>,
        %add3A_901 = arith.constant 16 : i32
        %add3A_902 = vector.broadcast %add3A_901 : i32 to vector<16xi32>
        %add3A_903 = arith.addi %add3A_746, %add3A_902 : vector<16xi32>
        %gather3A_904 = tpu.vector_load_idx %arg10[%add3A_737, %add3A_903] : memref<256x128xf32, #tpu.memory_space<vmem>>[vector<16xi32>, vector<16xi32>], vector<16xf32>,
        %add3A_905 = arith.constant 16 : i32
        %add3A_906 = vector.broadcast %add3A_905 : i32 to vector<16xi32>
        %add3A_907 = arith.addi %add3A_747, %add3A_906 : vector<16xi32>
        %gather3A_908 = tpu.vector_load_idx %arg10[%add3A_737, %add3A_907] : memref<256x128xf32, #tpu.memory_space<vmem>>[vector<16xi32>, vector<16xi32>], vector<16xf32>,
        %add3A_909 = arith.constant 16 : i32
        %add3A_910 = vector.broadcast %add3A_909 : i32 to vector<16xi32>
        %add3A_911 = arith.addi %add3A_748, %add3A_910 : vector<16xi32>
        %gather3A_912 = tpu.vector_load_idx %arg10[%add3A_737, %add3A_911] : memref<256x128xf32, #tpu.memory_space<vmem>>[vector<16xi32>, vector<16xi32>], vector<16xf32>,
        %add3A_913 = arith.constant 16 : i32
        %add3A_914 = vector.broadcast %add3A_913 : i32 to vector<16xi32>
        %add3A_915 = arith.addi %add3A_749, %add3A_914 : vector<16xi32>
        %gather3A_916 = tpu.vector_load_idx %arg10[%add3A_737, %add3A_915] : memref<256x128xf32, #tpu.memory_space<vmem>>[vector<16xi32>, vector<16xi32>], vector<16xf32>,
        %add3A_917 = arith.constant 16 : i32
        %add3A_918 = vector.broadcast %add3A_917 : i32 to vector<16xi32>
        %add3A_919 = arith.addi %add3A_750, %add3A_918 : vector<16xi32>
        %gather3A_920 = tpu.vector_load_idx %arg10[%add3A_737, %add3A_919] : memref<256x128xf32, #tpu.memory_space<vmem>>[vector<16xi32>, vector<16xi32>], vector<16xf32>,
        %add3A_921 = arith.constant 16 : i32
        %add3A_922 = vector.broadcast %add3A_921 : i32 to vector<16xi32>
        %add3A_923 = arith.addi %add3A_751, %add3A_922 : vector<16xi32>
        %gather3A_924 = tpu.vector_load_idx %arg10[%add3A_737, %add3A_923] : memref<256x128xf32, #tpu.memory_space<vmem>>[vector<16xi32>, vector<16xi32>], vector<16xf32>,
        %add3A_925 = arith.constant 16 : i32
        %add3A_926 = vector.broadcast %add3A_925 : i32 to vector<16xi32>
        %add3A_927 = arith.addi %add3A_752, %add3A_926 : vector<16xi32>
        %gather3A_928 = tpu.vector_load_idx %arg10[%add3A_737, %add3A_927] : memref<256x128xf32, #tpu.memory_space<vmem>>[vector<16xi32>, vector<16xi32>], vector<16xf32>,
        %add3A_929 = arith.constant 16 : i32
        %add3A_930 = vector.broadcast %add3A_929 : i32 to vector<16xi32>
        %add3A_931 = arith.addi %add3A_753, %add3A_930 : vector<16xi32>
        %gather3A_932 = tpu.vector_load_idx %arg10[%add3A_737, %add3A_931] : memref<256x128xf32, #tpu.memory_space<vmem>>[vector<16xi32>, vector<16xi32>], vector<16xf32>,
        %add3A_933 = arith.constant 16 : i32
        %add3A_934 = vector.broadcast %add3A_933 : i32 to vector<16xi32>
        %add3A_935 = arith.addi %and3A_7, %add3A_934 : vector<16xi32>
        tpu.vector_store_idx %arg12[%add3A_935, %add3A_757], %gather3A_872 : memref<64x256xf32, #tpu.memory_space<vmem>>[vector<16xi32>, vector<16xi32>], vector<16xf32>,
        %add3A_936 = arith.constant 16 : i32
        %add3A_937 = vector.broadcast %add3A_936 : i32 to vector<16xi32>
        %add3A_938 = arith.addi %and3A_13, %add3A_937 : vector<16xi32>
        tpu.vector_store_idx %arg12[%add3A_938, %add3A_757], %gather3A_876 : memref<64x256xf32, #tpu.memory_space<vmem>>[vector<16xi32>, vector<16xi32>], vector<16xf32>,
        %add3A_939 = arith.constant 16 : i32
        %add3A_940 = vector.broadcast %add3A_939 : i32 to vector<16xi32>
        %add3A_941 = arith.addi %and3A_19, %add3A_940 : vector<16xi32>
        tpu.vector_store_idx %arg12[%add3A_941, %add3A_757], %gather3A_880 : memref<64x256xf32, #tpu.memory_space<vmem>>[vector<16xi32>, vector<16xi32>], vector<16xf32>,
        %add3A_942 = arith.constant 16 : i32
        %add3A_943 = vector.broadcast %add3A_942 : i32 to vector<16xi32>
        %add3A_944 = arith.addi %and3A_25, %add3A_943 : vector<16xi32>
        tpu.vector_store_idx %arg12[%add3A_944, %add3A_757], %gather3A_884 : memref<64x256xf32, #tpu.memory_space<vmem>>[vector<16xi32>, vector<16xi32>], vector<16xf32>,
        %add3A_945 = arith.constant 16 : i32
        %add3A_946 = vector.broadcast %add3A_945 : i32 to vector<16xi32>
        %add3A_947 = arith.addi %and3A_31, %add3A_946 : vector<16xi32>
        tpu.vector_store_idx %arg12[%add3A_947, %add3A_757], %gather3A_888 : memref<64x256xf32, #tpu.memory_space<vmem>>[vector<16xi32>, vector<16xi32>], vector<16xf32>,
        %add3A_948 = arith.constant 16 : i32
        %add3A_949 = vector.broadcast %add3A_948 : i32 to vector<16xi32>
        %add3A_950 = arith.addi %and3A_37, %add3A_949 : vector<16xi32>
        tpu.vector_store_idx %arg12[%add3A_950, %add3A_757], %gather3A_892 : memref<64x256xf32, #tpu.memory_space<vmem>>[vector<16xi32>, vector<16xi32>], vector<16xf32>,
        %add3A_951 = arith.constant 16 : i32
        %add3A_952 = vector.broadcast %add3A_951 : i32 to vector<16xi32>
        %add3A_953 = arith.addi %and3A_43, %add3A_952 : vector<16xi32>
        tpu.vector_store_idx %arg12[%add3A_953, %add3A_757], %gather3A_896 : memref<64x256xf32, #tpu.memory_space<vmem>>[vector<16xi32>, vector<16xi32>], vector<16xf32>,
        %add3A_954 = arith.constant 16 : i32
        %add3A_955 = vector.broadcast %add3A_954 : i32 to vector<16xi32>
        %add3A_956 = arith.addi %and3A_49, %add3A_955 : vector<16xi32>
        tpu.vector_store_idx %arg12[%add3A_956, %add3A_757], %gather3A_900 : memref<64x256xf32, #tpu.memory_space<vmem>>[vector<16xi32>, vector<16xi32>], vector<16xf32>,
        %add3A_957 = arith.constant 16 : i32
        %add3A_958 = vector.broadcast %add3A_957 : i32 to vector<16xi32>
        %add3A_959 = arith.addi %and3A_55, %add3A_958 : vector<16xi32>
        tpu.vector_store_idx %arg12[%add3A_959, %add3A_757], %gather3A_904 : memref<64x256xf32, #tpu.memory_space<vmem>>[vector<16xi32>, vector<16xi32>], vector<16xf32>,
        %add3A_960 = arith.constant 16 : i32
        %add3A_961 = vector.broadcast %add3A_960 : i32 to vector<16xi32>
        %add3A_962 = arith.addi %and3A_61, %add3A_961 : vector<16xi32>
        tpu.vector_store_idx %arg12[%add3A_962, %add3A_757], %gather3A_908 : memref<64x256xf32, #tpu.memory_space<vmem>>[vector<16xi32>, vector<16xi32>], vector<16xf32>,
        %add3A_963 = arith.constant 16 : i32
        %add3A_964 = vector.broadcast %add3A_963 : i32 to vector<16xi32>
        %add3A_965 = arith.addi %and3A_67, %add3A_964 : vector<16xi32>
        tpu.vector_store_idx %arg12[%add3A_965, %add3A_757], %gather3A_912 : memref<64x256xf32, #tpu.memory_space<vmem>>[vector<16xi32>, vector<16xi32>], vector<16xf32>,
        %add3A_966 = arith.constant 16 : i32
        %add3A_967 = vector.broadcast %add3A_966 : i32 to vector<16xi32>
        %add3A_968 = arith.addi %and3A_73, %add3A_967 : vector<16xi32>
        tpu.vector_store_idx %arg12[%add3A_968, %add3A_757], %gather3A_916 : memref<64x256xf32, #tpu.memory_space<vmem>>[vector<16xi32>, vector<16xi32>], vector<16xf32>,
        %add3A_969 = arith.constant 16 : i32
        %add3A_970 = vector.broadcast %add3A_969 : i32 to vector<16xi32>
        %add3A_971 = arith.addi %and3A_79, %add3A_970 : vector<16xi32>
        tpu.vector_store_idx %arg12[%add3A_971, %add3A_757], %gather3A_920 : memref<64x256xf32, #tpu.memory_space<vmem>>[vector<16xi32>, vector<16xi32>], vector<16xf32>,
        %add3A_972 = arith.constant 16 : i32
        %add3A_973 = vector.broadcast %add3A_972 : i32 to vector<16xi32>
        %add3A_974 = arith.addi %and3A_85, %add3A_973 : vector<16xi32>
        tpu.vector_store_idx %arg12[%add3A_974, %add3A_757], %gather3A_924 : memref<64x256xf32, #tpu.memory_space<vmem>>[vector<16xi32>, vector<16xi32>], vector<16xf32>,
        %add3A_975 = arith.constant 16 : i32
        %add3A_976 = vector.broadcast %add3A_975 : i32 to vector<16xi32>
        %add3A_977 = arith.addi %and3A_91, %add3A_976 : vector<16xi32>
        tpu.vector_store_idx %arg12[%add3A_977, %add3A_757], %gather3A_928 : memref<64x256xf32, #tpu.memory_space<vmem>>[vector<16xi32>, vector<16xi32>], vector<16xf32>,
        %add3A_978 = arith.constant 16 : i32
        %add3A_979 = vector.broadcast %add3A_978 : i32 to vector<16xi32>
        %add3A_980 = arith.addi %and3A_97, %add3A_979 : vector<16xi32>
        tpu.vector_store_idx %arg12[%add3A_980, %add3A_757], %gather3A_932 : memref<64x256xf32, #tpu.memory_space<vmem>>[vector<16xi32>, vector<16xi32>], vector<16xf32>,
        %add3A_981 = arith.constant 32 : i32
        %add3A_982 = vector.broadcast %add3A_981 : i32 to vector<16xi32>
        %add3A_983 = arith.addi %add3A_738, %add3A_982 : vector<16xi32>
        %gather3A_984 = tpu.vector_load_idx %arg10[%add3A_737, %add3A_983] : memref<256x128xf32, #tpu.memory_space<vmem>>[vector<16xi32>, vector<16xi32>], vector<16xf32>,
        %add3A_985 = arith.constant 32 : i32
        %add3A_986 = vector.broadcast %add3A_985 : i32 to vector<16xi32>
        %add3A_987 = arith.addi %add3A_739, %add3A_986 : vector<16xi32>
        %gather3A_988 = tpu.vector_load_idx %arg10[%add3A_737, %add3A_987] : memref<256x128xf32, #tpu.memory_space<vmem>>[vector<16xi32>, vector<16xi32>], vector<16xf32>,
        %add3A_989 = arith.constant 32 : i32
        %add3A_990 = vector.broadcast %add3A_989 : i32 to vector<16xi32>
        %add3A_991 = arith.addi %add3A_740, %add3A_990 : vector<16xi32>
        %gather3A_992 = tpu.vector_load_idx %arg10[%add3A_737, %add3A_991] : memref<256x128xf32, #tpu.memory_space<vmem>>[vector<16xi32>, vector<16xi32>], vector<16xf32>,
        %add3A_993 = arith.constant 32 : i32
        %add3A_994 = vector.broadcast %add3A_993 : i32 to vector<16xi32>
        %add3A_995 = arith.addi %add3A_741, %add3A_994 : vector<16xi32>
        %gather3A_996 = tpu.vector_load_idx %arg10[%add3A_737, %add3A_995] : memref<256x128xf32, #tpu.memory_space<vmem>>[vector<16xi32>, vector<16xi32>], vector<16xf32>,
        %add3A_997 = arith.constant 32 : i32
        %add3A_998 = vector.broadcast %add3A_997 : i32 to vector<16xi32>
        %add3A_999 = arith.addi %add3A_742, %add3A_998 : vector<16xi32>
        %gather3A_1000 = tpu.vector_load_idx %arg10[%add3A_737, %add3A_999] : memref<256x128xf32, #tpu.memory_space<vmem>>[vector<16xi32>, vector<16xi32>], vector<16xf32>,
        %add3A_1001 = arith.constant 32 : i32
        %add3A_1002 = vector.broadcast %add3A_1001 : i32 to vector<16xi32>
        %add3A_1003 = arith.addi %add3A_743, %add3A_1002 : vector<16xi32>
        %gather3A_1004 = tpu.vector_load_idx %arg10[%add3A_737, %add3A_1003] : memref<256x128xf32, #tpu.memory_space<vmem>>[vector<16xi32>, vector<16xi32>], vector<16xf32>,
        %add3A_1005 = arith.constant 32 : i32
        %add3A_1006 = vector.broadcast %add3A_1005 : i32 to vector<16xi32>
        %add3A_1007 = arith.addi %add3A_744, %add3A_1006 : vector<16xi32>
        %gather3A_1008 = tpu.vector_load_idx %arg10[%add3A_737, %add3A_1007] : memref<256x128xf32, #tpu.memory_space<vmem>>[vector<16xi32>, vector<16xi32>], vector<16xf32>,
        %add3A_1009 = arith.constant 32 : i32
        %add3A_1010 = vector.broadcast %add3A_1009 : i32 to vector<16xi32>
        %add3A_1011 = arith.addi %add3A_745, %add3A_1010 : vector<16xi32>
        %gather3A_1012 = tpu.vector_load_idx %arg10[%add3A_737, %add3A_1011] : memref<256x128xf32, #tpu.memory_space<vmem>>[vector<16xi32>, vector<16xi32>], vector<16xf32>,
        %add3A_1013 = arith.constant 32 : i32
        %add3A_1014 = vector.broadcast %add3A_1013 : i32 to vector<16xi32>
        %add3A_1015 = arith.addi %add3A_746, %add3A_1014 : vector<16xi32>
        %gather3A_1016 = tpu.vector_load_idx %arg10[%add3A_737, %add3A_1015] : memref<256x128xf32, #tpu.memory_space<vmem>>[vector<16xi32>, vector<16xi32>], vector<16xf32>,
        %add3A_1017 = arith.constant 32 : i32
        %add3A_1018 = vector.broadcast %add3A_1017 : i32 to vector<16xi32>
        %add3A_1019 = arith.addi %add3A_747, %add3A_1018 : vector<16xi32>
        %gather3A_1020 = tpu.vector_load_idx %arg10[%add3A_737, %add3A_1019] : memref<256x128xf32, #tpu.memory_space<vmem>>[vector<16xi32>, vector<16xi32>], vector<16xf32>,
        %add3A_1021 = arith.constant 32 : i32
        %add3A_1022 = vector.broadcast %add3A_1021 : i32 to vector<16xi32>
        %add3A_1023 = arith.addi %add3A_748, %add3A_1022 : vector<16xi32>
        %gather3A_1024 = tpu.vector_load_idx %arg10[%add3A_737, %add3A_1023] : memref<256x128xf32, #tpu.memory_space<vmem>>[vector<16xi32>, vector<16xi32>], vector<16xf32>,
        %add3A_1025 = arith.constant 32 : i32
        %add3A_1026 = vector.broadcast %add3A_1025 : i32 to vector<16xi32>
        %add3A_1027 = arith.addi %add3A_749, %add3A_1026 : vector<16xi32>
        %gather3A_1028 = tpu.vector_load_idx %arg10[%add3A_737, %add3A_1027] : memref<256x128xf32, #tpu.memory_space<vmem>>[vector<16xi32>, vector<16xi32>], vector<16xf32>,
        %add3A_1029 = arith.constant 32 : i32
        %add3A_1030 = vector.broadcast %add3A_1029 : i32 to vector<16xi32>
        %add3A_1031 = arith.addi %add3A_750, %add3A_1030 : vector<16xi32>
        %gather3A_1032 = tpu.vector_load_idx %arg10[%add3A_737, %add3A_1031] : memref<256x128xf32, #tpu.memory_space<vmem>>[vector<16xi32>, vector<16xi32>], vector<16xf32>,
        %add3A_1033 = arith.constant 32 : i32
        %add3A_1034 = vector.broadcast %add3A_1033 : i32 to vector<16xi32>
        %add3A_1035 = arith.addi %add3A_751, %add3A_1034 : vector<16xi32>
        %gather3A_1036 = tpu.vector_load_idx %arg10[%add3A_737, %add3A_1035] : memref<256x128xf32, #tpu.memory_space<vmem>>[vector<16xi32>, vector<16xi32>], vector<16xf32>,
        %add3A_1037 = arith.constant 32 : i32
        %add3A_1038 = vector.broadcast %add3A_1037 : i32 to vector<16xi32>
        %add3A_1039 = arith.addi %add3A_752, %add3A_1038 : vector<16xi32>
        %gather3A_1040 = tpu.vector_load_idx %arg10[%add3A_737, %add3A_1039] : memref<256x128xf32, #tpu.memory_space<vmem>>[vector<16xi32>, vector<16xi32>], vector<16xf32>,
        %add3A_1041 = arith.constant 32 : i32
        %add3A_1042 = vector.broadcast %add3A_1041 : i32 to vector<16xi32>
        %add3A_1043 = arith.addi %add3A_753, %add3A_1042 : vector<16xi32>
        %gather3A_1044 = tpu.vector_load_idx %arg10[%add3A_737, %add3A_1043] : memref<256x128xf32, #tpu.memory_space<vmem>>[vector<16xi32>, vector<16xi32>], vector<16xf32>,
        %add3A_1045 = arith.constant 32 : i32
        %add3A_1046 = vector.broadcast %add3A_1045 : i32 to vector<16xi32>
        %add3A_1047 = arith.addi %and3A_7, %add3A_1046 : vector<16xi32>
        tpu.vector_store_idx %arg12[%add3A_1047, %add3A_757], %gather3A_984 : memref<64x256xf32, #tpu.memory_space<vmem>>[vector<16xi32>, vector<16xi32>], vector<16xf32>,
        %add3A_1048 = arith.constant 32 : i32
        %add3A_1049 = vector.broadcast %add3A_1048 : i32 to vector<16xi32>
        %add3A_1050 = arith.addi %and3A_13, %add3A_1049 : vector<16xi32>
        tpu.vector_store_idx %arg12[%add3A_1050, %add3A_757], %gather3A_988 : memref<64x256xf32, #tpu.memory_space<vmem>>[vector<16xi32>, vector<16xi32>], vector<16xf32>,
        %add3A_1051 = arith.constant 32 : i32
        %add3A_1052 = vector.broadcast %add3A_1051 : i32 to vector<16xi32>
        %add3A_1053 = arith.addi %and3A_19, %add3A_1052 : vector<16xi32>
        tpu.vector_store_idx %arg12[%add3A_1053, %add3A_757], %gather3A_992 : memref<64x256xf32, #tpu.memory_space<vmem>>[vector<16xi32>, vector<16xi32>], vector<16xf32>,
        %add3A_1054 = arith.constant 32 : i32
        %add3A_1055 = vector.broadcast %add3A_1054 : i32 to vector<16xi32>
        %add3A_1056 = arith.addi %and3A_25, %add3A_1055 : vector<16xi32>
        tpu.vector_store_idx %arg12[%add3A_1056, %add3A_757], %gather3A_996 : memref<64x256xf32, #tpu.memory_space<vmem>>[vector<16xi32>, vector<16xi32>], vector<16xf32>,
        %add3A_1057 = arith.constant 32 : i32
        %add3A_1058 = vector.broadcast %add3A_1057 : i32 to vector<16xi32>
        %add3A_1059 = arith.addi %and3A_31, %add3A_1058 : vector<16xi32>
        tpu.vector_store_idx %arg12[%add3A_1059, %add3A_757], %gather3A_1000 : memref<64x256xf32, #tpu.memory_space<vmem>>[vector<16xi32>, vector<16xi32>], vector<16xf32>,
        %add3A_1060 = arith.constant 32 : i32
        %add3A_1061 = vector.broadcast %add3A_1060 : i32 to vector<16xi32>
        %add3A_1062 = arith.addi %and3A_37, %add3A_1061 : vector<16xi32>
        tpu.vector_store_idx %arg12[%add3A_1062, %add3A_757], %gather3A_1004 : memref<64x256xf32, #tpu.memory_space<vmem>>[vector<16xi32>, vector<16xi32>], vector<16xf32>,
        %add3A_1063 = arith.constant 32 : i32
        %add3A_1064 = vector.broadcast %add3A_1063 : i32 to vector<16xi32>
        %add3A_1065 = arith.addi %and3A_43, %add3A_1064 : vector<16xi32>
        tpu.vector_store_idx %arg12[%add3A_1065, %add3A_757], %gather3A_1008 : memref<64x256xf32, #tpu.memory_space<vmem>>[vector<16xi32>, vector<16xi32>], vector<16xf32>,
        %add3A_1066 = arith.constant 32 : i32
        %add3A_1067 = vector.broadcast %add3A_1066 : i32 to vector<16xi32>
        %add3A_1068 = arith.addi %and3A_49, %add3A_1067 : vector<16xi32>
        tpu.vector_store_idx %arg12[%add3A_1068, %add3A_757], %gather3A_1012 : memref<64x256xf32, #tpu.memory_space<vmem>>[vector<16xi32>, vector<16xi32>], vector<16xf32>,
        %add3A_1069 = arith.constant 32 : i32
        %add3A_1070 = vector.broadcast %add3A_1069 : i32 to vector<16xi32>
        %add3A_1071 = arith.addi %and3A_55, %add3A_1070 : vector<16xi32>
        tpu.vector_store_idx %arg12[%add3A_1071, %add3A_757], %gather3A_1016 : memref<64x256xf32, #tpu.memory_space<vmem>>[vector<16xi32>, vector<16xi32>], vector<16xf32>,
        %add3A_1072 = arith.constant 32 : i32
        %add3A_1073 = vector.broadcast %add3A_1072 : i32 to vector<16xi32>
        %add3A_1074 = arith.addi %and3A_61, %add3A_1073 : vector<16xi32>
        tpu.vector_store_idx %arg12[%add3A_1074, %add3A_757], %gather3A_1020 : memref<64x256xf32, #tpu.memory_space<vmem>>[vector<16xi32>, vector<16xi32>], vector<16xf32>,
        %add3A_1075 = arith.constant 32 : i32
        %add3A_1076 = vector.broadcast %add3A_1075 : i32 to vector<16xi32>
        %add3A_1077 = arith.addi %and3A_67, %add3A_1076 : vector<16xi32>
        tpu.vector_store_idx %arg12[%add3A_1077, %add3A_757], %gather3A_1024 : memref<64x256xf32, #tpu.memory_space<vmem>>[vector<16xi32>, vector<16xi32>], vector<16xf32>,
        %add3A_1078 = arith.constant 32 : i32
        %add3A_1079 = vector.broadcast %add3A_1078 : i32 to vector<16xi32>
        %add3A_1080 = arith.addi %and3A_73, %add3A_1079 : vector<16xi32>
        tpu.vector_store_idx %arg12[%add3A_1080, %add3A_757], %gather3A_1028 : memref<64x256xf32, #tpu.memory_space<vmem>>[vector<16xi32>, vector<16xi32>], vector<16xf32>,
        %add3A_1081 = arith.constant 32 : i32
        %add3A_1082 = vector.broadcast %add3A_1081 : i32 to vector<16xi32>
        %add3A_1083 = arith.addi %and3A_79, %add3A_1082 : vector<16xi32>
        tpu.vector_store_idx %arg12[%add3A_1083, %add3A_757], %gather3A_1032 : memref<64x256xf32, #tpu.memory_space<vmem>>[vector<16xi32>, vector<16xi32>], vector<16xf32>,
        %add3A_1084 = arith.constant 32 : i32
        %add3A_1085 = vector.broadcast %add3A_1084 : i32 to vector<16xi32>
        %add3A_1086 = arith.addi %and3A_85, %add3A_1085 : vector<16xi32>
        tpu.vector_store_idx %arg12[%add3A_1086, %add3A_757], %gather3A_1036 : memref<64x256xf32, #tpu.memory_space<vmem>>[vector<16xi32>, vector<16xi32>], vector<16xf32>,
        %add3A_1087 = arith.constant 32 : i32
        %add3A_1088 = vector.broadcast %add3A_1087 : i32 to vector<16xi32>
        %add3A_1089 = arith.addi %and3A_91, %add3A_1088 : vector<16xi32>
        tpu.vector_store_idx %arg12[%add3A_1089, %add3A_757], %gather3A_1040 : memref<64x256xf32, #tpu.memory_space<vmem>>[vector<16xi32>, vector<16xi32>], vector<16xf32>,
        %add3A_1090 = arith.constant 32 : i32
        %add3A_1091 = vector.broadcast %add3A_1090 : i32 to vector<16xi32>
        %add3A_1092 = arith.addi %and3A_97, %add3A_1091 : vector<16xi32>
        tpu.vector_store_idx %arg12[%add3A_1092, %add3A_757], %gather3A_1044 : memref<64x256xf32, #tpu.memory_space<vmem>>[vector<16xi32>, vector<16xi32>], vector<16xf32>,
        %add3A_1093 = arith.constant 48 : i32
        %add3A_1094 = vector.broadcast %add3A_1093 : i32 to vector<16xi32>
        %add3A_1095 = arith.addi %add3A_738, %add3A_1094 : vector<16xi32>
        %gather3A_1096 = tpu.vector_load_idx %arg10[%add3A_737, %add3A_1095] : memref<256x128xf32, #tpu.memory_space<vmem>>[vector<16xi32>, vector<16xi32>], vector<16xf32>,
        %add3A_1097 = arith.constant 48 : i32
        %add3A_1098 = vector.broadcast %add3A_1097 : i32 to vector<16xi32>
        %add3A_1099 = arith.addi %add3A_739, %add3A_1098 : vector<16xi32>
        %gather3A_1100 = tpu.vector_load_idx %arg10[%add3A_737, %add3A_1099] : memref<256x128xf32, #tpu.memory_space<vmem>>[vector<16xi32>, vector<16xi32>], vector<16xf32>,
        %add3A_1101 = arith.constant 48 : i32
        %add3A_1102 = vector.broadcast %add3A_1101 : i32 to vector<16xi32>
        %add3A_1103 = arith.addi %add3A_740, %add3A_1102 : vector<16xi32>
        %gather3A_1104 = tpu.vector_load_idx %arg10[%add3A_737, %add3A_1103] : memref<256x128xf32, #tpu.memory_space<vmem>>[vector<16xi32>, vector<16xi32>], vector<16xf32>,
        %add3A_1105 = arith.constant 48 : i32
        %add3A_1106 = vector.broadcast %add3A_1105 : i32 to vector<16xi32>
        %add3A_1107 = arith.addi %add3A_741, %add3A_1106 : vector<16xi32>
        %gather3A_1108 = tpu.vector_load_idx %arg10[%add3A_737, %add3A_1107] : memref<256x128xf32, #tpu.memory_space<vmem>>[vector<16xi32>, vector<16xi32>], vector<16xf32>,
        %add3A_1109 = arith.constant 48 : i32
        %add3A_1110 = vector.broadcast %add3A_1109 : i32 to vector<16xi32>
        %add3A_1111 = arith.addi %add3A_742, %add3A_1110 : vector<16xi32>
        %gather3A_1112 = tpu.vector_load_idx %arg10[%add3A_737, %add3A_1111] : memref<256x128xf32, #tpu.memory_space<vmem>>[vector<16xi32>, vector<16xi32>], vector<16xf32>,
        %add3A_1113 = arith.constant 48 : i32
        %add3A_1114 = vector.broadcast %add3A_1113 : i32 to vector<16xi32>
        %add3A_1115 = arith.addi %add3A_743, %add3A_1114 : vector<16xi32>
        %gather3A_1116 = tpu.vector_load_idx %arg10[%add3A_737, %add3A_1115] : memref<256x128xf32, #tpu.memory_space<vmem>>[vector<16xi32>, vector<16xi32>], vector<16xf32>,
        %add3A_1117 = arith.constant 48 : i32
        %add3A_1118 = vector.broadcast %add3A_1117 : i32 to vector<16xi32>
        %add3A_1119 = arith.addi %add3A_744, %add3A_1118 : vector<16xi32>
        %gather3A_1120 = tpu.vector_load_idx %arg10[%add3A_737, %add3A_1119] : memref<256x128xf32, #tpu.memory_space<vmem>>[vector<16xi32>, vector<16xi32>], vector<16xf32>,
        %add3A_1121 = arith.constant 48 : i32
        %add3A_1122 = vector.broadcast %add3A_1121 : i32 to vector<16xi32>
        %add3A_1123 = arith.addi %add3A_745, %add3A_1122 : vector<16xi32>
        %gather3A_1124 = tpu.vector_load_idx %arg10[%add3A_737, %add3A_1123] : memref<256x128xf32, #tpu.memory_space<vmem>>[vector<16xi32>, vector<16xi32>], vector<16xf32>,
        %add3A_1125 = arith.constant 48 : i32
        %add3A_1126 = vector.broadcast %add3A_1125 : i32 to vector<16xi32>
        %add3A_1127 = arith.addi %add3A_746, %add3A_1126 : vector<16xi32>
        %gather3A_1128 = tpu.vector_load_idx %arg10[%add3A_737, %add3A_1127] : memref<256x128xf32, #tpu.memory_space<vmem>>[vector<16xi32>, vector<16xi32>], vector<16xf32>,
        %add3A_1129 = arith.constant 48 : i32
        %add3A_1130 = vector.broadcast %add3A_1129 : i32 to vector<16xi32>
        %add3A_1131 = arith.addi %add3A_747, %add3A_1130 : vector<16xi32>
        %gather3A_1132 = tpu.vector_load_idx %arg10[%add3A_737, %add3A_1131] : memref<256x128xf32, #tpu.memory_space<vmem>>[vector<16xi32>, vector<16xi32>], vector<16xf32>,
        %add3A_1133 = arith.constant 48 : i32
        %add3A_1134 = vector.broadcast %add3A_1133 : i32 to vector<16xi32>
        %add3A_1135 = arith.addi %add3A_748, %add3A_1134 : vector<16xi32>
        %gather3A_1136 = tpu.vector_load_idx %arg10[%add3A_737, %add3A_1135] : memref<256x128xf32, #tpu.memory_space<vmem>>[vector<16xi32>, vector<16xi32>], vector<16xf32>,
        %add3A_1137 = arith.constant 48 : i32
        %add3A_1138 = vector.broadcast %add3A_1137 : i32 to vector<16xi32>
        %add3A_1139 = arith.addi %add3A_749, %add3A_1138 : vector<16xi32>
        %gather3A_1140 = tpu.vector_load_idx %arg10[%add3A_737, %add3A_1139] : memref<256x128xf32, #tpu.memory_space<vmem>>[vector<16xi32>, vector<16xi32>], vector<16xf32>,
        %add3A_1141 = arith.constant 48 : i32
        %add3A_1142 = vector.broadcast %add3A_1141 : i32 to vector<16xi32>
        %add3A_1143 = arith.addi %add3A_750, %add3A_1142 : vector<16xi32>
        %gather3A_1144 = tpu.vector_load_idx %arg10[%add3A_737, %add3A_1143] : memref<256x128xf32, #tpu.memory_space<vmem>>[vector<16xi32>, vector<16xi32>], vector<16xf32>,
        %add3A_1145 = arith.constant 48 : i32
        %add3A_1146 = vector.broadcast %add3A_1145 : i32 to vector<16xi32>
        %add3A_1147 = arith.addi %add3A_751, %add3A_1146 : vector<16xi32>
        %gather3A_1148 = tpu.vector_load_idx %arg10[%add3A_737, %add3A_1147] : memref<256x128xf32, #tpu.memory_space<vmem>>[vector<16xi32>, vector<16xi32>], vector<16xf32>,
        %add3A_1149 = arith.constant 48 : i32
        %add3A_1150 = vector.broadcast %add3A_1149 : i32 to vector<16xi32>
        %add3A_1151 = arith.addi %add3A_752, %add3A_1150 : vector<16xi32>
        %gather3A_1152 = tpu.vector_load_idx %arg10[%add3A_737, %add3A_1151] : memref<256x128xf32, #tpu.memory_space<vmem>>[vector<16xi32>, vector<16xi32>], vector<16xf32>,
        %add3A_1153 = arith.constant 48 : i32
        %add3A_1154 = vector.broadcast %add3A_1153 : i32 to vector<16xi32>
        %add3A_1155 = arith.addi %add3A_753, %add3A_1154 : vector<16xi32>
        %gather3A_1156 = tpu.vector_load_idx %arg10[%add3A_737, %add3A_1155] : memref<256x128xf32, #tpu.memory_space<vmem>>[vector<16xi32>, vector<16xi32>], vector<16xf32>,
        %add3A_1157 = arith.constant 48 : i32
        %add3A_1158 = vector.broadcast %add3A_1157 : i32 to vector<16xi32>
        %add3A_1159 = arith.addi %and3A_7, %add3A_1158 : vector<16xi32>
        tpu.vector_store_idx %arg12[%add3A_1159, %add3A_757], %gather3A_1096 : memref<64x256xf32, #tpu.memory_space<vmem>>[vector<16xi32>, vector<16xi32>], vector<16xf32>,
        %add3A_1160 = arith.constant 48 : i32
        %add3A_1161 = vector.broadcast %add3A_1160 : i32 to vector<16xi32>
        %add3A_1162 = arith.addi %and3A_13, %add3A_1161 : vector<16xi32>
        tpu.vector_store_idx %arg12[%add3A_1162, %add3A_757], %gather3A_1100 : memref<64x256xf32, #tpu.memory_space<vmem>>[vector<16xi32>, vector<16xi32>], vector<16xf32>,
        %add3A_1163 = arith.constant 48 : i32
        %add3A_1164 = vector.broadcast %add3A_1163 : i32 to vector<16xi32>
        %add3A_1165 = arith.addi %and3A_19, %add3A_1164 : vector<16xi32>
        tpu.vector_store_idx %arg12[%add3A_1165, %add3A_757], %gather3A_1104 : memref<64x256xf32, #tpu.memory_space<vmem>>[vector<16xi32>, vector<16xi32>], vector<16xf32>,
        %add3A_1166 = arith.constant 48 : i32
        %add3A_1167 = vector.broadcast %add3A_1166 : i32 to vector<16xi32>
        %add3A_1168 = arith.addi %and3A_25, %add3A_1167 : vector<16xi32>
        tpu.vector_store_idx %arg12[%add3A_1168, %add3A_757], %gather3A_1108 : memref<64x256xf32, #tpu.memory_space<vmem>>[vector<16xi32>, vector<16xi32>], vector<16xf32>,
        %add3A_1169 = arith.constant 48 : i32
        %add3A_1170 = vector.broadcast %add3A_1169 : i32 to vector<16xi32>
        %add3A_1171 = arith.addi %and3A_31, %add3A_1170 : vector<16xi32>
        tpu.vector_store_idx %arg12[%add3A_1171, %add3A_757], %gather3A_1112 : memref<64x256xf32, #tpu.memory_space<vmem>>[vector<16xi32>, vector<16xi32>], vector<16xf32>,
        %add3A_1172 = arith.constant 48 : i32
        %add3A_1173 = vector.broadcast %add3A_1172 : i32 to vector<16xi32>
        %add3A_1174 = arith.addi %and3A_37, %add3A_1173 : vector<16xi32>
        tpu.vector_store_idx %arg12[%add3A_1174, %add3A_757], %gather3A_1116 : memref<64x256xf32, #tpu.memory_space<vmem>>[vector<16xi32>, vector<16xi32>], vector<16xf32>,
        %add3A_1175 = arith.constant 48 : i32
        %add3A_1176 = vector.broadcast %add3A_1175 : i32 to vector<16xi32>
        %add3A_1177 = arith.addi %and3A_43, %add3A_1176 : vector<16xi32>
        tpu.vector_store_idx %arg12[%add3A_1177, %add3A_757], %gather3A_1120 : memref<64x256xf32, #tpu.memory_space<vmem>>[vector<16xi32>, vector<16xi32>], vector<16xf32>,
        %add3A_1178 = arith.constant 48 : i32
        %add3A_1179 = vector.broadcast %add3A_1178 : i32 to vector<16xi32>
        %add3A_1180 = arith.addi %and3A_49, %add3A_1179 : vector<16xi32>
        tpu.vector_store_idx %arg12[%add3A_1180, %add3A_757], %gather3A_1124 : memref<64x256xf32, #tpu.memory_space<vmem>>[vector<16xi32>, vector<16xi32>], vector<16xf32>,
        %add3A_1181 = arith.constant 48 : i32
        %add3A_1182 = vector.broadcast %add3A_1181 : i32 to vector<16xi32>
        %add3A_1183 = arith.addi %and3A_55, %add3A_1182 : vector<16xi32>
        tpu.vector_store_idx %arg12[%add3A_1183, %add3A_757], %gather3A_1128 : memref<64x256xf32, #tpu.memory_space<vmem>>[vector<16xi32>, vector<16xi32>], vector<16xf32>,
        %add3A_1184 = arith.constant 48 : i32
        %add3A_1185 = vector.broadcast %add3A_1184 : i32 to vector<16xi32>
        %add3A_1186 = arith.addi %and3A_61, %add3A_1185 : vector<16xi32>
        tpu.vector_store_idx %arg12[%add3A_1186, %add3A_757], %gather3A_1132 : memref<64x256xf32, #tpu.memory_space<vmem>>[vector<16xi32>, vector<16xi32>], vector<16xf32>,
        %add3A_1187 = arith.constant 48 : i32
        %add3A_1188 = vector.broadcast %add3A_1187 : i32 to vector<16xi32>
        %add3A_1189 = arith.addi %and3A_67, %add3A_1188 : vector<16xi32>
        tpu.vector_store_idx %arg12[%add3A_1189, %add3A_757], %gather3A_1136 : memref<64x256xf32, #tpu.memory_space<vmem>>[vector<16xi32>, vector<16xi32>], vector<16xf32>,
        %add3A_1190 = arith.constant 48 : i32
        %add3A_1191 = vector.broadcast %add3A_1190 : i32 to vector<16xi32>
        %add3A_1192 = arith.addi %and3A_73, %add3A_1191 : vector<16xi32>
        tpu.vector_store_idx %arg12[%add3A_1192, %add3A_757], %gather3A_1140 : memref<64x256xf32, #tpu.memory_space<vmem>>[vector<16xi32>, vector<16xi32>], vector<16xf32>,
        %add3A_1193 = arith.constant 48 : i32
        %add3A_1194 = vector.broadcast %add3A_1193 : i32 to vector<16xi32>
        %add3A_1195 = arith.addi %and3A_79, %add3A_1194 : vector<16xi32>
        tpu.vector_store_idx %arg12[%add3A_1195, %add3A_757], %gather3A_1144 : memref<64x256xf32, #tpu.memory_space<vmem>>[vector<16xi32>, vector<16xi32>], vector<16xf32>,
        %add3A_1196 = arith.constant 48 : i32
        %add3A_1197 = vector.broadcast %add3A_1196 : i32 to vector<16xi32>
        %add3A_1198 = arith.addi %and3A_85, %add3A_1197 : vector<16xi32>
        tpu.vector_store_idx %arg12[%add3A_1198, %add3A_757], %gather3A_1148 : memref<64x256xf32, #tpu.memory_space<vmem>>[vector<16xi32>, vector<16xi32>], vector<16xf32>,
        %add3A_1199 = arith.constant 48 : i32
        %add3A_1200 = vector.broadcast %add3A_1199 : i32 to vector<16xi32>
        %add3A_1201 = arith.addi %and3A_91, %add3A_1200 : vector<16xi32>
        tpu.vector_store_idx %arg12[%add3A_1201, %add3A_757], %gather3A_1152 : memref<64x256xf32, #tpu.memory_space<vmem>>[vector<16xi32>, vector<16xi32>], vector<16xf32>,
        %add3A_1202 = arith.constant 48 : i32
        %add3A_1203 = vector.broadcast %add3A_1202 : i32 to vector<16xi32>
        %add3A_1204 = arith.addi %and3A_97, %add3A_1203 : vector<16xi32>
        tpu.vector_store_idx %arg12[%add3A_1204, %add3A_757], %gather3A_1156 : memref<64x256xf32, #tpu.memory_space<vmem>>[vector<16xi32>, vector<16xi32>], vector<16xf32>,
        %mul3A_1205 = arith.constant 2 : i32
        %mul3A_1206 = arith.muli %scan3A_716, %mul3A_1205 : i32
        %add3A_1207 = arith.constant 1 : i32
        %add3A_1208 = arith.addi %mul3A_1206, %add3A_1207 : i32
        %mul3A_1209 = arith.constant 256 : i32
        %mul3A_1210 = arith.muli %add3A_476, %mul3A_1209 : i32
        %mul3A_1211 = arith.constant 16 : i32
        %mul3A_1212 = arith.muli %add3A_1208, %mul3A_1211 : i32
        %add3A_1213 = arith.addi %mul3A_1210, %mul3A_1212 : i32
        %get3A_1214 = arith.index_cast %add3A_1213 : i32 to index
        %get3A_1215 = tpu.vector_load %arg6[%get3A_1214] {strides = array<i32>} : memref<13312xi32, #tpu.memory_space<vmem>>, vector<16xi32>,
        %and3A_1216 = arith.constant 1 : i32
        %and3A_1217 = vector.broadcast %and3A_1216 : i32 to vector<16xi32>
        %and3A_1218 = arith.andi %get3A_1215, %and3A_1217 : vector<16xi32>
        %mul3A_1219 = arith.constant 64 : i32
        %mul3A_1220 = vector.broadcast %mul3A_1219 : i32 to vector<16xi32>
        %mul3A_1221 = arith.muli %and3A_1218, %mul3A_1220 : vector<16xi32>
        %mul3A_1222 = arith.constant 16 : i32
        %mul3A_1223 = arith.muli %add3A_1208, %mul3A_1222 : i32
        %add3A_1224 = vector.broadcast %mul3A_1223 : i32 to vector<16xi32>
        %add3A_1225 = arith.addi %add3A_1224, %iota3A : vector<16xi32>
        %add3A_1226 = arith.addi %mul3A_1221, %and3A_7 : vector<16xi32>
        %add3A_1227 = arith.addi %mul3A_1221, %and3A_13 : vector<16xi32>
        %add3A_1228 = arith.addi %mul3A_1221, %and3A_19 : vector<16xi32>
        %add3A_1229 = arith.addi %mul3A_1221, %and3A_25 : vector<16xi32>
        %add3A_1230 = arith.addi %mul3A_1221, %and3A_31 : vector<16xi32>
        %add3A_1231 = arith.addi %mul3A_1221, %and3A_37 : vector<16xi32>
        %add3A_1232 = arith.addi %mul3A_1221, %and3A_43 : vector<16xi32>
        %add3A_1233 = arith.addi %mul3A_1221, %and3A_49 : vector<16xi32>
        %add3A_1234 = arith.addi %mul3A_1221, %and3A_55 : vector<16xi32>
        %add3A_1235 = arith.addi %mul3A_1221, %and3A_61 : vector<16xi32>
        %add3A_1236 = arith.addi %mul3A_1221, %and3A_67 : vector<16xi32>
        %add3A_1237 = arith.addi %mul3A_1221, %and3A_73 : vector<16xi32>
        %add3A_1238 = arith.addi %mul3A_1221, %and3A_79 : vector<16xi32>
        %add3A_1239 = arith.addi %mul3A_1221, %and3A_85 : vector<16xi32>
        %add3A_1240 = arith.addi %mul3A_1221, %and3A_91 : vector<16xi32>
        %add3A_1241 = arith.addi %mul3A_1221, %and3A_97 : vector<16xi32>
        %mul3A_1242 = arith.constant 16 : i32
        %mul3A_1243 = arith.muli %add3A_1208, %mul3A_1242 : i32
        %add3A_1244 = vector.broadcast %mul3A_1243 : i32 to vector<16xi32>
        %add3A_1245 = arith.addi %add3A_1244, %iota3A : vector<16xi32>
        %add3A_1246 = arith.constant 0 : i32
        %add3A_1247 = vector.broadcast %add3A_1246 : i32 to vector<16xi32>
        %add3A_1248 = arith.addi %add3A_1226, %add3A_1247 : vector<16xi32>
        %gather3A_1249 = tpu.vector_load_idx %arg10[%add3A_1225, %add3A_1248] : memref<256x128xf32, #tpu.memory_space<vmem>>[vector<16xi32>, vector<16xi32>], vector<16xf32>,
        %add3A_1250 = arith.constant 0 : i32
        %add3A_1251 = vector.broadcast %add3A_1250 : i32 to vector<16xi32>
        %add3A_1252 = arith.addi %add3A_1227, %add3A_1251 : vector<16xi32>
        %gather3A_1253 = tpu.vector_load_idx %arg10[%add3A_1225, %add3A_1252] : memref<256x128xf32, #tpu.memory_space<vmem>>[vector<16xi32>, vector<16xi32>], vector<16xf32>,
        %add3A_1254 = arith.constant 0 : i32
        %add3A_1255 = vector.broadcast %add3A_1254 : i32 to vector<16xi32>
        %add3A_1256 = arith.addi %add3A_1228, %add3A_1255 : vector<16xi32>
        %gather3A_1257 = tpu.vector_load_idx %arg10[%add3A_1225, %add3A_1256] : memref<256x128xf32, #tpu.memory_space<vmem>>[vector<16xi32>, vector<16xi32>], vector<16xf32>,
        %add3A_1258 = arith.constant 0 : i32
        %add3A_1259 = vector.broadcast %add3A_1258 : i32 to vector<16xi32>
        %add3A_1260 = arith.addi %add3A_1229, %add3A_1259 : vector<16xi32>
        %gather3A_1261 = tpu.vector_load_idx %arg10[%add3A_1225, %add3A_1260] : memref<256x128xf32, #tpu.memory_space<vmem>>[vector<16xi32>, vector<16xi32>], vector<16xf32>,
        %add3A_1262 = arith.constant 0 : i32
        %add3A_1263 = vector.broadcast %add3A_1262 : i32 to vector<16xi32>
        %add3A_1264 = arith.addi %add3A_1230, %add3A_1263 : vector<16xi32>
        %gather3A_1265 = tpu.vector_load_idx %arg10[%add3A_1225, %add3A_1264] : memref<256x128xf32, #tpu.memory_space<vmem>>[vector<16xi32>, vector<16xi32>], vector<16xf32>,
        %add3A_1266 = arith.constant 0 : i32
        %add3A_1267 = vector.broadcast %add3A_1266 : i32 to vector<16xi32>
        %add3A_1268 = arith.addi %add3A_1231, %add3A_1267 : vector<16xi32>
        %gather3A_1269 = tpu.vector_load_idx %arg10[%add3A_1225, %add3A_1268] : memref<256x128xf32, #tpu.memory_space<vmem>>[vector<16xi32>, vector<16xi32>], vector<16xf32>,
        %add3A_1270 = arith.constant 0 : i32
        %add3A_1271 = vector.broadcast %add3A_1270 : i32 to vector<16xi32>
        %add3A_1272 = arith.addi %add3A_1232, %add3A_1271 : vector<16xi32>
        %gather3A_1273 = tpu.vector_load_idx %arg10[%add3A_1225, %add3A_1272] : memref<256x128xf32, #tpu.memory_space<vmem>>[vector<16xi32>, vector<16xi32>], vector<16xf32>,
        %add3A_1274 = arith.constant 0 : i32
        %add3A_1275 = vector.broadcast %add3A_1274 : i32 to vector<16xi32>
        %add3A_1276 = arith.addi %add3A_1233, %add3A_1275 : vector<16xi32>
        %gather3A_1277 = tpu.vector_load_idx %arg10[%add3A_1225, %add3A_1276] : memref<256x128xf32, #tpu.memory_space<vmem>>[vector<16xi32>, vector<16xi32>], vector<16xf32>,
        %add3A_1278 = arith.constant 0 : i32
        %add3A_1279 = vector.broadcast %add3A_1278 : i32 to vector<16xi32>
        %add3A_1280 = arith.addi %add3A_1234, %add3A_1279 : vector<16xi32>
        %gather3A_1281 = tpu.vector_load_idx %arg10[%add3A_1225, %add3A_1280] : memref<256x128xf32, #tpu.memory_space<vmem>>[vector<16xi32>, vector<16xi32>], vector<16xf32>,
        %add3A_1282 = arith.constant 0 : i32
        %add3A_1283 = vector.broadcast %add3A_1282 : i32 to vector<16xi32>
        %add3A_1284 = arith.addi %add3A_1235, %add3A_1283 : vector<16xi32>
        %gather3A_1285 = tpu.vector_load_idx %arg10[%add3A_1225, %add3A_1284] : memref<256x128xf32, #tpu.memory_space<vmem>>[vector<16xi32>, vector<16xi32>], vector<16xf32>,
        %add3A_1286 = arith.constant 0 : i32
        %add3A_1287 = vector.broadcast %add3A_1286 : i32 to vector<16xi32>
        %add3A_1288 = arith.addi %add3A_1236, %add3A_1287 : vector<16xi32>
        %gather3A_1289 = tpu.vector_load_idx %arg10[%add3A_1225, %add3A_1288] : memref<256x128xf32, #tpu.memory_space<vmem>>[vector<16xi32>, vector<16xi32>], vector<16xf32>,
        %add3A_1290 = arith.constant 0 : i32
        %add3A_1291 = vector.broadcast %add3A_1290 : i32 to vector<16xi32>
        %add3A_1292 = arith.addi %add3A_1237, %add3A_1291 : vector<16xi32>
        %gather3A_1293 = tpu.vector_load_idx %arg10[%add3A_1225, %add3A_1292] : memref<256x128xf32, #tpu.memory_space<vmem>>[vector<16xi32>, vector<16xi32>], vector<16xf32>,
        %add3A_1294 = arith.constant 0 : i32
        %add3A_1295 = vector.broadcast %add3A_1294 : i32 to vector<16xi32>
        %add3A_1296 = arith.addi %add3A_1238, %add3A_1295 : vector<16xi32>
        %gather3A_1297 = tpu.vector_load_idx %arg10[%add3A_1225, %add3A_1296] : memref<256x128xf32, #tpu.memory_space<vmem>>[vector<16xi32>, vector<16xi32>], vector<16xf32>,
        %add3A_1298 = arith.constant 0 : i32
        %add3A_1299 = vector.broadcast %add3A_1298 : i32 to vector<16xi32>
        %add3A_1300 = arith.addi %add3A_1239, %add3A_1299 : vector<16xi32>
        %gather3A_1301 = tpu.vector_load_idx %arg10[%add3A_1225, %add3A_1300] : memref<256x128xf32, #tpu.memory_space<vmem>>[vector<16xi32>, vector<16xi32>], vector<16xf32>,
        %add3A_1302 = arith.constant 0 : i32
        %add3A_1303 = vector.broadcast %add3A_1302 : i32 to vector<16xi32>
        %add3A_1304 = arith.addi %add3A_1240, %add3A_1303 : vector<16xi32>
        %gather3A_1305 = tpu.vector_load_idx %arg10[%add3A_1225, %add3A_1304] : memref<256x128xf32, #tpu.memory_space<vmem>>[vector<16xi32>, vector<16xi32>], vector<16xf32>,
        %add3A_1306 = arith.constant 0 : i32
        %add3A_1307 = vector.broadcast %add3A_1306 : i32 to vector<16xi32>
        %add3A_1308 = arith.addi %add3A_1241, %add3A_1307 : vector<16xi32>
        %gather3A_1309 = tpu.vector_load_idx %arg10[%add3A_1225, %add3A_1308] : memref<256x128xf32, #tpu.memory_space<vmem>>[vector<16xi32>, vector<16xi32>], vector<16xf32>,
        %add3A_1310 = arith.constant 0 : i32
        %add3A_1311 = vector.broadcast %add3A_1310 : i32 to vector<16xi32>
        %add3A_1312 = arith.addi %and3A_7, %add3A_1311 : vector<16xi32>
        tpu.vector_store_idx %arg12[%add3A_1312, %add3A_1245], %gather3A_1249 : memref<64x256xf32, #tpu.memory_space<vmem>>[vector<16xi32>, vector<16xi32>], vector<16xf32>,
        %add3A_1313 = arith.constant 0 : i32
        %add3A_1314 = vector.broadcast %add3A_1313 : i32 to vector<16xi32>
        %add3A_1315 = arith.addi %and3A_13, %add3A_1314 : vector<16xi32>
        tpu.vector_store_idx %arg12[%add3A_1315, %add3A_1245], %gather3A_1253 : memref<64x256xf32, #tpu.memory_space<vmem>>[vector<16xi32>, vector<16xi32>], vector<16xf32>,
        %add3A_1316 = arith.constant 0 : i32
        %add3A_1317 = vector.broadcast %add3A_1316 : i32 to vector<16xi32>
        %add3A_1318 = arith.addi %and3A_19, %add3A_1317 : vector<16xi32>
        tpu.vector_store_idx %arg12[%add3A_1318, %add3A_1245], %gather3A_1257 : memref<64x256xf32, #tpu.memory_space<vmem>>[vector<16xi32>, vector<16xi32>], vector<16xf32>,
        %add3A_1319 = arith.constant 0 : i32
        %add3A_1320 = vector.broadcast %add3A_1319 : i32 to vector<16xi32>
        %add3A_1321 = arith.addi %and3A_25, %add3A_1320 : vector<16xi32>
        tpu.vector_store_idx %arg12[%add3A_1321, %add3A_1245], %gather3A_1261 : memref<64x256xf32, #tpu.memory_space<vmem>>[vector<16xi32>, vector<16xi32>], vector<16xf32>,
        %add3A_1322 = arith.constant 0 : i32
        %add3A_1323 = vector.broadcast %add3A_1322 : i32 to vector<16xi32>
        %add3A_1324 = arith.addi %and3A_31, %add3A_1323 : vector<16xi32>
        tpu.vector_store_idx %arg12[%add3A_1324, %add3A_1245], %gather3A_1265 : memref<64x256xf32, #tpu.memory_space<vmem>>[vector<16xi32>, vector<16xi32>], vector<16xf32>,
        %add3A_1325 = arith.constant 0 : i32
        %add3A_1326 = vector.broadcast %add3A_1325 : i32 to vector<16xi32>
        %add3A_1327 = arith.addi %and3A_37, %add3A_1326 : vector<16xi32>
        tpu.vector_store_idx %arg12[%add3A_1327, %add3A_1245], %gather3A_1269 : memref<64x256xf32, #tpu.memory_space<vmem>>[vector<16xi32>, vector<16xi32>], vector<16xf32>,
        %add3A_1328 = arith.constant 0 : i32
        %add3A_1329 = vector.broadcast %add3A_1328 : i32 to vector<16xi32>
        %add3A_1330 = arith.addi %and3A_43, %add3A_1329 : vector<16xi32>
        tpu.vector_store_idx %arg12[%add3A_1330, %add3A_1245], %gather3A_1273 : memref<64x256xf32, #tpu.memory_space<vmem>>[vector<16xi32>, vector<16xi32>], vector<16xf32>,
        %add3A_1331 = arith.constant 0 : i32
        %add3A_1332 = vector.broadcast %add3A_1331 : i32 to vector<16xi32>
        %add3A_1333 = arith.addi %and3A_49, %add3A_1332 : vector<16xi32>
        tpu.vector_store_idx %arg12[%add3A_1333, %add3A_1245], %gather3A_1277 : memref<64x256xf32, #tpu.memory_space<vmem>>[vector<16xi32>, vector<16xi32>], vector<16xf32>,
        %add3A_1334 = arith.constant 0 : i32
        %add3A_1335 = vector.broadcast %add3A_1334 : i32 to vector<16xi32>
        %add3A_1336 = arith.addi %and3A_55, %add3A_1335 : vector<16xi32>
        tpu.vector_store_idx %arg12[%add3A_1336, %add3A_1245], %gather3A_1281 : memref<64x256xf32, #tpu.memory_space<vmem>>[vector<16xi32>, vector<16xi32>], vector<16xf32>,
        %add3A_1337 = arith.constant 0 : i32
        %add3A_1338 = vector.broadcast %add3A_1337 : i32 to vector<16xi32>
        %add3A_1339 = arith.addi %and3A_61, %add3A_1338 : vector<16xi32>
        tpu.vector_store_idx %arg12[%add3A_1339, %add3A_1245], %gather3A_1285 : memref<64x256xf32, #tpu.memory_space<vmem>>[vector<16xi32>, vector<16xi32>], vector<16xf32>,
        %add3A_1340 = arith.constant 0 : i32
        %add3A_1341 = vector.broadcast %add3A_1340 : i32 to vector<16xi32>
        %add3A_1342 = arith.addi %and3A_67, %add3A_1341 : vector<16xi32>
        tpu.vector_store_idx %arg12[%add3A_1342, %add3A_1245], %gather3A_1289 : memref<64x256xf32, #tpu.memory_space<vmem>>[vector<16xi32>, vector<16xi32>], vector<16xf32>,
        %add3A_1343 = arith.constant 0 : i32
        %add3A_1344 = vector.broadcast %add3A_1343 : i32 to vector<16xi32>
        %add3A_1345 = arith.addi %and3A_73, %add3A_1344 : vector<16xi32>
        tpu.vector_store_idx %arg12[%add3A_1345, %add3A_1245], %gather3A_1293 : memref<64x256xf32, #tpu.memory_space<vmem>>[vector<16xi32>, vector<16xi32>], vector<16xf32>,
        %add3A_1346 = arith.constant 0 : i32
        %add3A_1347 = vector.broadcast %add3A_1346 : i32 to vector<16xi32>
        %add3A_1348 = arith.addi %and3A_79, %add3A_1347 : vector<16xi32>
        tpu.vector_store_idx %arg12[%add3A_1348, %add3A_1245], %gather3A_1297 : memref<64x256xf32, #tpu.memory_space<vmem>>[vector<16xi32>, vector<16xi32>], vector<16xf32>,
        %add3A_1349 = arith.constant 0 : i32
        %add3A_1350 = vector.broadcast %add3A_1349 : i32 to vector<16xi32>
        %add3A_1351 = arith.addi %and3A_85, %add3A_1350 : vector<16xi32>
        tpu.vector_store_idx %arg12[%add3A_1351, %add3A_1245], %gather3A_1301 : memref<64x256xf32, #tpu.memory_space<vmem>>[vector<16xi32>, vector<16xi32>], vector<16xf32>,
        %add3A_1352 = arith.constant 0 : i32
        %add3A_1353 = vector.broadcast %add3A_1352 : i32 to vector<16xi32>
        %add3A_1354 = arith.addi %and3A_91, %add3A_1353 : vector<16xi32>
        tpu.vector_store_idx %arg12[%add3A_1354, %add3A_1245], %gather3A_1305 : memref<64x256xf32, #tpu.memory_space<vmem>>[vector<16xi32>, vector<16xi32>], vector<16xf32>,
        %add3A_1355 = arith.constant 0 : i32
        %add3A_1356 = vector.broadcast %add3A_1355 : i32 to vector<16xi32>
        %add3A_1357 = arith.addi %and3A_97, %add3A_1356 : vector<16xi32>
        tpu.vector_store_idx %arg12[%add3A_1357, %add3A_1245], %gather3A_1309 : memref<64x256xf32, #tpu.memory_space<vmem>>[vector<16xi32>, vector<16xi32>], vector<16xf32>,
        %add3A_1358 = arith.constant 16 : i32
        %add3A_1359 = vector.broadcast %add3A_1358 : i32 to vector<16xi32>
        %add3A_1360 = arith.addi %add3A_1226, %add3A_1359 : vector<16xi32>
        %gather3A_1361 = tpu.vector_load_idx %arg10[%add3A_1225, %add3A_1360] : memref<256x128xf32, #tpu.memory_space<vmem>>[vector<16xi32>, vector<16xi32>], vector<16xf32>,
        %add3A_1362 = arith.constant 16 : i32
        %add3A_1363 = vector.broadcast %add3A_1362 : i32 to vector<16xi32>
        %add3A_1364 = arith.addi %add3A_1227, %add3A_1363 : vector<16xi32>
        %gather3A_1365 = tpu.vector_load_idx %arg10[%add3A_1225, %add3A_1364] : memref<256x128xf32, #tpu.memory_space<vmem>>[vector<16xi32>, vector<16xi32>], vector<16xf32>,
        %add3A_1366 = arith.constant 16 : i32
        %add3A_1367 = vector.broadcast %add3A_1366 : i32 to vector<16xi32>
        %add3A_1368 = arith.addi %add3A_1228, %add3A_1367 : vector<16xi32>
        %gather3A_1369 = tpu.vector_load_idx %arg10[%add3A_1225, %add3A_1368] : memref<256x128xf32, #tpu.memory_space<vmem>>[vector<16xi32>, vector<16xi32>], vector<16xf32>,
        %add3A_1370 = arith.constant 16 : i32
        %add3A_1371 = vector.broadcast %add3A_1370 : i32 to vector<16xi32>
        %add3A_1372 = arith.addi %add3A_1229, %add3A_1371 : vector<16xi32>
        %gather3A_1373 = tpu.vector_load_idx %arg10[%add3A_1225, %add3A_1372] : memref<256x128xf32, #tpu.memory_space<vmem>>[vector<16xi32>, vector<16xi32>], vector<16xf32>,
        %add3A_1374 = arith.constant 16 : i32
        %add3A_1375 = vector.broadcast %add3A_1374 : i32 to vector<16xi32>
        %add3A_1376 = arith.addi %add3A_1230, %add3A_1375 : vector<16xi32>
        %gather3A_1377 = tpu.vector_load_idx %arg10[%add3A_1225, %add3A_1376] : memref<256x128xf32, #tpu.memory_space<vmem>>[vector<16xi32>, vector<16xi32>], vector<16xf32>,
        %add3A_1378 = arith.constant 16 : i32
        %add3A_1379 = vector.broadcast %add3A_1378 : i32 to vector<16xi32>
        %add3A_1380 = arith.addi %add3A_1231, %add3A_1379 : vector<16xi32>
        %gather3A_1381 = tpu.vector_load_idx %arg10[%add3A_1225, %add3A_1380] : memref<256x128xf32, #tpu.memory_space<vmem>>[vector<16xi32>, vector<16xi32>], vector<16xf32>,
        %add3A_1382 = arith.constant 16 : i32
        %add3A_1383 = vector.broadcast %add3A_1382 : i32 to vector<16xi32>
        %add3A_1384 = arith.addi %add3A_1232, %add3A_1383 : vector<16xi32>
        %gather3A_1385 = tpu.vector_load_idx %arg10[%add3A_1225, %add3A_1384] : memref<256x128xf32, #tpu.memory_space<vmem>>[vector<16xi32>, vector<16xi32>], vector<16xf32>,
        %add3A_1386 = arith.constant 16 : i32
        %add3A_1387 = vector.broadcast %add3A_1386 : i32 to vector<16xi32>
        %add3A_1388 = arith.addi %add3A_1233, %add3A_1387 : vector<16xi32>
        %gather3A_1389 = tpu.vector_load_idx %arg10[%add3A_1225, %add3A_1388] : memref<256x128xf32, #tpu.memory_space<vmem>>[vector<16xi32>, vector<16xi32>], vector<16xf32>,
        %add3A_1390 = arith.constant 16 : i32
        %add3A_1391 = vector.broadcast %add3A_1390 : i32 to vector<16xi32>
        %add3A_1392 = arith.addi %add3A_1234, %add3A_1391 : vector<16xi32>
        %gather3A_1393 = tpu.vector_load_idx %arg10[%add3A_1225, %add3A_1392] : memref<256x128xf32, #tpu.memory_space<vmem>>[vector<16xi32>, vector<16xi32>], vector<16xf32>,
        %add3A_1394 = arith.constant 16 : i32
        %add3A_1395 = vector.broadcast %add3A_1394 : i32 to vector<16xi32>
        %add3A_1396 = arith.addi %add3A_1235, %add3A_1395 : vector<16xi32>
        %gather3A_1397 = tpu.vector_load_idx %arg10[%add3A_1225, %add3A_1396] : memref<256x128xf32, #tpu.memory_space<vmem>>[vector<16xi32>, vector<16xi32>], vector<16xf32>,
        %add3A_1398 = arith.constant 16 : i32
        %add3A_1399 = vector.broadcast %add3A_1398 : i32 to vector<16xi32>
        %add3A_1400 = arith.addi %add3A_1236, %add3A_1399 : vector<16xi32>
        %gather3A_1401 = tpu.vector_load_idx %arg10[%add3A_1225, %add3A_1400] : memref<256x128xf32, #tpu.memory_space<vmem>>[vector<16xi32>, vector<16xi32>], vector<16xf32>,
        %add3A_1402 = arith.constant 16 : i32
        %add3A_1403 = vector.broadcast %add3A_1402 : i32 to vector<16xi32>
        %add3A_1404 = arith.addi %add3A_1237, %add3A_1403 : vector<16xi32>
        %gather3A_1405 = tpu.vector_load_idx %arg10[%add3A_1225, %add3A_1404] : memref<256x128xf32, #tpu.memory_space<vmem>>[vector<16xi32>, vector<16xi32>], vector<16xf32>,
        %add3A_1406 = arith.constant 16 : i32
        %add3A_1407 = vector.broadcast %add3A_1406 : i32 to vector<16xi32>
        %add3A_1408 = arith.addi %add3A_1238, %add3A_1407 : vector<16xi32>
        %gather3A_1409 = tpu.vector_load_idx %arg10[%add3A_1225, %add3A_1408] : memref<256x128xf32, #tpu.memory_space<vmem>>[vector<16xi32>, vector<16xi32>], vector<16xf32>,
        %add3A_1410 = arith.constant 16 : i32
        %add3A_1411 = vector.broadcast %add3A_1410 : i32 to vector<16xi32>
        %add3A_1412 = arith.addi %add3A_1239, %add3A_1411 : vector<16xi32>
        %gather3A_1413 = tpu.vector_load_idx %arg10[%add3A_1225, %add3A_1412] : memref<256x128xf32, #tpu.memory_space<vmem>>[vector<16xi32>, vector<16xi32>], vector<16xf32>,
        %add3A_1414 = arith.constant 16 : i32
        %add3A_1415 = vector.broadcast %add3A_1414 : i32 to vector<16xi32>
        %add3A_1416 = arith.addi %add3A_1240, %add3A_1415 : vector<16xi32>
        %gather3A_1417 = tpu.vector_load_idx %arg10[%add3A_1225, %add3A_1416] : memref<256x128xf32, #tpu.memory_space<vmem>>[vector<16xi32>, vector<16xi32>], vector<16xf32>,
        %add3A_1418 = arith.constant 16 : i32
        %add3A_1419 = vector.broadcast %add3A_1418 : i32 to vector<16xi32>
        %add3A_1420 = arith.addi %add3A_1241, %add3A_1419 : vector<16xi32>
        %gather3A_1421 = tpu.vector_load_idx %arg10[%add3A_1225, %add3A_1420] : memref<256x128xf32, #tpu.memory_space<vmem>>[vector<16xi32>, vector<16xi32>], vector<16xf32>,
        %add3A_1422 = arith.constant 16 : i32
        %add3A_1423 = vector.broadcast %add3A_1422 : i32 to vector<16xi32>
        %add3A_1424 = arith.addi %and3A_7, %add3A_1423 : vector<16xi32>
        tpu.vector_store_idx %arg12[%add3A_1424, %add3A_1245], %gather3A_1361 : memref<64x256xf32, #tpu.memory_space<vmem>>[vector<16xi32>, vector<16xi32>], vector<16xf32>,
        %add3A_1425 = arith.constant 16 : i32
        %add3A_1426 = vector.broadcast %add3A_1425 : i32 to vector<16xi32>
        %add3A_1427 = arith.addi %and3A_13, %add3A_1426 : vector<16xi32>
        tpu.vector_store_idx %arg12[%add3A_1427, %add3A_1245], %gather3A_1365 : memref<64x256xf32, #tpu.memory_space<vmem>>[vector<16xi32>, vector<16xi32>], vector<16xf32>,
        %add3A_1428 = arith.constant 16 : i32
        %add3A_1429 = vector.broadcast %add3A_1428 : i32 to vector<16xi32>
        %add3A_1430 = arith.addi %and3A_19, %add3A_1429 : vector<16xi32>
        tpu.vector_store_idx %arg12[%add3A_1430, %add3A_1245], %gather3A_1369 : memref<64x256xf32, #tpu.memory_space<vmem>>[vector<16xi32>, vector<16xi32>], vector<16xf32>,
        %add3A_1431 = arith.constant 16 : i32
        %add3A_1432 = vector.broadcast %add3A_1431 : i32 to vector<16xi32>
        %add3A_1433 = arith.addi %and3A_25, %add3A_1432 : vector<16xi32>
        tpu.vector_store_idx %arg12[%add3A_1433, %add3A_1245], %gather3A_1373 : memref<64x256xf32, #tpu.memory_space<vmem>>[vector<16xi32>, vector<16xi32>], vector<16xf32>,
        %add3A_1434 = arith.constant 16 : i32
        %add3A_1435 = vector.broadcast %add3A_1434 : i32 to vector<16xi32>
        %add3A_1436 = arith.addi %and3A_31, %add3A_1435 : vector<16xi32>
        tpu.vector_store_idx %arg12[%add3A_1436, %add3A_1245], %gather3A_1377 : memref<64x256xf32, #tpu.memory_space<vmem>>[vector<16xi32>, vector<16xi32>], vector<16xf32>,
        %add3A_1437 = arith.constant 16 : i32
        %add3A_1438 = vector.broadcast %add3A_1437 : i32 to vector<16xi32>
        %add3A_1439 = arith.addi %and3A_37, %add3A_1438 : vector<16xi32>
        tpu.vector_store_idx %arg12[%add3A_1439, %add3A_1245], %gather3A_1381 : memref<64x256xf32, #tpu.memory_space<vmem>>[vector<16xi32>, vector<16xi32>], vector<16xf32>,
        %add3A_1440 = arith.constant 16 : i32
        %add3A_1441 = vector.broadcast %add3A_1440 : i32 to vector<16xi32>
        %add3A_1442 = arith.addi %and3A_43, %add3A_1441 : vector<16xi32>
        tpu.vector_store_idx %arg12[%add3A_1442, %add3A_1245], %gather3A_1385 : memref<64x256xf32, #tpu.memory_space<vmem>>[vector<16xi32>, vector<16xi32>], vector<16xf32>,
        %add3A_1443 = arith.constant 16 : i32
        %add3A_1444 = vector.broadcast %add3A_1443 : i32 to vector<16xi32>
        %add3A_1445 = arith.addi %and3A_49, %add3A_1444 : vector<16xi32>
        tpu.vector_store_idx %arg12[%add3A_1445, %add3A_1245], %gather3A_1389 : memref<64x256xf32, #tpu.memory_space<vmem>>[vector<16xi32>, vector<16xi32>], vector<16xf32>,
        %add3A_1446 = arith.constant 16 : i32
        %add3A_1447 = vector.broadcast %add3A_1446 : i32 to vector<16xi32>
        %add3A_1448 = arith.addi %and3A_55, %add3A_1447 : vector<16xi32>
        tpu.vector_store_idx %arg12[%add3A_1448, %add3A_1245], %gather3A_1393 : memref<64x256xf32, #tpu.memory_space<vmem>>[vector<16xi32>, vector<16xi32>], vector<16xf32>,
        %add3A_1449 = arith.constant 16 : i32
        %add3A_1450 = vector.broadcast %add3A_1449 : i32 to vector<16xi32>
        %add3A_1451 = arith.addi %and3A_61, %add3A_1450 : vector<16xi32>
        tpu.vector_store_idx %arg12[%add3A_1451, %add3A_1245], %gather3A_1397 : memref<64x256xf32, #tpu.memory_space<vmem>>[vector<16xi32>, vector<16xi32>], vector<16xf32>,
        %add3A_1452 = arith.constant 16 : i32
        %add3A_1453 = vector.broadcast %add3A_1452 : i32 to vector<16xi32>
        %add3A_1454 = arith.addi %and3A_67, %add3A_1453 : vector<16xi32>
        tpu.vector_store_idx %arg12[%add3A_1454, %add3A_1245], %gather3A_1401 : memref<64x256xf32, #tpu.memory_space<vmem>>[vector<16xi32>, vector<16xi32>], vector<16xf32>,
        %add3A_1455 = arith.constant 16 : i32
        %add3A_1456 = vector.broadcast %add3A_1455 : i32 to vector<16xi32>
        %add3A_1457 = arith.addi %and3A_73, %add3A_1456 : vector<16xi32>
        tpu.vector_store_idx %arg12[%add3A_1457, %add3A_1245], %gather3A_1405 : memref<64x256xf32, #tpu.memory_space<vmem>>[vector<16xi32>, vector<16xi32>], vector<16xf32>,
        %add3A_1458 = arith.constant 16 : i32
        %add3A_1459 = vector.broadcast %add3A_1458 : i32 to vector<16xi32>
        %add3A_1460 = arith.addi %and3A_79, %add3A_1459 : vector<16xi32>
        tpu.vector_store_idx %arg12[%add3A_1460, %add3A_1245], %gather3A_1409 : memref<64x256xf32, #tpu.memory_space<vmem>>[vector<16xi32>, vector<16xi32>], vector<16xf32>,
        %add3A_1461 = arith.constant 16 : i32
        %add3A_1462 = vector.broadcast %add3A_1461 : i32 to vector<16xi32>
        %add3A_1463 = arith.addi %and3A_85, %add3A_1462 : vector<16xi32>
        tpu.vector_store_idx %arg12[%add3A_1463, %add3A_1245], %gather3A_1413 : memref<64x256xf32, #tpu.memory_space<vmem>>[vector<16xi32>, vector<16xi32>], vector<16xf32>,
        %add3A_1464 = arith.constant 16 : i32
        %add3A_1465 = vector.broadcast %add3A_1464 : i32 to vector<16xi32>
        %add3A_1466 = arith.addi %and3A_91, %add3A_1465 : vector<16xi32>
        tpu.vector_store_idx %arg12[%add3A_1466, %add3A_1245], %gather3A_1417 : memref<64x256xf32, #tpu.memory_space<vmem>>[vector<16xi32>, vector<16xi32>], vector<16xf32>,
        %add3A_1467 = arith.constant 16 : i32
        %add3A_1468 = vector.broadcast %add3A_1467 : i32 to vector<16xi32>
        %add3A_1469 = arith.addi %and3A_97, %add3A_1468 : vector<16xi32>
        tpu.vector_store_idx %arg12[%add3A_1469, %add3A_1245], %gather3A_1421 : memref<64x256xf32, #tpu.memory_space<vmem>>[vector<16xi32>, vector<16xi32>], vector<16xf32>,
        %add3A_1470 = arith.constant 32 : i32
        %add3A_1471 = vector.broadcast %add3A_1470 : i32 to vector<16xi32>
        %add3A_1472 = arith.addi %add3A_1226, %add3A_1471 : vector<16xi32>
        %gather3A_1473 = tpu.vector_load_idx %arg10[%add3A_1225, %add3A_1472] : memref<256x128xf32, #tpu.memory_space<vmem>>[vector<16xi32>, vector<16xi32>], vector<16xf32>,
        %add3A_1474 = arith.constant 32 : i32
        %add3A_1475 = vector.broadcast %add3A_1474 : i32 to vector<16xi32>
        %add3A_1476 = arith.addi %add3A_1227, %add3A_1475 : vector<16xi32>
        %gather3A_1477 = tpu.vector_load_idx %arg10[%add3A_1225, %add3A_1476] : memref<256x128xf32, #tpu.memory_space<vmem>>[vector<16xi32>, vector<16xi32>], vector<16xf32>,
        %add3A_1478 = arith.constant 32 : i32
        %add3A_1479 = vector.broadcast %add3A_1478 : i32 to vector<16xi32>
        %add3A_1480 = arith.addi %add3A_1228, %add3A_1479 : vector<16xi32>
        %gather3A_1481 = tpu.vector_load_idx %arg10[%add3A_1225, %add3A_1480] : memref<256x128xf32, #tpu.memory_space<vmem>>[vector<16xi32>, vector<16xi32>], vector<16xf32>,
        %add3A_1482 = arith.constant 32 : i32
        %add3A_1483 = vector.broadcast %add3A_1482 : i32 to vector<16xi32>
        %add3A_1484 = arith.addi %add3A_1229, %add3A_1483 : vector<16xi32>
        %gather3A_1485 = tpu.vector_load_idx %arg10[%add3A_1225, %add3A_1484] : memref<256x128xf32, #tpu.memory_space<vmem>>[vector<16xi32>, vector<16xi32>], vector<16xf32>,
        %add3A_1486 = arith.constant 32 : i32
        %add3A_1487 = vector.broadcast %add3A_1486 : i32 to vector<16xi32>
        %add3A_1488 = arith.addi %add3A_1230, %add3A_1487 : vector<16xi32>
        %gather3A_1489 = tpu.vector_load_idx %arg10[%add3A_1225, %add3A_1488] : memref<256x128xf32, #tpu.memory_space<vmem>>[vector<16xi32>, vector<16xi32>], vector<16xf32>,
        %add3A_1490 = arith.constant 32 : i32
        %add3A_1491 = vector.broadcast %add3A_1490 : i32 to vector<16xi32>
        %add3A_1492 = arith.addi %add3A_1231, %add3A_1491 : vector<16xi32>
        %gather3A_1493 = tpu.vector_load_idx %arg10[%add3A_1225, %add3A_1492] : memref<256x128xf32, #tpu.memory_space<vmem>>[vector<16xi32>, vector<16xi32>], vector<16xf32>,
        %add3A_1494 = arith.constant 32 : i32
        %add3A_1495 = vector.broadcast %add3A_1494 : i32 to vector<16xi32>
        %add3A_1496 = arith.addi %add3A_1232, %add3A_1495 : vector<16xi32>
        %gather3A_1497 = tpu.vector_load_idx %arg10[%add3A_1225, %add3A_1496] : memref<256x128xf32, #tpu.memory_space<vmem>>[vector<16xi32>, vector<16xi32>], vector<16xf32>,
        %add3A_1498 = arith.constant 32 : i32
        %add3A_1499 = vector.broadcast %add3A_1498 : i32 to vector<16xi32>
        %add3A_1500 = arith.addi %add3A_1233, %add3A_1499 : vector<16xi32>
        %gather3A_1501 = tpu.vector_load_idx %arg10[%add3A_1225, %add3A_1500] : memref<256x128xf32, #tpu.memory_space<vmem>>[vector<16xi32>, vector<16xi32>], vector<16xf32>,
        %add3A_1502 = arith.constant 32 : i32
        %add3A_1503 = vector.broadcast %add3A_1502 : i32 to vector<16xi32>
        %add3A_1504 = arith.addi %add3A_1234, %add3A_1503 : vector<16xi32>
        %gather3A_1505 = tpu.vector_load_idx %arg10[%add3A_1225, %add3A_1504] : memref<256x128xf32, #tpu.memory_space<vmem>>[vector<16xi32>, vector<16xi32>], vector<16xf32>,
        %add3A_1506 = arith.constant 32 : i32
        %add3A_1507 = vector.broadcast %add3A_1506 : i32 to vector<16xi32>
        %add3A_1508 = arith.addi %add3A_1235, %add3A_1507 : vector<16xi32>
        %gather3A_1509 = tpu.vector_load_idx %arg10[%add3A_1225, %add3A_1508] : memref<256x128xf32, #tpu.memory_space<vmem>>[vector<16xi32>, vector<16xi32>], vector<16xf32>,
        %add3A_1510 = arith.constant 32 : i32
        %add3A_1511 = vector.broadcast %add3A_1510 : i32 to vector<16xi32>
        %add3A_1512 = arith.addi %add3A_1236, %add3A_1511 : vector<16xi32>
        %gather3A_1513 = tpu.vector_load_idx %arg10[%add3A_1225, %add3A_1512] : memref<256x128xf32, #tpu.memory_space<vmem>>[vector<16xi32>, vector<16xi32>], vector<16xf32>,
        %add3A_1514 = arith.constant 32 : i32
        %add3A_1515 = vector.broadcast %add3A_1514 : i32 to vector<16xi32>
        %add3A_1516 = arith.addi %add3A_1237, %add3A_1515 : vector<16xi32>
        %gather3A_1517 = tpu.vector_load_idx %arg10[%add3A_1225, %add3A_1516] : memref<256x128xf32, #tpu.memory_space<vmem>>[vector<16xi32>, vector<16xi32>], vector<16xf32>,
        %add3A_1518 = arith.constant 32 : i32
        %add3A_1519 = vector.broadcast %add3A_1518 : i32 to vector<16xi32>
        %add3A_1520 = arith.addi %add3A_1238, %add3A_1519 : vector<16xi32>
        %gather3A_1521 = tpu.vector_load_idx %arg10[%add3A_1225, %add3A_1520] : memref<256x128xf32, #tpu.memory_space<vmem>>[vector<16xi32>, vector<16xi32>], vector<16xf32>,
        %add3A_1522 = arith.constant 32 : i32
        %add3A_1523 = vector.broadcast %add3A_1522 : i32 to vector<16xi32>
        %add3A_1524 = arith.addi %add3A_1239, %add3A_1523 : vector<16xi32>
        %gather3A_1525 = tpu.vector_load_idx %arg10[%add3A_1225, %add3A_1524] : memref<256x128xf32, #tpu.memory_space<vmem>>[vector<16xi32>, vector<16xi32>], vector<16xf32>,
        %add3A_1526 = arith.constant 32 : i32
        %add3A_1527 = vector.broadcast %add3A_1526 : i32 to vector<16xi32>
        %add3A_1528 = arith.addi %add3A_1240, %add3A_1527 : vector<16xi32>
        %gather3A_1529 = tpu.vector_load_idx %arg10[%add3A_1225, %add3A_1528] : memref<256x128xf32, #tpu.memory_space<vmem>>[vector<16xi32>, vector<16xi32>], vector<16xf32>,
        %add3A_1530 = arith.constant 32 : i32
        %add3A_1531 = vector.broadcast %add3A_1530 : i32 to vector<16xi32>
        %add3A_1532 = arith.addi %add3A_1241, %add3A_1531 : vector<16xi32>
        %gather3A_1533 = tpu.vector_load_idx %arg10[%add3A_1225, %add3A_1532] : memref<256x128xf32, #tpu.memory_space<vmem>>[vector<16xi32>, vector<16xi32>], vector<16xf32>,
        %add3A_1534 = arith.constant 32 : i32
        %add3A_1535 = vector.broadcast %add3A_1534 : i32 to vector<16xi32>
        %add3A_1536 = arith.addi %and3A_7, %add3A_1535 : vector<16xi32>
        tpu.vector_store_idx %arg12[%add3A_1536, %add3A_1245], %gather3A_1473 : memref<64x256xf32, #tpu.memory_space<vmem>>[vector<16xi32>, vector<16xi32>], vector<16xf32>,
        %add3A_1537 = arith.constant 32 : i32
        %add3A_1538 = vector.broadcast %add3A_1537 : i32 to vector<16xi32>
        %add3A_1539 = arith.addi %and3A_13, %add3A_1538 : vector<16xi32>
        tpu.vector_store_idx %arg12[%add3A_1539, %add3A_1245], %gather3A_1477 : memref<64x256xf32, #tpu.memory_space<vmem>>[vector<16xi32>, vector<16xi32>], vector<16xf32>,
        %add3A_1540 = arith.constant 32 : i32
        %add3A_1541 = vector.broadcast %add3A_1540 : i32 to vector<16xi32>
        %add3A_1542 = arith.addi %and3A_19, %add3A_1541 : vector<16xi32>
        tpu.vector_store_idx %arg12[%add3A_1542, %add3A_1245], %gather3A_1481 : memref<64x256xf32, #tpu.memory_space<vmem>>[vector<16xi32>, vector<16xi32>], vector<16xf32>,
        %add3A_1543 = arith.constant 32 : i32
        %add3A_1544 = vector.broadcast %add3A_1543 : i32 to vector<16xi32>
        %add3A_1545 = arith.addi %and3A_25, %add3A_1544 : vector<16xi32>
        tpu.vector_store_idx %arg12[%add3A_1545, %add3A_1245], %gather3A_1485 : memref<64x256xf32, #tpu.memory_space<vmem>>[vector<16xi32>, vector<16xi32>], vector<16xf32>,
        %add3A_1546 = arith.constant 32 : i32
        %add3A_1547 = vector.broadcast %add3A_1546 : i32 to vector<16xi32>
        %add3A_1548 = arith.addi %and3A_31, %add3A_1547 : vector<16xi32>
        tpu.vector_store_idx %arg12[%add3A_1548, %add3A_1245], %gather3A_1489 : memref<64x256xf32, #tpu.memory_space<vmem>>[vector<16xi32>, vector<16xi32>], vector<16xf32>,
        %add3A_1549 = arith.constant 32 : i32
        %add3A_1550 = vector.broadcast %add3A_1549 : i32 to vector<16xi32>
        %add3A_1551 = arith.addi %and3A_37, %add3A_1550 : vector<16xi32>
        tpu.vector_store_idx %arg12[%add3A_1551, %add3A_1245], %gather3A_1493 : memref<64x256xf32, #tpu.memory_space<vmem>>[vector<16xi32>, vector<16xi32>], vector<16xf32>,
        %add3A_1552 = arith.constant 32 : i32
        %add3A_1553 = vector.broadcast %add3A_1552 : i32 to vector<16xi32>
        %add3A_1554 = arith.addi %and3A_43, %add3A_1553 : vector<16xi32>
        tpu.vector_store_idx %arg12[%add3A_1554, %add3A_1245], %gather3A_1497 : memref<64x256xf32, #tpu.memory_space<vmem>>[vector<16xi32>, vector<16xi32>], vector<16xf32>,
        %add3A_1555 = arith.constant 32 : i32
        %add3A_1556 = vector.broadcast %add3A_1555 : i32 to vector<16xi32>
        %add3A_1557 = arith.addi %and3A_49, %add3A_1556 : vector<16xi32>
        tpu.vector_store_idx %arg12[%add3A_1557, %add3A_1245], %gather3A_1501 : memref<64x256xf32, #tpu.memory_space<vmem>>[vector<16xi32>, vector<16xi32>], vector<16xf32>,
        %add3A_1558 = arith.constant 32 : i32
        %add3A_1559 = vector.broadcast %add3A_1558 : i32 to vector<16xi32>
        %add3A_1560 = arith.addi %and3A_55, %add3A_1559 : vector<16xi32>
        tpu.vector_store_idx %arg12[%add3A_1560, %add3A_1245], %gather3A_1505 : memref<64x256xf32, #tpu.memory_space<vmem>>[vector<16xi32>, vector<16xi32>], vector<16xf32>,
        %add3A_1561 = arith.constant 32 : i32
        %add3A_1562 = vector.broadcast %add3A_1561 : i32 to vector<16xi32>
        %add3A_1563 = arith.addi %and3A_61, %add3A_1562 : vector<16xi32>
        tpu.vector_store_idx %arg12[%add3A_1563, %add3A_1245], %gather3A_1509 : memref<64x256xf32, #tpu.memory_space<vmem>>[vector<16xi32>, vector<16xi32>], vector<16xf32>,
        %add3A_1564 = arith.constant 32 : i32
        %add3A_1565 = vector.broadcast %add3A_1564 : i32 to vector<16xi32>
        %add3A_1566 = arith.addi %and3A_67, %add3A_1565 : vector<16xi32>
        tpu.vector_store_idx %arg12[%add3A_1566, %add3A_1245], %gather3A_1513 : memref<64x256xf32, #tpu.memory_space<vmem>>[vector<16xi32>, vector<16xi32>], vector<16xf32>,
        %add3A_1567 = arith.constant 32 : i32
        %add3A_1568 = vector.broadcast %add3A_1567 : i32 to vector<16xi32>
        %add3A_1569 = arith.addi %and3A_73, %add3A_1568 : vector<16xi32>
        tpu.vector_store_idx %arg12[%add3A_1569, %add3A_1245], %gather3A_1517 : memref<64x256xf32, #tpu.memory_space<vmem>>[vector<16xi32>, vector<16xi32>], vector<16xf32>,
        %add3A_1570 = arith.constant 32 : i32
        %add3A_1571 = vector.broadcast %add3A_1570 : i32 to vector<16xi32>
        %add3A_1572 = arith.addi %and3A_79, %add3A_1571 : vector<16xi32>
        tpu.vector_store_idx %arg12[%add3A_1572, %add3A_1245], %gather3A_1521 : memref<64x256xf32, #tpu.memory_space<vmem>>[vector<16xi32>, vector<16xi32>], vector<16xf32>,
        %add3A_1573 = arith.constant 32 : i32
        %add3A_1574 = vector.broadcast %add3A_1573 : i32 to vector<16xi32>
        %add3A_1575 = arith.addi %and3A_85, %add3A_1574 : vector<16xi32>
        tpu.vector_store_idx %arg12[%add3A_1575, %add3A_1245], %gather3A_1525 : memref<64x256xf32, #tpu.memory_space<vmem>>[vector<16xi32>, vector<16xi32>], vector<16xf32>,
        %add3A_1576 = arith.constant 32 : i32
        %add3A_1577 = vector.broadcast %add3A_1576 : i32 to vector<16xi32>
        %add3A_1578 = arith.addi %and3A_91, %add3A_1577 : vector<16xi32>
        tpu.vector_store_idx %arg12[%add3A_1578, %add3A_1245], %gather3A_1529 : memref<64x256xf32, #tpu.memory_space<vmem>>[vector<16xi32>, vector<16xi32>], vector<16xf32>,
        %add3A_1579 = arith.constant 32 : i32
        %add3A_1580 = vector.broadcast %add3A_1579 : i32 to vector<16xi32>
        %add3A_1581 = arith.addi %and3A_97, %add3A_1580 : vector<16xi32>
        tpu.vector_store_idx %arg12[%add3A_1581, %add3A_1245], %gather3A_1533 : memref<64x256xf32, #tpu.memory_space<vmem>>[vector<16xi32>, vector<16xi32>], vector<16xf32>,
        %add3A_1582 = arith.constant 48 : i32
        %add3A_1583 = vector.broadcast %add3A_1582 : i32 to vector<16xi32>
        %add3A_1584 = arith.addi %add3A_1226, %add3A_1583 : vector<16xi32>
        %gather3A_1585 = tpu.vector_load_idx %arg10[%add3A_1225, %add3A_1584] : memref<256x128xf32, #tpu.memory_space<vmem>>[vector<16xi32>, vector<16xi32>], vector<16xf32>,
        %add3A_1586 = arith.constant 48 : i32
        %add3A_1587 = vector.broadcast %add3A_1586 : i32 to vector<16xi32>
        %add3A_1588 = arith.addi %add3A_1227, %add3A_1587 : vector<16xi32>
        %gather3A_1589 = tpu.vector_load_idx %arg10[%add3A_1225, %add3A_1588] : memref<256x128xf32, #tpu.memory_space<vmem>>[vector<16xi32>, vector<16xi32>], vector<16xf32>,
        %add3A_1590 = arith.constant 48 : i32
        %add3A_1591 = vector.broadcast %add3A_1590 : i32 to vector<16xi32>
        %add3A_1592 = arith.addi %add3A_1228, %add3A_1591 : vector<16xi32>
        %gather3A_1593 = tpu.vector_load_idx %arg10[%add3A_1225, %add3A_1592] : memref<256x128xf32, #tpu.memory_space<vmem>>[vector<16xi32>, vector<16xi32>], vector<16xf32>,
        %add3A_1594 = arith.constant 48 : i32
        %add3A_1595 = vector.broadcast %add3A_1594 : i32 to vector<16xi32>
        %add3A_1596 = arith.addi %add3A_1229, %add3A_1595 : vector<16xi32>
        %gather3A_1597 = tpu.vector_load_idx %arg10[%add3A_1225, %add3A_1596] : memref<256x128xf32, #tpu.memory_space<vmem>>[vector<16xi32>, vector<16xi32>], vector<16xf32>,
        %add3A_1598 = arith.constant 48 : i32
        %add3A_1599 = vector.broadcast %add3A_1598 : i32 to vector<16xi32>
        %add3A_1600 = arith.addi %add3A_1230, %add3A_1599 : vector<16xi32>
        %gather3A_1601 = tpu.vector_load_idx %arg10[%add3A_1225, %add3A_1600] : memref<256x128xf32, #tpu.memory_space<vmem>>[vector<16xi32>, vector<16xi32>], vector<16xf32>,
        %add3A_1602 = arith.constant 48 : i32
        %add3A_1603 = vector.broadcast %add3A_1602 : i32 to vector<16xi32>
        %add3A_1604 = arith.addi %add3A_1231, %add3A_1603 : vector<16xi32>
        %gather3A_1605 = tpu.vector_load_idx %arg10[%add3A_1225, %add3A_1604] : memref<256x128xf32, #tpu.memory_space<vmem>>[vector<16xi32>, vector<16xi32>], vector<16xf32>,
        %add3A_1606 = arith.constant 48 : i32
        %add3A_1607 = vector.broadcast %add3A_1606 : i32 to vector<16xi32>
        %add3A_1608 = arith.addi %add3A_1232, %add3A_1607 : vector<16xi32>
        %gather3A_1609 = tpu.vector_load_idx %arg10[%add3A_1225, %add3A_1608] : memref<256x128xf32, #tpu.memory_space<vmem>>[vector<16xi32>, vector<16xi32>], vector<16xf32>,
        %add3A_1610 = arith.constant 48 : i32
        %add3A_1611 = vector.broadcast %add3A_1610 : i32 to vector<16xi32>
        %add3A_1612 = arith.addi %add3A_1233, %add3A_1611 : vector<16xi32>
        %gather3A_1613 = tpu.vector_load_idx %arg10[%add3A_1225, %add3A_1612] : memref<256x128xf32, #tpu.memory_space<vmem>>[vector<16xi32>, vector<16xi32>], vector<16xf32>,
        %add3A_1614 = arith.constant 48 : i32
        %add3A_1615 = vector.broadcast %add3A_1614 : i32 to vector<16xi32>
        %add3A_1616 = arith.addi %add3A_1234, %add3A_1615 : vector<16xi32>
        %gather3A_1617 = tpu.vector_load_idx %arg10[%add3A_1225, %add3A_1616] : memref<256x128xf32, #tpu.memory_space<vmem>>[vector<16xi32>, vector<16xi32>], vector<16xf32>,
        %add3A_1618 = arith.constant 48 : i32
        %add3A_1619 = vector.broadcast %add3A_1618 : i32 to vector<16xi32>
        %add3A_1620 = arith.addi %add3A_1235, %add3A_1619 : vector<16xi32>
        %gather3A_1621 = tpu.vector_load_idx %arg10[%add3A_1225, %add3A_1620] : memref<256x128xf32, #tpu.memory_space<vmem>>[vector<16xi32>, vector<16xi32>], vector<16xf32>,
        %add3A_1622 = arith.constant 48 : i32
        %add3A_1623 = vector.broadcast %add3A_1622 : i32 to vector<16xi32>
        %add3A_1624 = arith.addi %add3A_1236, %add3A_1623 : vector<16xi32>
        %gather3A_1625 = tpu.vector_load_idx %arg10[%add3A_1225, %add3A_1624] : memref<256x128xf32, #tpu.memory_space<vmem>>[vector<16xi32>, vector<16xi32>], vector<16xf32>,
        %add3A_1626 = arith.constant 48 : i32
        %add3A_1627 = vector.broadcast %add3A_1626 : i32 to vector<16xi32>
        %add3A_1628 = arith.addi %add3A_1237, %add3A_1627 : vector<16xi32>
        %gather3A_1629 = tpu.vector_load_idx %arg10[%add3A_1225, %add3A_1628] : memref<256x128xf32, #tpu.memory_space<vmem>>[vector<16xi32>, vector<16xi32>], vector<16xf32>,
        %add3A_1630 = arith.constant 48 : i32
        %add3A_1631 = vector.broadcast %add3A_1630 : i32 to vector<16xi32>
        %add3A_1632 = arith.addi %add3A_1238, %add3A_1631 : vector<16xi32>
        %gather3A_1633 = tpu.vector_load_idx %arg10[%add3A_1225, %add3A_1632] : memref<256x128xf32, #tpu.memory_space<vmem>>[vector<16xi32>, vector<16xi32>], vector<16xf32>,
        %add3A_1634 = arith.constant 48 : i32
        %add3A_1635 = vector.broadcast %add3A_1634 : i32 to vector<16xi32>
        %add3A_1636 = arith.addi %add3A_1239, %add3A_1635 : vector<16xi32>
        %gather3A_1637 = tpu.vector_load_idx %arg10[%add3A_1225, %add3A_1636] : memref<256x128xf32, #tpu.memory_space<vmem>>[vector<16xi32>, vector<16xi32>], vector<16xf32>,
        %add3A_1638 = arith.constant 48 : i32
        %add3A_1639 = vector.broadcast %add3A_1638 : i32 to vector<16xi32>
        %add3A_1640 = arith.addi %add3A_1240, %add3A_1639 : vector<16xi32>
        %gather3A_1641 = tpu.vector_load_idx %arg10[%add3A_1225, %add3A_1640] : memref<256x128xf32, #tpu.memory_space<vmem>>[vector<16xi32>, vector<16xi32>], vector<16xf32>,
        %add3A_1642 = arith.constant 48 : i32
        %add3A_1643 = vector.broadcast %add3A_1642 : i32 to vector<16xi32>
        %add3A_1644 = arith.addi %add3A_1241, %add3A_1643 : vector<16xi32>
        %gather3A_1645 = tpu.vector_load_idx %arg10[%add3A_1225, %add3A_1644] : memref<256x128xf32, #tpu.memory_space<vmem>>[vector<16xi32>, vector<16xi32>], vector<16xf32>,
        %add3A_1646 = arith.constant 48 : i32
        %add3A_1647 = vector.broadcast %add3A_1646 : i32 to vector<16xi32>
        %add3A_1648 = arith.addi %and3A_7, %add3A_1647 : vector<16xi32>
        tpu.vector_store_idx %arg12[%add3A_1648, %add3A_1245], %gather3A_1585 : memref<64x256xf32, #tpu.memory_space<vmem>>[vector<16xi32>, vector<16xi32>], vector<16xf32>,
        %add3A_1649 = arith.constant 48 : i32
        %add3A_1650 = vector.broadcast %add3A_1649 : i32 to vector<16xi32>
        %add3A_1651 = arith.addi %and3A_13, %add3A_1650 : vector<16xi32>
        tpu.vector_store_idx %arg12[%add3A_1651, %add3A_1245], %gather3A_1589 : memref<64x256xf32, #tpu.memory_space<vmem>>[vector<16xi32>, vector<16xi32>], vector<16xf32>,
        %add3A_1652 = arith.constant 48 : i32
        %add3A_1653 = vector.broadcast %add3A_1652 : i32 to vector<16xi32>
        %add3A_1654 = arith.addi %and3A_19, %add3A_1653 : vector<16xi32>
        tpu.vector_store_idx %arg12[%add3A_1654, %add3A_1245], %gather3A_1593 : memref<64x256xf32, #tpu.memory_space<vmem>>[vector<16xi32>, vector<16xi32>], vector<16xf32>,
        %add3A_1655 = arith.constant 48 : i32
        %add3A_1656 = vector.broadcast %add3A_1655 : i32 to vector<16xi32>
        %add3A_1657 = arith.addi %and3A_25, %add3A_1656 : vector<16xi32>
        tpu.vector_store_idx %arg12[%add3A_1657, %add3A_1245], %gather3A_1597 : memref<64x256xf32, #tpu.memory_space<vmem>>[vector<16xi32>, vector<16xi32>], vector<16xf32>,
        %add3A_1658 = arith.constant 48 : i32
        %add3A_1659 = vector.broadcast %add3A_1658 : i32 to vector<16xi32>
        %add3A_1660 = arith.addi %and3A_31, %add3A_1659 : vector<16xi32>
        tpu.vector_store_idx %arg12[%add3A_1660, %add3A_1245], %gather3A_1601 : memref<64x256xf32, #tpu.memory_space<vmem>>[vector<16xi32>, vector<16xi32>], vector<16xf32>,
        %add3A_1661 = arith.constant 48 : i32
        %add3A_1662 = vector.broadcast %add3A_1661 : i32 to vector<16xi32>
        %add3A_1663 = arith.addi %and3A_37, %add3A_1662 : vector<16xi32>
        tpu.vector_store_idx %arg12[%add3A_1663, %add3A_1245], %gather3A_1605 : memref<64x256xf32, #tpu.memory_space<vmem>>[vector<16xi32>, vector<16xi32>], vector<16xf32>,
        %add3A_1664 = arith.constant 48 : i32
        %add3A_1665 = vector.broadcast %add3A_1664 : i32 to vector<16xi32>
        %add3A_1666 = arith.addi %and3A_43, %add3A_1665 : vector<16xi32>
        tpu.vector_store_idx %arg12[%add3A_1666, %add3A_1245], %gather3A_1609 : memref<64x256xf32, #tpu.memory_space<vmem>>[vector<16xi32>, vector<16xi32>], vector<16xf32>,
        %add3A_1667 = arith.constant 48 : i32
        %add3A_1668 = vector.broadcast %add3A_1667 : i32 to vector<16xi32>
        %add3A_1669 = arith.addi %and3A_49, %add3A_1668 : vector<16xi32>
        tpu.vector_store_idx %arg12[%add3A_1669, %add3A_1245], %gather3A_1613 : memref<64x256xf32, #tpu.memory_space<vmem>>[vector<16xi32>, vector<16xi32>], vector<16xf32>,
        %add3A_1670 = arith.constant 48 : i32
        %add3A_1671 = vector.broadcast %add3A_1670 : i32 to vector<16xi32>
        %add3A_1672 = arith.addi %and3A_55, %add3A_1671 : vector<16xi32>
        tpu.vector_store_idx %arg12[%add3A_1672, %add3A_1245], %gather3A_1617 : memref<64x256xf32, #tpu.memory_space<vmem>>[vector<16xi32>, vector<16xi32>], vector<16xf32>,
        %add3A_1673 = arith.constant 48 : i32
        %add3A_1674 = vector.broadcast %add3A_1673 : i32 to vector<16xi32>
        %add3A_1675 = arith.addi %and3A_61, %add3A_1674 : vector<16xi32>
        tpu.vector_store_idx %arg12[%add3A_1675, %add3A_1245], %gather3A_1621 : memref<64x256xf32, #tpu.memory_space<vmem>>[vector<16xi32>, vector<16xi32>], vector<16xf32>,
        %add3A_1676 = arith.constant 48 : i32
        %add3A_1677 = vector.broadcast %add3A_1676 : i32 to vector<16xi32>
        %add3A_1678 = arith.addi %and3A_67, %add3A_1677 : vector<16xi32>
        tpu.vector_store_idx %arg12[%add3A_1678, %add3A_1245], %gather3A_1625 : memref<64x256xf32, #tpu.memory_space<vmem>>[vector<16xi32>, vector<16xi32>], vector<16xf32>,
        %add3A_1679 = arith.constant 48 : i32
        %add3A_1680 = vector.broadcast %add3A_1679 : i32 to vector<16xi32>
        %add3A_1681 = arith.addi %and3A_73, %add3A_1680 : vector<16xi32>
        tpu.vector_store_idx %arg12[%add3A_1681, %add3A_1245], %gather3A_1629 : memref<64x256xf32, #tpu.memory_space<vmem>>[vector<16xi32>, vector<16xi32>], vector<16xf32>,
        %add3A_1682 = arith.constant 48 : i32
        %add3A_1683 = vector.broadcast %add3A_1682 : i32 to vector<16xi32>
        %add3A_1684 = arith.addi %and3A_79, %add3A_1683 : vector<16xi32>
        tpu.vector_store_idx %arg12[%add3A_1684, %add3A_1245], %gather3A_1633 : memref<64x256xf32, #tpu.memory_space<vmem>>[vector<16xi32>, vector<16xi32>], vector<16xf32>,
        %add3A_1685 = arith.constant 48 : i32
        %add3A_1686 = vector.broadcast %add3A_1685 : i32 to vector<16xi32>
        %add3A_1687 = arith.addi %and3A_85, %add3A_1686 : vector<16xi32>
        tpu.vector_store_idx %arg12[%add3A_1687, %add3A_1245], %gather3A_1637 : memref<64x256xf32, #tpu.memory_space<vmem>>[vector<16xi32>, vector<16xi32>], vector<16xf32>,
        %add3A_1688 = arith.constant 48 : i32
        %add3A_1689 = vector.broadcast %add3A_1688 : i32 to vector<16xi32>
        %add3A_1690 = arith.addi %and3A_91, %add3A_1689 : vector<16xi32>
        tpu.vector_store_idx %arg12[%add3A_1690, %add3A_1245], %gather3A_1641 : memref<64x256xf32, #tpu.memory_space<vmem>>[vector<16xi32>, vector<16xi32>], vector<16xf32>,
        %add3A_1691 = arith.constant 48 : i32
        %add3A_1692 = vector.broadcast %add3A_1691 : i32 to vector<16xi32>
        %add3A_1693 = arith.addi %and3A_97, %add3A_1692 : vector<16xi32>
        tpu.vector_store_idx %arg12[%add3A_1693, %add3A_1245], %gather3A_1645 : memref<64x256xf32, #tpu.memory_space<vmem>>[vector<16xi32>, vector<16xi32>], vector<16xf32>,
      }
      %scan3A_668 = arith.constant 8 : i32
      %jit3A_669 = arith.constant 2 : i32
      %div3A_670 = arith.divsi %add3A_476, %jit3A_669 : i32
      %sign3A_671 = arith.constant 0 : i32
      %sign3A_672 = arith.cmpi sgt, %add3A_476, %sign3A_671 : i32
      %sign3A_673 = arith.extui %sign3A_672 : i1 to i32
      %sign3A_674 = arith.constant 0 : i32
      %sign3A_675 = arith.cmpi slt, %add3A_476, %sign3A_674 : i32
      %sign3A_676 = arith.extui %sign3A_675 : i1 to i32
      %sign3A_677 = arith.subi %sign3A_673, %sign3A_676 : i32
      %sign3A_678 = arith.constant 0 : i32
      %sign3A_679 = arith.cmpi sgt, %jit3A_669, %sign3A_678 : i32
      %sign3A_680 = arith.extui %sign3A_679 : i1 to i32
      %sign3A_681 = arith.constant 0 : i32
      %sign3A_682 = arith.cmpi slt, %jit3A_669, %sign3A_681 : i32
      %sign3A_683 = arith.extui %sign3A_682 : i1 to i32
      %sign3A_684 = arith.subi %sign3A_680, %sign3A_683 : i32
      %ne3A_685 = arith.cmpi ne, %sign3A_677, %sign3A_684 : i32
      %rem3A_686 = arith.remsi %add3A_476, %jit3A_669 : i32
      %ne3A_687 = arith.constant 0 : i32
      %ne3A_688 = arith.cmpi ne, %rem3A_686, %ne3A_687 : i32
      %and3A_689 = arith.andi %ne3A_685, %ne3A_688 : i1
      %sub3A_690 = arith.constant 1 : i32
      %sub3A_691 = arith.subi %div3A_670, %sub3A_690 : i32
      %select_n3A_692 = arith.select %and3A_689, %sub3A_691, %div3A_670 : i32
      %jit3A_693 = arith.constant 2 : i32
      %eq3A_694 = arith.constant 0 : i32
      %eq3A_695 = arith.cmpi eq, %jit3A_693, %eq3A_694 : i32
      %jit3A_696 = arith.constant 1 : i32
      %select_n3A_697 = arith.select %eq3A_695, %jit3A_696, %jit3A_693 : i32
      %rem3A_698 = arith.remsi %add3A_476, %select_n3A_697 : i32
      %ne3A_699 = arith.constant 0 : i32
      %ne3A_700 = arith.cmpi ne, %rem3A_698, %ne3A_699 : i32
      %lt3A_701 = arith.constant 0 : i32
      %lt3A_702 = arith.cmpi slt, %rem3A_698, %lt3A_701 : i32
      %lt3A_703 = arith.constant 0 : i32
      %lt3A_704 = arith.cmpi slt, %select_n3A_697, %lt3A_703 : i32
      %ne3A_705 = arith.xori %lt3A_702, %lt3A_704 : i1
      %and3A_706 = arith.andi %ne3A_705, %ne3A_700 : i1
      %add3A_707 = arith.addi %rem3A_698, %select_n3A_697 : i32
      %select_n3A_708 = arith.select %and3A_706, %add3A_707, %rem3A_698 : i32
      %mul3A_709 = arith.constant 256 : i32
      %mul3A_710 = arith.muli %select_n3A_708, %mul3A_709 : i32
      %add3A_711 = arith.addi %mul3A_2, %mul3A_710 : i32
      %mul3A_712 = arith.constant 64 : i32
      %mul3A_713 = arith.muli %select_n3A_692, %mul3A_712 : i32
      %dma_start3A_714 = tpu.memref_slice %arg4[%mul3A_713, %add3A_711] : memref<1664x16384xf32, #tpu.memory_space<hbm>> -> memref<64x256xf32, #tpu.memory_space<hbm>>
      %dma_start3A_715 = tpu.memref_slice %arg4[%mul3A_713, %add3A_711] : memref<1664x16384xf32, #tpu.memory_space<hbm>> -> memref<64x256xf32, #tpu.memory_space<hbm>>
      tpu.enqueue_dma source(%arg12 : memref<64x256xf32, #tpu.memory_space<vmem>>) target(%dma_start3A_715 : memref<64x256xf32, #tpu.memory_space<hbm>>) target_semaphore(%arg16 : memref<!tpu.dma_semaphore, #tpu.memory_space<semaphore_mem>>)
    }
    %scan3A_238 = arith.constant 26 : i32
    tpu.wait_dma2 semaphore(%arg15 : memref<!tpu.dma_semaphore, #tpu.memory_space<semaphore_mem>>) src(%arg11 : memref<64x256xf32, #tpu.memory_space<vmem>>) dst(%arg5 : memref<64x256xf32, #tpu.memory_space<hbm>>)
    tpu.wait_dma2 semaphore(%arg16 : memref<!tpu.dma_semaphore, #tpu.memory_space<semaphore_mem>>) src(%arg12 : memref<64x256xf32, #tpu.memory_space<vmem>>) dst(%arg5 : memref<64x256xf32, #tpu.memory_space<hbm>>)
    %dma_wait3A = arith.constant 0 : i32
    %dma_wait3A_239 = arith.constant 0 : i32
    %dma_wait3A_240 = tpu.memref_slice %arg2[%dma_wait3A, %dma_wait3A_239] : memref<500000x128xf32, #tpu.memory_space<hbm>> -> memref<500000x128xf32, #tpu.memory_space<hbm>>
    tpu.wait_indirect_dma semaphore(%arg13 : memref<!tpu.dma_semaphore, #tpu.memory_space<semaphore_mem>>) src(%dma_wait3A_240 : memref<500000x128xf32, #tpu.memory_space<hbm>>) dst(%arg9 : memref<256x128xf32, #tpu.memory_space<vmem>>)
    return
  }
}

</mosaic_0001>

<sc_bundles>
// kernel: kernel.3.cloned.1.call-start
scs
__scs_entry_jumppad:
0x0: {  	(pc) =	sbr.rel $0x88, $3  }
0x1: {  	(tag) =	ssettag $0x0;
	lr =	simm.s32 $0x1  }
0x2: {  	[smem:$0x3F9F] =	sst lr;
	_ =	strace $0xD0000000  }
0x3: {  	_ = 	snop  }
0x4: {  	_ = 	snop  }
0x5: {  	_ = 	snop  }
0x6: {  	_ = 	snop  }
0x7: {  	_ = 	snop  }
__scs_overlays_trampoline_lowered:
0x8: {  	[smem:$0x3FAE] =	sst s0  }
0x9: {  	[smem:$0x3FAF] =	sst s1  }
0xa: {  	[smem:$0x3FB0] =	sst s2  }
0xb: {  	[smem:$0x3FB1] =	sst s3  }
0xc: {  	[smem:$0x3FB2] =	sst s4  }
0xd: {  	[smem:$0x3FB3] =	sst s5  }
0xe: {  	[smem:$0x3FB4] =	sst s6  }
0xf: {  	[smem:$0x3FB5] =	sst s7  }
0x10: {  	[smem:$0x3FB6] =	sst s8  }
0x11: {  	[smem:$0x3FB7] =	sst s9;
	s0 =	simm.s32 @!p0 $0x0  }
0x12: {  	s1 =	sld [smem:$0x3F9D];
	s0 =	simm.s32 @p0 $0x1  }
0x13: {  	[smem:$0x3FB8] =	sst s0;
	s0 =	simm.s32 @!p1 $0x0  }
0x14: {  	s2 =	sld [smem:$0x3F9C];
	s0 =	simm.s32 @p1 $0x1  }
0x15: {  	[smem:$0x3FB9] =	sst s0;
	s0 =	simm.s32 @!p2 $0x0  }
0x16: {  	s3 =	sld [smem:$0x3FDB];
	s0 =	simm.s32 @p2 $0x1  }
0x17: {  	s4 =	simm.s32 $0x1BF5;
	[smem:$0x3FBB] =	sst s0  }
0x18: {  	s0 =	sld [smem:$0x3F9E];
	_ =	swait.ge [sflag:s4], $0x0  }
0x19: {  	s7 =	sld [smem:$0x3F9F]  }
0x1a: {  	s8 =	sadd.s32 $0xFFFFE003, lr  }
0x1b: {  	s9 =	sadd.s32 $0xFFFFFEF7, lr;
	s5 =	simm.s32 $0xFFFFFFFF;
	p2 =	slt.u32 s8, $0xFFFFF086  }
0x1c: {  	p1 =	slt.u32 s9, $0xF7A;
	s5 =	simm.s32 @!p2 $0x0  }
0x1d: {  	s5 =	simm.s32 @p1 $0x1;
	p0 =	seq.s32 s7, s2  }
0x1e: {  	s7 =	smul.u32 @!p0 $0xF7A, s2;
	p2 =	seq.s32 @!p0 s5, $0x0  }
0x1f: {  	s9 =	smul.u32 $0xF7A, s1;
	s8 =	simm.s32 @!p0 $0x1BF5;
	p2 =	por !p2, p0  }
0x20: {  	[sflag:s8] =	ssyncset.s32 @!p0 $0xFFFFF086;
	s6 =	sadd.s32 @!p0 s3, s7;
	s7 =	simm.s32 @!p0 $0x108  }
0x21: {  	s3 =	sadd.s32 s3, s9;
	s6 =	sadd.s32 @!p0 $0x88, s6;
	s7 =	simm.s32 @p2 $0x1082  }
0x22: {  	[simem:s7], [sflag:s8] =	dma.local @!p0 [hbm:s6], $0xF7A  }
0x23: {  	s9 =	sor.u32 $0xD0000000, s2;
	s6 =	simm.s32 $0x108;
	_ =	swait.ge @!p0 [sflag:s8], $0x0  }
0x24: {  	s3 =	sadd.s32 $0x88, s3;
	s6 =	simm.s32 @!p1 $0x1082;
	[sflag:s4] =	ssyncset.s32 $0xFFFFF086  }
0x25: {  	[simem:s6], [sflag:s4] =	dma.local [hbm:s3], $0xF7A  }
0x26: {  	[smem:$0x3F9F] =	sst s1;
	(tag) =	ssettag s2;
	_ =	strace s9  }
0x27: {  	s1 =	sld [smem:$0x3FAF]  }
0x28: {  	s2 =	sld [smem:$0x3FB0]  }
0x29: {  	s4 =	sld [smem:$0x3FB2]  }
0x2a: {  	p0 =	seq.s32 s5, $0x0;
	s5 =	sld [smem:$0x3FB3]  }
0x2b: {  	s6 =	sld [smem:$0x3FB4]  }
0x2c: {  	s7 =	sld [smem:$0x3FB5]  }
0x2d: {  	s3 =	simm.s32 $0x108;
	s8 =	sld [smem:$0x3FB6]  }
0x2e: {  	s3 =	simm.s32 @!p0 $0x1082;
	s9 =	sld [smem:$0x3FB7]  }
0x2f: {  	lr =	sadd.s32 s0, s3;
	s0 =	sld [smem:$0x3FAE]  }
0x30: {  	s3 =	sld [smem:$0x3FB1]  }
0x31: {  	[smem:$0x3FBA] =	sst s10  }
0x32: {  	s10 =	sld [smem:$0x3FB8];
	_ =	sdelay $0x3  }
0x33: {  	p0 =	seq.s32 s10, $0x1;
	s10 =	sld [smem:$0x3FBA];
	_ =	sdelay $0x3  }
0x34: {  	[smem:$0x3FBA] =	sst s10  }
0x35: {  	s10 =	sld [smem:$0x3FB9];
	_ =	sdelay $0x3  }
0x36: {  	p1 =	seq.s32 s10, $0x1;
	s10 =	sld [smem:$0x3FBA];
	_ =	sdelay $0x3  }
0x37: {  	[smem:$0x3FBA] =	sst s10  }
0x38: {  	s10 =	sld [smem:$0x3FBB]  }
0x39: {  	_ = 	snop;
	(pc) =	sbr.ind lr, $3  }
0x3a: {  	_ = 	snop  }
0x3b: {  	_ = 	snop  }
0x3c: {  	p2 =	seq.s32 s10, $0x1;
	s10 =	sld [smem:$0x3FBA]  }
0x3d: {  	_ =	shalt  }
0x3e: {  	_ =	shalt  }
0x3f: {  	_ =	shalt  }
0x40: {  	_ =	shalt  }
0x41: {  	_ =	shalt  }
0x42: {  	_ =	shalt  }
0x43: {  	_ =	shalt  }
0x44: {  	_ =	shalt  }
0x45: {  	_ =	shalt  }
0x46: {  	_ =	shalt  }
0x47: {  	_ =	shalt  }
0x48: {  	_ =	shalt  }
0x49: {  	_ =	shalt  }
0x4a: {  	_ =	shalt  }
0x4b: {  	_ =	shalt  }
0x4c: {  	_ =	shalt  }
0x4d: {  	_ =	shalt  }
0x4e: {  	_ =	shalt  }
0x4f: {  	_ =	shalt  }
0x50: {  	_ =	shalt  }
0x51: {  	_ =	shalt  }
0x52: {  	_ =	shalt  }
0x53: {  	_ =	shalt  }
0x54: {  	_ =	shalt  }
0x55: {  	_ =	shalt  }
0x56: {  	_ =	shalt  }
0x57: {  	_ =	shalt  }
0x58: {  	_ =	shalt  }
0x59: {  	_ =	shalt  }
0x5a: {  	_ =	shalt  }
0x5b: {  	_ =	shalt  }
0x5c: {  	_ =	shalt  }
0x5d: {  	_ =	shalt  }
0x5e: {  	_ =	shalt  }
0x5f: {  	_ =	shalt  }
0x60: {  	_ =	shalt  }
0x61: {  	_ =	shalt  }
0x62: {  	_ =	shalt  }
0x63: {  	_ =	shalt  }
0x64: {  	_ =	shalt  }
0x65: {  	_ =	shalt  }
0x66: {  	_ =	shalt  }
0x67: {  	_ =	shalt  }
0x68: {  	_ =	shalt  }
0x69: {  	_ =	shalt  }
0x6a: {  	_ =	shalt  }
0x6b: {  	_ =	shalt  }
0x6c: {  	_ =	shalt  }
0x6d: {  	_ =	shalt  }
0x6e: {  	_ =	shalt  }
0x6f: {  	_ =	shalt  }
0x70: {  	_ =	shalt  }
0x71: {  	_ =	shalt  }
0x72: {  	_ =	shalt  }
0x73: {  	_ =	shalt  }
0x74: {  	_ =	shalt  }
0x75: {  	_ =	shalt  }
0x76: {  	_ =	shalt  }
0x77: {  	_ =	shalt  }
0x78: {  	_ =	shalt  }
0x79: {  	_ =	shalt  }
0x7a: {  	_ =	shalt  }
0x7b: {  	_ =	shalt  }
0x7c: {  	_ =	shalt  }
0x7d: {  	_ =	shalt  }
0x7e: {  	_ =	shalt  }
0x7f: {  	_ =	shalt  }
0x80: {  	_ =	shalt  }
0x81: {  	_ =	shalt  }
0x82: {  	_ =	shalt  }
0x83: {  	_ =	shalt  }
0x84: {  	_ =	shalt  }
0x85: {  	_ =	shalt  }
0x86: {  	_ =	shalt  }
0x87: {  	_ =	shalt  }
.Lfunc_end0:
.L_simem_size_0:
called_computation_lowered:
.L_overlay_start_0:
0x88: {  	s2 =	sld [smem:$0x3FD9]  }
0x89: {  	s3 =	sld [smem:$0x3FFE];
	_ =	sdelay $0x1  }
0x8a: {  	s1 =	srdreg.scid  }
0x8b: {  	s0 =	sand.u32 $0x1, s1  }
0x8c: {  	s17 =	sshll.u32 s0, $0xA;
	s2 =	sadd.s32 s3, s2  }
0x8d: {  	s2 =	sadd.s32 s2, s17  }
0x8e: {  	[smem:$0x3FC6] =	sst s2  }
0x8f: {  	_ = 	snop  }
0x90: {  	s2 =	sld [smem:$0x3FC9]  }
0x91: {  	s18 =	sld [smem:$0x3FD0];
	(tm) =	ssettm $0x1  }
0x92: {  	s4 =	sld [smem:$0x3FFB];
	_ =	sdelay $0x3  }
0x93: {  	_ =	strace s4  }
0x94: {  	s4 =	sld [smem:$0x3FFC];
	_ =	sdelay $0x3  }
0x95: {  	_ =	strace s4  }
0x96: {  	s4 =	sld [smem:$0x3FFD];
	_ =	sdelay $0x3  }
0x97: {  	_ =	strace s4  }
0x98: {  	_ =	strace $0x8FFFFFFF  }
0x99: {  	s19 =	sld [smem:$0x3FDB];
	_ =	sdelay $0x1  }
0x9a: {  	s5 =	simm.s32 $_scs_section_size  }
0x9b: {  	s6 =	simm.s32 $_size__tile_overlayer_lowered;
	s7 =	simm.s32 $_tile_overlayer_lowered  }
0x9c: {  	s22 =	simm.s32 $0x1BFF;
	s21 =	sshll.u32 s7, $0x1;
	s4 =	sadd.s32 s5, s19  }
0x9d: {  	s8 =	simm.s32 $0x0;
	s20 =	sshll.u32 s6, $0x1;
	s6 =	sadd.s32 s21, s4  }
0x9e: {  	[timem:s8], [sflag:s22] =	dma.local [hbm:s6], s20  }
0x9f: {  	_ =	swait.ge [sflag:s22], s20  }
0xa0: {  	s5 =	ssub.s32 $0x0, s20;
	[sflag:s22] =	ssyncset.done $0x0  }
0xa1: {  	[sflag:s22] =	ssyncadd.s32 s5;
	_ =	sdelay $0x1  }
0xa2: {  	s23 =	simm.s32 $0x1B8B  }
0xa3: {  	_ =	swait.ge [sflag:s23], $0x1  }
0xa4: {  	[sflag:s23] =	ssyncset.done $0x0  }
0xa5: {  	s25 =	simm.s32 $0x1B8E;
	s24 =	sld [smem:$0x3FFE];
	[sflag:s23] =	ssyncadd.s32 $0xFFFFFFFF  }
0xa6: {  	s26 =	simm.s32 $execute0_lowered;
	[smem:$0x3FD2] =	sst s25  }
0xa7: {  	s6 =	sshll.u32 s26, $0x1;
	_ =	strace $0x80000046;
	[dreg:$0x1] =	wrdreg $0xFFFFFFFF  }
0xa8: {  	s28 =	simm.s32 $_size_execute0_lowered;
	s4 =	sadd.s32 s4, s6;
	[dreg:$0x0] =	wrdreg $0x0  }
0xa9: {  	s6 =	sshll.u32 s28, $0x1;
	[dreg:$0x2] =	wrdreg s4  }
0xaa: {  	[dreg:$0x3] =	wrdreg s6  }
0xab: {  	[dreg:$0x4] =	wrdreg $0xC0  }
0xac: {  	_ =	task [dreg:s8], $0x5FFFF  }
0xad: {  	[dreg:$0x1] =	wrdreg $0xFFFFFFFF  }
0xae: {  	[dreg:$0x0] =	wrdreg $0x60  }
0xaf: {  	[dreg:$0x2] =	wrdreg s24  }
0xb0: {  	[dreg:$0x3] =	wrdreg s2  }
0xb1: {  	[dreg:$0x4] =	wrdreg s18  }
0xb2: {  	[dreg:$0x5] =	wrdreg $0x9  }
0xb3: {  	_ =	task.clear_ibuf [dreg:s8], $0x6FFFF;
	_ =	strace $0x90000046  }
0xb4: {  	s29 =	simm.s32 $0x9;
	_ =	strace $0x80000048  }
0xb5: {  	_ =	swait.ge [sflag:s29], $0x1  }
0xb6: {  	[sflag:s29] =	ssyncadd.s32 $0xFFFFFFFF  }
0xb7: {  	_ =	strace $0x90000048  }
0xb8: {  	_ =	sfence  }
0xb9: {  	s30 =	sld [smem:$0x0];
	_ =	sdelay $0x2  }
0xba: {  	s31 =	sshll.u32 s1, $0xD;
	s1 =	sshrl.u32 s1, $0x2  }
0xbb: {  	s3 =	sand.u32 $0x4000, s31;
	s1 =	sadd.s32 s1, s30  }
0xbc: {  	s0 =	sor.u32 s3, s0;
	s1 =	sshll.u32 s1, $0x11  }
0xbd: {  	s0 =	sor.u32 s1, s0  }
0xbe: {  	s0 =	sadd.s32 $0x8F2B, s0  }
0xbf: {  	[sflag:s0] =	ssyncadd.remote.s32 $0x1  }
0xc0: {  	_ =	sfence.sel $0xFFFF  }
0xc1: {  	[dreg:$0x0] =	wrdreg $0xFFFFFFFF;
	(pc) =	sbr.abs _section_cstart, $3  }
0xc2: {  	[dreg:$0x1] =	wrdreg $0xFFFFFFFF  }
0xc3: {  	_ =	task.clear_ibuf [dreg:s8], $0x2FFFF;
	_ =	strace $0x9FFFFFFF  }
0xc4: {  	(tm) =	ssettm $0x7FFFFFFF  }
0xc5: {  	_ =	shalt  }
tec
execute0_lowered:
.L_overlay_start_1:
0x0: {  	(tag) =	ssettag $0x1  }
0x1: {  	v0 =	vimm.s32 $0xFEDCBA9  }
0x2: {  	v1 =	vimm.s32 $0x87654321;
	v2 =	vimm.s32 $0x10FEDCBA;
	v3 =	vimm.s32 $0x98765432  }
0x3: {  	v4 =	vimm.s32 $0x210FEDCB;
	v5 =	vimm.s32 $0xA9876543;
	v6 =	vimm.s32 $0x3210FEDC  }
0x4: {  	v7 =	vimm.s32 $0xBA987654;
	v33 =	vimm.s32 $0x43210FED;
	v34 =	vimm.s32 $0xCBA98765  }
0x5: {  	v11 =	vimm.s32 $0x543210FE;
	v12 =	vimm.s32 $0xDCBA9876;
	v13 =	vimm.s32 $0x6543210F  }
0x6: {  	v14 =	vimm.s32 $0xEDCBA987;
	v15 =	vimm.s32 $0xFEDCBA98;
	v17 =	vimm.s32 $0x76543210  }
0x7: {  	vm14 =	vcmask $0x300;
	v40 =	vimm.s32 $0xB80;
	vm13 =	vcmask $0x704  }
0x8: {  	vm11 =	vcmask $0xB08;
	vm12 =	vcmask $0xF0C;
	vm10 =	vcmask $0x1310  }
0x9: {  	vm8 =	vcmask $0x1714;
	vm9 =	vcmask $0x1B18;
	vm7 =	vcmask $0x1F1C  }
0xa: {  	vm5 =	vcmask $0x2320;
	vm6 =	vcmask $0x2724;
	vm4 =	vcmask $0x2B28  }
0xb: {  	vm2 =	vcmask $0x2F2C;
	vm3 =	vcmask $0x3330;
	vm1 =	vcmask $0x3734  }
0xc: {  	vm0 =	vcmask $0x3B38;
	v41 =	vimm.s32 $0x1180;
	v42 =	vimm.s32 $0x1200  }
0xd: {  	v43 =	vimm.s32 $0x1280;
	v44 =	vimm.s32 $0x1300;
	v45 =	vimm.s32 $0x1380  }
0xe: {  	v46 =	vimm.s32 $0x1800;
	v47 =	vimm.s32 $0x1880;
	v48 =	vimm.s32 $0x1900  }
0xf: {  	v49 =	vimm.s32 $0x1980;
	v51 =	vimm.s32 $0x1A00;
	v52 =	vimm.s32 $0x1A80  }
0x10: {  	v53 =	vimm.s32 $0x1B00;
	v54 =	vimm.s32 $0x2B80;
	v55 =	vimm.s32 $0x2000  }
0x11: {  	v56 =	vimm.s32 $0x2080;
	v57 =	vimm.s32 $0x2100;
	v20 =	vimm.s32 $0x2180  }
0x12: {  	v21 =	vimm.s32 $0x2200;
	v22 =	vimm.s32 $0x2280;
	v23 =	vimm.s32 $0x2300  }
0x13: {  	v24 =	vimm.s32 $0x2380;
	v25 =	vimm.s32 $0x2800;
	v26 =	vimm.s32 $0x2880  }
0x14: {  	v27 =	vimm.s32 $0x2900;
	v28 =	vimm.s32 $0x2980;
	v29 =	vimm.s32 $0x2A00  }
0x15: {  	v58 =	vimm.s32 $0x18171615;
	v59 =	vimm.s32 $0x1D1C1B1A;
	v60 =	vimm.s32 $0x11101F1E  }
0x16: {  	v61 =	vimm.s32 $0x15141312;
	v62 =	vimm.s32 $0x19181716;
	v63 =	vimm.s32 $0x1E1D1C1B  }
0x17: {  	v0 =	vunpack.c.l.s4.s8 v0;
	v1 =	vunpack.c.l.s4.s8 v1;
	v2 =	vunpack.c.l.s4.s8 v2  }
0x18: {  	v3 =	vunpack.c.l.s4.s8 v3;
	v4 =	vunpack.c.l.s4.s8 v4;
	v5 =	vunpack.c.l.s4.s8 v5  }
0x19: {  	v6 =	vunpack.c.l.s4.s8 v6;
	v7 =	vunpack.c.l.s4.s8 v7;
	v11 =	vunpack.c.l.s4.s8 v11  }
0x1a: {  	v12 =	vunpack.c.l.s4.s8 v12;
	v13 =	vunpack.c.l.s4.s8 v13;
	v14 =	vunpack.c.l.s4.s8 v14  }
0x1b: {  	v15 =	vunpack.c.l.s4.s8 v15;
	v17 =	vunpack.c.l.s4.s8 v17;
	v20 =	vsel vm14, $0x2200, v20  }
0x1c: {  	v21 =	vsel vm14, $0x2280, v21;
	v22 =	vsel vm14, $0x2300, v22;
	v23 =	vsel vm14, $0x2380, v23  }
0x1d: {  	v24 =	vsel vm14, $0x2800, v24;
	v25 =	vsel vm14, $0x2880, v25;
	v26 =	vsel vm14, $0x2900, v26  }
0x1e: {  	v27 =	vsel vm14, $0x2980, v27;
	v28 =	vsel vm14, $0x2A00, v28;
	v29 =	vsel vm14, $0x2A80, v29  }
0x1f: {  	v20 =	vsel vm13, $0x2280, v20;
	v21 =	vsel vm13, $0x2300, v21;
	v22 =	vsel vm13, $0x2380, v22  }
0x20: {  	v23 =	vsel vm13, $0x2800, v23;
	v24 =	vsel vm13, $0x2880, v24;
	v25 =	vsel vm13, $0x2900, v25  }
0x21: {  	v26 =	vsel vm13, $0x2980, v26;
	v27 =	vsel vm13, $0x2A00, v27;
	v28 =	vsel vm13, $0x2A80, v28  }
0x22: {  	v29 =	vsel vm13, $0x2B00, v29;
	v0 =	vunpack.c.0.s8.s32 v0;
	v1 =	vunpack.c.0.s8.s32 v1  }
0x23: {  	v2 =	vunpack.c.0.s8.s32 v2;
	v3 =	vunpack.c.0.s8.s32 v3;
	v4 =	vunpack.c.0.s8.s32 v4  }
0x24: {  	v5 =	vunpack.c.0.s8.s32 v5;
	v6 =	vunpack.c.0.s8.s32 v6;
	v7 =	vunpack.c.0.s8.s32 v7  }
0x25: {  	v11 =	vunpack.c.0.s8.s32 v11;
	v12 =	vunpack.c.0.s8.s32 v12;
	v13 =	vunpack.c.0.s8.s32 v13  }
0x26: {  	v14 =	vunpack.c.0.s8.s32 v14;
	v36 =	vunpack.c.0.s8.s32 v15;
	v39 =	vunpack.c.0.s8.s32 v17  }
0x27: {  	v15 =	vsel vm14, $0x1B80, v53;
	v17 =	vsel vm14, $0x2080, v55;
	v53 =	vunpack.c.0.s8.s32 v58  }
0x28: {  	v20 =	vsel vm11, $0x2300, v20;
	v21 =	vsel vm11, $0x2380, v21;
	v22 =	vsel vm11, $0x2800, v22  }
0x29: {  	v23 =	vsel vm11, $0x2880, v23;
	v24 =	vsel vm11, $0x2900, v24;
	v25 =	vsel vm11, $0x2980, v25  }
0x2a: {  	v26 =	vsel vm11, $0x2A00, v26;
	v27 =	vsel vm11, $0x2A80, v27;
	v28 =	vsel vm11, $0x2B00, v28  }
0x2b: {  	v29 =	vsel vm11, $0x2B80, v29;
	v55 =	vunpack.c.0.s8.s32 v60;
	v58 =	vunpack.c.0.s8.s32 v63  }
0x2c: {  	v60 =	vimm.s32 $0x16151413;
	v63 =	vimm.s32 $0x1F1E1D1C;
	v15 =	vsel vm13, $0x1000, v15  }
0x2d: {  	v17 =	vsel vm13, $0x2100, v17;
	v20 =	vsel vm12, $0x2380, v20;
	v21 =	vsel vm12, $0x2800, v21  }
0x2e: {  	v22 =	vsel vm12, $0x2880, v22;
	v23 =	vsel vm12, $0x2900, v23;
	v24 =	vsel vm12, $0x2980, v24  }
0x2f: {  	v25 =	vsel vm12, $0x2A00, v25;
	v26 =	vsel vm12, $0x2A80, v26;
	v8 =	vcombine.low v1, v0  }
0x30: {  	v27 =	vsel vm12, $0x2B00, v27;
	v9 =	vcombine.low v3, v2;
	v10 =	vcombine.low v5, v4  }
0x31: {  	v28 =	vsel vm12, $0x2B80, v28;
	v32 =	vcombine.low v7, v6;
	v18 =	vcombine.low v12, v11  }
0x32: {  	v29 =	vsel vm12, $0x2000, v29;
	v19 =	vcombine.low v14, v13;
	v0 =	vcombine.low v0, v1  }
0x33: {  	v1 =	vsel vm14, $0x0, v40;
	v40 =	vimm.s32 $0x3380;
	v15 =	vsel vm11, $0x1080, v15  }
0x34: {  	v17 =	vsel vm11, $0x2180, v17;
	v20 =	vsel vm10, $0x2800, v20;
	v21 =	vsel vm10, $0x2880, v21  }
0x35: {  	v22 =	vsel vm10, $0x2900, v22;
	v23 =	vsel vm10, $0x2980, v23;
	v24 =	vsel vm10, $0x2A00, v24  }
0x36: {  	v25 =	vsel vm10, $0x2A80, v25;
	v26 =	vsel vm10, $0x2B00, v26;
	v27 =	vsel vm10, $0x2B80, v27  }
0x37: {  	v28 =	vsel vm10, $0x2000, v28;
	v29 =	vsel vm10, $0x2080, v29;
	v1 =	vsel vm13, $0x80, v1  }
0x38: {  	v40 =	vsel vm14, $0x3800, v40;
	v15 =	vsel vm12, $0x1100, v15;
	v17 =	vsel vm12, $0x2200, v17  }
0x39: {  	v20 =	vsel vm8, $0x2880, v20;
	v21 =	vsel vm8, $0x2900, v21;
	v22 =	vsel vm8, $0x2980, v22  }
0x3a: {  	v23 =	vsel vm8, $0x2A00, v23;
	v24 =	vsel vm8, $0x2A80, v24;
	v25 =	vsel vm8, $0x2B00, v25  }
0x3b: {  	v26 =	vsel vm8, $0x2B80, v26;
	v27 =	vsel vm8, $0x2000, v27;
	v28 =	vsel vm8, $0x2080, v28  }
0x3c: {  	v29 =	vsel vm8, $0x2100, v29;
	v8 =	vand.u32 $0xF, v8;
	v30 =	vand.u32 $0xF, v9  }
0x3d: {  	v31 =	vand.u32 $0xF, v10;
	v9 =	vunpack.c.l.s4.s8 v33;
	v10 =	vunpack.c.l.s4.s8 v34  }
0x3e: {  	v37 =	vand.u32 $0xF, v18;
	v38 =	vand.u32 $0xF, v19;
	v0 =	vand.u32 $0xF, v0  }
0x3f: {  	v18 =	vsel vm14, $0x2100, v56;
	v19 =	vsel vm14, $0x2180, v57;
	v33 =	vimm.s32 $0x3000  }
0x40: {  	v34 =	vimm.s32 $0x3080;
	v40 =	vsel vm13, $0x3880, v40;
	v15 =	vsel vm10, $0x1180, v15  }
0x41: {  	v17 =	vsel vm10, $0x2280, v17;
	v56 =	vunpack.c.0.s8.s32 v61;
	v20 =	vsel vm9, $0x2900, v20  }
0x42: {  	v21 =	vsel vm9, $0x2980, v21;
	v22 =	vsel vm9, $0x2A00, v22;
	v23 =	vsel vm9, $0x2A80, v23  }
0x43: {  	v24 =	vsel vm9, $0x2B00, v24;
	v25 =	vsel vm9, $0x2B80, v25;
	v26 =	vsel vm9, $0x2000, v26  }
0x44: {  	v27 =	vsel vm9, $0x2080, v27;
	v28 =	vsel vm9, $0x2100, v28;
	v29 =	vsel vm9, $0x2180, v29  }
0x45: {  	v57 =	vunpack.c.0.s8.s32 v62;
	v61 =	vimm.s32 $0x1A191817;
	[tilespmem:$0x1F790] =	vst v8;
	v8 =	vand.u32 $0xF, v32  }
0x46: {  	[tilespmem:$0x1F810] =	vst v0;
	v0 =	vsel vm11, $0x100, v1;
	v1 =	vcombine.low v2, v3;
	v2 =	vcombine.low v4, v5  }
0x47: {  	[tilespmem:$0x1F7A0] =	vst v30;
	v3 =	vimm.s32 $0x1100;
	v4 =	vsel vm14, $0x1200, v41;
	v5 =	vsel vm14, $0x1280, v42  }
0x48: {  	[tilespmem:$0x1F7B0] =	vst v31;
	v30 =	vimm.s32 $0x2A80;
	v31 =	vimm.s32 $0x2B00;
	v32 =	vimm.s32 $0x3B80  }
0x49: {  	[tilespmem:$0x1F7E0] =	vst v37;
	v33 =	vsel vm14, $0x3080, v33;
	v34 =	vsel vm14, $0x3100, v34;
	v37 =	vimm.s32 $0x3200  }
0x4a: {  	[tilespmem:$0x1F7F0] =	vst v38;
	v38 =	vimm.s32 $0x3280;
	v41 =	vimm.s32 $0x3800;
	v42 =	vimm.s32 $0x3880  }
0x4b: {  	v18 =	vsel vm13, $0x2180, v18;
	v19 =	vsel vm13, $0x2200, v19;
	v40 =	vsel vm11, $0x3900, v40  }
0x4c: {  	v15 =	vsel vm8, $0x1200, v15;
	v17 =	vsel vm8, $0x2300, v17;
	v20 =	vsel vm7, $0x2980, v20  }
0x4d: {  	v21 =	vsel vm7, $0x2A00, v21;
	v22 =	vsel vm7, $0x2A80, v22;
	v23 =	vsel vm7, $0x2B00, v23  }
0x4e: {  	v24 =	vsel vm7, $0x2B80, v24;
	v25 =	vsel vm7, $0x2000, v25;
	v26 =	vsel vm7, $0x2080, v26  }
0x4f: {  	v27 =	vsel vm7, $0x2100, v27;
	v28 =	vsel vm7, $0x2180, v28;
	v29 =	vsel vm7, $0x2200, v29  }
0x50: {  	v62 =	vunpack.c.0.s8.s32 v61;
	v61 =	vimm.s32 $0x17161514;
	v9 =	vunpack.c.0.s8.s32 v9  }
0x51: {  	v10 =	vunpack.c.0.s8.s32 v10;
	[tilespmem:$0x1F7C0] =	vst v8;
	v8 =	vand.u32 $0xF, v36;
	v0 =	vsel vm12, $0x180, v0  }
0x52: {  	v3 =	vsel vm14, $0x1180, v3;
	v30 =	vsel vm14, $0x2B00, v30;
	v31 =	vsel vm14, $0x2B80, v31  }
0x53: {  	v32 =	vsel vm14, $0x3000, v32;
	v36 =	vimm.s32 $0x3180;
	v37 =	vsel vm14, $0x3280, v37  }
0x54: {  	v38 =	vsel vm14, $0x3300, v38;
	v41 =	vsel vm14, $0x3880, v41;
	v42 =	vsel vm14, $0x3900, v42  }
0x55: {  	v4 =	vsel vm13, $0x1280, v4;
	v5 =	vsel vm13, $0x1300, v5;
	v33 =	vsel vm13, $0x3100, v33  }
0x56: {  	v34 =	vsel vm13, $0x3180, v34;
	v18 =	vsel vm11, $0x2200, v18;
	v19 =	vsel vm11, $0x2280, v19  }
0x57: {  	v40 =	vsel vm12, $0x3980, v40;
	v15 =	vsel vm9, $0x1280, v15;
	v17 =	vsel vm9, $0x2380, v17  }
0x58: {  	v20 =	vsel vm5, $0x2A00, v20;
	v21 =	vsel vm5, $0x2A80, v21;
	v22 =	vsel vm5, $0x2B00, v22  }
0x59: {  	v23 =	vsel vm5, $0x2B80, v23;
	v24 =	vsel vm5, $0x2000, v24;
	v25 =	vsel vm5, $0x2080, v25  }
0x5a: {  	v26 =	vsel vm5, $0x2100, v26;
	v27 =	vsel vm5, $0x2180, v27;
	v28 =	vsel vm5, $0x2200, v28  }
0x5b: {  	v29 =	vsel vm5, $0x2280, v29;
	v8 =	vcombine.low v8, v39;
	v0 =	vsel vm10, $0x200, v0  }
0x5c: {  	v1 =	vand.u32 $0xF, v1;
	v36 =	vsel vm14, $0x3200, v36;
	v39 =	vimm.s32 $0x3300  }
0x5d: {  	v3 =	vsel vm13, $0x1200, v3;
	v30 =	vsel vm13, $0x2B80, v30;
	v31 =	vsel vm13, $0x2000, v31  }
0x5e: {  	v32 =	vsel vm13, $0x3080, v32;
	v37 =	vsel vm13, $0x3300, v37;
	v38 =	vsel vm13, $0x3380, v38  }
0x5f: {  	v41 =	vsel vm13, $0x3900, v41;
	v42 =	vsel vm13, $0x3980, v42;
	v4 =	vsel vm11, $0x1300, v4  }
0x60: {  	v5 =	vsel vm11, $0x1380, v5;
	v18 =	vsel vm12, $0x2280, v18;
	v19 =	vsel vm12, $0x2300, v19  }
0x61: {  	v33 =	vsel vm11, $0x3180, v33;
	v34 =	vsel vm11, $0x3200, v34;
	v40 =	vsel vm10, $0x3A00, v40  }
0x62: {  	v15 =	vsel vm7, $0x1300, v15;
	v17 =	vsel vm7, $0x2800, v17;
	v20 =	vsel vm6, $0x2A80, v20  }
0x63: {  	v21 =	vsel vm6, $0x2B00, v21;
	v22 =	vsel vm6, $0x2B80, v22;
	v23 =	vsel vm6, $0x2000, v23  }
0x64: {  	v24 =	vsel vm6, $0x2080, v24;
	v25 =	vsel vm6, $0x2100, v25;
	v26 =	vsel vm6, $0x2180, v26  }
0x65: {  	v27 =	vsel vm6, $0x2200, v27;
	v28 =	vsel vm6, $0x2280, v28;
	v29 =	vsel vm6, $0x2300, v29  }
0x66: {  	[tilespmem:$0x1F990] =	vst v62;
	v62 =	vunpack.c.0.s8.s32 v61;
	v16 =	vcombine.low v10, v9;
	v0 =	vsel vm8, $0x280, v0  }
0x67: {  	[tilespmem:$0x1F820] =	vst v1;
	v1 =	vand.u32 $0xF, v2;
	v2 =	vcombine.low v9, v10;
	v9 =	vsel vm14, $0x1880, v46  }
0x68: {  	v10 =	vsel vm14, $0x1900, v47;
	v39 =	vsel vm14, $0x3380, v39;
	v46 =	vimm.s32 $0x3A80  }
0x69: {  	v47 =	vimm.s32 $0x3B00;
	v36 =	vsel vm13, $0x3280, v36;
	v3 =	vsel vm11, $0x1280, v3  }
0x6a: {  	v4 =	vsel vm12, $0x1380, v4;
	v5 =	vsel vm12, $0x1800, v5;
	v30 =	vsel vm11, $0x2000, v30  }
0x6b: {  	v31 =	vsel vm11, $0x2080, v31;
	v32 =	vsel vm11, $0x3100, v32;
	v33 =	vsel vm12, $0x3200, v33  }
0x6c: {  	v34 =	vsel vm12, $0x3280, v34;
	v37 =	vsel vm11, $0x3380, v37;
	v38 =	vsel vm11, $0x3800, v38  }
0x6d: {  	v41 =	vsel vm11, $0x3980, v41;
	v42 =	vsel vm11, $0x3A00, v42;
	v18 =	vsel vm10, $0x2300, v18  }
0x6e: {  	v19 =	vsel vm10, $0x2380, v19;
	v40 =	vsel vm8, $0x3A80, v40;
	v15 =	vsel vm5, $0x1380, v15  }
0x6f: {  	v17 =	vsel vm5, $0x2880, v17;
	v20 =	vsel vm4, $0x2B00, v20;
	v21 =	vsel vm4, $0x2B80, v21  }
0x70: {  	v22 =	vsel vm4, $0x2000, v22;
	v23 =	vsel vm4, $0x2080, v23;
	v24 =	vsel vm4, $0x2100, v24  }
0x71: {  	v25 =	vsel vm4, $0x2180, v25;
	v26 =	vsel vm4, $0x2200, v26;
	v27 =	vsel vm4, $0x2280, v27  }
0x72: {  	v28 =	vsel vm4, $0x2300, v28;
	v29 =	vsel vm4, $0x2380, v29;
	v0 =	vsel vm9, $0x300, v0  }
0x73: {  	[tilespmem:$0x1F830] =	vst v1;
	v1 =	vcombine.low v6, v7;
	v6 =	vsel vm14, $0x1300, v43;
	v7 =	vsel vm14, $0x1380, v44  }
0x74: {  	[tilespmem:$0x1F800] =	vst v8;
	v8 =	vsel vm14, $0x1800, v45;
	v43 =	vimm.s32 $0x3900;
	v44 =	vimm.s32 $0x3980  }
0x75: {  	v45 =	vimm.s32 $0x3A00;
	v46 =	vsel vm14, $0x3B00, v46;
	v47 =	vsel vm14, $0x3B80, v47  }
0x76: {  	v9 =	vsel vm13, $0x1900, v9;
	v10 =	vsel vm13, $0x1980, v10;
	v39 =	vsel vm13, $0x3800, v39  }
0x77: {  	v3 =	vsel vm12, $0x1300, v3;
	v30 =	vsel vm12, $0x2080, v30;
	v31 =	vsel vm12, $0x2100, v31  }
0x78: {  	v32 =	vsel vm12, $0x3180, v32;
	v36 =	vsel vm11, $0x3300, v36;
	v37 =	vsel vm12, $0x3800, v37  }
0x79: {  	v38 =	vsel vm12, $0x3880, v38;
	v41 =	vsel vm12, $0x3A00, v41;
	v42 =	vsel vm12, $0x3A80, v42  }
0x7a: {  	v4 =	vsel vm10, $0x1800, v4;
	v5 =	vsel vm10, $0x1880, v5;
	v33 =	vsel vm10, $0x3280, v33  }
0x7b: {  	v34 =	vsel vm10, $0x3300, v34;
	v18 =	vsel vm8, $0x2380, v18;
	v19 =	vsel vm8, $0x2800, v19  }
0x7c: {  	v40 =	vsel vm9, $0x3B00, v40;
	v15 =	vsel vm6, $0x1800, v15;
	v17 =	vsel vm6, $0x2900, v17  }
0x7d: {  	v20 =	vsel vm2, $0x2B80, v20;
	v21 =	vsel vm2, $0x2000, v21;
	v22 =	vsel vm2, $0x2080, v22  }
0x7e: {  	v23 =	vsel vm2, $0x2100, v23;
	v24 =	vsel vm2, $0x2180, v24;
	v25 =	vsel vm2, $0x2200, v25  }
0x7f: {  	v26 =	vsel vm2, $0x2280, v26;
	v27 =	vsel vm2, $0x2300, v27;
	v28 =	vsel vm2, $0x2380, v28  }
0x80: {  	v29 =	vsel vm2, $0x2800, v29;
	v35 =	vand.u32 $0xF, v16;
	v0 =	vsel vm7, $0x380, v0  }
0x81: {  	v16 =	vsel vm14, $0x2000, v54;
	v43 =	vsel vm14, $0x3980, v43;
	v44 =	vsel vm14, $0x3A00, v44  }
0x82: {  	v45 =	vsel vm14, $0x3A80, v45;
	v6 =	vsel vm13, $0x1380, v6;
	v7 =	vsel vm13, $0x1800, v7  }
0x83: {  	v8 =	vsel vm13, $0x1880, v8;
	v46 =	vsel vm13, $0x3B80, v46;
	v47 =	vsel vm13, $0x3000, v47  }
0x84: {  	v9 =	vsel vm11, $0x1980, v9;
	v10 =	vsel vm11, $0x1A00, v10;
	v36 =	vsel vm12, $0x3380, v36  }
0x85: {  	v39 =	vsel vm11, $0x3880, v39;
	v54 =	vunpack.c.0.s8.s32 v59;
	v3 =	vsel vm10, $0x1380, v3  }
0x86: {  	v30 =	vsel vm10, $0x2100, v30;
	v31 =	vsel vm10, $0x2180, v31;
	v32 =	vsel vm10, $0x3200, v32  }
0x87: {  	v37 =	vsel vm10, $0x3880, v37;
	v38 =	vsel vm10, $0x3900, v38;
	v41 =	vsel vm10, $0x3A80, v41  }
0x88: {  	v42 =	vsel vm10, $0x3B00, v42;
	v4 =	vsel vm8, $0x1880, v4;
	v5 =	vsel vm8, $0x1900, v5  }
0x89: {  	v18 =	vsel vm9, $0x2800, v18;
	v19 =	vsel vm9, $0x2880, v19;
	v33 =	vsel vm8, $0x3300, v33  }
0x8a: {  	v34 =	vsel vm8, $0x3380, v34;
	v40 =	vsel vm7, $0x3B80, v40;
	v59 =	vimm.s32 $0x1211101F  }
0x8b: {  	v15 =	vsel vm4, $0x1880, v15;
	v17 =	vsel vm4, $0x2980, v17;
	v20 =	vsel vm3, $0x2000, v20  }
0x8c: {  	v21 =	vsel vm3, $0x2080, v21;
	v22 =	vsel vm3, $0x2100, v22;
	v23 =	vsel vm3, $0x2180, v23  }
0x8d: {  	v24 =	vsel vm3, $0x2200, v24;
	v25 =	vsel vm3, $0x2280, v25;
	v26 =	vsel vm3, $0x2300, v26  }
0x8e: {  	v27 =	vsel vm3, $0x2380, v27;
	v28 =	vsel vm3, $0x2800, v28;
	v29 =	vsel vm3, $0x2880, v29  }
0x8f: {  	[tilespmem:$0x1F7D0] =	vst v35;
	v0 =	vsel vm5, $0x800, v0;
	v1 =	vand.u32 $0xF, v1;
	v35 =	vimm.s32 $0x3100  }
0x90: {  	v16 =	vsel vm13, $0x2080, v16;
	v43 =	vsel vm13, $0x3A00, v43;
	v44 =	vsel vm13, $0x3A80, v44  }
0x91: {  	v45 =	vsel vm13, $0x3B00, v45;
	v6 =	vsel vm11, $0x1800, v6;
	v7 =	vsel vm11, $0x1880, v7  }
0x92: {  	v8 =	vsel vm11, $0x1900, v8;
	v9 =	vsel vm12, $0x1A00, v9;
	v10 =	vsel vm12, $0x1A80, v10  }
0x93: {  	v39 =	vsel vm12, $0x3900, v39;
	v46 =	vsel vm11, $0x3000, v46;
	v47 =	vsel vm11, $0x3080, v47  }
0x94: {  	v36 =	vsel vm10, $0x3800, v36;
	v3 =	vsel vm8, $0x1800, v3;
	v4 =	vsel vm9, $0x1900, v4  }
0x95: {  	v5 =	vsel vm9, $0x1980, v5;
	v30 =	vsel vm8, $0x2180, v30;
	v31 =	vsel vm8, $0x2200, v31  }
0x96: {  	v32 =	vsel vm8, $0x3280, v32;
	v33 =	vsel vm9, $0x3380, v33;
	v34 =	vsel vm9, $0x3800, v34  }
0x97: {  	v37 =	vsel vm8, $0x3900, v37;
	v38 =	vsel vm8, $0x3980, v38;
	v41 =	vsel vm8, $0x3B00, v41  }
0x98: {  	v42 =	vsel vm8, $0x3B80, v42;
	v18 =	vsel vm7, $0x2880, v18;
	v19 =	vsel vm7, $0x2900, v19  }
0x99: {  	v59 =	vunpack.c.0.s8.s32 v59;
	v40 =	vsel vm5, $0x3000, v40;
	v15 =	vsel vm2, $0x1900, v15  }
0x9a: {  	v17 =	vsel vm2, $0x2A00, v17;
	v20 =	vsel vm1, $0x2080, v20;
	v21 =	vsel vm1, $0x2100, v21  }
0x9b: {  	v22 =	vsel vm1, $0x2180, v22;
	v23 =	vsel vm1, $0x2200, v23;
	v24 =	vsel vm1, $0x2280, v24  }
0x9c: {  	v25 =	vsel vm1, $0x2300, v25;
	v26 =	vsel vm1, $0x2380, v26;
	v27 =	vsel vm1, $0x2800, v27  }
0x9d: {  	v28 =	vsel vm1, $0x2880, v28;
	v29 =	vsel vm1, $0x2900, v29;
	v0 =	vsel vm6, $0x880, v0  }
0x9e: {  	[tilespmem:$0x1F840] =	vst v1;
	v1 =	vand.u32 $0xF, v2;
	v2 =	vcombine.low v13, v14;
	v13 =	vsel vm14, $0x1A80, v51  }
0x9f: {  	v14 =	vsel vm14, $0x1B00, v52;
	v35 =	vsel vm14, $0x3180, v35;
	v6 =	vsel vm12, $0x1880, v6  }
0xa0: {  	v7 =	vsel vm12, $0x1900, v7;
	v8 =	vsel vm12, $0x1980, v8;
	v16 =	vsel vm11, $0x2100, v16  }
0xa1: {  	v43 =	vsel vm11, $0x3A80, v43;
	v44 =	vsel vm11, $0x3B00, v44;
	v45 =	vsel vm11, $0x3B80, v45  }
0xa2: {  	v46 =	vsel vm12, $0x3080, v46;
	v47 =	vsel vm12, $0x3100, v47;
	v9 =	vsel vm10, $0x1A80, v9  }
0xa3: {  	v10 =	vsel vm10, $0x1B00, v10;
	v39 =	vsel vm10, $0x3980, v39;
	v3 =	vsel vm9, $0x1880, v3  }
0xa4: {  	v30 =	vsel vm9, $0x2200, v30;
	v31 =	vsel vm9, $0x2280, v31;
	v32 =	vsel vm9, $0x3300, v32  }
0xa5: {  	v36 =	vsel vm8, $0x3880, v36;
	v37 =	vsel vm9, $0x3980, v37;
	v38 =	vsel vm9, $0x3A00, v38  }
0xa6: {  	v41 =	vsel vm9, $0x3B80, v41;
	v42 =	vsel vm9, $0x3000, v42;
	v4 =	vsel vm7, $0x1980, v4  }
0xa7: {  	v5 =	vsel vm7, $0x1A00, v5;
	v33 =	vsel vm7, $0x3800, v33;
	v34 =	vsel vm7, $0x3880, v34  }
0xa8: {  	v18 =	vsel vm5, $0x2900, v18;
	v19 =	vsel vm5, $0x2980, v19;
	v40 =	vsel vm6, $0x3080, v40  }
0xa9: {  	v15 =	vsel vm3, $0x1980, v15;
	v17 =	vsel vm3, $0x2A80, v17;
	v0 =	vsel vm4, $0x900, v0  }
0xaa: {  	[tilespmem:$0x1F850] =	vst v1;
	v1 =	vcombine.low v11, v12;
	v11 =	vsel vm14, $0x1980, v48;
	v12 =	vsel vm14, $0x1A00, v49  }
0xab: {  	v48 =	vimm.s32 $0x101F1E1D;
	v49 =	vimm.s32 $0x14131211;
	v13 =	vsel vm13, $0x1B00, v13  }
0xac: {  	v14 =	vsel vm13, $0x1B80, v14;
	v35 =	vsel vm13, $0x3200, v35;
	v16 =	vsel vm12, $0x2180, v16  }
0xad: {  	v43 =	vsel vm12, $0x3B00, v43;
	v44 =	vsel vm12, $0x3B80, v44;
	v45 =	vsel vm12, $0x3000, v45  }
0xae: {  	v6 =	vsel vm10, $0x1900, v6;
	v7 =	vsel vm10, $0x1980, v7;
	v8 =	vsel vm10, $0x1A00, v8  }
0xaf: {  	v46 =	vsel vm10, $0x3100, v46;
	v47 =	vsel vm10, $0x3180, v47;
	v9 =	vsel vm8, $0x1B00, v9  }
0xb0: {  	v10 =	vsel vm8, $0x1B80, v10;
	v36 =	vsel vm9, $0x3900, v36;
	v39 =	vsel vm8, $0x3A00, v39  }
0xb1: {  	v3 =	vsel vm7, $0x1900, v3;
	v30 =	vsel vm7, $0x2280, v30;
	v31 =	vsel vm7, $0x2300, v31  }
0xb2: {  	v32 =	vsel vm7, $0x3380, v32;
	v37 =	vsel vm7, $0x3A00, v37;
	v38 =	vsel vm7, $0x3A80, v38  }
0xb3: {  	v41 =	vsel vm7, $0x3000, v41;
	v42 =	vsel vm7, $0x3080, v42;
	v4 =	vsel vm5, $0x1A00, v4  }
0xb4: {  	v5 =	vsel vm5, $0x1A80, v5;
	v18 =	vsel vm6, $0x2980, v18;
	v19 =	vsel vm6, $0x2A00, v19  }
0xb5: {  	v33 =	vsel vm5, $0x3880, v33;
	v34 =	vsel vm5, $0x3900, v34;
	v40 =	vsel vm4, $0x3100, v40  }
0xb6: {  	v15 =	vsel vm1, $0x1A00, v15;
	v17 =	vsel vm1, $0x2B00, v17;
	v0 =	vsel vm2, $0x980, v0  }
0xb7: {  	v51 =	vunpack.c.0.s8.s32 v48;
	v52 =	vunpack.c.0.s8.s32 v49;
	v11 =	vsel vm13, $0x1A00, v11  }
0xb8: {  	v12 =	vsel vm13, $0x1A80, v12;
	v13 =	vsel vm11, $0x1B80, v13;
	v14 =	vsel vm11, $0x1000, v14  }
0xb9: {  	v35 =	vsel vm11, $0x3280, v35;
	v16 =	vsel vm10, $0x2200, v16;
	v43 =	vsel vm10, $0x3B80, v43  }
0xba: {  	v44 =	vsel vm10, $0x3000, v44;
	v45 =	vsel vm10, $0x3080, v45;
	v6 =	vsel vm8, $0x1980, v6  }
0xbb: {  	v7 =	vsel vm8, $0x1A00, v7;
	v8 =	vsel vm8, $0x1A80, v8;
	v9 =	vsel vm9, $0x1B80, v9  }
0xbc: {  	v10 =	vsel vm9, $0x1000, v10;
	v39 =	vsel vm9, $0x3A80, v39;
	v46 =	vsel vm8, $0x3180, v46  }
0xbd: {  	v47 =	vsel vm8, $0x3200, v47;
	v36 =	vsel vm7, $0x3980, v36;
	v3 =	vsel vm5, $0x1980, v3  }
0xbe: {  	v4 =	vsel vm6, $0x1A80, v4;
	v5 =	vsel vm6, $0x1B00, v5;
	v30 =	vsel vm5, $0x2300, v30  }
0xbf: {  	v31 =	vsel vm5, $0x2380, v31;
	v32 =	vsel vm5, $0x3800, v32;
	v33 =	vsel vm6, $0x3900, v33  }
0xc0: {  	v34 =	vsel vm6, $0x3980, v34;
	v37 =	vsel vm5, $0x3A80, v37;
	v38 =	vsel vm5, $0x3B00, v38  }
0xc1: {  	v41 =	vsel vm5, $0x3080, v41;
	v42 =	vsel vm5, $0x3100, v42;
	v48 =	vunpack.c.0.s8.s32 v60  }
0xc2: {  	v18 =	vsel vm4, $0x2A00, v18;
	v19 =	vsel vm4, $0x2A80, v19;
	v40 =	vsel vm2, $0x3180, v40  }
0xc3: {  	v60 =	vimm.s32 $0x13121110;
	v0 =	vsel vm3, $0xA00, v0;
	v1 =	vand.u32 $0xF, v1  }
0xc4: {  	v11 =	vsel vm11, $0x1A80, v11;
	v12 =	vsel vm11, $0x1B00, v12;
	v13 =	vsel vm12, $0x1000, v13  }
0xc5: {  	v14 =	vsel vm12, $0x1080, v14;
	v35 =	vsel vm12, $0x3300, v35;
	v6 =	vsel vm9, $0x1A00, v6  }
0xc6: {  	v7 =	vsel vm9, $0x1A80, v7;
	v8 =	vsel vm9, $0x1B00, v8;
	v16 =	vsel vm8, $0x2280, v16  }
0xc7: {  	v43 =	vsel vm8, $0x3000, v43;
	v44 =	vsel vm8, $0x3080, v44;
	v45 =	vsel vm8, $0x3100, v45  }
0xc8: {  	v46 =	vsel vm9, $0x3200, v46;
	v47 =	vsel vm9, $0x3280, v47;
	v9 =	vsel vm7, $0x1000, v9  }
0xc9: {  	v10 =	vsel vm7, $0x1080, v10;
	v39 =	vsel vm7, $0x3B00, v39;
	v3 =	vsel vm6, $0x1A00, v3  }
0xca: {  	v30 =	vsel vm6, $0x2380, v30;
	v31 =	vsel vm6, $0x2800, v31;
	v32 =	vsel vm6, $0x3880, v32  }
0xcb: {  	v36 =	vsel vm5, $0x3A00, v36;
	v37 =	vsel vm6, $0x3B00, v37;
	v38 =	vsel vm6, $0x3B80, v38  }
0xcc: {  	v41 =	vsel vm6, $0x3100, v41;
	v42 =	vsel vm6, $0x3180, v42;
	v4 =	vsel vm4, $0x1B00, v4  }
0xcd: {  	v5 =	vsel vm4, $0x1B80, v5;
	v33 =	vsel vm4, $0x3980, v33;
	v34 =	vsel vm4, $0x3A00, v34  }
0xce: {  	v18 =	vsel vm2, $0x2A80, v18;
	v19 =	vsel vm2, $0x2B00, v19;
	v40 =	vsel vm3, $0x3200, v40  }
0xcf: {  	[tilespmem:$0x1F860] =	vst v1;
	v0 =	vsel vm1, $0xA80, v0;
	v1 =	vand.u32 $0xF, v2;
	v2 =	vimm.s32 $0x100  }
0xd0: {  	v11 =	vsel vm12, $0x1B00, v11;
	v12 =	vsel vm12, $0x1B80, v12;
	v13 =	vsel vm10, $0x1080, v13  }
0xd1: {  	v14 =	vsel vm10, $0x1100, v14;
	v16 =	vsel vm9, $0x2300, v16;
	v6 =	vsel vm7, $0x1A80, v6  }
0xd2: {  	v7 =	vsel vm7, $0x1B00, v7;
	v8 =	vsel vm7, $0x1B80, v8;
	v9 =	vsel vm5, $0x1080, v9  }
0xd3: {  	v10 =	vsel vm5, $0x1100, v10;
	[tilespmem:$0x1F980] =	vst v48;
	v3 =	vsel vm4, $0x1A80, v3;
	v48 =	vunpack.c.0.s8.s32 v63  }
0xd4: {  	v4 =	vsel vm2, $0x1B80, v4;
	v5 =	vsel vm2, $0x1000, v5;
	v63 =	vimm.s32 $0x1B1A1918  }
0xd5: {  	[tilespmem:$0x1F870] =	vst v1;
	v0 =	vsel vm0, $0xB00, v0;
	v1 =	vimm.s32 $0x80;
	v2 =	vsel vm14, $0x180, v2  }
0xd6: {  	v11 =	vsel vm10, $0x1B80, v11;
	v12 =	vsel vm10, $0x1000, v12;
	v13 =	vsel vm8, $0x1100, v13  }
0xd7: {  	v14 =	vsel vm8, $0x1180, v14;
	v16 =	vsel vm7, $0x2380, v16;
	[tilespmem:$0x1F880] =	vst v0;
	v0 =	vimm.s32 $0x0  }
0xd8: {  	v6 =	vsel vm5, $0x1B00, v6;
	v7 =	vsel vm5, $0x1B80, v7;
	v0 =	vsel vm14, $0x80, v0  }
0xd9: {  	v8 =	vsel vm5, $0x1000, v8;
	v9 =	vsel vm6, $0x1100, v9;
	v0 =	vsel vm13, $0x100, v0  }
0xda: {  	v10 =	vsel vm6, $0x1180, v10;
	v1 =	vsel vm14, $0x100, v1;
	v0 =	vsel vm11, $0x180, v0  }
0xdb: {  	v3 =	vsel vm2, $0x1B00, v3;
	v1 =	vsel vm13, $0x180, v1;
	v0 =	vsel vm12, $0x200, v0  }
0xdc: {  	v2 =	vsel vm13, $0x200, v2;
	v1 =	vsel vm11, $0x200, v1;
	v0 =	vsel vm10, $0x280, v0  }
0xdd: {  	v2 =	vsel vm11, $0x280, v2;
	v1 =	vsel vm12, $0x280, v1;
	v0 =	vsel vm8, $0x300, v0  }
0xde: {  	v2 =	vsel vm12, $0x300, v2;
	v1 =	vsel vm10, $0x300, v1;
	v0 =	vsel vm9, $0x380, v0  }
0xdf: {  	v2 =	vsel vm10, $0x380, v2;
	v1 =	vsel vm8, $0x380, v1;
	v0 =	vsel vm7, $0x800, v0  }
0xe0: {  	v2 =	vsel vm8, $0x800, v2;
	v1 =	vsel vm9, $0x800, v1;
	v0 =	vsel vm5, $0x880, v0  }
0xe1: {  	v2 =	vsel vm9, $0x880, v2;
	v1 =	vsel vm7, $0x880, v1;
	v0 =	vsel vm6, $0x900, v0  }
0xe2: {  	v2 =	vsel vm7, $0x900, v2;
	v1 =	vsel vm5, $0x900, v1;
	v0 =	vsel vm4, $0x980, v0  }
0xe3: {  	v2 =	vsel vm5, $0x980, v2;
	v1 =	vsel vm6, $0x980, v1;
	v0 =	vsel vm2, $0xA00, v0  }
0xe4: {  	v2 =	vsel vm6, $0xA00, v2;
	v1 =	vsel vm4, $0xA00, v1;
	v0 =	vsel vm3, $0xA80, v0  }
0xe5: {  	v2 =	vsel vm4, $0xA80, v2;
	v1 =	vsel vm2, $0xA80, v1;
	v0 =	vsel vm1, $0xB00, v0  }
0xe6: {  	v2 =	vsel vm2, $0xB00, v2;
	v1 =	vsel vm3, $0xB00, v1;
	v0 =	vsel vm0, $0xB80, v0  }
0xe7: {  	v4 =	vsel vm3, $0x1000, v4;
	v2 =	vsel vm3, $0xB80, v2;
	[tilespmem:$0x1F890] =	vst v0;
	v0 =	vsel vm1, $0xB80, v1  }
0xe8: {  	v5 =	vsel vm3, $0x1080, v5;
	v1 =	vsel vm1, $0x0, v2;
	v0 =	vsel vm0, $0x0, v0  }
0xe9: {  	v11 =	vsel vm8, $0x1000, v11;
	v12 =	vsel vm8, $0x1080, v12;
	[tilespmem:$0x1F8A0] =	vst v0;
	v0 =	vsel vm0, $0x80, v1  }
0xea: {  	v13 =	vsel vm9, $0x1180, v13;
	v14 =	vsel vm9, $0x1200, v14;
	[tilespmem:$0x1F8B0] =	vst v0;
	v0 =	vimm.s32 $0x180  }
0xeb: {  	v6 =	vsel vm6, $0x1B80, v6;
	v7 =	vsel vm6, $0x1000, v7;
	v0 =	vsel vm14, $0x200, v0  }
0xec: {  	v8 =	vsel vm6, $0x1080, v8;
	v1 =	vimm.s32 $0x200;
	v0 =	vsel vm13, $0x280, v0  }
0xed: {  	v2 =	vimm.s32 $0x280;
	v1 =	vsel vm14, $0x280, v1;
	v0 =	vsel vm11, $0x300, v0  }
0xee: {  	v2 =	vsel vm14, $0x300, v2;
	v1 =	vsel vm13, $0x300, v1;
	v0 =	vsel vm12, $0x380, v0  }
0xef: {  	v2 =	vsel vm13, $0x380, v2;
	v1 =	vsel vm11, $0x380, v1;
	v0 =	vsel vm10, $0x800, v0  }
0xf0: {  	v2 =	vsel vm11, $0x800, v2;
	v1 =	vsel vm12, $0x800, v1;
	v0 =	vsel vm8, $0x880, v0  }
0xf1: {  	v2 =	vsel vm12, $0x880, v2;
	v1 =	vsel vm10, $0x880, v1;
	v0 =	vsel vm9, $0x900, v0  }
0xf2: {  	v2 =	vsel vm10, $0x900, v2;
	v1 =	vsel vm8, $0x900, v1;
	v0 =	vsel vm7, $0x980, v0  }
0xf3: {  	v2 =	vsel vm8, $0x980, v2;
	v1 =	vsel vm9, $0x980, v1;
	v0 =	vsel vm5, $0xA00, v0  }
0xf4: {  	v2 =	vsel vm9, $0xA00, v2;
	v1 =	vsel vm7, $0xA00, v1;
	v0 =	vsel vm6, $0xA80, v0  }
0xf5: {  	v2 =	vsel vm7, $0xA80, v2;
	v1 =	vsel vm5, $0xA80, v1;
	v0 =	vsel vm4, $0xB00, v0  }
0xf6: {  	v2 =	vsel vm5, $0xB00, v2;
	v1 =	vsel vm6, $0xB00, v1;
	v0 =	vsel vm2, $0xB80, v0  }
0xf7: {  	v2 =	vsel vm6, $0xB80, v2;
	v1 =	vsel vm4, $0xB80, v1;
	v0 =	vsel vm3, $0x0, v0  }
0xf8: {  	v2 =	vsel vm4, $0x0, v2;
	v1 =	vsel vm2, $0x0, v1;
	v0 =	vsel vm1, $0x80, v0  }
0xf9: {  	v2 =	vsel vm2, $0x80, v2;
	v1 =	vsel vm3, $0x80, v1;
	v0 =	vsel vm0, $0x100, v0  }
0xfa: {  	v16 =	vsel vm5, $0x2800, v16;
	v2 =	vsel vm3, $0x100, v2;
	[tilespmem:$0x1F8C0] =	vst v0;
	v0 =	vsel vm1, $0x100, v1  }
0xfb: {  	v9 =	vsel vm4, $0x1180, v9;
	[tilespmem:$0x1F9A0] =	vst v48;
	v1 =	vsel vm1, $0x180, v2;
	v0 =	vsel vm0, $0x180, v0  }
0xfc: {  	v10 =	vsel vm4, $0x1200, v10;
	v3 =	vsel vm3, $0x1B80, v3;
	[tilespmem:$0x1F8D0] =	vst v0;
	v0 =	vsel vm0, $0x200, v1  }
0xfd: {  	v48 =	vunpack.c.0.s8.s32 v60;
	v4 =	vsel vm1, $0x1080, v4;
	[tilespmem:$0x1F8E0] =	vst v0;
	v0 =	vimm.s32 $0x300  }
0xfe: {  	v5 =	vsel vm1, $0x1100, v5;
	v11 =	vsel vm9, $0x1080, v11;
	v0 =	vsel vm14, $0x380, v0  }
0xff: {  	v12 =	vsel vm9, $0x1100, v12;
	v1 =	vimm.s32 $0x380;
	v0 =	vsel vm13, $0x800, v0  }
0x100: {  	v2 =	vimm.s32 $0x800;
	v1 =	vsel vm14, $0x800, v1;
	v0 =	vsel vm11, $0x880, v0  }
0x101: {  	v2 =	vsel vm14, $0x880, v2;
	v1 =	vsel vm13, $0x880, v1;
	v0 =	vsel vm12, $0x900, v0  }
0x102: {  	v2 =	vsel vm13, $0x900, v2;
	v1 =	vsel vm11, $0x900, v1;
	v0 =	vsel vm10, $0x980, v0  }
0x103: {  	v2 =	vsel vm11, $0x980, v2;
	v1 =	vsel vm12, $0x980, v1;
	v0 =	vsel vm8, $0xA00, v0  }
0x104: {  	v2 =	vsel vm12, $0xA00, v2;
	v1 =	vsel vm10, $0xA00, v1;
	v0 =	vsel vm9, $0xA80, v0  }
0x105: {  	v2 =	vsel vm10, $0xA80, v2;
	v1 =	vsel vm8, $0xA80, v1;
	v0 =	vsel vm7, $0xB00, v0  }
0x106: {  	v2 =	vsel vm8, $0xB00, v2;
	v1 =	vsel vm9, $0xB00, v1;
	v0 =	vsel vm5, $0xB80, v0  }
0x107: {  	v2 =	vsel vm9, $0xB80, v2;
	v1 =	vsel vm7, $0xB80, v1;
	v0 =	vsel vm6, $0x0, v0  }
0x108: {  	v2 =	vsel vm7, $0x0, v2;
	v1 =	vsel vm5, $0x0, v1;
	v0 =	vsel vm4, $0x80, v0  }
0x109: {  	v2 =	vsel vm5, $0x80, v2;
	v1 =	vsel vm6, $0x80, v1;
	v0 =	vsel vm2, $0x100, v0  }
0x10a: {  	v2 =	vsel vm6, $0x100, v2;
	v1 =	vsel vm4, $0x100, v1;
	v0 =	vsel vm3, $0x180, v0  }
0x10b: {  	v2 =	vsel vm4, $0x180, v2;
	v1 =	vsel vm2, $0x180, v1;
	v0 =	vsel vm1, $0x200, v0  }
0x10c: {  	v2 =	vsel vm2, $0x200, v2;
	v1 =	vsel vm3, $0x200, v1;
	v0 =	vsel vm0, $0x280, v0  }
0x10d: {  	v13 =	vsel vm7, $0x1200, v13;
	v2 =	vsel vm3, $0x280, v2;
	[tilespmem:$0x1F8F0] =	vst v0;
	v0 =	vsel vm1, $0x280, v1  }
0x10e: {  	v14 =	vsel vm7, $0x1280, v14;
	v1 =	vsel vm1, $0x300, v2;
	v0 =	vsel vm0, $0x300, v0  }
0x10f: {  	v16 =	vsel vm6, $0x2880, v16;
	v6 =	vsel vm4, $0x1000, v6;
	[tilespmem:$0x1F900] =	vst v0;
	v0 =	vsel vm0, $0x380, v1  }
0x110: {  	v7 =	vsel vm4, $0x1080, v7;
	v8 =	vsel vm4, $0x1100, v8;
	[tilespmem:$0x1F910] =	vst v0;
	v0 =	vimm.s32 $0x880  }
0x111: {  	v9 =	vsel vm2, $0x1200, v9;
	v10 =	vsel vm2, $0x1280, v10;
	v0 =	vsel vm14, $0x900, v0  }
0x112: {  	v3 =	vsel vm1, $0x1000, v3;
	v1 =	vimm.s32 $0x900;
	v0 =	vsel vm13, $0x980, v0  }
0x113: {  	v2 =	vimm.s32 $0x980;
	v1 =	vsel vm14, $0x980, v1;
	v0 =	vsel vm11, $0xA00, v0  }
0x114: {  	v2 =	vsel vm14, $0xA00, v2;
	v1 =	vsel vm13, $0xA00, v1;
	v0 =	vsel vm12, $0xA80, v0  }
0x115: {  	v2 =	vsel vm13, $0xA80, v2;
	v1 =	vsel vm11, $0xA80, v1;
	v0 =	vsel vm10, $0xB00, v0  }
0x116: {  	v2 =	vsel vm11, $0xB00, v2;
	v1 =	vsel vm12, $0xB00, v1;
	v0 =	vsel vm8, $0xB80, v0  }
0x117: {  	v2 =	vsel vm12, $0xB80, v2;
	v1 =	vsel vm10, $0xB80, v1;
	v0 =	vsel vm9, $0x0, v0  }
0x118: {  	v2 =	vsel vm10, $0x0, v2;
	v1 =	vsel vm8, $0x0, v1;
	v0 =	vsel vm7, $0x80, v0  }
0x119: {  	v2 =	vsel vm8, $0x80, v2;
	v1 =	vsel vm9, $0x80, v1;
	v0 =	vsel vm5, $0x100, v0  }
0x11a: {  	v2 =	vsel vm9, $0x100, v2;
	v1 =	vsel vm7, $0x100, v1;
	v0 =	vsel vm6, $0x180, v0  }
0x11b: {  	v2 =	vsel vm7, $0x180, v2;
	v1 =	vsel vm5, $0x180, v1;
	v0 =	vsel vm4, $0x200, v0  }
0x11c: {  	v2 =	vsel vm5, $0x200, v2;
	v1 =	vsel vm6, $0x200, v1;
	v0 =	vsel vm2, $0x280, v0  }
0x11d: {  	v2 =	vsel vm6, $0x280, v2;
	v1 =	vsel vm4, $0x280, v1;
	v0 =	vsel vm3, $0x300, v0  }
0x11e: {  	v2 =	vsel vm4, $0x300, v2;
	v1 =	vsel vm2, $0x300, v1;
	v0 =	vsel vm1, $0x380, v0  }
0x11f: {  	v2 =	vsel vm2, $0x380, v2;
	v1 =	vsel vm3, $0x380, v1;
	v0 =	vsel vm0, $0x800, v0  }
0x120: {  	v11 =	vsel vm7, $0x1100, v11;
	v2 =	vsel vm3, $0x800, v2;
	[tilespmem:$0x1F920] =	vst v0;
	v0 =	vsel vm1, $0x800, v1  }
0x121: {  	v12 =	vsel vm7, $0x1180, v12;
	v1 =	vsel vm1, $0x880, v2;
	v0 =	vsel vm0, $0x880, v0  }
0x122: {  	v13 =	vsel vm5, $0x1280, v13;
	v14 =	vsel vm5, $0x1300, v14;
	[tilespmem:$0x1F930] =	vst v0;
	v0 =	vsel vm0, $0x900, v1  }
0x123: {  	v16 =	vsel vm4, $0x2900, v16;
	v6 =	vsel vm2, $0x1080, v6;
	[tilespmem:$0x1F940] =	vst v0;
	v0 =	vimm.s32 $0xA00  }
0x124: {  	v7 =	vsel vm2, $0x1100, v7;
	v8 =	vsel vm2, $0x1180, v8;
	v0 =	vsel vm14, $0xA80, v0  }
0x125: {  	v9 =	vsel vm3, $0x1280, v9;
	v1 =	vimm.s32 $0xA80;
	v0 =	vsel vm13, $0xB00, v0  }
0x126: {  	v2 =	vimm.s32 $0xB00;
	v1 =	vsel vm14, $0xB00, v1;
	v0 =	vsel vm11, $0xB80, v0  }
0x127: {  	v2 =	vsel vm14, $0xB80, v2;
	v1 =	vsel vm13, $0xB80, v1;
	v0 =	vsel vm12, $0x0, v0  }
0x128: {  	v2 =	vsel vm13, $0x0, v2;
	v1 =	vsel vm11, $0x0, v1;
	v0 =	vsel vm10, $0x80, v0  }
0x129: {  	v2 =	vsel vm11, $0x80, v2;
	v1 =	vsel vm12, $0x80, v1;
	v0 =	vsel vm8, $0x100, v0  }
0x12a: {  	v2 =	vsel vm12, $0x100, v2;
	v1 =	vsel vm10, $0x100, v1;
	v0 =	vsel vm9, $0x180, v0  }
0x12b: {  	v2 =	vsel vm10, $0x180, v2;
	v1 =	vsel vm8, $0x180, v1;
	v0 =	vsel vm7, $0x200, v0  }
0x12c: {  	v2 =	vsel vm8, $0x200, v2;
	v1 =	vsel vm9, $0x200, v1;
	v0 =	vsel vm5, $0x280, v0  }
0x12d: {  	v2 =	vsel vm9, $0x280, v2;
	v1 =	vsel vm7, $0x280, v1;
	v0 =	vsel vm6, $0x300, v0  }
0x12e: {  	v2 =	vsel vm7, $0x300, v2;
	v1 =	vsel vm5, $0x300, v1;
	v0 =	vsel vm4, $0x380, v0  }
0x12f: {  	v2 =	vsel vm5, $0x380, v2;
	v1 =	vsel vm6, $0x380, v1;
	v0 =	vsel vm2, $0x800, v0  }
0x130: {  	v2 =	vsel vm6, $0x800, v2;
	v1 =	vsel vm4, $0x800, v1;
	v0 =	vsel vm3, $0x880, v0  }
0x131: {  	v2 =	vsel vm4, $0x880, v2;
	v1 =	vsel vm2, $0x880, v1;
	v0 =	vsel vm1, $0x900, v0  }
0x132: {  	v2 =	vsel vm2, $0x900, v2;
	v1 =	vsel vm3, $0x900, v1;
	v0 =	vsel vm0, $0x980, v0  }
0x133: {  	v10 =	vsel vm3, $0x1300, v10;
	v2 =	vsel vm3, $0x980, v2;
	[tilespmem:$0x1F950] =	vst v0;
	v0 =	vsel vm1, $0x980, v1  }
0x134: {  	[tilespmem:$0x1F9B0] =	vst v48;
	v48 =	vunpack.c.0.s8.s32 v63;
	v1 =	vsel vm1, $0xA00, v2;
	v0 =	vsel vm0, $0xA00, v0  }
0x135: {  	v11 =	vsel vm5, $0x1180, v11;
	v12 =	vsel vm5, $0x1200, v12;
	[tilespmem:$0x1F960] =	vst v0;
	v0 =	vsel vm0, $0xA80, v1  }
0x136: {  	v13 =	vsel vm6, $0x1300, v13;
	v14 =	vsel vm6, $0x1380, v14;
	[tilespmem:$0x1F970] =	vst v0;
	v0 =	vimm.s32 $0x1C1B1A19  }
0x137: {  	v6 =	vsel vm3, $0x1100, v6;
	v50 =	vunpack.c.0.s8.s32 v0;
	v0 =	vimm.s32 $0x1B80  }
0x138: {  	v7 =	vsel vm3, $0x1180, v7;
	v1 =	vimm.s32 $0x1000;
	v0 =	vsel vm14, $0x1000, v0  }
0x139: {  	v2 =	vimm.s32 $0x1080;
	v1 =	vsel vm14, $0x1080, v1;
	v0 =	vsel vm13, $0x1080, v0  }
0x13a: {  	v2 =	vsel vm14, $0x1100, v2;
	v1 =	vsel vm13, $0x1100, v1;
	v0 =	vsel vm11, $0x1100, v0  }
0x13b: {  	v2 =	vsel vm13, $0x1180, v2;
	v1 =	vsel vm11, $0x1180, v1;
	v0 =	vsel vm12, $0x1180, v0  }
0x13c: {  	v2 =	vsel vm11, $0x1200, v2;
	v1 =	vsel vm12, $0x1200, v1;
	v0 =	vsel vm10, $0x1200, v0  }
0x13d: {  	v2 =	vsel vm12, $0x1280, v2;
	v1 =	vsel vm10, $0x1280, v1;
	v0 =	vsel vm8, $0x1280, v0  }
0x13e: {  	v2 =	vsel vm10, $0x1300, v2;
	v1 =	vsel vm8, $0x1300, v1;
	v0 =	vsel vm9, $0x1300, v0  }
0x13f: {  	v2 =	vsel vm8, $0x1380, v2;
	v1 =	vsel vm9, $0x1380, v1;
	v0 =	vsel vm7, $0x1380, v0  }
0x140: {  	v2 =	vsel vm9, $0x1800, v2;
	v1 =	vsel vm7, $0x1800, v1;
	v0 =	vsel vm5, $0x1800, v0  }
0x141: {  	v2 =	vsel vm7, $0x1880, v2;
	v1 =	vsel vm5, $0x1880, v1;
	v0 =	vsel vm6, $0x1880, v0  }
0x142: {  	v2 =	vsel vm5, $0x1900, v2;
	v1 =	vsel vm6, $0x1900, v1;
	v0 =	vsel vm4, $0x1900, v0  }
0x143: {  	v2 =	vsel vm6, $0x1980, v2;
	v1 =	vsel vm4, $0x1980, v1;
	v0 =	vsel vm2, $0x1980, v0  }
0x144: {  	v2 =	vsel vm4, $0x1A00, v2;
	v1 =	vsel vm2, $0x1A00, v1;
	v0 =	vsel vm3, $0x1A00, v0  }
0x145: {  	[tilespmem:$0x1F9C0] =	vst v62;
	v2 =	vsel vm2, $0x1A80, v2;
	v1 =	vsel vm3, $0x1A80, v1;
	v0 =	vsel vm1, $0x1A80, v0  }
0x146: {  	[tilespmem:$0x1F9D0] =	vst v48;
	v2 =	vsel vm3, $0x1B00, v2;
	v1 =	vsel vm1, $0x1B00, v1;
	v0 =	vsel vm0, $0x1B00, v0  }
0x147: {  	v8 =	vsel vm3, $0x1200, v8;
	v2 =	vsel vm1, $0x1B80, v2;
	[tilespmem:$0x1F9E0] =	vst v0;
	v0 =	vsel vm0, $0x1B80, v1  }
0x148: {  	v9 =	vsel vm1, $0x1300, v9;
	v10 =	vsel vm1, $0x1380, v10;
	[tilespmem:$0x1F9F0] =	vst v0;
	v0 =	vsel vm0, $0x1000, v2  }
0x149: {  	v11 =	vsel vm6, $0x1200, v11;
	v12 =	vsel vm6, $0x1280, v12;
	[tilespmem:$0x1FA00] =	vst v0;
	v0 =	vsel vm0, $0x1080, v3  }
0x14a: {  	v13 =	vsel vm4, $0x1380, v13;
	v14 =	vsel vm4, $0x1800, v14;
	[tilespmem:$0x1FA10] =	vst v0;
	v0 =	vsel vm0, $0x1100, v4  }
0x14b: {  	v6 =	vsel vm1, $0x1180, v6;
	v7 =	vsel vm1, $0x1200, v7;
	[tilespmem:$0x1FA20] =	vst v0;
	v0 =	vsel vm0, $0x1180, v5  }
0x14c: {  	v8 =	vsel vm1, $0x1280, v8;
	v11 =	vsel vm4, $0x1280, v11;
	[tilespmem:$0x1FA30] =	vst v0;
	v0 =	vsel vm0, $0x1200, v6  }
0x14d: {  	v12 =	vsel vm4, $0x1300, v12;
	v13 =	vsel vm2, $0x1800, v13;
	[tilespmem:$0x1FA40] =	vst v0;
	v0 =	vsel vm0, $0x1280, v7  }
0x14e: {  	v14 =	vsel vm2, $0x1880, v14;
	v11 =	vsel vm2, $0x1300, v11;
	[tilespmem:$0x1FA50] =	vst v0;
	v0 =	vsel vm0, $0x1300, v8  }
0x14f: {  	v12 =	vsel vm2, $0x1380, v12;
	v11 =	vsel vm3, $0x1380, v11;
	[tilespmem:$0x1FA60] =	vst v0;
	v0 =	vsel vm0, $0x1380, v9  }
0x150: {  	v12 =	vsel vm3, $0x1800, v12;
	v11 =	vsel vm1, $0x1800, v11;
	[tilespmem:$0x1FA70] =	vst v0;
	v0 =	vsel vm0, $0x1800, v10  }
0x151: {  	v13 =	vsel vm3, $0x1880, v13;
	v12 =	vsel vm1, $0x1880, v12;
	[tilespmem:$0x1FA80] =	vst v0;
	v0 =	vsel vm0, $0x1880, v11  }
0x152: {  	v14 =	vsel vm3, $0x1900, v14;
	v13 =	vsel vm1, $0x1900, v13;
	[tilespmem:$0x1FA90] =	vst v0;
	v0 =	vsel vm0, $0x1900, v12  }
0x153: {  	v16 =	vsel vm2, $0x2980, v16;
	v14 =	vsel vm1, $0x1980, v14;
	[tilespmem:$0x1FAA0] =	vst v0;
	v0 =	vsel vm0, $0x1980, v13  }
0x154: {  	v35 =	vsel vm10, $0x3380, v35;
	v16 =	vsel vm3, $0x2A00, v16;
	[tilespmem:$0x1FAB0] =	vst v0;
	v0 =	vsel vm0, $0x1A00, v14  }
0x155: {  	v36 =	vsel vm6, $0x3A80, v36;
	v16 =	vsel vm1, $0x2A80, v16;
	[tilespmem:$0x1FAC0] =	vst v0;
	v0 =	vsel vm0, $0x1A80, v15  }
0x156: {  	v30 =	vsel vm4, $0x2800, v30;
	v18 =	vsel vm3, $0x2B00, v18;
	[tilespmem:$0x1FAD0] =	vst v0;
	v0 =	vsel vm0, $0x2B00, v16  }
0x157: {  	v19 =	vsel vm3, $0x2B80, v19;
	v18 =	vsel vm1, $0x2B80, v18;
	[tilespmem:$0x1FAE0] =	vst v0;
	v0 =	vsel vm0, $0x2B80, v17  }
0x158: {  	v31 =	vsel vm4, $0x2880, v31;
	v19 =	vsel vm1, $0x2000, v19;
	[tilespmem:$0x1FAF0] =	vst v0;
	v0 =	vsel vm0, $0x2000, v18  }
0x159: {  	v32 =	vsel vm4, $0x3900, v32;
	v37 =	vsel vm4, $0x3B80, v37;
	[tilespmem:$0x1FB00] =	vst v0;
	v0 =	vsel vm0, $0x2080, v19  }
0x15a: {  	v38 =	vsel vm4, $0x3000, v38;
	v33 =	vsel vm2, $0x3A00, v33;
	[tilespmem:$0x1FB10] =	vst v0;
	v0 =	vsel vm0, $0x2100, v20  }
0x15b: {  	v34 =	vsel vm2, $0x3A80, v34;
	v35 =	vsel vm8, $0x3800, v35;
	[tilespmem:$0x1FB20] =	vst v0;
	v0 =	vsel vm0, $0x2180, v21  }
0x15c: {  	v36 =	vsel vm4, $0x3B00, v36;
	v30 =	vsel vm2, $0x2880, v30;
	[tilespmem:$0x1FB30] =	vst v0;
	v0 =	vsel vm0, $0x2200, v22  }
0x15d: {  	v31 =	vsel vm2, $0x2900, v31;
	v32 =	vsel vm2, $0x3980, v32;
	[tilespmem:$0x1FB40] =	vst v0;
	v0 =	vsel vm0, $0x2280, v23  }
0x15e: {  	v33 =	vsel vm3, $0x3A80, v33;
	v34 =	vsel vm3, $0x3B00, v34;
	[tilespmem:$0x1FB50] =	vst v0;
	v0 =	vsel vm0, $0x2300, v24  }
0x15f: {  	v37 =	vsel vm2, $0x3000, v37;
	v38 =	vsel vm2, $0x3080, v38;
	[tilespmem:$0x1FB60] =	vst v0;
	v0 =	vsel vm0, $0x2380, v25  }
0x160: {  	v35 =	vsel vm9, $0x3880, v35;
	v30 =	vsel vm3, $0x2900, v30;
	[tilespmem:$0x1FB70] =	vst v0;
	v0 =	vsel vm0, $0x2800, v26  }
0x161: {  	v31 =	vsel vm3, $0x2980, v31;
	v32 =	vsel vm3, $0x3A00, v32;
	[tilespmem:$0x1FB80] =	vst v0;
	v0 =	vsel vm0, $0x2880, v27  }
0x162: {  	v36 =	vsel vm2, $0x3B80, v36;
	v35 =	vsel vm7, $0x3900, v35;
	[tilespmem:$0x1FB90] =	vst v0;
	v0 =	vsel vm0, $0x2900, v28  }
0x163: {  	v30 =	vsel vm1, $0x2980, v30;
	v35 =	vsel vm5, $0x3980, v35;
	[tilespmem:$0x1FBA0] =	vst v0;
	v0 =	vsel vm0, $0x2980, v29  }
0x164: {  	v31 =	vsel vm1, $0x2A00, v31;
	v35 =	vsel vm6, $0x3A00, v35;
	[tilespmem:$0x1FBB0] =	vst v0;
	v0 =	vsel vm0, $0x2A00, v30  }
0x165: {  	v32 =	vsel vm1, $0x3A80, v32;
	v35 =	vsel vm4, $0x3A80, v35;
	[tilespmem:$0x1FBC0] =	vst v0;
	v0 =	vsel vm0, $0x2A80, v31  }
0x166: {  	v33 =	vsel vm1, $0x3B00, v33;
	v35 =	vsel vm2, $0x3B00, v35;
	[tilespmem:$0x1FBD0] =	vst v0;
	v0 =	vsel vm0, $0x3B00, v32  }
0x167: {  	v34 =	vsel vm1, $0x3B80, v34;
	v35 =	vsel vm3, $0x3B80, v35;
	[tilespmem:$0x1FBE0] =	vst v0;
	v0 =	vsel vm0, $0x3B80, v33  }
0x168: {  	v36 =	vsel vm3, $0x3000, v36;
	v35 =	vsel vm1, $0x3000, v35;
	[tilespmem:$0x1FBF0] =	vst v0;
	v0 =	vsel vm0, $0x3000, v34  }
0x169: {  	v37 =	vsel vm3, $0x3080, v37;
	v36 =	vsel vm1, $0x3080, v36;
	[tilespmem:$0x1FC00] =	vst v0;
	v0 =	vsel vm0, $0x3080, v35  }
0x16a: {  	s2 =	rddreg [dreg:$0x0];
	v38 =	vsel vm3, $0x3100, v38;
	v37 =	vsel vm1, $0x3100, v37;
	[tilespmem:$0x1FC10] =	vst v0;
	v0 =	vsel vm0, $0x3100, v36  }
0x16b: {  	s5 =	rddreg [dreg:$0x1];
	s1 =	simm.s32 $0x0;
	v43 =	vsel vm9, $0x3080, v43;
	v38 =	vsel vm1, $0x3180, v38;
	[tilespmem:$0x1FC20] =	vst v0;
	v0 =	vsel vm0, $0x3180, v37  }
0x16c: {  	[smem:$0x7FF] =	sst s1;
	v44 =	vsel vm9, $0x3100, v44;
	v45 =	vsel vm9, $0x3180, v45;
	[tilespmem:$0x1FC30] =	vst v0;
	v0 =	vsel vm0, $0x3200, v38  }
0x16d: {  	s0 =	rddreg [dreg:$0x2];
	v46 =	vsel vm7, $0x3280, v46;
	v47 =	vsel vm7, $0x3300, v47;
	v39 =	vsel vm5, $0x3B80, v39;
	_ =	strace $0x80000047;
	[tilespmem:$0x1FC40] =	vst v0  }
0x16e: {  	v41 =	vsel vm4, $0x3180, v41;
	v42 =	vsel vm4, $0x3200, v42;
	v39 =	vsel vm6, $0x3000, v39;
	[tilespmem:$0x1FE80] =	vst v50  }
0x16f: {  	v40 =	vsel vm1, $0x3280, v40;
	v43 =	vsel vm7, $0x3100, v43;
	v39 =	vsel vm4, $0x3080, v39;
	[tilespmem:$0x1FE90] =	vst v51  }
0x170: {  	v44 =	vsel vm7, $0x3180, v44;
	v45 =	vsel vm7, $0x3200, v45;
	v39 =	vsel vm2, $0x3100, v39;
	[tilespmem:$0x1FEA0] =	vst v52  }
0x171: {  	v46 =	vsel vm5, $0x3300, v46;
	v47 =	vsel vm5, $0x3380, v47;
	v39 =	vsel vm3, $0x3180, v39;
	[tilespmem:$0x1FEB0] =	vst v53  }
0x172: {  	v41 =	vsel vm2, $0x3200, v41;
	v42 =	vsel vm2, $0x3280, v42;
	v39 =	vsel vm1, $0x3200, v39;
	[tilespmem:$0x1FEC0] =	vst v54  }
0x173: {  	v43 =	vsel vm5, $0x3180, v43;
	v41 =	vsel vm3, $0x3280, v41;
	v0 =	vsel vm0, $0x3280, v39;
	[tilespmem:$0x1FED0] =	vst v55  }
0x174: {  	v44 =	vsel vm5, $0x3200, v44;
	v41 =	vsel vm1, $0x3300, v41;
	[tilespmem:$0x1FC50] =	vst v0;
	v0 =	vsel vm0, $0x3300, v40  }
0x175: {  	v45 =	vsel vm5, $0x3280, v45;
	v46 =	vsel vm6, $0x3380, v46;
	[tilespmem:$0x1FC60] =	vst v0;
	v0 =	vsel vm0, $0x3380, v41  }
0x176: {  	v47 =	vsel vm6, $0x3800, v47;
	v42 =	vsel vm3, $0x3300, v42;
	[tilespmem:$0x1FC70] =	vst v0;
	v0 =	vimm.s32 $0x2C2B2A29  }
0x177: {  	v43 =	vsel vm6, $0x3200, v43;
	v44 =	vsel vm6, $0x3280, v44;
	[tilespmem:$0x1FEE0] =	vst v56;
	v0 =	vunpack.c.0.s8.s32 v0  }
0x178: {  	v45 =	vsel vm6, $0x3300, v45;
	v47 =	vsel vm4, $0x3880, v47;
	v1 =	vimm.s32 $0x202F2E2D;
	[tilespmem:$0x1FEF0] =	vst v57  }
0x179: {  	v46 =	vsel vm4, $0x3800, v46;
	v47 =	vsel vm2, $0x3900, v47;
	[tilespmem:$0x1FC80] =	vst v0;
	v0 =	vunpack.c.0.s8.s32 v1  }
0x17a: {  	v42 =	vsel vm1, $0x3380, v42;
	v43 =	vsel vm4, $0x3280, v43;
	v47 =	vsel vm3, $0x3980, v47;
	[tilespmem:$0x1FF60] =	vst v58  }
0x17b: {  	v44 =	vsel vm4, $0x3300, v44;
	v47 =	vsel vm1, $0x3A00, v47;
	[tilespmem:$0x1FC90] =	vst v0;
	v0 =	vimm.s32 $0x24232221  }
0x17c: {  	v43 =	vsel vm2, $0x3300, v43;
	v35 =	vsel vm0, $0x3A80, v47;
	[tilespmem:$0x1FF70] =	vst v59;
	v0 =	vunpack.c.0.s8.s32 v0  }
0x17d: {  	v45 =	vsel vm4, $0x3380, v45;
	v44 =	vsel vm2, $0x3380, v44;
	v43 =	vsel vm3, $0x3380, v43;
	[tilespmem:$0x1FFA0] =	vst v35  }
0x17e: {  	v43 =	vsel vm1, $0x3800, v43;
	v25 =	vsel vm0, $0x3800, v42;
	[tilespmem:$0x1FCA0] =	vst v0;
	v0 =	vimm.s32 $0x28272625  }
0x17f: {  	v44 =	vsel vm3, $0x3800, v44;
	v26 =	vsel vm0, $0x3880, v43;
	[tilespmem:$0x1FFB0] =	vst v25;
	v0 =	vunpack.c.0.s8.s32 v0  }
0x180: {  	v45 =	vsel vm2, $0x3800, v45;
	v44 =	vsel vm1, $0x3880, v44;
	[tilespmem:$0x1FFC0] =	vst v26;
	v1 =	vimm.s32 $0x2D2C2B2A  }
0x181: {  	v45 =	vsel vm3, $0x3880, v45;
	v32 =	vsel vm0, $0x3900, v44;
	[tilespmem:$0x1FCB0] =	vst v0;
	v0 =	vunpack.c.0.s8.s32 v1  }
0x182: {  	v46 =	vsel vm2, $0x3880, v46;
	v45 =	vsel vm1, $0x3900, v45;
	v38 =	vimm.s32 $0x2F2E2D2C;
	[tilespmem:$0x1FFD0] =	vst v32  }
0x183: {  	v33 =	vsel vm0, $0x3980, v45;
	v2 =	vunpack.c.0.s8.s32 v38;
	[tilespmem:$0x1FCC0] =	vst v0;
	v0 =	vimm.s32 $0x21202F2E  }
0x184: {  	v46 =	vsel vm3, $0x3900, v46;
	[tilespmem:$0x1FFE0] =	vst v33;
	v0 =	vunpack.c.0.s8.s32 v0  }
0x185: {  	v46 =	vsel vm1, $0x3980, v46;
	v39 =	vimm.s32 $0x23222120;
	[tilespmem:$0x1FD40] =	vst v2  }
0x186: {  	v34 =	vsel vm0, $0x3A00, v46;
	v2 =	vunpack.c.0.s8.s32 v39;
	[tilespmem:$0x1FCD0] =	vst v0;
	v0 =	vimm.s32 $0x25242322  }
0x187: {  	s3 =	srdreg.scid;
	[tilespmem:$0x1FFF0] =	vst v34;
	v0 =	vunpack.c.0.s8.s32 v0  }
0x188: {  	s4 =	stileid.u32;
	s6 =	sand.u32 $0x1, s3;
	vm0 =	vcmask $0x1F10;
	[tilespmem:$0x1FD50] =	vst v2;
	v1 =	vimm.s32 $0x29282726  }
0x189: {  	s4 =	sshll.u32 s4, $0xA;
	s7 =	sshll.u32 s6, $0x9;
	v3 =	vsel vm0, v55, v54;
	[tilespmem:$0x1FCE0] =	vst v0;
	v0 =	vunpack.c.0.s8.s32 v1  }
0x18a: {  	s7 =	sor.u32 s7, s4;
	v40 =	vimm.s32 $0x27262524;
	[tilespmem:$0x1FF30] =	vst v3  }
0x18b: {  	s5 =	sadd.s32 s5, s7;
	v63 =	vsel vm0, v57, v56;
	v2 =	vunpack.c.0.s8.s32 v40;
	[tilespmem:$0x1FCF0] =	vst v0;
	v0 =	vimm.s32 $0x2E2D2C2B  }
0x18c: {  	s26 =	sadd.s32 $0x50, s5;
	v41 =	vimm.s32 $0x2B2A2928;
	[tilespmem:$0x1FF40] =	vst v63;
	v0 =	vunpack.c.0.s8.s32 v0  }
0x18d: {  	s28 =	sadd.s32 $0x70, s5;
	[dreg:$0x4] =	wrdreg s26;
	[tilespmem:$0x1FD60] =	vst v2;
	v2 =	vunpack.c.0.s8.s32 v41;
	v1 =	vimm.s32 $0x2221202F  }
0x18e: {  	s29 =	sadd.s32 $0x4000, s5;
	v36 =	vimm.s32 $0x26252423;
	[dreg:$0x5] =	wrdreg s28;
	[tilespmem:$0x1FD00] =	vst v0;
	v0 =	vunpack.c.0.s8.s32 v1  }
0x18f: {  	s31 =	sadd.s32 $0x4010, s5;
	v42 =	vimm.s32 $0x3C3B3A39;
	[dreg:$0x6] =	wrdreg s29;
	[tilespmem:$0x1FD70] =	vst v2;
	v1 =	vunpack.c.0.s8.s32 v36  }
0x190: {  	s8 =	sadd.s32 $0x4020, s5;
	v37 =	vimm.s32 $0x2A292827;
	[dreg:$0x7] =	wrdreg s31;
	v2 =	vunpack.c.0.s8.s32 v42;
	[tilespmem:$0x1FD10] =	vst v0  }
0x191: {  	s9 =	sadd.s32 $0x4030, s5;
	[dreg:$0x8] =	wrdreg s8;
	v0 =	vimm.s32 $0x34333231;
	[tilespmem:$0x1FD20] =	vst v1;
	v1 =	vunpack.c.0.s8.s32 v37  }
0x192: {  	s10 =	sadd.s32 $0x4040, s5;
	v43 =	vimm.s32 $0x303F3E3D;
	[dreg:$0x9] =	wrdreg s9;
	[tilespmem:$0x1FD80] =	vst v2;
	v0 =	vunpack.c.0.s8.s32 v0  }
0x193: {  	s3 =	sadd.s32 $0xF42C00, s2;
	s11 =	sadd.s32 $0x4050, s5;
	[dreg:$0xa] =	wrdreg s10;
	v2 =	vunpack.c.0.s8.s32 v43;
	[tilespmem:$0x1FD30] =	vst v1;
	v1 =	vimm.s32 $0x38373635  }
0x194: {  	s13 =	sadd.s32 $0x4070, s5;
	v44 =	vimm.s32 $0x3D3C3B3A;
	[dreg:$0xb] =	wrdreg s11;
	[tilespmem:$0x1FDA0] =	vst v0;
	v0 =	vunpack.c.0.s8.s32 v1  }
0x195: {  	s14 =	sadd.s32 $0x8000, s5;
	v46 =	vimm.s32 $0x35343332;
	[dreg:$0xd] =	wrdreg s13;
	[tilespmem:$0x1FD90] =	vst v2;
	v1 =	vunpack.c.0.s8.s32 v44  }
0x196: {  	s15 =	sadd.s32 $0x8010, s5;
	v45 =	vimm.s32 $0x31303F3E;
	[dreg:$0xe] =	wrdreg s14;
	v2 =	vunpack.c.0.s8.s32 v46;
	[tilespmem:$0x1FDB0] =	vst v0  }
0x197: {  	s30 =	ssub.s32 $0x2, s6;
	s16 =	sadd.s32 $0x8020, s5;
	[dreg:$0xf] =	wrdreg s15;
	v0 =	vimm.s32 $0x36353433;
	[tilespmem:$0x1FDC0] =	vst v1;
	v1 =	vunpack.c.0.s8.s32 v45  }
0x198: {  	s4 =	sadd.s32 $0x800, s2;
	s17 =	sadd.s32 $0x10, s5;
	v47 =	vimm.s32 $0x39383736;
	[dreg:$0x10] =	wrdreg s16;
	[tilespmem:$0x1FDE0] =	vst v2;
	v0 =	vunpack.c.0.s8.s32 v0  }
0x199: {  	s12 =	sshrl.u32 s30, $0x1;
	s18 =	sadd.s32 $0x20, s5;
	[dreg:$0x11] =	wrdreg s17;
	v2 =	vunpack.c.0.s8.s32 v47;
	[tilespmem:$0x1FDD0] =	vst v1;
	v1 =	vimm.s32 $0x3A393837  }
0x19a: {  	s2 =	ssub.s32 s30, s12;
	s19 =	sadd.s32 $0x30, s5;
	v48 =	vimm.s32 $0x3E3D3C3B;
	[dreg:$0x12] =	wrdreg s18;
	[tilespmem:$0x1FE20] =	vst v0;
	v0 =	vunpack.c.0.s8.s32 v1  }
0x19b: {  	s23 =	sadd.s32 s0, s7;
	s20 =	sadd.s32 $0x40, s5;
	v60 =	vimm.s32 $0x3F3E3D3C;
	[dreg:$0x13] =	wrdreg s19;
	[tilespmem:$0x1FDF0] =	vst v2;
	v2 =	vunpack.c.0.s8.s32 v48  }
0x19c: {  	s7 =	simm.s32 $0x80;
	s21 =	sadd.s32 $0x60, s5;
	[dreg:$0x14] =	wrdreg s20;
	v1 =	vunpack.c.0.s8.s32 v60;
	[tilespmem:$0x1FE30] =	vst v0;
	v0 =	vimm.s32 $0x37363534  }
0x19d: {  	s12 =	simm.s32 $0x17600;
	s22 =	smax.u32 s2, $0x1;
	v49 =	vimm.s32 $0x3231303F;
	[dreg:$0x15] =	wrdreg s21;
	[tilespmem:$0x1FE00] =	vst v2;
	v0 =	vunpack.c.0.s8.s32 v0  }
0x19e: {  	s24 =	sadd.s32 $0x8030, s5;
	s25 =	sadd.s32 $0x8040, s5;
	v61 =	vimm.s32 $0x33323130;
	[dreg:$0x16] =	wrdreg s22;
	v2 =	vunpack.c.0.s8.s32 v49;
	[tilespmem:$0x1FE40] =	vst v1  }
0x19f: {  	s30 =	sadd.s32 $0xC000, s5;
	s6 =	sadd.s32 $0x100, s23;
	[dreg:$0x17] =	wrdreg s24;
	v1 =	vunpack.c.0.s8.s32 v61;
	[tilespmem:$0x1FE60] =	vst v0;
	v0 =	vimm.s32 $0x3B3A3938  }
0x1a0: {  	s8 =	sadd.s32 $0x4060, s5;
	[dreg:$0x18] =	wrdreg s25;
	s26 =	sadd.s32 $0x8050, s5;
	[tilespmem:$0x1FE10] =	vst v2;
	v0 =	vunpack.c.0.s8.s32 v0  }
0x1a1: {  	s28 =	sadd.s32 $0x8060, s5;
	s29 =	sadd.s32 $0x8070, s5;
	[dreg:$0x1c] =	wrdreg s30;
	[tilespmem:$0x1FE50] =	vst v1  }
0x1a2: {  	s31 =	sadd.s32 $0xC010, s5;
	s9 =	simm.s32 $0x5;
	s10 =	simm.s32 $0x800;
	v2 =	vlaneseq.u32;
	v1 =	vsel vm0, v53, v52;
	[tilespmem:$0x1FE70] =	vst v0;
	v0 =	vsel vm0, v51, v50  }
0x1a3: {  	s11 =	simm.s32 $0x13600;
	s13 =	simm.s32 $0x100;
	s14 =	simm.s32 $0x3400;
	v62 =	vor.u32 $0x10, v2;
	[tilespmem:$0x1FF00] =	vst v0;
	v0 =	vcombine.low v1, v0  }
0x1a4: {  	s15 =	simm.s32 $0x3600;
	s16 =	simm.s32 $0x3500;
	[dreg:$0xc] =	wrdreg s8;
	[tilespmem:$0x1FF90] =	vst v62  }
0x1a5: {  	s17 =	simm.s32 $0xB600;
	s18 =	simm.s32 $0x3;
	[dreg:$0x19] =	wrdreg s26;
	[tilespmem:$0x1FF20] =	vst v0;
	v0 =	vcombine.low v63, v3  }
0x1a6: {  	s19 =	simm.s32 $0x1;
	s20 =	simm.s32 $0x20000;
	[dreg:$0x1a] =	wrdreg s28;
	[tilespmem:$0x1FF10] =	vst v1  }
0x1a7: {  	s21 =	simm.s32 $0x4;
	s22 =	simm.s32 $0x2;
	[dreg:$0x1b] =	wrdreg s29;
	[tilespmem:$0x1FF50] =	vst v0;
	v0 =	vsel vm0, v59, v58  }
0x1a8: {  	s24 =	simm.s32 $0x0;
	[dreg:$0x1d] =	wrdreg s31;
	s8 =	simm.s32 $0x400;
	[tilespmem:$0x1FF80] =	vst v0  }
.LBB2_1:
0x1a9: {  	[tilespmem:s1], [sflag:$0x5] =	stream.strided.gather [hbm4b:s5+s7], $0x200, s8, s7, $0x38;
	[tilespmem:$0x1B600] =	vst v63  }
0x1aa: {  	_ =	swait.ge [sflag:s9], $0x200  }
0x1ab: {  	[sflag:s9] =	ssyncset.done $0x0  }
0x1ac: {  	s2 =	simm.s32 $0x200;
	s0 =	rddreg [dreg:$0x11];
	[sflag:s9] =	ssyncadd.s32 $0xFFFFFE00  }
0x1ad: {  	[tilespmem:s2], [sflag:$0x5] =	stream.strided.gather [hbm4b:s0+s7], $0x200, s8, s7, $0x38;
	[tilespmem:$0x1B600] =	vst v63  }
0x1ae: {  	_ =	swait.ge [sflag:s9], $0x200  }
0x1af: {  	[sflag:s9] =	ssyncset.done $0x0  }
0x1b0: {  	s29 =	rddreg [dreg:$0x12];
	[sflag:s9] =	ssyncadd.s32 $0xFFFFFE00  }
0x1b1: {  	[tilespmem:s8], [sflag:$0x5] =	stream.strided.gather [hbm4b:s29+s7], $0x200, s8, s7, $0x38;
	[tilespmem:$0x1B600] =	vst v63  }
0x1b2: {  	_ =	swait.ge [sflag:s9], $0x200  }
0x1b3: {  	[sflag:s9] =	ssyncset.done $0x0  }
0x1b4: {  	s31 =	simm.s32 $0x600;
	s30 =	rddreg [dreg:$0x13];
	[sflag:s9] =	ssyncadd.s32 $0xFFFFFE00  }
0x1b5: {  	[tilespmem:s31], [sflag:$0x5] =	stream.strided.gather [hbm4b:s30+s7], $0x200, s8, s7, $0x38;
	[tilespmem:$0x1B600] =	vst v63  }
0x1b6: {  	_ =	swait.ge [sflag:s9], $0x200  }
0x1b7: {  	[sflag:s9] =	ssyncset.done $0x0  }
0x1b8: {  	s2 =	rddreg [dreg:$0x14];
	[sflag:s9] =	ssyncadd.s32 $0xFFFFFE00  }
0x1b9: {  	[tilespmem:s10], [sflag:$0x5] =	stream.strided.gather [hbm4b:s2+s7], $0x200, s8, s7, $0x38;
	[tilespmem:$0x1B600] =	vst v63  }
0x1ba: {  	_ =	swait.ge [sflag:s9], $0x200  }
0x1bb: {  	[sflag:s9] =	ssyncset.done $0x0  }
0x1bc: {  	s26 =	simm.s32 $0xA00;
	s25 =	rddreg [dreg:$0x4];
	[sflag:s9] =	ssyncadd.s32 $0xFFFFFE00  }
0x1bd: {  	[tilespmem:s26], [sflag:$0x5] =	stream.strided.gather [hbm4b:s25+s7], $0x200, s8, s7, $0x38;
	[tilespmem:$0x1B600] =	vst v63  }
0x1be: {  	_ =	swait.ge [sflag:s9], $0x200  }
0x1bf: {  	[sflag:s9] =	ssyncset.done $0x0  }
0x1c0: {  	s29 =	simm.s32 $0xC00;
	s28 =	rddreg [dreg:$0x15];
	[sflag:s9] =	ssyncadd.s32 $0xFFFFFE00  }
0x1c1: {  	[tilespmem:s29], [sflag:$0x5] =	stream.strided.gather [hbm4b:s28+s7], $0x200, s8, s7, $0x38;
	[tilespmem:$0x1B600] =	vst v63  }
0x1c2: {  	_ =	swait.ge [sflag:s9], $0x200  }
0x1c3: {  	[sflag:s9] =	ssyncset.done $0x0  }
0x1c4: {  	s31 =	simm.s32 $0xE00;
	s30 =	rddreg [dreg:$0x5];
	[sflag:s9] =	ssyncadd.s32 $0xFFFFFE00  }
0x1c5: {  	[tilespmem:s31], [sflag:$0x5] =	stream.strided.gather [hbm4b:s30+s7], $0x200, s8, s7, $0x38;
	[tilespmem:$0x1B600] =	vst v63  }
0x1c6: {  	_ =	swait.ge [sflag:s9], $0x200  }
0x1c7: {  	[sflag:s9] =	ssyncset.done $0x0  }
0x1c8: {  	s26 =	simm.s32 $0x1000;
	s25 =	rddreg [dreg:$0x6];
	[sflag:s9] =	ssyncadd.s32 $0xFFFFFE00  }
0x1c9: {  	[tilespmem:s26], [sflag:$0x5] =	stream.strided.gather [hbm4b:s25+s7], $0x200, s8, s7, $0x38;
	[tilespmem:$0x1B600] =	vst v63  }
0x1ca: {  	_ =	swait.ge [sflag:s9], $0x200  }
0x1cb: {  	[sflag:s9] =	ssyncset.done $0x0  }
0x1cc: {  	s29 =	simm.s32 $0x1200;
	s28 =	rddreg [dreg:$0x7];
	[sflag:s9] =	ssyncadd.s32 $0xFFFFFE00  }
0x1cd: {  	[tilespmem:s29], [sflag:$0x5] =	stream.strided.gather [hbm4b:s28+s7], $0x200, s8, s7, $0x38;
	[tilespmem:$0x1B600] =	vst v63  }
0x1ce: {  	_ =	swait.ge [sflag:s9], $0x200  }
0x1cf: {  	[sflag:s9] =	ssyncset.done $0x0  }
0x1d0: {  	s31 =	simm.s32 $0x1400;
	s30 =	rddreg [dreg:$0x8];
	[sflag:s9] =	ssyncadd.s32 $0xFFFFFE00  }
0x1d1: {  	[tilespmem:s31], [sflag:$0x5] =	stream.strided.gather [hbm4b:s30+s7], $0x200, s8, s7, $0x38;
	[tilespmem:$0x1B600] =	vst v63  }
0x1d2: {  	_ =	swait.ge [sflag:s9], $0x200  }
0x1d3: {  	[sflag:s9] =	ssyncset.done $0x0  }
0x1d4: {  	s26 =	simm.s32 $0x1600;
	s25 =	rddreg [dreg:$0x9];
	[sflag:s9] =	ssyncadd.s32 $0xFFFFFE00  }
0x1d5: {  	[tilespmem:s26], [sflag:$0x5] =	stream.strided.gather [hbm4b:s25+s7], $0x200, s8, s7, $0x38;
	[tilespmem:$0x1B600] =	vst v63  }
0x1d6: {  	_ =	swait.ge [sflag:s9], $0x200  }
0x1d7: {  	[sflag:s9] =	ssyncset.done $0x0  }
0x1d8: {  	s29 =	simm.s32 $0x1800;
	s28 =	rddreg [dreg:$0xa];
	[sflag:s9] =	ssyncadd.s32 $0xFFFFFE00  }
0x1d9: {  	[tilespmem:s29], [sflag:$0x5] =	stream.strided.gather [hbm4b:s28+s7], $0x200, s8, s7, $0x38;
	[tilespmem:$0x1B600] =	vst v63  }
0x1da: {  	_ =	swait.ge [sflag:s9], $0x200  }
0x1db: {  	[sflag:s9] =	ssyncset.done $0x0  }
0x1dc: {  	s31 =	simm.s32 $0x1A00;
	s30 =	rddreg [dreg:$0xb];
	[sflag:s9] =	ssyncadd.s32 $0xFFFFFE00  }
0x1dd: {  	[tilespmem:s31], [sflag:$0x5] =	stream.strided.gather [hbm4b:s30+s7], $0x200, s8, s7, $0x38;
	[tilespmem:$0x1B600] =	vst v63  }
0x1de: {  	_ =	swait.ge [sflag:s9], $0x200  }
0x1df: {  	[sflag:s9] =	ssyncset.done $0x0  }
0x1e0: {  	s26 =	simm.s32 $0x1C00;
	s25 =	rddreg [dreg:$0xc];
	[sflag:s9] =	ssyncadd.s32 $0xFFFFFE00  }
0x1e1: {  	[tilespmem:s26], [sflag:$0x5] =	stream.strided.gather [hbm4b:s25+s7], $0x200, s8, s7, $0x38;
	[tilespmem:$0x1B600] =	vst v63  }
0x1e2: {  	_ =	swait.ge [sflag:s9], $0x200  }
0x1e3: {  	[sflag:s9] =	ssyncset.done $0x0  }
0x1e4: {  	s29 =	simm.s32 $0x1E00;
	s28 =	rddreg [dreg:$0xd];
	[sflag:s9] =	ssyncadd.s32 $0xFFFFFE00  }
0x1e5: {  	[tilespmem:s29], [sflag:$0x5] =	stream.strided.gather [hbm4b:s28+s7], $0x200, s8, s7, $0x38;
	[tilespmem:$0x1B600] =	vst v63  }
0x1e6: {  	_ =	swait.ge [sflag:s9], $0x200  }
0x1e7: {  	[sflag:s9] =	ssyncset.done $0x0  }
0x1e8: {  	s31 =	simm.s32 $0x2000;
	s30 =	rddreg [dreg:$0xe];
	[sflag:s9] =	ssyncadd.s32 $0xFFFFFE00  }
0x1e9: {  	[tilespmem:s31], [sflag:$0x5] =	stream.strided.gather [hbm4b:s30+s7], $0x200, s8, s7, $0x38;
	[tilespmem:$0x1B600] =	vst v63  }
0x1ea: {  	_ =	swait.ge [sflag:s9], $0x200  }
0x1eb: {  	[sflag:s9] =	ssyncset.done $0x0  }
0x1ec: {  	s26 =	simm.s32 $0x2200;
	s25 =	rddreg [dreg:$0xf];
	[sflag:s9] =	ssyncadd.s32 $0xFFFFFE00  }
0x1ed: {  	[tilespmem:s26], [sflag:$0x5] =	stream.strided.gather [hbm4b:s25+s7], $0x200, s8, s7, $0x38;
	[tilespmem:$0x1B600] =	vst v63  }
0x1ee: {  	_ =	swait.ge [sflag:s9], $0x200  }
0x1ef: {  	[sflag:s9] =	ssyncset.done $0x0  }
0x1f0: {  	s29 =	simm.s32 $0x2400;
	s28 =	rddreg [dreg:$0x10];
	[sflag:s9] =	ssyncadd.s32 $0xFFFFFE00  }
0x1f1: {  	[tilespmem:s29], [sflag:$0x5] =	stream.strided.gather [hbm4b:s28+s7], $0x200, s8, s7, $0x38;
	[tilespmem:$0x1B600] =	vst v63  }
0x1f2: {  	_ =	swait.ge [sflag:s9], $0x200  }
0x1f3: {  	[sflag:s9] =	ssyncset.done $0x0  }
0x1f4: {  	s31 =	simm.s32 $0x2600;
	s30 =	rddreg [dreg:$0x17];
	[sflag:s9] =	ssyncadd.s32 $0xFFFFFE00  }
0x1f5: {  	[tilespmem:s31], [sflag:$0x5] =	stream.strided.gather [hbm4b:s30+s7], $0x200, s8, s7, $0x38;
	[tilespmem:$0x1B600] =	vst v63  }
0x1f6: {  	_ =	swait.ge [sflag:s9], $0x200  }
0x1f7: {  	[sflag:s9] =	ssyncset.done $0x0  }
0x1f8: {  	s26 =	simm.s32 $0x2800;
	s25 =	rddreg [dreg:$0x18];
	[sflag:s9] =	ssyncadd.s32 $0xFFFFFE00  }
0x1f9: {  	[tilespmem:s26], [sflag:$0x5] =	stream.strided.gather [hbm4b:s25+s7], $0x200, s8, s7, $0x38;
	[tilespmem:$0x1B600] =	vst v63  }
0x1fa: {  	_ =	swait.ge [sflag:s9], $0x200  }
0x1fb: {  	[sflag:s9] =	ssyncset.done $0x0  }
0x1fc: {  	s29 =	simm.s32 $0x2A00;
	s28 =	rddreg [dreg:$0x19];
	[sflag:s9] =	ssyncadd.s32 $0xFFFFFE00  }
0x1fd: {  	[tilespmem:s29], [sflag:$0x5] =	stream.strided.gather [hbm4b:s28+s7], $0x200, s8, s7, $0x38;
	[tilespmem:$0x1B600] =	vst v63  }
0x1fe: {  	_ =	swait.ge [sflag:s9], $0x200  }
0x1ff: {  	[sflag:s9] =	ssyncset.done $0x0  }
0x200: {  	s31 =	simm.s32 $0x2C00;
	s30 =	rddreg [dreg:$0x1a];
	[sflag:s9] =	ssyncadd.s32 $0xFFFFFE00  }
0x201: {  	[tilespmem:s31], [sflag:$0x5] =	stream.strided.gather [hbm4b:s30+s7], $0x200, s8, s7, $0x38;
	[tilespmem:$0x1B600] =	vst v63  }
0x202: {  	_ =	swait.ge [sflag:s9], $0x200  }
0x203: {  	[sflag:s9] =	ssyncset.done $0x0  }
0x204: {  	s26 =	simm.s32 $0x2E00;
	s25 =	rddreg [dreg:$0x1b];
	[sflag:s9] =	ssyncadd.s32 $0xFFFFFE00  }
0x205: {  	[tilespmem:s26], [sflag:$0x5] =	stream.strided.gather [hbm4b:s25+s7], $0x200, s8, s7, $0x38;
	[tilespmem:$0x1B600] =	vst v63  }
0x206: {  	_ =	swait.ge [sflag:s9], $0x200  }
0x207: {  	[sflag:s9] =	ssyncset.done $0x0  }
0x208: {  	s29 =	simm.s32 $0x3000;
	s28 =	rddreg [dreg:$0x1c];
	[sflag:s9] =	ssyncadd.s32 $0xFFFFFE00  }
0x209: {  	[tilespmem:s29], [sflag:$0x5] =	stream.strided.gather [hbm4b:s28+s7], $0x200, s8, s7, $0x38;
	[tilespmem:$0x1B600] =	vst v63  }
0x20a: {  	_ =	swait.ge [sflag:s9], $0x200  }
0x20b: {  	[sflag:s9] =	ssyncset.done $0x0  }
0x20c: {  	s31 =	simm.s32 $0x3200;
	s30 =	rddreg [dreg:$0x1d];
	[sflag:s9] =	ssyncadd.s32 $0xFFFFFE00  }
0x20d: {  	[tilespmem:s31], [sflag:$0x5] =	stream.strided.gather [hbm4b:s30+s7], $0x200, s8, s7, $0x38;
	[tilespmem:$0x1B600] =	vst v63  }
0x20e: {  	_ =	swait.ge [sflag:s9], $0x200  }
0x20f: {  	[sflag:s9] =	ssyncset.done $0x0  }
0x210: {  	[sflag:s9] =	ssyncadd.s32 $0xFFFFFE00  }
0x211: {  	[hbm4b:s4+s1] =	stream.linear.scatter [tilespmem:s11], [sflag:$0x3], $0x4000, $0x38;
	[tilespmem:$0x1B600] =	vst v63  }
0x212: {  	_ = 	snop  }
0x213: {  	[hbm4b:s4+s1] =	stream.linear.scatter [tilespmem:s12], [sflag:$0x4], $0x4000, $0x38;
	[tilespmem:$0x1B600] =	vst v63  }
0x214: {  	v0 =	vld [tilespmem:$0x0]  }
0x215: {  	v1 =	vld [tilespmem:$0x10]  }
0x216: {  	v19 =	vld [tilespmem:$0x20]  }
0x217: {  	v20 =	vld [tilespmem:$0x30]  }
0x218: {  	v21 =	vld [tilespmem:$0x40]  }
0x219: {  	v22 =	vld [tilespmem:$0x50];
	v0 =	vshra.s32 v0, $0x1  }
0x21a: {  	[tilespmem:$0x3400] =	vst v0;
	v0 =	vshra.s32 v1, $0x1;
	v1 =	vld [tilespmem:$0x60]  }
0x21b: {  	v56 =	vld [tilespmem:$0x70];
	[tilespmem:$0x3410] =	vst v0;
	v0 =	vshra.s32 v19, $0x1  }
0x21c: {  	v57 =	vld [tilespmem:$0x80];
	[tilespmem:$0x3420] =	vst v0;
	v0 =	vshra.s32 v20, $0x1  }
0x21d: {  	v58 =	vld [tilespmem:$0x90];
	[tilespmem:$0x3430] =	vst v0;
	v0 =	vshra.s32 v21, $0x1  }
0x21e: {  	v59 =	vld [tilespmem:$0xA0];
	[tilespmem:$0x3440] =	vst v0;
	v0 =	vshra.s32 v22, $0x1  }
0x21f: {  	[tilespmem:$0x3450] =	vst v0;
	v0 =	vshra.s32 v1, $0x1;
	v1 =	vld [tilespmem:$0xB0]  }
0x220: {  	v60 =	vld [tilespmem:$0xC0];
	[tilespmem:$0x3460] =	vst v0;
	v0 =	vshra.s32 v56, $0x1  }
0x221: {  	v61 =	vld [tilespmem:$0xD0];
	[tilespmem:$0x3470] =	vst v0;
	v0 =	vshra.s32 v57, $0x1  }
0x222: {  	v62 =	vld [tilespmem:$0xE0];
	[tilespmem:$0x3480] =	vst v0;
	v0 =	vshra.s32 v58, $0x1  }
0x223: {  	v63 =	vld [tilespmem:$0xF0];
	[tilespmem:$0x3490] =	vst v0;
	v0 =	vshra.s32 v59, $0x1  }
0x224: {  	[tilespmem:$0x34A0] =	vst v0;
	v0 =	vshra.s32 v1, $0x1  }
0x225: {  	[tilespmem:$0x34B0] =	vst v0;
	v0 =	vshra.s32 v60, $0x1  }
0x226: {  	[tilespmem:$0x34C0] =	vst v0;
	v0 =	vshra.s32 v61, $0x1  }
0x227: {  	[tilespmem:$0x34D0] =	vst v0;
	v0 =	vshra.s32 v62, $0x1  }
0x228: {  	[tilespmem:$0x34E0] =	vst v0;
	v0 =	vshra.s32 v63, $0x1  }
0x229: {  	s25 =	simm.s32 $0x0;
	[tilespmem:$0x34F0] =	vst v0  }
0x22a: {  	[tilespmem:s15], [sflag:$0x1] =	stream.indirect.gather [hbm4b:s3+s13], $0x80, s14, s13, $0xb8;
	[tilespmem:$0x1B600] =	vst v63  }
.LBB2_2:
0x22b: {  	s26 =	sshll.u32 s25, $0xB  }
0x22c: {  	s28 =	sshra.s32 s26, $0x2  }
0x22d: {  	v0 =	vld [tilespmem:s28+$0x100];
	_ =	sdelay $0x4  }
0x22e: {  	v0 =	vshra.s32 v0, $0x1  }
0x22f: {  	[tilespmem:$0x3500] =	vst v0  }
0x230: {  	v0 =	vld [tilespmem:s28+$0x110];
	_ =	sdelay $0x4  }
0x231: {  	v0 =	vshra.s32 v0, $0x1  }
0x232: {  	[tilespmem:$0x3510] =	vst v0  }
0x233: {  	v0 =	vld [tilespmem:s28+$0x120];
	_ =	sdelay $0x4  }
0x234: {  	v0 =	vshra.s32 v0, $0x1  }
0x235: {  	[tilespmem:$0x3520] =	vst v0  }
0x236: {  	v0 =	vld [tilespmem:s28+$0x130];
	_ =	sdelay $0x4  }
0x237: {  	v0 =	vshra.s32 v0, $0x1  }
0x238: {  	[tilespmem:$0x3530] =	vst v0  }
0x239: {  	v0 =	vld [tilespmem:s28+$0x140];
	_ =	sdelay $0x4  }
0x23a: {  	v0 =	vshra.s32 v0, $0x1  }
0x23b: {  	[tilespmem:$0x3540] =	vst v0  }
0x23c: {  	v0 =	vld [tilespmem:s28+$0x150];
	_ =	sdelay $0x4  }
0x23d: {  	v0 =	vshra.s32 v0, $0x1  }
0x23e: {  	[tilespmem:$0x3550] =	vst v0  }
0x23f: {  	v0 =	vld [tilespmem:s28+$0x160];
	_ =	sdelay $0x4  }
0x240: {  	v0 =	vshra.s32 v0, $0x1  }
0x241: {  	[tilespmem:$0x3560] =	vst v0  }
0x242: {  	v0 =	vld [tilespmem:s28+$0x170];
	_ =	sdelay $0x4  }
0x243: {  	v0 =	vshra.s32 v0, $0x1  }
0x244: {  	[tilespmem:$0x3570] =	vst v0  }
0x245: {  	v0 =	vld [tilespmem:s28+$0x180];
	_ =	sdelay $0x4  }
0x246: {  	v0 =	vshra.s32 v0, $0x1  }
0x247: {  	[tilespmem:$0x3580] =	vst v0  }
0x248: {  	v0 =	vld [tilespmem:s28+$0x190];
	_ =	sdelay $0x4  }
0x249: {  	v0 =	vshra.s32 v0, $0x1  }
0x24a: {  	[tilespmem:$0x3590] =	vst v0  }
0x24b: {  	v0 =	vld [tilespmem:s28+$0x1A0];
	_ =	sdelay $0x4  }
0x24c: {  	v0 =	vshra.s32 v0, $0x1  }
0x24d: {  	[tilespmem:$0x35A0] =	vst v0  }
0x24e: {  	v0 =	vld [tilespmem:s28+$0x1B0];
	_ =	sdelay $0x4  }
0x24f: {  	v0 =	vshra.s32 v0, $0x1  }
0x250: {  	[tilespmem:$0x35B0] =	vst v0  }
0x251: {  	v0 =	vld [tilespmem:s28+$0x1C0];
	_ =	sdelay $0x4  }
0x252: {  	v0 =	vshra.s32 v0, $0x1  }
0x253: {  	[tilespmem:$0x35C0] =	vst v0  }
0x254: {  	v0 =	vld [tilespmem:s28+$0x1D0];
	_ =	sdelay $0x4  }
0x255: {  	v0 =	vshra.s32 v0, $0x1  }
0x256: {  	[tilespmem:$0x35D0] =	vst v0  }
0x257: {  	v0 =	vld [tilespmem:s28+$0x1E0];
	_ =	sdelay $0x4  }
0x258: {  	v0 =	vshra.s32 v0, $0x1  }
0x259: {  	[tilespmem:$0x35E0] =	vst v0  }
0x25a: {  	v0 =	vld [tilespmem:s28+$0x1F0];
	_ =	sdelay $0x4  }
0x25b: {  	v0 =	vshra.s32 v0, $0x1  }
0x25c: {  	[tilespmem:$0x35F0] =	vst v0  }
0x25d: {  	[tilespmem:s17], [sflag:$0x2] =	stream.indirect.gather [hbm4b:s3+s13], $0x80, s16, s13, $0xb8;
	[tilespmem:$0x1B600] =	vst v63  }
0x25e: {  	_ =	swait.ge [sflag:s18], $0x4000  }
0x25f: {  	[sflag:s18] =	ssyncset.done $0x0  }
0x260: {  	[sflag:s18] =	ssyncadd.s32 $0xFFFFC000  }
0x261: {  	_ =	swait.ge [sflag:s19], $0x8000  }
0x262: {  	v3 =	vld [tilespmem:$0x1F790]  }
0x263: {  	v4 =	vld [tilespmem:$0x1F7A0]  }
0x264: {  	v6 =	vld [tilespmem:$0x1F7B0]  }
0x265: {  	v12 =	vld [tilespmem:$0x1F7C0]  }
0x266: {  	v13 =	vld [tilespmem:$0x1F7D0]  }
0x267: {  	v14 =	vld [tilespmem:$0x1F7E0]  }
0x268: {  	v15 =	vld [tilespmem:$0x1F7F0]  }
0x269: {  	v16 =	vld [tilespmem:$0x1F800]  }
0x26a: {  	v17 =	vld [tilespmem:$0x1F810]  }
0x26b: {  	s29 =	sshll.u32 s25, $0x1;
	[sflag:s19] =	ssyncset.done $0x0;
	v18 =	vld [tilespmem:$0x1F820]  }
0x26c: {  	s30 =	simm.s32 $0x0;
	s26 =	sor.u32 $0x100, s28;
	v40 =	vld [tilespmem:$0x1FF20];
	[sflag:s19] =	ssyncadd.s32 $0xFFFF8000  }
.LBB2_3:
0x26d: {  	s31 =	sand.u32 $0x80, s30  }
0x26e: {  	s0 =	sand.u32 $0x60, s30;
	s31 =	sadd.s32 s31, s28  }
0x26f: {  	s0 =	sadd.s32 s0, s31  }
0x270: {  	v0 =	vld [tilespmem:s0+$0x0];
	_ =	sdelay $0x4  }
0x271: {  	v1 =	vor.u32 s30, v2;
	v0 =	vshll.u32 v0, $0x6  }
0x272: {  	v19 =	vshll.u32 v1, $0x7;
	v0 =	vand.u32 $0x40, v0  }
0x273: {  	v7 =	vld [tilespmem:$0x1F960];
	v0 =	vor.u32 v19, v0  }
0x274: {  	v8 =	vld [tilespmem:$0x1F940];
	v19 =	vor.u32 v2, v0  }
0x275: {  	v20 =	vor.u32 v3, v0;
	v3 =	vld [tilespmem:$0x1F830]  }
0x276: {  	v5 =	vld [tilespmem:$0x1F920]  }
0x277: {  	v58 =	vld [tilespmem:$0x1F850];
	v21 =	vor.u32 v4, v0  }
0x278: {  	v60 =	vld [tilespmem:$0x1F870];
	v22 =	vor.u32 v6, v0  }
0x279: {  	v23 =	vor.u32 v12, v0;
	v19 =	vld.idx.msk [tilespmem:v19+s15+$0x0], $0xffff  }
0x27a: {  	v30 =	vor.u32 v3, v0;
	v3 =	vld [tilespmem:$0x1F840]  }
0x27b: {  	v24 =	vor.u32 v13, v0;
	v20 =	vld.idx.msk [tilespmem:v20+s15+$0x0], $0xffff  }
0x27c: {  	v25 =	vor.u32 v14, v0;
	v21 =	vld.idx.msk [tilespmem:v21+s15+$0x0], $0xffff  }
0x27d: {  	v26 =	vor.u32 v15, v0;
	v22 =	vld.idx.msk [tilespmem:v22+s15+$0x0], $0xffff  }
0x27e: {  	v27 =	vor.u32 v16, v0;
	v23 =	vld.idx.msk [tilespmem:v23+s15+$0x0], $0xffff  }
0x27f: {  	v32 =	vor.u32 v3, v0;
	v3 =	vld [tilespmem:$0x1F860]  }
0x280: {  	v28 =	vor.u32 v17, v0;
	v24 =	vld.idx.msk [tilespmem:v24+s15+$0x0], $0xffff  }
0x281: {  	v29 =	vor.u32 v18, v0;
	v25 =	vld.idx.msk [tilespmem:v25+s15+$0x0], $0xffff  }
0x282: {  	v26 =	vld.idx.msk [tilespmem:v26+s15+$0x0], $0xffff  }
0x283: {  	v27 =	vld.idx.msk [tilespmem:v27+s15+$0x0], $0xffff  }
0x284: {  	v34 =	vor.u32 v3, v0;
	v3 =	vld [tilespmem:$0x1F880]  }
0x285: {  	v31 =	vmov s30;
	v28 =	vld.idx.msk [tilespmem:v28+s15+$0x0], $0xffff  }
0x286: {  	v31 =	vshll.u32 v31, $0x3;
	v29 =	vld.idx.msk [tilespmem:v29+s15+$0x0], $0xffff  }
0x287: {  	v1 =	vand.u32 $0x6F, v1;
	v31 =	vand.u32 $0x400, v31;
	v30 =	vld.idx.msk [tilespmem:v30+s15+$0x0], $0xffff  }
0x288: {  	v1 =	vor.u32 v31, v1;
	v32 =	vld.idx.msk [tilespmem:v32+s15+$0x0], $0xffff  }
0x289: {  	v31 =	vor.u32 v3, v1;
	v3 =	vld [tilespmem:$0x1F890];
	_ =	sdelay $0x4  }
0x28a: {  	v36 =	vor.u32 v3, v1;
	v3 =	vld [tilespmem:$0x1F8A0];
	_ =	sdelay $0x4  }
0x28b: {  	v37 =	vor.u32 v3, v1;
	v3 =	vld [tilespmem:$0x1F8B0];
	_ =	sdelay $0x4  }
0x28c: {  	v38 =	vor.u32 v3, v1;
	v3 =	vld [tilespmem:$0x1F8C0];
	_ =	sdelay $0x1  }
0x28d: {  	v33 =	vor.u32 v58, v0;
	_ =	sdelay $0x1  }
0x28e: {  	v35 =	vor.u32 v60, v0  }
0x28f: {  	v39 =	vor.u32 v3, v1;
	v3 =	vld [tilespmem:$0x1F8D0];
	_ =	sdelay $0x1  }
0x290: {  	v33 =	vld.idx.msk [tilespmem:v33+s15+$0x0], $0xffff  }
0x291: {  	v34 =	vld.idx.msk [tilespmem:v34+s15+$0x0], $0xffff  }
0x292: {  	v35 =	vld.idx.msk [tilespmem:v35+s15+$0x0], $0xffff  }
0x293: {  	[tilespmem:v31+s11+$0x0] =	vst.idx.msk $0xffff, v19;
	v19 =	vor.u32 v3, v1;
	v3 =	vld [tilespmem:$0x1F8E0];
	_ =	sdelay $0x4  }
0x294: {  	[tilespmem:v36+s11+$0x0] =	vst.idx.msk $0xffff, v20;
	v20 =	vor.u32 v3, v1;
	v3 =	vld [tilespmem:$0x1F8F0];
	_ =	sdelay $0x4  }
0x295: {  	v11 =	vor.u32 v3, v1;
	v3 =	vld [tilespmem:$0x1F900];
	_ =	sdelay $0x4  }
0x296: {  	v36 =	vor.u32 v3, v1;
	v3 =	vld [tilespmem:$0x1F910];
	_ =	sdelay $0x4  }
0x297: {  	[tilespmem:v37+s11+$0x0] =	vst.idx.msk $0xffff, v21;
	v37 =	vor.u32 v3, v1;
	v3 =	vld [tilespmem:$0x1F930];
	_ =	sdelay $0x1  }
0x298: {  	[tilespmem:v38+s11+$0x0] =	vst.idx.msk $0xffff, v22  }
0x299: {  	[tilespmem:v39+s11+$0x0] =	vst.idx.msk $0xffff, v23  }
0x29a: {  	[tilespmem:v19+s11+$0x0] =	vst.idx.msk $0xffff, v24  }
0x29b: {  	[tilespmem:v20+s11+$0x0] =	vst.idx.msk $0xffff, v25;
	v20 =	vor.u32 v3, v1;
	v3 =	vld [tilespmem:$0x1F950];
	_ =	sdelay $0x4  }
0x29c: {  	v39 =	vor.u32 v3, v1;
	v3 =	vld [tilespmem:$0x1F970];
	_ =	sdelay $0x4  }
0x29d: {  	v42 =	vor.u32 v3, v1;
	v3 =	vld [tilespmem:$0x1FF90];
	_ =	sdelay $0x3  }
0x29e: {  	v4 =	vld [tilespmem:$0x1FEA0];
	v19 =	vor.u32 v5, v1  }
0x29f: {  	v43 =	vor.u32 v3, v0;
	v3 =	vld [tilespmem:$0x1FE90]  }
0x2a0: {  	[tilespmem:v11+s11+$0x0] =	vst.idx.msk $0xffff, v26  }
0x2a1: {  	[tilespmem:v36+s11+$0x0] =	vst.idx.msk $0xffff, v27  }
0x2a2: {  	[tilespmem:v37+s11+$0x0] =	vst.idx.msk $0xffff, v28  }
0x2a3: {  	[tilespmem:v19+s11+$0x0] =	vst.idx.msk $0xffff, v29  }
0x2a4: {  	[tilespmem:v20+s11+$0x0] =	vst.idx.msk $0xffff, v30;
	v30 =	vsel vm0, v4, v3;
	v3 =	vld [tilespmem:$0x1FE80]  }
0x2a5: {  	v4 =	vld [tilespmem:$0x1FEB0];
	_ =	sdelay $0x4  }
0x2a6: {  	v31 =	vsel vm0, v3, v4;
	v3 =	vld [tilespmem:$0x1FF50];
	_ =	sdelay $0x2  }
0x2a7: {  	v38 =	vor.u32 v8, v1  }
0x2a8: {  	v4 =	vld [tilespmem:$0x1FEE0]  }
0x2a9: {  	v41 =	vor.u32 v7, v1;
	v50 =	vor.u32 v3, v0;
	v3 =	vld [tilespmem:$0x1FED0];
	_ =	sdelay $0x2  }
0x2aa: {  	[tilespmem:v38+s11+$0x0] =	vst.idx.msk $0xffff, v32  }
0x2ab: {  	[tilespmem:v39+s11+$0x0] =	vst.idx.msk $0xffff, v33  }
0x2ac: {  	[tilespmem:v41+s11+$0x0] =	vst.idx.msk $0xffff, v34;
	v34 =	vsel vm0, v4, v3;
	v3 =	vld [tilespmem:$0x1FEC0]  }
0x2ad: {  	v4 =	vld [tilespmem:$0x1FEF0];
	_ =	sdelay $0x3  }
0x2ae: {  	v5 =	vld [tilespmem:$0x1F980]  }
0x2af: {  	v61 =	vsel vm0, v3, v4;
	v3 =	vld [tilespmem:$0x1FF70];
	_ =	sdelay $0x3  }
0x2b0: {  	v6 =	vld [tilespmem:$0x1F990]  }
0x2b1: {  	v62 =	vsel vm0, v5, v3;
	v3 =	vld [tilespmem:$0x1FF60];
	_ =	sdelay $0x3  }
0x2b2: {  	v4 =	vld [tilespmem:$0x1FF10]  }
0x2b3: {  	v63 =	vsel vm0, v3, v6;
	v3 =	vld [tilespmem:$0x1FF00];
	_ =	sdelay $0x3  }
0x2b4: {  	v7 =	vld [tilespmem:$0x1F9A0]  }
0x2b5: {  	v54 =	vcombine.low v3, v4;
	v3 =	vld [tilespmem:$0x1FF30]  }
0x2b6: {  	v4 =	vld [tilespmem:$0x1FF40]  }
0x2b7: {  	v12 =	vld [tilespmem:$0x1F9C0]  }
0x2b8: {  	v13 =	vld [tilespmem:$0x1F9D0]  }
0x2b9: {  	v11 =	vld [tilespmem:$0x1F9B0];
	_ =	sdelay $0x1  }
0x2ba: {  	v55 =	vcombine.low v3, v4;
	v3 =	vld [tilespmem:$0x1F9E0];
	_ =	sdelay $0x2  }
0x2bb: {  	v28 =	vsel vm0, v11, v7;
	v29 =	vsel vm0, v13, v12  }
0x2bc: {  	v49 =	vor.u32 v40, v0;
	v19 =	vcombine.low v29, v28;
	v10 =	vcombine.low v63, v62  }
0x2bd: {  	v4 =	vcombine.low v28, v29;
	v29 =	vcombine.low v62, v63;
	v62 =	vor.u32 v3, v1;
	v3 =	vld [tilespmem:$0x1F9F0];
	_ =	sdelay $0x1  }
0x2be: {  	v14 =	vld [tilespmem:$0x1FF80]  }
0x2bf: {  	[tilespmem:v42+s11+$0x0] =	vst.idx.msk $0xffff, v35  }
0x2c0: {  	v41 =	vld.idx.msk [tilespmem:v49+s15+$0x0], $0xffff  }
0x2c1: {  	v49 =	vor.u32 v3, v1;
	v3 =	vld [tilespmem:$0x1FA00]  }
0x2c2: {  	v48 =	vsel vm0, v6, v5  }
0x2c3: {  	v53 =	vcombine.low v48, v14;
	v57 =	vor.u32 v19, v0;
	_ =	sdelay $0x1  }
0x2c4: {  	v23 =	vsel vm0, v7, v13;
	v51 =	vor.u32 v53, v0;
	v9 =	vcombine.low v31, v30;
	v24 =	vld.idx.msk [tilespmem:v50+s15+$0x0], $0xffff  }
0x2c5: {  	v22 =	vsel vm0, v12, v11;
	v21 =	vcombine.low v30, v31;
	v50 =	vor.u32 v3, v1;
	v3 =	vld [tilespmem:$0x1FA10]  }
0x2c6: {  	v23 =	vcombine.low v23, v22;
	v59 =	vor.u32 v9, v0  }
0x2c7: {  	v22 =	vcombine.low v14, v48;
	v32 =	vld.idx.msk [tilespmem:v57+s15+$0x0], $0xffff;
	v52 =	vor.u32 v21, v0  }
0x2c8: {  	v44 =	vor.u32 v23, v0;
	v38 =	vld.idx.msk [tilespmem:v43+s15+$0x0], $0xffff  }
0x2c9: {  	v48 =	vor.u32 v22, v0;
	v43 =	vld.idx.msk [tilespmem:v51+s15+$0x0], $0xffff;
	v47 =	vcombine.low v61, v34  }
0x2ca: {  	v20 =	vcombine.low v34, v61;
	v51 =	vor.u32 v3, v1;
	v3 =	vld [tilespmem:$0x1FA20]  }
0x2cb: {  	v33 =	vld.idx.msk [tilespmem:v59+s15+$0x0], $0xffff;
	v42 =	vor.u32 v47, v0  }
0x2cc: {  	v35 =	vld.idx.msk [tilespmem:v52+s15+$0x0], $0xffff;
	v56 =	vor.u32 v20, v0  }
0x2cd: {  	v34 =	vld.idx.msk [tilespmem:v44+s15+$0x0], $0xffff;
	v25 =	vor.u32 v10, v0  }
0x2ce: {  	v61 =	vld.idx.msk [tilespmem:v48+s15+$0x0], $0xffff;
	v45 =	vor.u32 v54, v0  }
0x2cf: {  	v52 =	vor.u32 v3, v1;
	v3 =	vld [tilespmem:$0x1FA40]  }
0x2d0: {  	v42 =	vld.idx.msk [tilespmem:v42+s15+$0x0], $0xffff;
	v46 =	vor.u32 v55, v0  }
0x2d1: {  	v37 =	vld.idx.msk [tilespmem:v56+s15+$0x0], $0xffff;
	v26 =	vor.u32 v4, v0  }
0x2d2: {  	v31 =	vld.idx.msk [tilespmem:v25+s15+$0x0], $0xffff;
	v57 =	vor.u32 v29, v0  }
0x2d3: {  	v36 =	vld.idx.msk [tilespmem:v45+s15+$0x0], $0xffff  }
0x2d4: {  	v11 =	vor.u32 v3, v1;
	v3 =	vld [tilespmem:$0x1FA50]  }
0x2d5: {  	v44 =	vld.idx.msk [tilespmem:v46+s15+$0x0], $0xffff  }
0x2d6: {  	v40 =	vld.idx.msk [tilespmem:v26+s15+$0x0], $0xffff  }
0x2d7: {  	v45 =	vld.idx.msk [tilespmem:v57+s15+$0x0], $0xffff;
	[tilespmem:v62+s11+$0x0] =	vst.idx.msk $0xffff, v38  }
0x2d8: {  	[tilespmem:v49+s11+$0x0] =	vst.idx.msk $0xffff, v41  }
0x2d9: {  	[tilespmem:v50+s11+$0x0] =	vst.idx.msk $0xffff, v24;
	v24 =	vor.u32 v3, v1;
	v3 =	vld [tilespmem:$0x1FA60];
	_ =	sdelay $0x4  }
0x2da: {  	v25 =	vor.u32 v3, v1;
	v3 =	vld [tilespmem:$0x1FA70];
	_ =	sdelay $0x4  }
0x2db: {  	v26 =	vor.u32 v3, v1;
	v3 =	vld [tilespmem:$0x1FA80];
	_ =	sdelay $0x2  }
0x2dc: {  	v48 =	vld [tilespmem:$0x1FA30];
	_ =	sdelay $0x1  }
0x2dd: {  	v27 =	vor.u32 v3, v1;
	v3 =	vld [tilespmem:$0x1FA90];
	_ =	sdelay $0x2  }
0x2de: {  	v63 =	vor.u32 v48, v1  }
0x2df: {  	v16 =	vld [tilespmem:$0x1FD20];
	[tilespmem:v51+s11+$0x0] =	vst.idx.msk $0xffff, v43  }
0x2e0: {  	[tilespmem:v52+s11+$0x0] =	vst.idx.msk $0xffff, v32;
	v52 =	vor.u32 v3, v1;
	v3 =	vld [tilespmem:$0x1FAA0]  }
0x2e1: {  	v17 =	vld [tilespmem:$0x1FD30]  }
0x2e2: {  	v18 =	vld [tilespmem:$0x1FD40]  }
0x2e3: {  	v14 =	vld [tilespmem:$0x1FD10];
	[tilespmem:v63+s11+$0x0] =	vst.idx.msk $0xffff, v33  }
0x2e4: {  	v49 =	vld [tilespmem:$0x1FAB0];
	[tilespmem:v11+s11+$0x0] =	vst.idx.msk $0xffff, v42  }
0x2e5: {  	[tilespmem:v24+s11+$0x0] =	vst.idx.msk $0xffff, v31;
	v31 =	vor.u32 v3, v1;
	v3 =	vld [tilespmem:$0x1FAC0]  }
0x2e6: {  	v7 =	vld [tilespmem:$0x1FCD0]  }
0x2e7: {  	v13 =	vld [tilespmem:$0x1FD00]  }
0x2e8: {  	v5 =	vld [tilespmem:$0x1FCB0];
	[tilespmem:$0x1F5A0] =	vst v4  }
0x2e9: {  	v56 =	vor.u32 v49, v1;
	v50 =	vld [tilespmem:$0x1FAD0];
	[tilespmem:v25+s11+$0x0] =	vst.idx.msk $0xffff, v34  }
0x2ea: {  	v28 =	vor.u32 $0x20, v2;
	v2 =	vld [tilespmem:$0x1FC80];
	[tilespmem:v26+s11+$0x0] =	vst.idx.msk $0xffff, v36;
	v57 =	vor.u32 v3, v1  }
0x2eb: {  	v4 =	vld [tilespmem:$0x1FCA0];
	[tilespmem:v27+s11+$0x0] =	vst.idx.msk $0xffff, v44  }
0x2ec: {  	[tilespmem:v52+s11+$0x0] =	vst.idx.msk $0xffff, v61;
	v3 =	vld [tilespmem:$0x1FC90]  }
0x2ed: {  	v26 =	vld [tilespmem:$0x1FD70];
	[tilespmem:v31+s11+$0x0] =	vst.idx.msk $0xffff, v40  }
0x2ee: {  	v31 =	vor.u32 v50, v1;
	[tilespmem:v56+s11+$0x0] =	vst.idx.msk $0xffff, v35;
	v56 =	vld [tilespmem:$0x1FD50]  }
0x2ef: {  	[tilespmem:v57+s11+$0x0] =	vst.idx.msk $0xffff, v37;
	v57 =	vld [tilespmem:$0x1FD60]  }
0x2f0: {  	v12 =	vld [tilespmem:$0x1FCF0];
	v38 =	vsel vm0, v17, v16  }
0x2f1: {  	v42 =	vsel vm0, v2, v5;
	v34 =	vsel vm0, v5, v4;
	v61 =	vld [tilespmem:$0x1FCE0];
	v33 =	vsel vm0, v3, v2  }
0x2f2: {  	v6 =	vld [tilespmem:$0x1FCC0];
	v37 =	vsel vm0, v14, v13;
	v41 =	vsel vm0, v4, v3;
	v27 =	vcombine.low v34, v33  }
0x2f3: {  	v3 =	vsel vm0, v13, v17;
	v62 =	vcombine.low v38, v37;
	[tilespmem:v31+s11+$0x0] =	vst.idx.msk $0xffff, v45  }
0x2f4: {  	v39 =	vsel vm0, v56, v18;
	v2 =	vcombine.low v42, v41;
	[tilespmem:$0x1F5C0] =	vst v27;
	v40 =	vsel vm0, v26, v57  }
0x2f5: {  	[tilespmem:$0x1F5E0] =	vst v62;
	v31 =	vor.u32 v27, v0;
	v44 =	vor.u32 v62, v0;
	v63 =	vcombine.low v40, v39  }
0x2f6: {  	[tilespmem:$0x1F600] =	vst v2;
	v27 =	vor.u32 v2, v0;
	v62 =	vsel vm0, v61, v7;
	v2 =	vsel vm0, v16, v14  }
0x2f7: {  	v5 =	vcombine.low v3, v2;
	[tilespmem:$0x1F5F0] =	vst v63;
	v45 =	vor.u32 v63, v0;
	v63 =	vsel vm0, v6, v12  }
0x2f8: {  	v36 =	vsel vm0, v12, v61;
	v35 =	vsel vm0, v7, v6;
	v4 =	vcombine.low v63, v62  }
0x2f9: {  	v32 =	vor.u32 v28, v0;
	v30 =	vcombine.low v36, v35;
	[tilespmem:$0x1F620] =	vst v5  }
0x2fa: {  	[tilespmem:$0x1F610] =	vst v4;
	v61 =	vor.u32 v4, v0;
	v4 =	vor.u32 v5, v0;
	v5 =	vcombine.low v39, v40;
	_ =	sdelay $0x1  }
0x2fb: {  	v43 =	vor.u32 v30, v0;
	[tilespmem:$0x1F670] =	vst v5;
	v11 =	vor.u32 v5, v0;
	v5 =	vcombine.low v2, v3;
	_ =	sdelay $0x1  }
0x2fc: {  	[tilespmem:$0x1F6A0] =	vst v5;
	v24 =	vor.u32 v5, v0;
	v5 =	vld [tilespmem:$0x1FAE0]  }
0x2fd: {  	v32 =	vld.idx.msk [tilespmem:v32+s15+$0x0], $0xffff  }
0x2fe: {  	v7 =	vld [tilespmem:$0x1FB30]  }
0x2ff: {  	v43 =	vld.idx.msk [tilespmem:v43+s15+$0x0], $0xffff  }
0x300: {  	v56 =	vsel vm0, v57, v56;
	v57 =	vsel vm0, v18, v26;
	v31 =	vld.idx.msk [tilespmem:v31+s15+$0x0], $0xffff;
	v6 =	vcombine.low v37, v38  }
0x301: {  	v52 =	vcombine.low v33, v34;
	v56 =	vcombine.low v57, v56;
	v25 =	vor.u32 v5, v1;
	v5 =	vld [tilespmem:$0x1FAF0]  }
0x302: {  	v33 =	vld.idx.msk [tilespmem:v44+s15+$0x0], $0xffff;
	[tilespmem:$0x1F660] =	vst v6;
	v46 =	vor.u32 v6, v0;
	v6 =	vcombine.low v41, v42  }
0x303: {  	v44 =	vor.u32 v56, v0;
	v37 =	vld.idx.msk [tilespmem:v27+s15+$0x0], $0xffff  }
0x304: {  	v57 =	vcombine.low v35, v36;
	v36 =	vor.u32 v52, v0;
	[tilespmem:$0x1F680] =	vst v6;
	v42 =	vor.u32 v6, v0;
	v6 =	vld [tilespmem:$0x1FB20]  }
0x305: {  	v39 =	vld.idx.msk [tilespmem:v61+s15+$0x0], $0xffff  }
0x306: {  	v61 =	vor.u32 v5, v1;
	v5 =	vld [tilespmem:$0x1FB00]  }
0x307: {  	v35 =	vld.idx.msk [tilespmem:v45+s15+$0x0], $0xffff  }
0x308: {  	v34 =	vld.idx.msk [tilespmem:v44+s15+$0x0], $0xffff  }
0x309: {  	v2 =	vld.idx.msk [tilespmem:v36+s15+$0x0], $0xffff  }
0x30a: {  	v63 =	vcombine.low v62, v63;
	v40 =	vld.idx.msk [tilespmem:v46+s15+$0x0], $0xffff  }
0x30b: {  	v45 =	vor.u32 v57, v0;
	v62 =	vor.u32 v5, v1;
	v5 =	vld [tilespmem:$0x1FB10]  }
0x30c: {  	v3 =	vor.u32 v63, v0;
	v4 =	vld.idx.msk [tilespmem:v4+s15+$0x0], $0xffff  }
0x30d: {  	v41 =	vld.idx.msk [tilespmem:v11+s15+$0x0], $0xffff  }
0x30e: {  	v11 =	vor.u32 v7, v1;
	v7 =	vld [tilespmem:$0x1FB40]  }
0x30f: {  	v42 =	vld.idx.msk [tilespmem:v42+s15+$0x0], $0xffff  }
0x310: {  	v36 =	vld.idx.msk [tilespmem:v45+s15+$0x0], $0xffff;
	v5 =	vor.u32 v5, v1  }
0x311: {  	v3 =	vld.idx.msk [tilespmem:v3+s15+$0x0], $0xffff  }
0x312: {  	v38 =	vld.idx.msk [tilespmem:v24+s15+$0x0], $0xffff;
	[tilespmem:v25+s11+$0x0] =	vst.idx.msk $0xffff, v32  }
0x313: {  	[tilespmem:v61+s11+$0x0] =	vst.idx.msk $0xffff, v31;
	v31 =	vor.u32 v7, v1;
	v7 =	vld [tilespmem:$0x1FB50]  }
0x314: {  	[tilespmem:v62+s11+$0x0] =	vst.idx.msk $0xffff, v43  }
0x315: {  	[tilespmem:v5+s11+$0x0] =	vst.idx.msk $0xffff, v33;
	v5 =	vld [tilespmem:$0x1FB60]  }
0x316: {  	v13 =	vld [tilespmem:$0x1FDD0];
	v6 =	vor.u32 v6, v1  }
0x317: {  	v17 =	vld [tilespmem:$0x1FE00]  }
0x318: {  	v24 =	vor.u32 v7, v1;
	v7 =	vld [tilespmem:$0x1FB80]  }
0x319: {  	v14 =	vld [tilespmem:$0x1FDE0]  }
0x31a: {  	v16 =	vld [tilespmem:$0x1FDF0];
	v5 =	vor.u32 v5, v1  }
0x31b: {  	[tilespmem:v6+s11+$0x0] =	vst.idx.msk $0xffff, v35;
	v6 =	vld [tilespmem:$0x1FB70]  }
0x31c: {  	v18 =	vld [tilespmem:$0x1FE10];
	[tilespmem:v11+s11+$0x0] =	vst.idx.msk $0xffff, v37  }
0x31d: {  	v25 =	vor.u32 v7, v1;
	v7 =	vld [tilespmem:$0x1FB90];
	[tilespmem:v31+s11+$0x0] =	vst.idx.msk $0xffff, v39  }
0x31e: {  	v35 =	vld [tilespmem:$0x1FBA0];
	[tilespmem:v24+s11+$0x0] =	vst.idx.msk $0xffff, v4  }
0x31f: {  	[tilespmem:v5+s11+$0x0] =	vst.idx.msk $0xffff, v34;
	v5 =	vld [tilespmem:$0x1FBB0]  }
0x320: {  	v6 =	vor.u32 v6, v1;
	v34 =	vld [tilespmem:$0x1FBC0]  }
0x321: {  	v12 =	vld [tilespmem:$0x1FDC0]  }
0x322: {  	v32 =	vmov v9;
	v9 =	vld [tilespmem:$0x1FD90];
	v31 =	vor.u32 v7, v1  }
0x323: {  	v61 =	vld [tilespmem:$0x1FE70];
	v4 =	vor.u32 v35, v1  }
0x324: {  	v33 =	vmov v10;
	v10 =	vld [tilespmem:$0x1FDA0];
	v5 =	vor.u32 v5, v1  }
0x325: {  	v11 =	vld [tilespmem:$0x1FDB0];
	[tilespmem:v6+s11+$0x0] =	vst.idx.msk $0xffff, v2;
	v2 =	vor.u32 v34, v1  }
0x326: {  	v37 =	vld [tilespmem:$0x1FE50];
	[tilespmem:v25+s11+$0x0] =	vst.idx.msk $0xffff, v36  }
0x327: {  	v7 =	vld [tilespmem:$0x1FD80];
	[tilespmem:v31+s11+$0x0] =	vst.idx.msk $0xffff, v40  }
0x328: {  	v24 =	vld [tilespmem:$0x1FE20];
	[tilespmem:v4+s11+$0x0] =	vst.idx.msk $0xffff, v41  }
0x329: {  	v25 =	vld [tilespmem:$0x1FE30];
	[tilespmem:v5+s11+$0x0] =	vst.idx.msk $0xffff, v42  }
0x32a: {  	v51 =	vlaneseq.u32;
	[tilespmem:v2+s11+$0x0] =	vst.idx.msk $0xffff, v3;
	v2 =	vld [tilespmem:$0x1FBD0]  }
0x32b: {  	v62 =	vor.u32 $0x30, v51;
	v39 =	vld [tilespmem:$0x1FE60]  }
0x32c: {  	v15 =	vor.u32 v62, v0;
	v46 =	vsel vm0, v10, v9;
	v8 =	vsel vm0, v9, v7;
	v36 =	vld [tilespmem:$0x1FE40]  }
0x32d: {  	v7 =	vsel vm0, v7, v11;
	v6 =	vsel vm0, v13, v12;
	v41 =	vsel vm0, v16, v14  }
0x32e: {  	v4 =	vcombine.low v41, v6;
	v43 =	vsel vm0, v25, v24;
	v5 =	vsel vm0, v11, v10  }
0x32f: {  	v42 =	vsel vm0, v18, v17;
	v11 =	vcombine.low v7, v46;
	v31 =	vor.u32 v2, v1  }
0x330: {  	v45 =	vsel vm0, v61, v39;
	[tilespmem:$0x1F6D0] =	vst v4;
	v40 =	vcombine.low v5, v8;
	v3 =	vcombine.low v43, v42  }
0x331: {  	v39 =	vsel vm0, v39, v37;
	v12 =	vsel vm0, v12, v16;
	v44 =	vsel vm0, v37, v36;
	[tilespmem:$0x1F700] =	vst v11  }
0x332: {  	[tilespmem:$0x1F6C0] =	vst v40;
	v10 =	vor.u32 v40, v0;
	v40 =	vor.u32 v4, v0;
	v4 =	vor.u32 v3, v0  }
0x333: {  	[tilespmem:$0x1F6E0] =	vst v3;
	v3 =	vor.u32 v11, v0;
	v11 =	vsel vm0, v14, v13;
	v2 =	vcombine.low v45, v44  }
0x334: {  	v13 =	vsel vm0, v24, v18;
	v14 =	vsel vm0, v17, v25;
	[tilespmem:v31+s11+$0x0] =	vst.idx.msk $0xffff, v38  }
0x335: {  	v16 =	vsel vm0, v36, v61;
	v9 =	vor.u32 v2, v0;
	v25 =	vld.idx.msk [tilespmem:v15+s15+$0x0], $0xffff;
	v15 =	vcombine.low v14, v13  }
0x336: {  	v37 =	vcombine.low v16, v39  }
0x337: {  	v39 =	vcombine.low v6, v41;
	v18 =	vor.u32 v15, v0  }
0x338: {  	v41 =	vcombine.low v44, v45;
	[tilespmem:$0x1F730] =	vst v37;
	v36 =	vcombine.low v11, v12  }
0x339: {  	v61 =	vor.u32 v39, v0;
	v43 =	vcombine.low v42, v43;
	v38 =	vcombine.low v12, v11;
	v16 =	vld.idx.msk [tilespmem:v40+s15+$0x0], $0xffff  }
0x33a: {  	v12 =	vor.u32 v36, v0;
	v40 =	vcombine.low v8, v5;
	v5 =	vor.u32 v37, v0;
	v6 =	vld.idx.msk [tilespmem:v9+s15+$0x0], $0xffff  }
0x33b: {  	v37 =	vcombine.low v46, v7;
	v17 =	vor.u32 v38, v0;
	v9 =	vld.idx.msk [tilespmem:v3+s15+$0x0], $0xffff;
	v3 =	vcombine.low v13, v14  }
0x33c: {  	v44 =	vmov v22;
	[tilespmem:$0x1F720] =	vst v15;
	v8 =	vor.u32 v40, v0;
	v15 =	vor.u32 v43, v0;
	v7 =	vld.idx.msk [tilespmem:v18+s15+$0x0], $0xffff  }
0x33d: {  	v22 =	vor.u32 v37, v0;
	[tilespmem:$0x1F780] =	vst v3;
	v18 =	vor.u32 v41, v0;
	v0 =	vor.u32 v3, v0;
	v3 =	vld [tilespmem:$0x1FBE0];
	_ =	sdelay $0x4  }
0x33e: {  	v14 =	vor.u32 v3, v1;
	v3 =	vld [tilespmem:$0x1FC00]  }
0x33f: {  	v45 =	vmov v20;
	v20 =	vld [tilespmem:$0x1FC10]  }
0x340: {  	[tilespmem:$0x1F6F0] =	vst v2;
	v2 =	vld.idx.msk [tilespmem:v10+s15+$0x0], $0xffff  }
0x341: {  	v13 =	vld.idx.msk [tilespmem:v15+s15+$0x0], $0xffff  }
0x342: {  	v15 =	vld.idx.msk [tilespmem:v18+s15+$0x0], $0xffff  }
0x343: {  	v31 =	vmov v19;
	v19 =	vor.u32 v3, v1;
	v3 =	vld [tilespmem:$0x1FC20]  }
0x344: {  	v18 =	vld [tilespmem:$0x1FBF0]  }
0x345: {  	v4 =	vld.idx.msk [tilespmem:v4+s15+$0x0], $0xffff  }
0x346: {  	v10 =	vld.idx.msk [tilespmem:v61+s15+$0x0], $0xffff  }
0x347: {  	v12 =	vld.idx.msk [tilespmem:v12+s15+$0x0], $0xffff  }
0x348: {  	v42 =	vor.u32 v3, v1;
	v3 =	vld [tilespmem:$0x1FC30]  }
0x349: {  	v5 =	vld.idx.msk [tilespmem:v5+s15+$0x0], $0xffff;
	v18 =	vor.u32 v18, v1  }
0x34a: {  	v17 =	vld.idx.msk [tilespmem:v17+s15+$0x0], $0xffff  }
0x34b: {  	v20 =	vor.u32 v20, v1;
	v8 =	vld.idx.msk [tilespmem:v8+s15+$0x0], $0xffff  }
0x34c: {  	v11 =	vld.idx.msk [tilespmem:v22+s15+$0x0], $0xffff  }
0x34d: {  	v0 =	vld.idx.msk [tilespmem:v0+s15+$0x0], $0xffff;
	[tilespmem:v14+s11+$0x0] =	vst.idx.msk $0xffff, v25;
	v3 =	vor.u32 v3, v1  }
0x34e: {  	[tilespmem:v18+s11+$0x0] =	vst.idx.msk $0xffff, v2;
	v2 =	vld [tilespmem:$0x1FC40]  }
0x34f: {  	v14 =	vld [tilespmem:$0x1FC50];
	[tilespmem:v19+s11+$0x0] =	vst.idx.msk $0xffff, v16  }
0x350: {  	[tilespmem:v20+s11+$0x0] =	vst.idx.msk $0xffff, v4;
	v4 =	vld [tilespmem:$0x1FC60]  }
0x351: {  	[tilespmem:v42+s11+$0x0] =	vst.idx.msk $0xffff, v6;
	v6 =	vld [tilespmem:$0x1FC70]  }
0x352: {  	[tilespmem:v3+s11+$0x0] =	vst.idx.msk $0xffff, v9;
	v3 =	vld [tilespmem:$0x1FFB0]  }
0x353: {  	v2 =	vor.u32 v2, v1  }
0x354: {  	v14 =	vor.u32 v14, v1  }
0x355: {  	v4 =	vor.u32 v4, v1  }
0x356: {  	v6 =	vor.u32 v6, v1  }
0x357: {  	v3 =	vor.u32 v3, v1  }
0x358: {  	[tilespmem:v2+s11+$0x0] =	vst.idx.msk $0xffff, v17;
	v2 =	vld [tilespmem:$0x1FFC0]  }
0x359: {  	[tilespmem:v14+s11+$0x0] =	vst.idx.msk $0xffff, v7;
	v7 =	vld [tilespmem:$0x1FFD0]  }
0x35a: {  	[tilespmem:v4+s11+$0x0] =	vst.idx.msk $0xffff, v5;
	v4 =	vld [tilespmem:$0x1FFE0]  }
0x35b: {  	v5 =	vld [tilespmem:$0x1FFF0];
	[tilespmem:v6+s11+$0x0] =	vst.idx.msk $0xffff, v8  }
0x35c: {  	[tilespmem:v3+s11+$0x0] =	vst.idx.msk $0xffff, v10;
	v3 =	vld [tilespmem:$0x1FFA0]  }
0x35d: {  	v2 =	vor.u32 v2, v1  }
0x35e: {  	v7 =	vor.u32 v7, v1  }
0x35f: {  	v4 =	vor.u32 v4, v1  }
0x360: {  	v59 =	vld [tilespmem:$0x1FF90];
	v5 =	vor.u32 v5, v1  }
0x361: {  	v24 =	vmov v54;
	v54 =	vld [tilespmem:$0x1F7F0];
	v1 =	vor.u32 v3, v1  }
0x362: {  	v61 =	vld [tilespmem:$0x1F810];
	[tilespmem:v2+s11+$0x0] =	vst.idx.msk $0xffff, v13  }
0x363: {  	v46 =	vmov v21;
	v21 =	vld [tilespmem:$0x1F860];
	[tilespmem:v7+s11+$0x0] =	vst.idx.msk $0xffff, v15  }
0x364: {  	s0 =	sadd.s32 $0x10, s30;
	v22 =	vld [tilespmem:$0x1F880];
	[tilespmem:v4+s11+$0x0] =	vst.idx.msk $0xffff, v11  }
0x365: {  	s2 =	sand.u32 $0x70, s0;
	v25 =	vld [tilespmem:$0x1F8A0];
	[tilespmem:v5+s11+$0x0] =	vst.idx.msk $0xffff, v12  }
0x366: {  	s2 =	sadd.s32 s2, s31;
	v19 =	vld [tilespmem:$0x1F890];
	[tilespmem:v1+s11+$0x0] =	vst.idx.msk $0xffff, v0  }
0x367: {  	v0 =	vld [tilespmem:s2+$0x0]  }
0x368: {  	v42 =	vld [tilespmem:$0x1F8B0]  }
0x369: {  	v6 =	vld [tilespmem:$0x1F7C0]  }
0x36a: {  	v8 =	vld [tilespmem:$0x1F7E0]  }
0x36b: {  	v3 =	vld [tilespmem:$0x1F790]  }
0x36c: {  	v4 =	vld [tilespmem:$0x1F7A0];
	v1 =	vor.u32 s0, v51;
	v0 =	vshll.u32 v0, $0x6  }
0x36d: {  	v5 =	vld [tilespmem:$0x1F7B0];
	v2 =	vshll.u32 v1, $0x7;
	v0 =	vand.u32 $0x40, v0  }
0x36e: {  	v13 =	vld [tilespmem:$0x1F830];
	v0 =	vor.u32 v2, v0  }
0x36f: {  	v7 =	vld [tilespmem:$0x1F7D0];
	v2 =	vor.u32 v51, v0  }
0x370: {  	v15 =	vld [tilespmem:$0x1F840];
	v3 =	vor.u32 v3, v0  }
0x371: {  	v12 =	vld [tilespmem:$0x1F820];
	v4 =	vor.u32 v4, v0  }
0x372: {  	v51 =	vmov v59;
	v5 =	vor.u32 v5, v0;
	v59 =	vld [tilespmem:$0x1F800]  }
0x373: {  	v6 =	vor.u32 v6, v0;
	v9 =	vor.u32 v54, v0;
	v54 =	vld [tilespmem:$0x1F8C0]  }
0x374: {  	v7 =	vor.u32 v7, v0;
	v2 =	vld.idx.msk [tilespmem:v2+s15+$0x0], $0xffff  }
0x375: {  	v8 =	vor.u32 v8, v0;
	v3 =	vld.idx.msk [tilespmem:v3+s15+$0x0], $0xffff  }
0x376: {  	v4 =	vld.idx.msk [tilespmem:v4+s15+$0x0], $0xffff  }
0x377: {  	v11 =	vor.u32 v61, v0;
	v5 =	vld.idx.msk [tilespmem:v5+s15+$0x0], $0xffff  }
0x378: {  	v12 =	vor.u32 v12, v0;
	v6 =	vld.idx.msk [tilespmem:v6+s15+$0x0], $0xffff  }
0x379: {  	v13 =	vor.u32 v13, v0;
	v7 =	vld.idx.msk [tilespmem:v7+s15+$0x0], $0xffff  }
0x37a: {  	v15 =	vor.u32 v15, v0;
	v8 =	vld.idx.msk [tilespmem:v8+s15+$0x0], $0xffff  }
0x37b: {  	v14 =	vmov s0;
	v16 =	vor.u32 v58, v0;
	v9 =	vld.idx.msk [tilespmem:v9+s15+$0x0], $0xffff  }
0x37c: {  	v14 =	vshll.u32 v14, $0x3;
	v17 =	vor.u32 v21, v0;
	v11 =	vld.idx.msk [tilespmem:v11+s15+$0x0], $0xffff  }
0x37d: {  	v14 =	vand.u32 $0x400, v14;
	v1 =	vand.u32 $0x7F, v1;
	v18 =	vor.u32 v60, v0;
	v12 =	vld.idx.msk [tilespmem:v12+s15+$0x0], $0xffff  }
0x37e: {  	v1 =	vor.u32 v14, v1;
	v10 =	vor.u32 v59, v0;
	v13 =	vld.idx.msk [tilespmem:v13+s15+$0x0], $0xffff  }
0x37f: {  	v14 =	vor.u32 v22, v1;
	v15 =	vld.idx.msk [tilespmem:v15+s15+$0x0], $0xffff  }
0x380: {  	v19 =	vor.u32 v19, v1;
	v16 =	vld.idx.msk [tilespmem:v16+s15+$0x0], $0xffff  }
0x381: {  	v20 =	vor.u32 v25, v1;
	v17 =	vld.idx.msk [tilespmem:v17+s15+$0x0], $0xffff  }
0x382: {  	v21 =	vor.u32 v42, v1;
	v18 =	vld.idx.msk [tilespmem:v18+s15+$0x0], $0xffff  }
0x383: {  	v60 =	vor.u32 v54, v1;
	v10 =	vld.idx.msk [tilespmem:v10+s15+$0x0], $0xffff  }
0x384: {  	[tilespmem:v14+s11+$0x0] =	vst.idx.msk $0xffff, v2;
	v2 =	vld [tilespmem:$0x1F8D0]  }
0x385: {  	v61 =	vld [tilespmem:$0x1F8E0];
	[tilespmem:v19+s11+$0x0] =	vst.idx.msk $0xffff, v3  }
0x386: {  	[tilespmem:v20+s11+$0x0] =	vst.idx.msk $0xffff, v4;
	v4 =	vld [tilespmem:$0x1F8F0]  }
0x387: {  	v25 =	vld [tilespmem:$0x1F900];
	[tilespmem:v21+s11+$0x0] =	vst.idx.msk $0xffff, v5  }
0x388: {  	[tilespmem:v60+s11+$0x0] =	vst.idx.msk $0xffff, v6;
	v6 =	vld [tilespmem:$0x1F910]  }
0x389: {  	v27 =	vld [tilespmem:$0x1F920];
	v2 =	vor.u32 v2, v1  }
0x38a: {  	v3 =	vor.u32 v61, v1  }
0x38b: {  	v4 =	vor.u32 v4, v1  }
0x38c: {  	v5 =	vor.u32 v25, v1  }
0x38d: {  	[tilespmem:$0x1F5D0] =	vst v30;
	v6 =	vor.u32 v6, v1  }
0x38e: {  	[tilespmem:v2+s11+$0x0] =	vst.idx.msk $0xffff, v7;
	v2 =	vor.u32 v27, v1  }
0x38f: {  	[tilespmem:v3+s11+$0x0] =	vst.idx.msk $0xffff, v8;
	v3 =	vld [tilespmem:$0x1F930]  }
0x390: {  	v26 =	vld [tilespmem:$0x1F940];
	[tilespmem:v4+s11+$0x0] =	vst.idx.msk $0xffff, v9  }
0x391: {  	[tilespmem:v5+s11+$0x0] =	vst.idx.msk $0xffff, v10;
	v5 =	vld [tilespmem:$0x1F950]  }
0x392: {  	v30 =	vld [tilespmem:$0x1F960];
	[tilespmem:v6+s11+$0x0] =	vst.idx.msk $0xffff, v11  }
0x393: {  	[tilespmem:v2+s11+$0x0] =	vst.idx.msk $0xffff, v12;
	v2 =	vld [tilespmem:$0x1F970]  }
0x394: {  	v3 =	vor.u32 v3, v1  }
0x395: {  	v58 =	vld [tilespmem:$0x1FA20];
	v4 =	vor.u32 v26, v1  }
0x396: {  	v54 =	vld [tilespmem:$0x1FA10];
	v5 =	vor.u32 v5, v1  }
0x397: {  	[tilespmem:$0x1F590] =	vst v55;
	v14 =	vld [tilespmem:$0x1F5A0];
	v6 =	vor.u32 v30, v1  }
0x398: {  	[tilespmem:$0x1F580] =	vst v32;
	v19 =	vld [tilespmem:$0x1F9F0];
	v2 =	vor.u32 v2, v1  }
0x399: {  	v60 =	vld [tilespmem:$0x1FA40];
	v7 =	vor.u32 v32, v0;
	[tilespmem:v3+s11+$0x0] =	vst.idx.msk $0xffff, v13;
	v3 =	vor.u32 v51, v0  }
0x39a: {  	v32 =	vmov v33;
	v27 =	vor.u32 v33, v0;
	v33 =	vor.u32 v23, v0;
	v51 =	vld [tilespmem:$0x1FA00];
	[tilespmem:v4+s11+$0x0] =	vst.idx.msk $0xffff, v15  }
0x39b: {  	v8 =	vor.u32 v47, v0;
	v12 =	vor.u32 v55, v0;
	v4 =	vld [tilespmem:$0x1FF20];
	[tilespmem:v5+s11+$0x0] =	vst.idx.msk $0xffff, v16  }
0x39c: {  	v55 =	vmov v46;
	v15 =	vor.u32 v46, v0;
	v46 =	vmov v45;
	v5 =	vld [tilespmem:$0x1FF50];
	[tilespmem:v6+s11+$0x0] =	vst.idx.msk $0xffff, v17  }
0x39d: {  	v16 =	vor.u32 v45, v0;
	v45 =	vmov v29;
	v17 =	vor.u32 v29, v0;
	v29 =	vld [tilespmem:$0x1F9E0];
	[tilespmem:v2+s11+$0x0] =	vst.idx.msk $0xffff, v18  }
0x39e: {  	v42 =	vor.u32 v24, v0;
	v3 =	vld.idx.msk [tilespmem:v3+s15+$0x0], $0xffff  }
0x39f: {  	v7 =	vld.idx.msk [tilespmem:v7+s15+$0x0], $0xffff  }
0x3a0: {  	v13 =	vor.u32 v44, v0;
	v8 =	vld.idx.msk [tilespmem:v8+s15+$0x0], $0xffff  }
0x3a1: {  	v14 =	vor.u32 v14, v0;
	v9 =	vld.idx.msk [tilespmem:v27+s15+$0x0], $0xffff  }
0x3a2: {  	v10 =	vld.idx.msk [tilespmem:v33+s15+$0x0], $0xffff  }
0x3a3: {  	v11 =	vld.idx.msk [tilespmem:v42+s15+$0x0], $0xffff  }
0x3a4: {  	v12 =	vld.idx.msk [tilespmem:v12+s15+$0x0], $0xffff;
	v4 =	vor.u32 v4, v0  }
0x3a5: {  	v13 =	vld.idx.msk [tilespmem:v13+s15+$0x0], $0xffff;
	v5 =	vor.u32 v5, v0  }
0x3a6: {  	v6 =	vor.u32 v53, v0;
	v14 =	vld.idx.msk [tilespmem:v14+s15+$0x0], $0xffff  }
0x3a7: {  	v2 =	vor.u32 v31, v0;
	v15 =	vld.idx.msk [tilespmem:v15+s15+$0x0], $0xffff  }
0x3a8: {  	v16 =	vld.idx.msk [tilespmem:v16+s15+$0x0], $0xffff;
	v18 =	vor.u32 v29, v1  }
0x3a9: {  	v19 =	vor.u32 v19, v1;
	v4 =	vld.idx.msk [tilespmem:v4+s15+$0x0], $0xffff  }
0x3aa: {  	v20 =	vor.u32 v51, v1;
	v5 =	vld.idx.msk [tilespmem:v5+s15+$0x0], $0xffff  }
0x3ab: {  	v21 =	vor.u32 v54, v1;
	v6 =	vld.idx.msk [tilespmem:v6+s15+$0x0], $0xffff  }
0x3ac: {  	[tilespmem:$0x1F560] =	vst v53;
	v59 =	vor.u32 v58, v1;
	v2 =	vld.idx.msk [tilespmem:v2+s15+$0x0], $0xffff  }
0x3ad: {  	v17 =	vld.idx.msk [tilespmem:v17+s15+$0x0], $0xffff;
	[tilespmem:v18+s11+$0x0] =	vst.idx.msk $0xffff, v3;
	v3 =	vor.u32 v48, v1  }
0x3ae: {  	v61 =	vld [tilespmem:$0x1FA60];
	[tilespmem:v19+s11+$0x0] =	vst.idx.msk $0xffff, v4;
	v4 =	vor.u32 v60, v1  }
0x3af: {  	[tilespmem:v20+s11+$0x0] =	vst.idx.msk $0xffff, v5;
	v5 =	vld [tilespmem:$0x1FA50]  }
0x3b0: {  	v54 =	vld [tilespmem:$0x1FB00];
	[tilespmem:v21+s11+$0x0] =	vst.idx.msk $0xffff, v6  }
0x3b1: {  	[tilespmem:v59+s11+$0x0] =	vst.idx.msk $0xffff, v2;
	v2 =	vld [tilespmem:$0x1FA70]  }
0x3b2: {  	v53 =	vmov v47;
	v47 =	vmov v23;
	v23 =	vld [tilespmem:$0x1FA80];
	[tilespmem:v3+s11+$0x0] =	vst.idx.msk $0xffff, v7  }
0x3b3: {  	[tilespmem:v4+s11+$0x0] =	vst.idx.msk $0xffff, v8;
	v4 =	vld [tilespmem:$0x1FA90]  }
0x3b4: {  	v27 =	vld [tilespmem:$0x1FAA0];
	v5 =	vor.u32 v5, v1  }
0x3b5: {  	v33 =	vld [tilespmem:$0x1FAC0];
	v6 =	vor.u32 v61, v1  }
0x3b6: {  	v42 =	vld [tilespmem:$0x1FAE0];
	v2 =	vor.u32 v2, v1  }
0x3b7: {  	v19 =	vld [tilespmem:$0x1FAF0];
	v3 =	vor.u32 v23, v1  }
0x3b8: {  	v60 =	vld [tilespmem:$0x1FB20];
	v4 =	vor.u32 v4, v1  }
0x3b9: {  	v59 =	vld [tilespmem:$0x1FB10];
	[tilespmem:v5+s11+$0x0] =	vst.idx.msk $0xffff, v9;
	v5 =	vor.u32 v27, v1  }
0x3ba: {  	v7 =	vld [tilespmem:$0x1F600];
	[tilespmem:v6+s11+$0x0] =	vst.idx.msk $0xffff, v10  }
0x3bb: {  	v8 =	vld [tilespmem:$0x1F610];
	v6 =	vor.u32 v49, v1;
	[tilespmem:v2+s11+$0x0] =	vst.idx.msk $0xffff, v11  }
0x3bc: {  	v49 =	vld [tilespmem:$0x1F620];
	[tilespmem:v3+s11+$0x0] =	vst.idx.msk $0xffff, v12  }
0x3bd: {  	v2 =	vor.u32 v33, v1;
	[tilespmem:v4+s11+$0x0] =	vst.idx.msk $0xffff, v13;
	v13 =	vld [tilespmem:$0x1F660]  }
0x3be: {  	[tilespmem:v5+s11+$0x0] =	vst.idx.msk $0xffff, v14;
	v5 =	vld [tilespmem:$0x1F5C0]  }
0x3bf: {  	v3 =	vor.u32 v50, v1;
	v14 =	vld [tilespmem:$0x1F670]  }
0x3c0: {  	v4 =	vor.u32 v28, v0;
	[tilespmem:v6+s11+$0x0] =	vst.idx.msk $0xffff, v15;
	v6 =	vld [tilespmem:$0x1F5D0]  }
0x3c1: {  	[tilespmem:$0x1F640] =	vst v52;
	v7 =	vor.u32 v7, v0;
	v15 =	vld [tilespmem:$0x1F680]  }
0x3c2: {  	v8 =	vor.u32 v8, v0;
	[tilespmem:v2+s11+$0x0] =	vst.idx.msk $0xffff, v16;
	v2 =	vld [tilespmem:$0x1F5E0]  }
0x3c3: {  	[tilespmem:$0x1F690] =	vst v63;
	v51 =	vor.u32 v56, v0;
	v16 =	vor.u32 v63, v0;
	v63 =	vld [tilespmem:$0x1F6A0]  }
0x3c4: {  	v52 =	vor.u32 v52, v0;
	[tilespmem:v3+s11+$0x0] =	vst.idx.msk $0xffff, v17;
	v3 =	vld [tilespmem:$0x1F5F0]  }
0x3c5: {  	v12 =	vor.u32 v57, v0;
	v4 =	vld.idx.msk [tilespmem:v4+s15+$0x0], $0xffff  }
0x3c6: {  	v9 =	vor.u32 v49, v0;
	v7 =	vld.idx.msk [tilespmem:v7+s15+$0x0], $0xffff  }
0x3c7: {  	v8 =	vld.idx.msk [tilespmem:v8+s15+$0x0], $0xffff  }
0x3c8: {  	v13 =	vor.u32 v13, v0;
	v10 =	vld.idx.msk [tilespmem:v51+s15+$0x0], $0xffff  }
0x3c9: {  	v11 =	vld.idx.msk [tilespmem:v52+s15+$0x0], $0xffff;
	v5 =	vor.u32 v5, v0  }
0x3ca: {  	v12 =	vld.idx.msk [tilespmem:v12+s15+$0x0], $0xffff;
	v14 =	vor.u32 v14, v0  }
0x3cb: {  	v6 =	vor.u32 v6, v0;
	v9 =	vld.idx.msk [tilespmem:v9+s15+$0x0], $0xffff  }
0x3cc: {  	v15 =	vor.u32 v15, v0;
	v16 =	vld.idx.msk [tilespmem:v16+s15+$0x0], $0xffff  }
0x3cd: {  	v2 =	vor.u32 v2, v0;
	v13 =	vld.idx.msk [tilespmem:v13+s15+$0x0], $0xffff  }
0x3ce: {  	v17 =	vor.u32 v63, v0;
	v5 =	vld.idx.msk [tilespmem:v5+s15+$0x0], $0xffff  }
0x3cf: {  	v3 =	vor.u32 v3, v0;
	v14 =	vld.idx.msk [tilespmem:v14+s15+$0x0], $0xffff  }
0x3d0: {  	v18 =	vor.u32 v42, v1;
	v6 =	vld.idx.msk [tilespmem:v6+s15+$0x0], $0xffff  }
0x3d1: {  	v15 =	vld.idx.msk [tilespmem:v15+s15+$0x0], $0xffff  }
0x3d2: {  	v2 =	vld.idx.msk [tilespmem:v2+s15+$0x0], $0xffff  }
0x3d3: {  	v17 =	vld.idx.msk [tilespmem:v17+s15+$0x0], $0xffff  }
0x3d4: {  	v3 =	vld.idx.msk [tilespmem:v3+s15+$0x0], $0xffff  }
0x3d5: {  	[tilespmem:v18+s11+$0x0] =	vst.idx.msk $0xffff, v4;
	v4 =	vld [tilespmem:$0x1FB30]  }
0x3d6: {  	v19 =	vor.u32 v19, v1  }
0x3d7: {  	v20 =	vor.u32 v54, v1  }
0x3d8: {  	v21 =	vor.u32 v59, v1  }
0x3d9: {  	v61 =	vor.u32 v60, v1  }
0x3da: {  	[tilespmem:$0x1F570] =	vst v31;
	v58 =	vld [tilespmem:$0x1FC30];
	v4 =	vor.u32 v4, v1  }
0x3db: {  	v31 =	vmov v24;
	v24 =	vld [tilespmem:$0x1FB40];
	[tilespmem:v19+s11+$0x0] =	vst.idx.msk $0xffff, v5  }
0x3dc: {  	[tilespmem:v20+s11+$0x0] =	vst.idx.msk $0xffff, v6;
	v6 =	vld [tilespmem:$0x1FB50]  }
0x3dd: {  	v30 =	vld [tilespmem:$0x1FB60];
	[tilespmem:v21+s11+$0x0] =	vst.idx.msk $0xffff, v2  }
0x3de: {  	v25 =	vld [tilespmem:$0x1FB70];
	[tilespmem:v61+s11+$0x0] =	vst.idx.msk $0xffff, v3  }
0x3df: {  	[tilespmem:v4+s11+$0x0] =	vst.idx.msk $0xffff, v7;
	v4 =	vld [tilespmem:$0x1FB80]  }
0x3e0: {  	v26 =	vld [tilespmem:$0x1FB90];
	v5 =	vor.u32 v24, v1  }
0x3e1: {  	[tilespmem:$0x1F630] =	vst v56;
	v56 =	vld [tilespmem:$0x1FC10];
	v6 =	vor.u32 v6, v1  }
0x3e2: {  	v27 =	vld [tilespmem:$0x1FBB0];
	v2 =	vor.u32 v30, v1  }
0x3e3: {  	[tilespmem:$0x1F5B0] =	vst v28;
	v42 =	vld [tilespmem:$0x1FBD0];
	v3 =	vor.u32 v25, v1  }
0x3e4: {  	[tilespmem:$0x1F650] =	vst v57;
	v48 =	vld [tilespmem:$0x1F6C0];
	v4 =	vor.u32 v4, v1  }
0x3e5: {  	v54 =	vld [tilespmem:$0x1FBF0];
	[tilespmem:v5+s11+$0x0] =	vst.idx.msk $0xffff, v8;
	v5 =	vor.u32 v26, v1  }
0x3e6: {  	v57 =	vld [tilespmem:$0x1FC20];
	[tilespmem:v6+s11+$0x0] =	vst.idx.msk $0xffff, v9;
	v6 =	vor.u32 v35, v1  }
0x3e7: {  	v7 =	vld [tilespmem:$0x1F700];
	[tilespmem:v2+s11+$0x0] =	vst.idx.msk $0xffff, v10;
	v2 =	vor.u32 v27, v1  }
0x3e8: {  	v28 =	vld [tilespmem:$0x1F780];
	[tilespmem:v3+s11+$0x0] =	vst.idx.msk $0xffff, v11;
	v3 =	vor.u32 v34, v1  }
0x3e9: {  	v49 =	vld [tilespmem:$0x1F720];
	[tilespmem:v4+s11+$0x0] =	vst.idx.msk $0xffff, v12;
	v4 =	vor.u32 v42, v1  }
0x3ea: {  	v51 =	vld [tilespmem:$0x1F730];
	[tilespmem:v5+s11+$0x0] =	vst.idx.msk $0xffff, v13  }
0x3eb: {  	v19 =	vld [tilespmem:$0x1FC00];
	v5 =	vor.u32 v62, v0;
	[tilespmem:v6+s11+$0x0] =	vst.idx.msk $0xffff, v14  }
0x3ec: {  	v7 =	vor.u32 v7, v0;
	[tilespmem:v2+s11+$0x0] =	vst.idx.msk $0xffff, v15;
	v2 =	vld [tilespmem:$0x1F6D0]  }
0x3ed: {  	v8 =	vor.u32 v38, v0;
	[tilespmem:v3+s11+$0x0] =	vst.idx.msk $0xffff, v16;
	v3 =	vld [tilespmem:$0x1F6E0]  }
0x3ee: {  	v50 =	vor.u32 v49, v0;
	[tilespmem:v4+s11+$0x0] =	vst.idx.msk $0xffff, v17;
	v4 =	vld [tilespmem:$0x1F6F0]  }
0x3ef: {  	v10 =	vor.u32 v51, v0;
	v17 =	vld [tilespmem:$0x1FBE0]  }
0x3f0: {  	v52 =	vor.u32 v40, v0;
	v5 =	vld.idx.msk [tilespmem:v5+s15+$0x0], $0xffff  }
0x3f1: {  	v12 =	vor.u32 v39, v0;
	v7 =	vld.idx.msk [tilespmem:v7+s15+$0x0], $0xffff  }
0x3f2: {  	v13 =	vor.u32 v43, v0;
	v8 =	vld.idx.msk [tilespmem:v8+s15+$0x0], $0xffff  }
0x3f3: {  	v6 =	vor.u32 v48, v0;
	v9 =	vld.idx.msk [tilespmem:v50+s15+$0x0], $0xffff  }
0x3f4: {  	v14 =	vor.u32 v41, v0;
	v10 =	vld.idx.msk [tilespmem:v10+s15+$0x0], $0xffff  }
0x3f5: {  	v15 =	vor.u32 v37, v0;
	v11 =	vld.idx.msk [tilespmem:v52+s15+$0x0], $0xffff  }
0x3f6: {  	v16 =	vor.u32 v36, v0;
	v12 =	vld.idx.msk [tilespmem:v12+s15+$0x0], $0xffff  }
0x3f7: {  	v13 =	vld.idx.msk [tilespmem:v13+s15+$0x0], $0xffff;
	v2 =	vor.u32 v2, v0  }
0x3f8: {  	v6 =	vld.idx.msk [tilespmem:v6+s15+$0x0], $0xffff;
	v3 =	vor.u32 v3, v0  }
0x3f9: {  	v14 =	vld.idx.msk [tilespmem:v14+s15+$0x0], $0xffff;
	v4 =	vor.u32 v4, v0  }
0x3fa: {  	v15 =	vld.idx.msk [tilespmem:v15+s15+$0x0], $0xffff;
	v0 =	vor.u32 v28, v0;
	v17 =	vor.u32 v17, v1  }
0x3fb: {  	v18 =	vor.u32 v54, v1;
	v16 =	vld.idx.msk [tilespmem:v16+s15+$0x0], $0xffff  }
0x3fc: {  	v2 =	vld.idx.msk [tilespmem:v2+s15+$0x0], $0xffff  }
0x3fd: {  	v3 =	vld.idx.msk [tilespmem:v3+s15+$0x0], $0xffff  }
0x3fe: {  	v19 =	vor.u32 v19, v1;
	v4 =	vld.idx.msk [tilespmem:v4+s15+$0x0], $0xffff  }
0x3ff: {  	v20 =	vor.u32 v56, v1;
	v0 =	vld.idx.msk [tilespmem:v0+s15+$0x0], $0xffff;
	[tilespmem:v17+s11+$0x0] =	vst.idx.msk $0xffff, v5  }
0x400: {  	v21 =	vor.u32 v57, v1;
	[tilespmem:v18+s11+$0x0] =	vst.idx.msk $0xffff, v6;
	v6 =	vld [tilespmem:$0x1FC40]  }
0x401: {  	v5 =	vor.u32 v58, v1;
	_ =	sdelay $0x1  }
0x402: {  	[tilespmem:v19+s11+$0x0] =	vst.idx.msk $0xffff, v2;
	v19 =	vld [tilespmem:$0x1FC50]  }
0x403: {  	[tilespmem:v20+s11+$0x0] =	vst.idx.msk $0xffff, v3;
	v20 =	vld [tilespmem:$0x1FC60]  }
0x404: {  	v59 =	vld [tilespmem:$0x1FC70];
	[tilespmem:v21+s11+$0x0] =	vst.idx.msk $0xffff, v4;
	v6 =	vor.u32 v6, v1  }
0x405: {  	[tilespmem:v5+s11+$0x0] =	vst.idx.msk $0xffff, v7;
	v7 =	vld [tilespmem:$0x1FFB0];
	_ =	sdelay $0x1  }
0x406: {  	v2 =	vor.u32 v19, v1  }
0x407: {  	v3 =	vor.u32 v20, v1  }
0x408: {  	v4 =	vor.u32 v59, v1;
	[tilespmem:v6+s11+$0x0] =	vst.idx.msk $0xffff, v8;
	v8 =	vld [tilespmem:$0x1FFC0]  }
0x409: {  	[tilespmem:$0x1F6B0] =	vst v62;
	v5 =	vor.u32 v7, v1  }
0x40a: {  	[tilespmem:$0x1F740] =	vst v40;
	v60 =	vld [tilespmem:$0x1FFD0]  }
0x40b: {  	v61 =	vld [tilespmem:$0x1FFE0];
	[tilespmem:v2+s11+$0x0] =	vst.idx.msk $0xffff, v9  }
0x40c: {  	v40 =	vld [tilespmem:$0x1FF20];
	[tilespmem:v3+s11+$0x0] =	vst.idx.msk $0xffff, v10  }
0x40d: {  	v62 =	vld [tilespmem:$0x1FFF0];
	[tilespmem:v4+s11+$0x0] =	vst.idx.msk $0xffff, v11;
	v6 =	vor.u32 v8, v1  }
0x40e: {  	[tilespmem:v5+s11+$0x0] =	vst.idx.msk $0xffff, v12;
	v5 =	vld [tilespmem:$0x1FFA0]  }
0x40f: {  	v17 =	vld [tilespmem:$0x1F810];
	v2 =	vor.u32 v60, v1  }
0x410: {  	[tilespmem:$0x1F750] =	vst v39;
	v18 =	vld [tilespmem:$0x1F820];
	v3 =	vor.u32 v61, v1  }
0x411: {  	[tilespmem:$0x1F770] =	vst v36;
	v12 =	vld [tilespmem:$0x1F7C0]  }
0x412: {  	v4 =	vor.u32 v62, v1;
	[tilespmem:v6+s11+$0x0] =	vst.idx.msk $0xffff, v13;
	v13 =	vld [tilespmem:$0x1F7D0]  }
0x413: {  	p0 =	sne.s32 s30, $0xE0;
	[tilespmem:$0x1F710] =	vst v38;
	v1 =	vor.u32 v5, v1;
	v6 =	vld [tilespmem:$0x1F7B0]  }
.Ltmp0:
0x414: {  	[tilespmem:v2+s11+$0x0] =	vst.idx.msk $0xffff, v14;
	v14 =	vld [tilespmem:$0x1F7E0];
	(pc) =	sbr.rel @p0 .LBB2_3-.Ltmp0, $4  }
0x415: {  	[tilespmem:v3+s11+$0x0] =	vst.idx.msk $0xffff, v15;
	v15 =	vld [tilespmem:$0x1F7F0]  }
0x416: {  	[tilespmem:$0x1F760] =	vst v37;
	v3 =	vld [tilespmem:$0x1F790]  }
0x417: {  	[tilespmem:v4+s11+$0x0] =	vst.idx.msk $0xffff, v16;
	v16 =	vld [tilespmem:$0x1F800]  }
0x418: {  	s30 =	sadd.s32 $0x20, s30;
	v2 =	vlaneseq.u32;
	v4 =	vld [tilespmem:$0x1F7A0];
	[tilespmem:v1+s11+$0x0] =	vst.idx.msk $0xffff, v0  }
0x419: {  	s28 =	sshll.u32 s25, $0x11  }
0x41a: {  	s31 =	smin.u32 s29, $0x31;
	s0 =	sadd.s32 s28, s23  }
0x41b: {  	[hbm4b:s0+s10] =	stream.strided.scatter [tilespmem:s11], [sflag:$0x3], $0x4000, s20, s10, $0x38;
	[tilespmem:$0x1B600] =	vst v63  }
0x41c: {  	s0 =	sshll.u32 s31, $0x8  }
0x41d: {  	v0 =	vld [tilespmem:s0+$0x200];
	_ =	sdelay $0x4  }
0x41e: {  	v0 =	vshra.s32 v0, $0x1  }
0x41f: {  	[tilespmem:$0x3400] =	vst v0  }
0x420: {  	v0 =	vld [tilespmem:s0+$0x210];
	_ =	sdelay $0x4  }
0x421: {  	v0 =	vshra.s32 v0, $0x1  }
0x422: {  	[tilespmem:$0x3410] =	vst v0  }
0x423: {  	v0 =	vld [tilespmem:s0+$0x220];
	_ =	sdelay $0x4  }
0x424: {  	v0 =	vshra.s32 v0, $0x1  }
0x425: {  	[tilespmem:$0x3420] =	vst v0  }
0x426: {  	v0 =	vld [tilespmem:s0+$0x230];
	_ =	sdelay $0x4  }
0x427: {  	v0 =	vshra.s32 v0, $0x1  }
0x428: {  	[tilespmem:$0x3430] =	vst v0  }
0x429: {  	v0 =	vld [tilespmem:s0+$0x240];
	_ =	sdelay $0x4  }
0x42a: {  	v0 =	vshra.s32 v0, $0x1  }
0x42b: {  	[tilespmem:$0x3440] =	vst v0  }
0x42c: {  	v0 =	vld [tilespmem:s0+$0x250];
	_ =	sdelay $0x4  }
0x42d: {  	v0 =	vshra.s32 v0, $0x1  }
0x42e: {  	[tilespmem:$0x3450] =	vst v0  }
0x42f: {  	v0 =	vld [tilespmem:s0+$0x260];
	_ =	sdelay $0x4  }
0x430: {  	v0 =	vshra.s32 v0, $0x1  }
0x431: {  	[tilespmem:$0x3460] =	vst v0  }
0x432: {  	v0 =	vld [tilespmem:s0+$0x270];
	_ =	sdelay $0x4  }
0x433: {  	v0 =	vshra.s32 v0, $0x1  }
0x434: {  	[tilespmem:$0x3470] =	vst v0  }
0x435: {  	v0 =	vld [tilespmem:s0+$0x280];
	_ =	sdelay $0x4  }
0x436: {  	v0 =	vshra.s32 v0, $0x1  }
0x437: {  	[tilespmem:$0x3480] =	vst v0  }
0x438: {  	v0 =	vld [tilespmem:s0+$0x290];
	_ =	sdelay $0x4  }
0x439: {  	v0 =	vshra.s32 v0, $0x1  }
0x43a: {  	[tilespmem:$0x3490] =	vst v0  }
0x43b: {  	v0 =	vld [tilespmem:s0+$0x2A0];
	_ =	sdelay $0x4  }
0x43c: {  	v0 =	vshra.s32 v0, $0x1  }
0x43d: {  	[tilespmem:$0x34A0] =	vst v0  }
0x43e: {  	v0 =	vld [tilespmem:s0+$0x2B0];
	_ =	sdelay $0x4  }
0x43f: {  	v0 =	vshra.s32 v0, $0x1  }
0x440: {  	[tilespmem:$0x34B0] =	vst v0  }
0x441: {  	v0 =	vld [tilespmem:s0+$0x2C0];
	_ =	sdelay $0x4  }
0x442: {  	v0 =	vshra.s32 v0, $0x1  }
0x443: {  	[tilespmem:$0x34C0] =	vst v0  }
0x444: {  	v0 =	vld [tilespmem:s0+$0x2D0];
	_ =	sdelay $0x4  }
0x445: {  	v0 =	vshra.s32 v0, $0x1  }
0x446: {  	[tilespmem:$0x34D0] =	vst v0  }
0x447: {  	v0 =	vld [tilespmem:s0+$0x2E0];
	_ =	sdelay $0x4  }
0x448: {  	v0 =	vshra.s32 v0, $0x1  }
0x449: {  	[tilespmem:$0x34E0] =	vst v0  }
0x44a: {  	v0 =	vld [tilespmem:s0+$0x2F0];
	_ =	sdelay $0x4  }
0x44b: {  	v0 =	vshra.s32 v0, $0x1  }
0x44c: {  	[tilespmem:$0x34F0] =	vst v0  }
0x44d: {  	[tilespmem:s15], [sflag:$0x1] =	stream.indirect.gather [hbm4b:s3+s13], $0x80, s14, s13, $0xb8;
	[tilespmem:$0x1B600] =	vst v63  }
0x44e: {  	_ =	swait.ge [sflag:s21], $0x4000  }
0x44f: {  	[sflag:s21] =	ssyncset.done $0x0  }
0x450: {  	[sflag:s21] =	ssyncadd.s32 $0xFFFFC000  }
0x451: {  	v61 =	vmov v44;
	_ =	swait.ge [sflag:s22], $0x8000  }
0x452: {  	[tilespmem:$0x1F4E0] =	vst v61  }
0x453: {  	[tilespmem:$0x1F4F0] =	vst v31  }
0x454: {  	[tilespmem:$0x1F500] =	vst v45  }
0x455: {  	[tilespmem:$0x1F510] =	vst v55  }
0x456: {  	[tilespmem:$0x1F520] =	vst v47  }
0x457: {  	[tilespmem:$0x1F530] =	vst v32  }
0x458: {  	[sflag:s22] =	ssyncset.done $0x0;
	[tilespmem:$0x1F540] =	vst v53  }
0x459: {  	s29 =	simm.s32 $0x0;
	[tilespmem:$0x1F550] =	vst v43;
	[sflag:s22] =	ssyncadd.s32 $0xFFFF8000  }
.LBB2_5:
0x45a: {  	v3 =	vld [tilespmem:$0x1F790]  }
0x45b: {  	v4 =	vld [tilespmem:$0x1F7A0]  }
0x45c: {  	v55 =	vld [tilespmem:$0x1F830]  }
0x45d: {  	v58 =	vld [tilespmem:$0x1F850]  }
0x45e: {  	v59 =	vld [tilespmem:$0x1F870]  }
0x45f: {  	v60 =	vld [tilespmem:$0x1F890]  }
0x460: {  	v20 =	vld [tilespmem:$0x1F8A0]  }
0x461: {  	s0 =	sand.u32 $0x80, s29;
	v47 =	vld [tilespmem:$0x1F8B0]  }
0x462: {  	s2 =	sand.u32 $0x60, s29;
	v22 =	vld [tilespmem:$0x1F8C0];
	s30 =	sadd.s32 s0, s26  }
0x463: {  	v53 =	vld [tilespmem:$0x1F8D0];
	s0 =	sadd.s32 s2, s30  }
0x464: {  	v0 =	vld [tilespmem:s0+$0x0]  }
0x465: {  	v54 =	vld [tilespmem:$0x1F8F0]  }
0x466: {  	v61 =	vld [tilespmem:$0x1F910]  }
0x467: {  	v62 =	vld [tilespmem:$0x1F930]  }
0x468: {  	v44 =	vmov v63;
	v63 =	vld [tilespmem:$0x1F950]  }
0x469: {  	v1 =	vor.u32 s29, v2;
	v29 =	vld [tilespmem:$0x1F970];
	v0 =	vshll.u32 v0, $0x6  }
0x46a: {  	v32 =	vld [tilespmem:$0x1F560];
	v2 =	vshll.u32 v1, $0x7;
	v0 =	vand.u32 $0x40, v0  }
0x46b: {  	v31 =	vld [tilespmem:$0x1FF50];
	v0 =	vor.u32 v2, v0;
	v2 =	vlaneseq.u32  }
0x46c: {  	v30 =	vld [tilespmem:$0x1F530];
	v1 =	vand.u32 $0x6F, v1;
	v2 =	vor.u32 v2, v0  }
0x46d: {  	v33 =	vld [tilespmem:$0x1F520];
	v3 =	vor.u32 v3, v0;
	v8 =	vor.u32 v14, v0;
	v14 =	vmov s29  }
0x46e: {  	v4 =	vor.u32 v4, v0;
	v9 =	vor.u32 v15, v0;
	v15 =	vld [tilespmem:$0x1F840];
	v14 =	vshll.u32 v14, $0x3  }
0x46f: {  	v5 =	vor.u32 v6, v0;
	v11 =	vor.u32 v17, v0;
	v17 =	vld [tilespmem:$0x1F860];
	v14 =	vand.u32 $0x400, v14  }
0x470: {  	v6 =	vor.u32 v12, v0;
	v1 =	vor.u32 v14, v1;
	v14 =	vld [tilespmem:$0x1F880]  }
0x471: {  	v7 =	vor.u32 v13, v0;
	v2 =	vld.idx.msk [tilespmem:v2+s17+$0x0], $0xffff  }
0x472: {  	v3 =	vld.idx.msk [tilespmem:v3+s17+$0x0], $0xffff  }
0x473: {  	v4 =	vld.idx.msk [tilespmem:v4+s17+$0x0], $0xffff  }
0x474: {  	v10 =	vor.u32 v16, v0;
	v5 =	vld.idx.msk [tilespmem:v5+s17+$0x0], $0xffff  }
0x475: {  	v6 =	vld.idx.msk [tilespmem:v6+s17+$0x0], $0xffff  }
0x476: {  	v12 =	vor.u32 v18, v0;
	v7 =	vld.idx.msk [tilespmem:v7+s17+$0x0], $0xffff  }
0x477: {  	v13 =	vor.u32 v55, v0;
	v8 =	vld.idx.msk [tilespmem:v8+s17+$0x0], $0xffff  }
0x478: {  	v16 =	vor.u32 v58, v0;
	v9 =	vld.idx.msk [tilespmem:v9+s17+$0x0], $0xffff  }
0x479: {  	v18 =	vor.u32 v59, v0;
	v10 =	vld.idx.msk [tilespmem:v10+s17+$0x0], $0xffff  }
0x47a: {  	v15 =	vor.u32 v15, v0;
	v11 =	vld.idx.msk [tilespmem:v11+s17+$0x0], $0xffff  }
0x47b: {  	v17 =	vor.u32 v17, v0;
	v12 =	vld.idx.msk [tilespmem:v12+s17+$0x0], $0xffff;
	v14 =	vor.u32 v14, v1  }
0x47c: {  	v19 =	vor.u32 v60, v1;
	v13 =	vld.idx.msk [tilespmem:v13+s17+$0x0], $0xffff  }
0x47d: {  	v20 =	vor.u32 v20, v1;
	v16 =	vld.idx.msk [tilespmem:v16+s17+$0x0], $0xffff  }
0x47e: {  	v21 =	vor.u32 v47, v1;
	v18 =	vld.idx.msk [tilespmem:v18+s17+$0x0], $0xffff  }
0x47f: {  	v15 =	vld.idx.msk [tilespmem:v15+s17+$0x0], $0xffff  }
0x480: {  	v22 =	vor.u32 v22, v1;
	v17 =	vld.idx.msk [tilespmem:v17+s17+$0x0], $0xffff;
	[tilespmem:v14+s12+$0x0] =	vst.idx.msk $0xffff, v2  }
0x481: {  	v2 =	vor.u32 v53, v1;
	[tilespmem:v19+s12+$0x0] =	vst.idx.msk $0xffff, v3;
	v3 =	vld [tilespmem:$0x1F8E0]  }
0x482: {  	v34 =	vld [tilespmem:$0x1F4F0];
	[tilespmem:v20+s12+$0x0] =	vst.idx.msk $0xffff, v4  }
0x483: {  	[tilespmem:v21+s12+$0x0] =	vst.idx.msk $0xffff, v5;
	v5 =	vld [tilespmem:$0x1F900]  }
0x484: {  	v45 =	vmov v46;
	v46 =	vld [tilespmem:$0x1F590]  }
0x485: {  	v51 =	vld [tilespmem:$0x1F5A0];
	[tilespmem:v22+s12+$0x0] =	vst.idx.msk $0xffff, v6  }
0x486: {  	[tilespmem:v2+s12+$0x0] =	vst.idx.msk $0xffff, v7;
	v2 =	vld [tilespmem:$0x1F920];
	v3 =	vor.u32 v3, v1  }
0x487: {  	v23 =	vld [tilespmem:$0x1F9F0];
	v4 =	vor.u32 v54, v1  }
0x488: {  	v24 =	vld [tilespmem:$0x1FA10];
	v5 =	vor.u32 v5, v1  }
0x489: {  	v36 =	vld [tilespmem:$0x1FA20];
	v6 =	vor.u32 v61, v1  }
0x48a: {  	v25 =	vld [tilespmem:$0x1FA30]  }
0x48b: {  	v26 =	vld [tilespmem:$0x1FA50];
	v2 =	vor.u32 v2, v1;
	[tilespmem:v3+s12+$0x0] =	vst.idx.msk $0xffff, v8  }
0x48c: {  	v3 =	vor.u32 v62, v1;
	[tilespmem:v4+s12+$0x0] =	vst.idx.msk $0xffff, v9;
	v4 =	vld [tilespmem:$0x1F940]  }
0x48d: {  	v27 =	vld [tilespmem:$0x1FA70];
	[tilespmem:v5+s12+$0x0] =	vst.idx.msk $0xffff, v10  }
0x48e: {  	[tilespmem:v6+s12+$0x0] =	vst.idx.msk $0xffff, v11;
	v6 =	vld [tilespmem:$0x1F960]  }
0x48f: {  	v48 =	vld [tilespmem:$0x1FA90]  }
0x490: {  	v49 =	vld [tilespmem:$0x1FAB0];
	[tilespmem:v2+s12+$0x0] =	vst.idx.msk $0xffff, v12  }
0x491: {  	[tilespmem:v3+s12+$0x0] =	vst.idx.msk $0xffff, v13;
	v3 =	vld [tilespmem:$0x1FF90];
	v4 =	vor.u32 v4, v1  }
0x492: {  	v7 =	vld [tilespmem:$0x1F580];
	v5 =	vor.u32 v63, v1  }
0x493: {  	v8 =	vld [tilespmem:$0x1F540];
	v6 =	vor.u32 v6, v1  }
0x494: {  	v50 =	vld [tilespmem:$0x1FAD0];
	v2 =	vor.u32 v29, v1  }
0x495: {  	v20 =	vld [tilespmem:$0x1FA00]  }
0x496: {  	v13 =	vld [tilespmem:$0x1F4E0];
	v3 =	vor.u32 v3, v0;
	[tilespmem:v4+s12+$0x0] =	vst.idx.msk $0xffff, v15  }
0x497: {  	v7 =	vor.u32 v7, v0;
	v15 =	vld [tilespmem:$0x1F510];
	[tilespmem:v5+s12+$0x0] =	vst.idx.msk $0xffff, v16  }
0x498: {  	v8 =	vor.u32 v8, v0;
	[tilespmem:v6+s12+$0x0] =	vst.idx.msk $0xffff, v17;
	v17 =	vld [tilespmem:$0x1F500]  }
0x499: {  	v9 =	vor.u32 v30, v0;
	[tilespmem:v2+s12+$0x0] =	vst.idx.msk $0xffff, v18;
	v2 =	vld [tilespmem:$0x1F570]  }
0x49a: {  	v10 =	vor.u32 v33, v0;
	v18 =	vld [tilespmem:$0x1F9E0]  }
0x49b: {  	v11 =	vor.u32 v34, v0;
	v3 =	vld.idx.msk [tilespmem:v3+s17+$0x0], $0xffff  }
0x49c: {  	v12 =	vor.u32 v46, v0;
	v7 =	vld.idx.msk [tilespmem:v7+s17+$0x0], $0xffff  }
0x49d: {  	v13 =	vor.u32 v13, v0;
	v8 =	vld.idx.msk [tilespmem:v8+s17+$0x0], $0xffff  }
0x49e: {  	v14 =	vor.u32 v51, v0;
	v9 =	vld.idx.msk [tilespmem:v9+s17+$0x0], $0xffff  }
0x49f: {  	v4 =	vor.u32 v40, v0;
	v10 =	vld.idx.msk [tilespmem:v10+s17+$0x0], $0xffff  }
0x4a0: {  	v5 =	vor.u32 v31, v0;
	v11 =	vld.idx.msk [tilespmem:v11+s17+$0x0], $0xffff  }
0x4a1: {  	v16 =	vor.u32 v45, v0;
	v12 =	vld.idx.msk [tilespmem:v12+s17+$0x0], $0xffff  }
0x4a2: {  	v6 =	vor.u32 v32, v0;
	v13 =	vld.idx.msk [tilespmem:v13+s17+$0x0], $0xffff  }
0x4a3: {  	v14 =	vld.idx.msk [tilespmem:v14+s17+$0x0], $0xffff;
	v15 =	vor.u32 v15, v0  }
0x4a4: {  	v4 =	vld.idx.msk [tilespmem:v4+s17+$0x0], $0xffff;
	v17 =	vor.u32 v17, v0  }
0x4a5: {  	v5 =	vld.idx.msk [tilespmem:v5+s17+$0x0], $0xffff;
	v2 =	vor.u32 v2, v0;
	v18 =	vor.u32 v18, v1  }
0x4a6: {  	v19 =	vor.u32 v23, v1;
	v16 =	vld.idx.msk [tilespmem:v16+s17+$0x0], $0xffff  }
0x4a7: {  	v6 =	vld.idx.msk [tilespmem:v6+s17+$0x0], $0xffff  }
0x4a8: {  	v15 =	vld.idx.msk [tilespmem:v15+s17+$0x0], $0xffff  }
0x4a9: {  	v20 =	vor.u32 v20, v1;
	v17 =	vld.idx.msk [tilespmem:v17+s17+$0x0], $0xffff  }
0x4aa: {  	v35 =	vor.u32 v24, v1;
	v2 =	vld.idx.msk [tilespmem:v2+s17+$0x0], $0xffff;
	[tilespmem:v18+s12+$0x0] =	vst.idx.msk $0xffff, v3  }
0x4ab: {  	[tilespmem:v19+s12+$0x0] =	vst.idx.msk $0xffff, v4;
	v4 =	vld [tilespmem:$0x1FA40]  }
0x4ac: {  	v37 =	vld [tilespmem:$0x1F620]  }
0x4ad: {  	v38 =	vld [tilespmem:$0x1F630];
	v22 =	vor.u32 v36, v1  }
0x4ae: {  	v39 =	vld [tilespmem:$0x1F640];
	v3 =	vor.u32 v25, v1;
	[tilespmem:v20+s12+$0x0] =	vst.idx.msk $0xffff, v5  }
0x4af: {  	[tilespmem:v35+s12+$0x0] =	vst.idx.msk $0xffff, v6;
	v6 =	vld [tilespmem:$0x1FA60]  }
0x4b0: {  	v57 =	vld [tilespmem:$0x1FAF0];
	v4 =	vor.u32 v4, v1  }
0x4b1: {  	v52 =	vld [tilespmem:$0x1FB10];
	v5 =	vor.u32 v26, v1  }
0x4b2: {  	v42 =	vld [tilespmem:$0x1FB20];
	[tilespmem:v22+s12+$0x0] =	vst.idx.msk $0xffff, v2  }
0x4b3: {  	[tilespmem:v3+s12+$0x0] =	vst.idx.msk $0xffff, v7;
	v3 =	vld [tilespmem:$0x1FA80]  }
0x4b4: {  	v56 =	vld [tilespmem:$0x1FB30];
	v6 =	vor.u32 v6, v1  }
0x4b5: {  	v43 =	vld [tilespmem:$0x1F720];
	v2 =	vor.u32 v27, v1;
	[tilespmem:v4+s12+$0x0] =	vst.idx.msk $0xffff, v8  }
0x4b6: {  	[tilespmem:v5+s12+$0x0] =	vst.idx.msk $0xffff, v9;
	v5 =	vld [tilespmem:$0x1FAA0]  }
0x4b7: {  	v21 =	vld [tilespmem:$0x1F730]  }
0x4b8: {  	v18 =	vld [tilespmem:$0x1FAE0];
	v3 =	vor.u32 v3, v1  }
0x4b9: {  	v20 =	vld [tilespmem:$0x1FB00];
	v4 =	vor.u32 v48, v1;
	[tilespmem:v6+s12+$0x0] =	vst.idx.msk $0xffff, v10  }
0x4ba: {  	[tilespmem:v2+s12+$0x0] =	vst.idx.msk $0xffff, v11;
	v2 =	vld [tilespmem:$0x1FAC0]  }
0x4bb: {  	v7 =	vld [tilespmem:$0x1F600];
	v5 =	vor.u32 v5, v1  }
0x4bc: {  	v8 =	vld [tilespmem:$0x1F610]  }
0x4bd: {  	v6 =	vor.u32 v49, v1;
	[tilespmem:v3+s12+$0x0] =	vst.idx.msk $0xffff, v12;
	v12 =	vld [tilespmem:$0x1F650]  }
0x4be: {  	[tilespmem:v4+s12+$0x0] =	vst.idx.msk $0xffff, v13;
	v4 =	vld [tilespmem:$0x1F5B0]  }
0x4bf: {  	v13 =	vld [tilespmem:$0x1F660];
	v2 =	vor.u32 v2, v1  }
0x4c0: {  	[tilespmem:v5+s12+$0x0] =	vst.idx.msk $0xffff, v14;
	v5 =	vld [tilespmem:$0x1F5C0]  }
0x4c1: {  	v3 =	vor.u32 v50, v1;
	v14 =	vld [tilespmem:$0x1F670]  }
0x4c2: {  	v7 =	vor.u32 v7, v0;
	[tilespmem:v6+s12+$0x0] =	vst.idx.msk $0xffff, v15;
	v6 =	vld [tilespmem:$0x1F5D0]  }
0x4c3: {  	v8 =	vor.u32 v8, v0;
	v15 =	vld [tilespmem:$0x1F680]  }
0x4c4: {  	v9 =	vor.u32 v37, v0;
	[tilespmem:v2+s12+$0x0] =	vst.idx.msk $0xffff, v16;
	v2 =	vld [tilespmem:$0x1F5E0]  }
0x4c5: {  	v10 =	vor.u32 v38, v0;
	v16 =	vld [tilespmem:$0x1F690]  }
0x4c6: {  	v11 =	vor.u32 v39, v0;
	[tilespmem:v3+s12+$0x0] =	vst.idx.msk $0xffff, v17;
	v3 =	vld [tilespmem:$0x1F5F0]  }
0x4c7: {  	v12 =	vor.u32 v12, v0;
	v7 =	vld.idx.msk [tilespmem:v7+s17+$0x0], $0xffff  }
0x4c8: {  	v4 =	vor.u32 v4, v0;
	v8 =	vld.idx.msk [tilespmem:v8+s17+$0x0], $0xffff  }
0x4c9: {  	v13 =	vor.u32 v13, v0;
	v9 =	vld.idx.msk [tilespmem:v9+s17+$0x0], $0xffff  }
0x4ca: {  	v17 =	vor.u32 v44, v0;
	v10 =	vld.idx.msk [tilespmem:v10+s17+$0x0], $0xffff  }
0x4cb: {  	v11 =	vld.idx.msk [tilespmem:v11+s17+$0x0], $0xffff;
	v5 =	vor.u32 v5, v0  }
0x4cc: {  	v12 =	vld.idx.msk [tilespmem:v12+s17+$0x0], $0xffff;
	v14 =	vor.u32 v14, v0  }
0x4cd: {  	v4 =	vld.idx.msk [tilespmem:v4+s17+$0x0], $0xffff;
	v6 =	vor.u32 v6, v0  }
0x4ce: {  	v13 =	vld.idx.msk [tilespmem:v13+s17+$0x0], $0xffff;
	v15 =	vor.u32 v15, v0  }
0x4cf: {  	v2 =	vor.u32 v2, v0;
	v17 =	vld.idx.msk [tilespmem:v17+s17+$0x0], $0xffff  }
0x4d0: {  	v16 =	vor.u32 v16, v0;
	v5 =	vld.idx.msk [tilespmem:v5+s17+$0x0], $0xffff  }
0x4d1: {  	v18 =	vor.u32 v18, v1;
	v3 =	vor.u32 v3, v0;
	v14 =	vld.idx.msk [tilespmem:v14+s17+$0x0], $0xffff  }
0x4d2: {  	v19 =	vor.u32 v57, v1;
	v6 =	vld.idx.msk [tilespmem:v6+s17+$0x0], $0xffff  }
0x4d3: {  	v15 =	vld.idx.msk [tilespmem:v15+s17+$0x0], $0xffff  }
0x4d4: {  	v20 =	vor.u32 v20, v1;
	v2 =	vld.idx.msk [tilespmem:v2+s17+$0x0], $0xffff  }
0x4d5: {  	v40 =	vor.u32 v52, v1;
	v16 =	vld.idx.msk [tilespmem:v16+s17+$0x0], $0xffff  }
0x4d6: {  	v3 =	vld.idx.msk [tilespmem:v3+s17+$0x0], $0xffff;
	[tilespmem:v18+s12+$0x0] =	vst.idx.msk $0xffff, v4  }
0x4d7: {  	v22 =	vor.u32 v42, v1;
	[tilespmem:v19+s12+$0x0] =	vst.idx.msk $0xffff, v5;
	v5 =	vld [tilespmem:$0x1FB40]  }
0x4d8: {  	v36 =	vld [tilespmem:$0x1FC00]  }
0x4d9: {  	v30 =	vld [tilespmem:$0x1FB50];
	[tilespmem:v20+s12+$0x0] =	vst.idx.msk $0xffff, v6  }
0x4da: {  	[tilespmem:v40+s12+$0x0] =	vst.idx.msk $0xffff, v2;
	v2 =	vld [tilespmem:$0x1FB60]  }
0x4db: {  	v33 =	vld [tilespmem:$0x1FB80];
	v4 =	vor.u32 v56, v1  }
0x4dc: {  	[tilespmem:v22+s12+$0x0] =	vst.idx.msk $0xffff, v3;
	v3 =	vld [tilespmem:$0x1FB70];
	v5 =	vor.u32 v5, v1  }
0x4dd: {  	v34 =	vld [tilespmem:$0x1FBC0]  }
0x4de: {  	v35 =	vld [tilespmem:$0x1FBA0];
	v6 =	vor.u32 v30, v1  }
0x4df: {  	v42 =	vld [tilespmem:$0x1F750];
	v2 =	vor.u32 v2, v1  }
0x4e0: {  	v37 =	vld [tilespmem:$0x1FC20];
	[tilespmem:v4+s12+$0x0] =	vst.idx.msk $0xffff, v7  }
0x4e1: {  	v3 =	vor.u32 v3, v1;
	[tilespmem:v5+s12+$0x0] =	vst.idx.msk $0xffff, v8;
	v5 =	vld [tilespmem:$0x1FB90]  }
0x4e2: {  	v38 =	vld [tilespmem:$0x1F710];
	v4 =	vor.u32 v33, v1  }
0x4e3: {  	v39 =	vld [tilespmem:$0x1FBE0];
	[tilespmem:v6+s12+$0x0] =	vst.idx.msk $0xffff, v9  }
0x4e4: {  	[tilespmem:v2+s12+$0x0] =	vst.idx.msk $0xffff, v10;
	v2 =	vld [tilespmem:$0x1FBB0]  }
0x4e5: {  	v18 =	vld [tilespmem:$0x1FBF0]  }
0x4e6: {  	v20 =	vld [tilespmem:$0x1FC10];
	[tilespmem:v3+s12+$0x0] =	vst.idx.msk $0xffff, v11;
	v5 =	vor.u32 v5, v1  }
0x4e7: {  	[tilespmem:v4+s12+$0x0] =	vst.idx.msk $0xffff, v12;
	v4 =	vld [tilespmem:$0x1FBD0]  }
0x4e8: {  	v22 =	vld [tilespmem:$0x1F740];
	v6 =	vor.u32 v35, v1  }
0x4e9: {  	v7 =	vld [tilespmem:$0x1F700];
	v2 =	vor.u32 v2, v1  }
0x4ea: {  	v9 =	vor.u32 v43, v0;
	v43 =	vld [tilespmem:$0x1F760];
	v3 =	vor.u32 v34, v1  }
0x4eb: {  	[tilespmem:v5+s12+$0x0] =	vst.idx.msk $0xffff, v13;
	v5 =	vld [tilespmem:$0x1F6B0]  }
0x4ec: {  	v4 =	vor.u32 v4, v1;
	v13 =	vld [tilespmem:$0x1F550]  }
0x4ed: {  	[tilespmem:v6+s12+$0x0] =	vst.idx.msk $0xffff, v14;
	v6 =	vld [tilespmem:$0x1F6C0]  }
0x4ee: {  	v7 =	vor.u32 v7, v0;
	[tilespmem:v2+s12+$0x0] =	vst.idx.msk $0xffff, v15;
	v2 =	vld [tilespmem:$0x1F6D0]  }
0x4ef: {  	v8 =	vor.u32 v38, v0;
	[tilespmem:v3+s12+$0x0] =	vst.idx.msk $0xffff, v16;
	v3 =	vld [tilespmem:$0x1F6E0]  }
0x4f0: {  	v16 =	vld [tilespmem:$0x1F770]  }
0x4f1: {  	v10 =	vor.u32 v21, v0;
	[tilespmem:v4+s12+$0x0] =	vst.idx.msk $0xffff, v17;
	v4 =	vld [tilespmem:$0x1F6F0]  }
0x4f2: {  	v11 =	vor.u32 v22, v0;
	v17 =	vld [tilespmem:$0x1F780]  }
0x4f3: {  	v12 =	vor.u32 v42, v0;
	v7 =	vld.idx.msk [tilespmem:v7+s17+$0x0], $0xffff  }
0x4f4: {  	v14 =	vor.u32 v41, v0;
	v8 =	vld.idx.msk [tilespmem:v8+s17+$0x0], $0xffff  }
0x4f5: {  	v15 =	vor.u32 v43, v0;
	v9 =	vld.idx.msk [tilespmem:v9+s17+$0x0], $0xffff  }
0x4f6: {  	v5 =	vor.u32 v5, v0;
	v10 =	vld.idx.msk [tilespmem:v10+s17+$0x0], $0xffff  }
0x4f7: {  	v13 =	vor.u32 v13, v0;
	v11 =	vld.idx.msk [tilespmem:v11+s17+$0x0], $0xffff  }
0x4f8: {  	v12 =	vld.idx.msk [tilespmem:v12+s17+$0x0], $0xffff;
	v6 =	vor.u32 v6, v0  }
0x4f9: {  	v14 =	vld.idx.msk [tilespmem:v14+s17+$0x0], $0xffff;
	v2 =	vor.u32 v2, v0  }
0x4fa: {  	v15 =	vld.idx.msk [tilespmem:v15+s17+$0x0], $0xffff;
	v3 =	vor.u32 v3, v0  }
0x4fb: {  	v16 =	vor.u32 v16, v0;
	v5 =	vld.idx.msk [tilespmem:v5+s17+$0x0], $0xffff  }
0x4fc: {  	v4 =	vor.u32 v4, v0;
	v13 =	vld.idx.msk [tilespmem:v13+s17+$0x0], $0xffff  }
0x4fd: {  	v0 =	vor.u32 v17, v0;
	v6 =	vld.idx.msk [tilespmem:v6+s17+$0x0], $0xffff  }
0x4fe: {  	v17 =	vor.u32 v39, v1;
	v2 =	vld.idx.msk [tilespmem:v2+s17+$0x0], $0xffff  }
0x4ff: {  	v3 =	vld.idx.msk [tilespmem:v3+s17+$0x0], $0xffff  }
0x500: {  	v16 =	vld.idx.msk [tilespmem:v16+s17+$0x0], $0xffff  }
0x501: {  	v4 =	vld.idx.msk [tilespmem:v4+s17+$0x0], $0xffff  }
0x502: {  	v0 =	vld.idx.msk [tilespmem:v0+s17+$0x0], $0xffff  }
0x503: {  	[tilespmem:v17+s12+$0x0] =	vst.idx.msk $0xffff, v5;
	v5 =	vld [tilespmem:$0x1FC30]  }
0x504: {  	v18 =	vor.u32 v18, v1  }
0x505: {  	v19 =	vor.u32 v36, v1  }
0x506: {  	v20 =	vor.u32 v20, v1  }
0x507: {  	v28 =	vor.u32 v37, v1  }
0x508: {  	v5 =	vor.u32 v5, v1  }
0x509: {  	v40 =	vld [tilespmem:$0x1FC40];
	[tilespmem:v18+s12+$0x0] =	vst.idx.msk $0xffff, v6  }
0x50a: {  	[tilespmem:v19+s12+$0x0] =	vst.idx.msk $0xffff, v2;
	v2 =	vld [tilespmem:$0x1FC50]  }
0x50b: {  	[tilespmem:v20+s12+$0x0] =	vst.idx.msk $0xffff, v3;
	v3 =	vld [tilespmem:$0x1FC60]  }
0x50c: {  	[tilespmem:v28+s12+$0x0] =	vst.idx.msk $0xffff, v4;
	v4 =	vld [tilespmem:$0x1FC70]  }
0x50d: {  	[tilespmem:v5+s12+$0x0] =	vst.idx.msk $0xffff, v7;
	v5 =	vld [tilespmem:$0x1FFB0]  }
0x50e: {  	v6 =	vor.u32 v40, v1  }
0x50f: {  	v2 =	vor.u32 v2, v1  }
0x510: {  	v3 =	vor.u32 v3, v1  }
0x511: {  	v4 =	vor.u32 v4, v1  }
0x512: {  	v5 =	vor.u32 v5, v1  }
0x513: {  	[tilespmem:v6+s12+$0x0] =	vst.idx.msk $0xffff, v8;
	v6 =	vld [tilespmem:$0x1FFC0]  }
0x514: {  	[tilespmem:v2+s12+$0x0] =	vst.idx.msk $0xffff, v9;
	v2 =	vld [tilespmem:$0x1FFD0]  }
0x515: {  	[tilespmem:v3+s12+$0x0] =	vst.idx.msk $0xffff, v10;
	v3 =	vld [tilespmem:$0x1FFE0]  }
0x516: {  	[tilespmem:v4+s12+$0x0] =	vst.idx.msk $0xffff, v11;
	v4 =	vld [tilespmem:$0x1FFF0]  }
0x517: {  	[tilespmem:v5+s12+$0x0] =	vst.idx.msk $0xffff, v12;
	v5 =	vld [tilespmem:$0x1FFA0]  }
0x518: {  	v6 =	vor.u32 v6, v1  }
0x519: {  	v2 =	vor.u32 v2, v1  }
0x51a: {  	v3 =	vor.u32 v3, v1  }
0x51b: {  	v4 =	vor.u32 v4, v1  }
0x51c: {  	v1 =	vor.u32 v5, v1  }
0x51d: {  	[tilespmem:v6+s12+$0x0] =	vst.idx.msk $0xffff, v13  }
0x51e: {  	[tilespmem:v2+s12+$0x0] =	vst.idx.msk $0xffff, v14  }
0x51f: {  	s0 =	sadd.s32 $0x10, s29;
	v21 =	vld [tilespmem:$0x1F800];
	[tilespmem:v3+s12+$0x0] =	vst.idx.msk $0xffff, v15  }
0x520: {  	s31 =	sand.u32 $0x70, s0;
	v22 =	vld [tilespmem:$0x1F7F0];
	[tilespmem:v4+s12+$0x0] =	vst.idx.msk $0xffff, v16  }
0x521: {  	s2 =	sadd.s32 s31, s30;
	v17 =	vld [tilespmem:$0x1F860];
	[tilespmem:v1+s12+$0x0] =	vst.idx.msk $0xffff, v0  }
0x522: {  	v0 =	vld [tilespmem:s2+$0x0]  }
0x523: {  	v20 =	vld [tilespmem:$0x1F8A0]  }
0x524: {  	v7 =	vld [tilespmem:$0x1F7D0]  }
0x525: {  	v8 =	vld [tilespmem:$0x1F7E0]  }
0x526: {  	v3 =	vld [tilespmem:$0x1F790];
	v1 =	vlaneseq.u32  }
0x527: {  	v4 =	vld [tilespmem:$0x1F7A0];
	v1 =	vor.u32 s0, v1;
	v0 =	vshll.u32 v0, $0x6  }
0x528: {  	v5 =	vld [tilespmem:$0x1F7B0];
	v2 =	vshll.u32 v1, $0x7;
	v0 =	vand.u32 $0x40, v0  }
0x529: {  	v6 =	vld [tilespmem:$0x1F7C0];
	v14 =	vmov s0;
	v0 =	vor.u32 v2, v0;
	v2 =	vlaneseq.u32  }
0x52a: {  	v12 =	vld [tilespmem:$0x1F820];
	v14 =	vshll.u32 v14, $0x3;
	v2 =	vor.u32 v2, v0  }
0x52b: {  	v15 =	vld [tilespmem:$0x1F840];
	v14 =	vand.u32 $0x400, v14;
	v1 =	vand.u32 $0x7F, v1;
	v3 =	vor.u32 v3, v0  }
0x52c: {  	v1 =	vor.u32 v14, v1;
	v14 =	vld [tilespmem:$0x1F880];
	v4 =	vor.u32 v4, v0  }
0x52d: {  	v5 =	vor.u32 v5, v0;
	v9 =	vor.u32 v22, v0;
	v22 =	vld [tilespmem:$0x1F810]  }
0x52e: {  	v6 =	vor.u32 v6, v0;
	v16 =	vor.u32 v58, v0;
	v58 =	vld [tilespmem:$0x1F8C0]  }
0x52f: {  	v7 =	vor.u32 v7, v0;
	v2 =	vld.idx.msk [tilespmem:v2+s17+$0x0], $0xffff  }
0x530: {  	v8 =	vor.u32 v8, v0;
	v3 =	vld.idx.msk [tilespmem:v3+s17+$0x0], $0xffff  }
0x531: {  	v4 =	vld.idx.msk [tilespmem:v4+s17+$0x0], $0xffff  }
0x532: {  	v10 =	vor.u32 v21, v0;
	v5 =	vld.idx.msk [tilespmem:v5+s17+$0x0], $0xffff  }
0x533: {  	v12 =	vor.u32 v12, v0;
	v6 =	vld.idx.msk [tilespmem:v6+s17+$0x0], $0xffff  }
0x534: {  	v13 =	vor.u32 v55, v0;
	v7 =	vld.idx.msk [tilespmem:v7+s17+$0x0], $0xffff  }
0x535: {  	v15 =	vor.u32 v15, v0;
	v8 =	vld.idx.msk [tilespmem:v8+s17+$0x0], $0xffff  }
0x536: {  	v9 =	vld.idx.msk [tilespmem:v9+s17+$0x0], $0xffff  }
0x537: {  	v17 =	vor.u32 v17, v0;
	v10 =	vld.idx.msk [tilespmem:v10+s17+$0x0], $0xffff  }
0x538: {  	v18 =	vor.u32 v59, v0;
	v12 =	vld.idx.msk [tilespmem:v12+s17+$0x0], $0xffff  }
0x539: {  	v14 =	vor.u32 v14, v1;
	v11 =	vor.u32 v22, v0;
	v13 =	vld.idx.msk [tilespmem:v13+s17+$0x0], $0xffff  }
0x53a: {  	v19 =	vor.u32 v60, v1;
	v15 =	vld.idx.msk [tilespmem:v15+s17+$0x0], $0xffff  }
0x53b: {  	v20 =	vor.u32 v20, v1;
	v16 =	vld.idx.msk [tilespmem:v16+s17+$0x0], $0xffff  }
0x53c: {  	v55 =	vor.u32 v47, v1;
	v17 =	vld.idx.msk [tilespmem:v17+s17+$0x0], $0xffff  }
0x53d: {  	v18 =	vld.idx.msk [tilespmem:v18+s17+$0x0], $0xffff  }
0x53e: {  	v11 =	vld.idx.msk [tilespmem:v11+s17+$0x0], $0xffff;
	[tilespmem:v14+s12+$0x0] =	vst.idx.msk $0xffff, v2  }
0x53f: {  	[tilespmem:v19+s12+$0x0] =	vst.idx.msk $0xffff, v3;
	v3 =	vld [tilespmem:$0x1F8E0]  }
0x540: {  	[tilespmem:v20+s12+$0x0] =	vst.idx.msk $0xffff, v4  }
0x541: {  	v22 =	vor.u32 v58, v1;
	[tilespmem:v55+s12+$0x0] =	vst.idx.msk $0xffff, v5;
	v5 =	vld [tilespmem:$0x1F900]  }
0x542: {  	v2 =	vor.u32 v53, v1;
	_ =	sdelay $0x1  }
0x543: {  	v3 =	vor.u32 v3, v1  }
0x544: {  	v4 =	vor.u32 v54, v1  }
0x545: {  	[tilespmem:v22+s12+$0x0] =	vst.idx.msk $0xffff, v6;
	v5 =	vor.u32 v5, v1  }
0x546: {  	v6 =	vor.u32 v61, v1;
	[tilespmem:v2+s12+$0x0] =	vst.idx.msk $0xffff, v7;
	v2 =	vld [tilespmem:$0x1F920]  }
0x547: {  	v28 =	vld [tilespmem:$0x1FF90]  }
0x548: {  	v21 =	vld [tilespmem:$0x1F570];
	[tilespmem:v3+s12+$0x0] =	vst.idx.msk $0xffff, v8  }
0x549: {  	[tilespmem:v4+s12+$0x0] =	vst.idx.msk $0xffff, v9;
	v4 =	vld [tilespmem:$0x1F940]  }
0x54a: {  	v47 =	vld [tilespmem:$0x1FA20];
	[tilespmem:v5+s12+$0x0] =	vst.idx.msk $0xffff, v10  }
0x54b: {  	v2 =	vor.u32 v2, v1;
	[tilespmem:v6+s12+$0x0] =	vst.idx.msk $0xffff, v11;
	v6 =	vld [tilespmem:$0x1F960]  }
0x54c: {  	v20 =	vld [tilespmem:$0x1FA00];
	v3 =	vor.u32 v62, v1  }
0x54d: {  	v22 =	vld [tilespmem:$0x1F530]  }
0x54e: {  	v7 =	vld [tilespmem:$0x1F580];
	v4 =	vor.u32 v4, v1  }
0x54f: {  	v8 =	vld [tilespmem:$0x1F540];
	v5 =	vor.u32 v63, v1  }
0x550: {  	[tilespmem:v2+s12+$0x0] =	vst.idx.msk $0xffff, v12;
	v2 =	vor.u32 v29, v1;
	v29 =	vld [tilespmem:$0x1F4F0];
	v6 =	vor.u32 v6, v1  }
0x551: {  	[tilespmem:v3+s12+$0x0] =	vst.idx.msk $0xffff, v13;
	v3 =	vor.u32 v28, v0;
	v28 =	vld [tilespmem:$0x1F520]  }
0x552: {  	v13 =	vld [tilespmem:$0x1F4E0]  }
0x553: {  	v7 =	vor.u32 v7, v0;
	[tilespmem:v4+s12+$0x0] =	vst.idx.msk $0xffff, v15;
	v4 =	vld [tilespmem:$0x1FF20]  }
0x554: {  	v8 =	vor.u32 v8, v0;
	v15 =	vld [tilespmem:$0x1F510];
	[tilespmem:v5+s12+$0x0] =	vst.idx.msk $0xffff, v16  }
0x555: {  	v9 =	vor.u32 v22, v0;
	[tilespmem:v6+s12+$0x0] =	vst.idx.msk $0xffff, v17;
	v17 =	vld [tilespmem:$0x1F500]  }
0x556: {  	v10 =	vor.u32 v28, v0;
	[tilespmem:v2+s12+$0x0] =	vst.idx.msk $0xffff, v18;
	v18 =	vld [tilespmem:$0x1F9E0]  }
0x557: {  	v11 =	vor.u32 v29, v0;
	v3 =	vld.idx.msk [tilespmem:v3+s17+$0x0], $0xffff  }
0x558: {  	v12 =	vor.u32 v46, v0;
	v7 =	vld.idx.msk [tilespmem:v7+s17+$0x0], $0xffff  }
0x559: {  	v13 =	vor.u32 v13, v0;
	v8 =	vld.idx.msk [tilespmem:v8+s17+$0x0], $0xffff  }
0x55a: {  	v14 =	vor.u32 v51, v0;
	v9 =	vld.idx.msk [tilespmem:v9+s17+$0x0], $0xffff  }
0x55b: {  	v5 =	vor.u32 v31, v0;
	v10 =	vld.idx.msk [tilespmem:v10+s17+$0x0], $0xffff  }
0x55c: {  	v16 =	vor.u32 v45, v0;
	v11 =	vld.idx.msk [tilespmem:v11+s17+$0x0], $0xffff  }
0x55d: {  	v12 =	vld.idx.msk [tilespmem:v12+s17+$0x0], $0xffff;
	v4 =	vor.u32 v4, v0  }
0x55e: {  	v6 =	vor.u32 v32, v0;
	v13 =	vld.idx.msk [tilespmem:v13+s17+$0x0], $0xffff  }
0x55f: {  	v2 =	vor.u32 v21, v0;
	v14 =	vld.idx.msk [tilespmem:v14+s17+$0x0], $0xffff  }
0x560: {  	v15 =	vor.u32 v15, v0;
	v5 =	vld.idx.msk [tilespmem:v5+s17+$0x0], $0xffff  }
0x561: {  	v16 =	vld.idx.msk [tilespmem:v16+s17+$0x0], $0xffff;
	v17 =	vor.u32 v17, v0;
	v18 =	vor.u32 v18, v1  }
0x562: {  	v19 =	vor.u32 v23, v1;
	v4 =	vld.idx.msk [tilespmem:v4+s17+$0x0], $0xffff  }
0x563: {  	v6 =	vld.idx.msk [tilespmem:v6+s17+$0x0], $0xffff  }
0x564: {  	v2 =	vld.idx.msk [tilespmem:v2+s17+$0x0], $0xffff  }
0x565: {  	v20 =	vor.u32 v20, v1;
	v15 =	vld.idx.msk [tilespmem:v15+s17+$0x0], $0xffff  }
0x566: {  	v46 =	vmov v45;
	v45 =	vor.u32 v24, v1;
	v17 =	vld.idx.msk [tilespmem:v17+s17+$0x0], $0xffff;
	[tilespmem:v18+s12+$0x0] =	vst.idx.msk $0xffff, v3  }
0x567: {  	[tilespmem:v19+s12+$0x0] =	vst.idx.msk $0xffff, v4;
	v4 =	vld [tilespmem:$0x1FA40]  }
0x568: {  	v22 =	vor.u32 v47, v1  }
0x569: {  	v3 =	vor.u32 v25, v1  }
0x56a: {  	[tilespmem:v20+s12+$0x0] =	vst.idx.msk $0xffff, v5  }
0x56b: {  	[tilespmem:v45+s12+$0x0] =	vst.idx.msk $0xffff, v6;
	v6 =	vld [tilespmem:$0x1FA60]  }
0x56c: {  	v4 =	vor.u32 v4, v1  }
0x56d: {  	v5 =	vor.u32 v26, v1;
	[tilespmem:v22+s12+$0x0] =	vst.idx.msk $0xffff, v2  }
0x56e: {  	[tilespmem:v3+s12+$0x0] =	vst.idx.msk $0xffff, v7;
	v3 =	vld [tilespmem:$0x1FA80]  }
0x56f: {  	v51 =	vld [tilespmem:$0x1F640]  }
0x570: {  	v54 =	vld [tilespmem:$0x1FB20];
	v6 =	vor.u32 v6, v1  }
0x571: {  	v18 =	vld [tilespmem:$0x1FAE0];
	v2 =	vor.u32 v27, v1;
	[tilespmem:v4+s12+$0x0] =	vst.idx.msk $0xffff, v8  }
0x572: {  	[tilespmem:v5+s12+$0x0] =	vst.idx.msk $0xffff, v9;
	v5 =	vld [tilespmem:$0x1FAA0]  }
0x573: {  	v20 =	vld [tilespmem:$0x1FB00];
	v3 =	vor.u32 v3, v1  }
0x574: {  	v7 =	vld [tilespmem:$0x1F600];
	v4 =	vor.u32 v48, v1  }
0x575: {  	v8 =	vld [tilespmem:$0x1F610];
	[tilespmem:v6+s12+$0x0] =	vst.idx.msk $0xffff, v10  }
0x576: {  	[tilespmem:v2+s12+$0x0] =	vst.idx.msk $0xffff, v11;
	v2 =	vld [tilespmem:$0x1FAC0]  }
0x577: {  	v6 =	vor.u32 v49, v1;
	v49 =	vld [tilespmem:$0x1F620];
	v5 =	vor.u32 v5, v1  }
0x578: {  	[tilespmem:v3+s12+$0x0] =	vst.idx.msk $0xffff, v12;
	v3 =	vor.u32 v50, v1;
	v50 =	vld [tilespmem:$0x1F630]  }
0x579: {  	[tilespmem:v4+s12+$0x0] =	vst.idx.msk $0xffff, v13;
	v4 =	vld [tilespmem:$0x1F5B0]  }
0x57a: {  	v12 =	vld [tilespmem:$0x1F650]  }
0x57b: {  	v13 =	vld [tilespmem:$0x1F660];
	v2 =	vor.u32 v2, v1  }
0x57c: {  	[tilespmem:v5+s12+$0x0] =	vst.idx.msk $0xffff, v14;
	v5 =	vld [tilespmem:$0x1F5C0]  }
0x57d: {  	v14 =	vld [tilespmem:$0x1F670]  }
0x57e: {  	v4 =	vor.u32 v4, v0;
	[tilespmem:v6+s12+$0x0] =	vst.idx.msk $0xffff, v15;
	v6 =	vld [tilespmem:$0x1F5D0]  }
0x57f: {  	v7 =	vor.u32 v7, v0;
	v15 =	vld [tilespmem:$0x1F680]  }
0x580: {  	v8 =	vor.u32 v8, v0;
	[tilespmem:v2+s12+$0x0] =	vst.idx.msk $0xffff, v16;
	v2 =	vld [tilespmem:$0x1F5E0]  }
0x581: {  	v9 =	vor.u32 v49, v0;
	v16 =	vld [tilespmem:$0x1F690]  }
0x582: {  	v10 =	vor.u32 v50, v0;
	[tilespmem:v3+s12+$0x0] =	vst.idx.msk $0xffff, v17;
	v3 =	vld [tilespmem:$0x1F5F0]  }
0x583: {  	v11 =	vor.u32 v51, v0;
	v4 =	vld.idx.msk [tilespmem:v4+s17+$0x0], $0xffff  }
0x584: {  	v12 =	vor.u32 v12, v0;
	v7 =	vld.idx.msk [tilespmem:v7+s17+$0x0], $0xffff  }
0x585: {  	v63 =	vmov v44;
	v13 =	vor.u32 v13, v0;
	v8 =	vld.idx.msk [tilespmem:v8+s17+$0x0], $0xffff  }
0x586: {  	v17 =	vor.u32 v63, v0;
	v9 =	vld.idx.msk [tilespmem:v9+s17+$0x0], $0xffff  }
0x587: {  	v10 =	vld.idx.msk [tilespmem:v10+s17+$0x0], $0xffff;
	v5 =	vor.u32 v5, v0  }
0x588: {  	v11 =	vld.idx.msk [tilespmem:v11+s17+$0x0], $0xffff;
	v14 =	vor.u32 v14, v0  }
0x589: {  	v12 =	vld.idx.msk [tilespmem:v12+s17+$0x0], $0xffff;
	v6 =	vor.u32 v6, v0  }
0x58a: {  	v13 =	vld.idx.msk [tilespmem:v13+s17+$0x0], $0xffff;
	v15 =	vor.u32 v15, v0  }
0x58b: {  	v2 =	vor.u32 v2, v0;
	v17 =	vld.idx.msk [tilespmem:v17+s17+$0x0], $0xffff  }
0x58c: {  	v16 =	vor.u32 v16, v0;
	v5 =	vld.idx.msk [tilespmem:v5+s17+$0x0], $0xffff  }
0x58d: {  	v18 =	vor.u32 v18, v1;
	v3 =	vor.u32 v3, v0;
	v14 =	vld.idx.msk [tilespmem:v14+s17+$0x0], $0xffff  }
0x58e: {  	v19 =	vor.u32 v57, v1;
	v6 =	vld.idx.msk [tilespmem:v6+s17+$0x0], $0xffff  }
0x58f: {  	v20 =	vor.u32 v20, v1;
	v15 =	vld.idx.msk [tilespmem:v15+s17+$0x0], $0xffff  }
0x590: {  	v53 =	vor.u32 v52, v1;
	v2 =	vld.idx.msk [tilespmem:v2+s17+$0x0], $0xffff  }
0x591: {  	v16 =	vld.idx.msk [tilespmem:v16+s17+$0x0], $0xffff  }
0x592: {  	v22 =	vor.u32 v54, v1;
	v3 =	vld.idx.msk [tilespmem:v3+s17+$0x0], $0xffff;
	[tilespmem:v18+s12+$0x0] =	vst.idx.msk $0xffff, v4  }
0x593: {  	[tilespmem:v19+s12+$0x0] =	vst.idx.msk $0xffff, v5;
	v5 =	vld [tilespmem:$0x1FB40]  }
0x594: {  	[tilespmem:v20+s12+$0x0] =	vst.idx.msk $0xffff, v6  }
0x595: {  	[tilespmem:v53+s12+$0x0] =	vst.idx.msk $0xffff, v2;
	v2 =	vld [tilespmem:$0x1FB60];
	_ =	sdelay $0x1  }
0x596: {  	v4 =	vor.u32 v56, v1;
	[tilespmem:v22+s12+$0x0] =	vst.idx.msk $0xffff, v3;
	v3 =	vld [tilespmem:$0x1FB70]  }
0x597: {  	v5 =	vor.u32 v5, v1  }
0x598: {  	v6 =	vor.u32 v30, v1  }
0x599: {  	v2 =	vor.u32 v2, v1;
	_ =	sdelay $0x1  }
0x59a: {  	[tilespmem:v4+s12+$0x0] =	vst.idx.msk $0xffff, v7;
	v3 =	vor.u32 v3, v1  }
0x59b: {  	v4 =	vor.u32 v33, v1;
	[tilespmem:v5+s12+$0x0] =	vst.idx.msk $0xffff, v8;
	v5 =	vld [tilespmem:$0x1FB90]  }
0x59c: {  	v59 =	vld [tilespmem:$0x1F6C0];
	[tilespmem:v6+s12+$0x0] =	vst.idx.msk $0xffff, v9  }
0x59d: {  	[tilespmem:v2+s12+$0x0] =	vst.idx.msk $0xffff, v10;
	v2 =	vld [tilespmem:$0x1FBB0]  }
0x59e: {  	v58 =	vld [tilespmem:$0x1F740]  }
0x59f: {  	v55 =	vld [tilespmem:$0x1F720];
	[tilespmem:v3+s12+$0x0] =	vst.idx.msk $0xffff, v11  }
0x5a0: {  	[tilespmem:v4+s12+$0x0] =	vst.idx.msk $0xffff, v12;
	v4 =	vld [tilespmem:$0x1FBD0];
	v5 =	vor.u32 v5, v1  }
0x5a1: {  	v61 =	vld [tilespmem:$0x1F550];
	v6 =	vor.u32 v35, v1  }
0x5a2: {  	v7 =	vld [tilespmem:$0x1F700];
	v2 =	vor.u32 v2, v1  }
0x5a3: {  	v57 =	vld [tilespmem:$0x1F730];
	v3 =	vor.u32 v34, v1  }
0x5a4: {  	v18 =	vld [tilespmem:$0x1FBF0]  }
0x5a5: {  	v20 =	vld [tilespmem:$0x1FC10];
	v4 =	vor.u32 v4, v1;
	[tilespmem:v5+s12+$0x0] =	vst.idx.msk $0xffff, v13  }
0x5a6: {  	v5 =	vld [tilespmem:$0x1F6B0];
	[tilespmem:v6+s12+$0x0] =	vst.idx.msk $0xffff, v14  }
0x5a7: {  	v7 =	vor.u32 v7, v0;
	[tilespmem:v2+s12+$0x0] =	vst.idx.msk $0xffff, v15;
	v2 =	vld [tilespmem:$0x1F6D0]  }
0x5a8: {  	v8 =	vor.u32 v38, v0;
	[tilespmem:v3+s12+$0x0] =	vst.idx.msk $0xffff, v16;
	v3 =	vld [tilespmem:$0x1F6E0]  }
0x5a9: {  	v56 =	vor.u32 v55, v0;
	v16 =	vld [tilespmem:$0x1F770]  }
0x5aa: {  	v10 =	vor.u32 v57, v0;
	[tilespmem:v4+s12+$0x0] =	vst.idx.msk $0xffff, v17;
	v4 =	vld [tilespmem:$0x1F6F0]  }
0x5ab: {  	v11 =	vor.u32 v58, v0;
	v17 =	vld [tilespmem:$0x1F780]  }
0x5ac: {  	v12 =	vor.u32 v42, v0;
	v7 =	vld.idx.msk [tilespmem:v7+s17+$0x0], $0xffff  }
0x5ad: {  	v13 =	vor.u32 v61, v0;
	v8 =	vld.idx.msk [tilespmem:v8+s17+$0x0], $0xffff  }
0x5ae: {  	v6 =	vor.u32 v59, v0;
	v9 =	vld.idx.msk [tilespmem:v56+s17+$0x0], $0xffff  }
0x5af: {  	v14 =	vor.u32 v41, v0;
	v10 =	vld.idx.msk [tilespmem:v10+s17+$0x0], $0xffff  }
0x5b0: {  	v15 =	vor.u32 v43, v0;
	v11 =	vld.idx.msk [tilespmem:v11+s17+$0x0], $0xffff  }
0x5b1: {  	v5 =	vor.u32 v5, v0;
	v12 =	vld.idx.msk [tilespmem:v12+s17+$0x0], $0xffff  }
0x5b2: {  	v13 =	vld.idx.msk [tilespmem:v13+s17+$0x0], $0xffff;
	v2 =	vor.u32 v2, v0  }
0x5b3: {  	v6 =	vld.idx.msk [tilespmem:v6+s17+$0x0], $0xffff;
	v3 =	vor.u32 v3, v0  }
0x5b4: {  	v14 =	vld.idx.msk [tilespmem:v14+s17+$0x0], $0xffff;
	v16 =	vor.u32 v16, v0  }
0x5b5: {  	v15 =	vld.idx.msk [tilespmem:v15+s17+$0x0], $0xffff;
	v4 =	vor.u32 v4, v0  }
0x5b6: {  	v0 =	vor.u32 v17, v0;
	v5 =	vld.idx.msk [tilespmem:v5+s17+$0x0], $0xffff  }
0x5b7: {  	v17 =	vor.u32 v39, v1;
	v2 =	vld.idx.msk [tilespmem:v2+s17+$0x0], $0xffff  }
0x5b8: {  	v3 =	vld.idx.msk [tilespmem:v3+s17+$0x0], $0xffff  }
0x5b9: {  	v16 =	vld.idx.msk [tilespmem:v16+s17+$0x0], $0xffff  }
0x5ba: {  	v4 =	vld.idx.msk [tilespmem:v4+s17+$0x0], $0xffff  }
0x5bb: {  	v0 =	vld.idx.msk [tilespmem:v0+s17+$0x0], $0xffff  }
0x5bc: {  	[tilespmem:v17+s12+$0x0] =	vst.idx.msk $0xffff, v5;
	v5 =	vld [tilespmem:$0x1FC30]  }
0x5bd: {  	v18 =	vor.u32 v18, v1  }
0x5be: {  	v19 =	vor.u32 v36, v1  }
0x5bf: {  	v20 =	vor.u32 v20, v1  }
0x5c0: {  	v59 =	vor.u32 v37, v1  }
0x5c1: {  	v5 =	vor.u32 v5, v1  }
0x5c2: {  	[tilespmem:v18+s12+$0x0] =	vst.idx.msk $0xffff, v6  }
0x5c3: {  	[tilespmem:v19+s12+$0x0] =	vst.idx.msk $0xffff, v2;
	v2 =	vld [tilespmem:$0x1FC50]  }
0x5c4: {  	[tilespmem:v20+s12+$0x0] =	vst.idx.msk $0xffff, v3;
	v3 =	vld [tilespmem:$0x1FC60]  }
0x5c5: {  	[tilespmem:v59+s12+$0x0] =	vst.idx.msk $0xffff, v4;
	v4 =	vld [tilespmem:$0x1FC70]  }
0x5c6: {  	[tilespmem:v5+s12+$0x0] =	vst.idx.msk $0xffff, v7;
	v7 =	vld [tilespmem:$0x1FFB0]  }
0x5c7: {  	v6 =	vor.u32 v40, v1  }
0x5c8: {  	v2 =	vor.u32 v2, v1  }
0x5c9: {  	v3 =	vor.u32 v3, v1  }
0x5ca: {  	v4 =	vor.u32 v4, v1  }
0x5cb: {  	v5 =	vor.u32 v7, v1  }
0x5cc: {  	[tilespmem:v6+s12+$0x0] =	vst.idx.msk $0xffff, v8;
	v8 =	vld [tilespmem:$0x1FFC0]  }
0x5cd: {  	v60 =	vld [tilespmem:$0x1FFD0];
	[tilespmem:v2+s12+$0x0] =	vst.idx.msk $0xffff, v9  }
0x5ce: {  	v61 =	vld [tilespmem:$0x1FFE0];
	[tilespmem:v3+s12+$0x0] =	vst.idx.msk $0xffff, v10  }
0x5cf: {  	v62 =	vld [tilespmem:$0x1FFF0];
	[tilespmem:v4+s12+$0x0] =	vst.idx.msk $0xffff, v11  }
0x5d0: {  	[tilespmem:v5+s12+$0x0] =	vst.idx.msk $0xffff, v12;
	v5 =	vld [tilespmem:$0x1FFA0]  }
0x5d1: {  	v6 =	vor.u32 v8, v1  }
0x5d2: {  	v17 =	vld [tilespmem:$0x1F810];
	v2 =	vor.u32 v60, v1  }
0x5d3: {  	v18 =	vld [tilespmem:$0x1F820];
	v3 =	vor.u32 v61, v1  }
0x5d4: {  	v40 =	vld [tilespmem:$0x1FF20];
	v4 =	vor.u32 v62, v1  }
0x5d5: {  	p0 =	sne.s32 s29, $0xE0;
	v12 =	vld [tilespmem:$0x1F7C0];
	v1 =	vor.u32 v5, v1  }
.Ltmp1:
0x5d6: {  	[tilespmem:v6+s12+$0x0] =	vst.idx.msk $0xffff, v13;
	v13 =	vld [tilespmem:$0x1F7D0];
	(pc) =	sbr.rel @p0 .LBB2_5-.Ltmp1, $4  }
0x5d7: {  	v6 =	vld [tilespmem:$0x1F7B0];
	[tilespmem:v2+s12+$0x0] =	vst.idx.msk $0xffff, v14  }
0x5d8: {  	v14 =	vld [tilespmem:$0x1F7E0];
	[tilespmem:v3+s12+$0x0] =	vst.idx.msk $0xffff, v15  }
0x5d9: {  	v15 =	vld [tilespmem:$0x1F7F0];
	[tilespmem:v4+s12+$0x0] =	vst.idx.msk $0xffff, v16  }
0x5da: {  	s29 =	sadd.s32 $0x20, s29;
	v2 =	vlaneseq.u32;
	v16 =	vld [tilespmem:$0x1F800];
	[tilespmem:v1+s12+$0x0] =	vst.idx.msk $0xffff, v0  }
0x5db: {  	s25 =	sadd.s32 $0x1, s25  }
0x5dc: {  	p0 =	sne.s32 s25, $0x1A  }
.Ltmp2:
0x5dd: {  	_ = 	snop;
	(pc) =	sbr.rel @p0 .LBB2_2-.Ltmp2, $3  }
0x5de: {  	_ =	sdelay $0x1  }
0x5df: {  	s0 =	sadd.s32 s28, s6  }
0x5e0: {  	[hbm4b:s0+s10] =	stream.strided.scatter [tilespmem:s12], [sflag:$0x4], $0x4000, s20, s10, $0x38;
	[tilespmem:$0x1B600] =	vst v63  }
0x5e1: {  	_ =	swait.ge [sflag:s18], $0x4000  }
0x5e2: {  	[sflag:s18] =	ssyncset.done $0x0  }
0x5e3: {  	[sflag:s18] =	ssyncadd.s32 $0xFFFFC000  }
0x5e4: {  	_ =	swait.ge [sflag:s21], $0x4000  }
0x5e5: {  	[sflag:s21] =	ssyncset.done $0x0  }
0x5e6: {  	[sflag:s21] =	ssyncadd.s32 $0xFFFFC000  }
0x5e7: {  	_ =	swait.ge [sflag:s19], $0x8000  }
0x5e8: {  	s24 =	sadd.s32 $0x1, s24;
	s0 =	rddreg [dreg:$0x16]  }
0x5e9: {  	p0 =	sne.s32 s24, s0  }
.Ltmp3:
0x5ea: {  	_ = 	snop;
	(pc) =	sbr.rel @p0 .LBB2_1-.Ltmp3, $3  }
0x5eb: {  	_ =	sdelay $0x1  }
0x5ec: {  	[sflag:s19] =	ssyncset.done $0x0  }
0x5ed: {  	[sflag:s19] =	ssyncadd.s32 $0xFFFF8000  }
0x5ee: {  	_ =	sfence.sel $0x180000  }
0x5ef: {  	[bflag:$0x0] =	sbarrier.arrive $0xFFFF  }
0x5f0: {  	_ =	strace $0x90000047  }
0x5f1: {  	s0 =	stileid.u32;
	[bflag:$0x2] =	sbarrier.arrive $0xFFFF  }
0x5f2: {  	p0 =	sne.s32 s0, $0x0;
	s0 =	rddreg [dreg:$0x3]  }
0x5f3: {  	s0 =	sadd.s32 @!p0 $0x100000, s0  }
0x5f4: {  	[sflag:s0] =	ssyncadd.tile.s32 @!p0 $0x1;
	_ =	shalt  }
.Lfunc_end2:
_tile_overlayer_lowered:
.L_overlay_start_2:
0x5f5: {  	(tag) =	ssettag $0x2  }
0x5f6: {  	s0 =	rddreg [dreg:$0x0];
	s2 =	stileid.u32  }
0x5f7: {  	s1 =	rddreg [dreg:$0x1];
	p0 =	sne.s32 s2, $0x0  }
0x5f8: {  	s3 =	rddreg [dreg:$0x2];
	[bflag:$0x3] =	sbarrier.arrive $0xFFFF;
	s2 =	simm.s32 @!p0 $0x1C05  }
0x5f9: {  	[timem:s3], [sflag:s2] =	dma.local @!p0 [hbm:s0], s1  }
0x5fa: {  	s0 =	simm.s32 @!p0 $0x5  }
0x5fb: {  	_ =	swait.ge @!p0 [sflag:s0], s1  }
0x5fc: {  	s1 =	ssub.s32 @!p0 $0x0, s1;
	[sflag:s0] =	ssyncset.done @!p0 $0x0  }
0x5fd: {  	[sflag:s0] =	ssyncadd.s32 @!p0 s1  }
0x5fe: {  	[bflag:$0x3] =	sbarrier.arrive $0xFFFF  }
0x5ff: {  	_ =	shalt  }

</sc_bundles>
